<compile_context>
chip_gen: v7x
topology: tpu7x:2x2x1
jax: 0.10.2.dev20260603
libtpu: 0.0.44.dev20260713+nightly
codegen_flags: <defaults>
</compile_context>

<pallas_src>
import functools

import jax
import jax.numpy as jnp
from jax import lax
from jax.experimental import pallas as pl
from jax.experimental.pallas import tpu as pltpu
from jax.experimental.pallas import tpu_sc as plsc

_N = 500000
_C = 81
_PC = 80
_NW = 32
_CR = 448
_NCH = 36
_RPW = _CR * _NCH
_MAXSTART = _N - _CR
_NG = _CR // 16


def _sc_body(probas_hbm, labels_hbm, match_hbm, out_hbm,
             buf0, buf1, lab0, lab1, mat0, mat1,
             accn, acctp, acccs, stage, sem0, sem1):
    w = lax.axis_index("s") * 2 + lax.axis_index("c")
    lane = lax.iota(jnp.int32, 16)
    lane_t = (lane // 8) * 1024 + (lane % 8) * 128
    lane5 = lane * 5
    zeros16 = jnp.zeros((16,), jnp.float32)
    ones16 = jnp.ones((16,), jnp.float32)
    zlane = jnp.zeros((16,), jnp.int32)

    for b in range(16):
        accn[pl.ds(b * 16, 16)] = zeros16
        acctp[pl.ds(b * 16, 16)] = zeros16
        acccs[pl.ds(b * 16, 16)] = zeros16

    wbase = w * _RPW
    bufs = (buf0, buf1)
    labs = (lab0, lab1)
    mats = (mat0, mat1)
    sems = (sem0, sem1)

    def _start(c, p):
        nominal = wbase + c * _CR
        start = jnp.minimum(nominal, _MAXSTART)
        pltpu.async_copy(probas_hbm.at[pl.ds(start, _CR), :], bufs[p], sems[p])
        pltpu.async_copy(labels_hbm.at[pl.ds(start, _CR)], labs[p], sems[p])
        pltpu.async_copy(match_hbm.at[pl.ds(start, _CR)], mats[p], sems[p])

    def _wait(c, p):
        nominal = wbase + c * _CR
        start = jnp.minimum(nominal, _MAXSTART)
        pltpu.make_async_copy(probas_hbm.at[pl.ds(start, _CR), :], bufs[p],
                              sems[p]).wait()
        pltpu.make_async_copy(labels_hbm.at[pl.ds(start, _CR)], labs[p],
                              sems[p]).wait()
        pltpu.make_async_copy(match_hbm.at[pl.ds(start, _CR)], mats[p],
                              sems[p]).wait()

    def _compute(c, p):
        buf, labv, matv = bufs[p], labs[p], mats[p]
        nominal = wbase + c * _CR
        start = jnp.minimum(nominal, _MAXSTART)
        d = nominal - start

        def group_body(g, gcarry):
            local = g * 16 + lane
            ok0 = local >= d
            rowb = g * 2048 + lane_t
            colv = lane5
            m = plsc.load_gather(buf, [zlane, rowb + colv], mask=ok0)
            for _ in range(1, _PC):
                colv = colv + 1
                colv = jnp.where(colv == _PC, 0, colv)
                v = plsc.load_gather(buf, [zlane, rowb + colv], mask=ok0)
                m = jnp.maximum(m, v)
            lv = labv[pl.ds(g * 16, 16)]
            mv = matv[pl.ds(g * 16, 16)]
            xl = plsc.load_gather(buf, [zlane, rowb + lv], mask=ok0)
            mc = jnp.where((xl == m) & (mv != 0), 1.0, 0.0)
            t = m * 10.0
            ti = t.astype(jnp.int32)
            binv = jnp.where(ti.astype(jnp.float32) == t, ti - 1, ti)
            ok = ok0 & (binv >= 0)
            sidx = (binv << 4) + lane
            plsc.addupdate_scatter(accn, [sidx], ones16, mask=ok)
            plsc.addupdate_scatter(acctp, [sidx], mc, mask=ok)
            plsc.addupdate_scatter(acccs, [sidx], m, mask=ok)
            return gcarry

        lax.fori_loop(0, _NG, group_body, 0)

    _start(0, 0)

    def pair_body(i, carry):
        c0 = i * 2
        _start(c0 + 1, 1)
        _wait(c0, 0)
        _compute(c0, 0)

        @pl.when(c0 + 2 < _NCH)
        def _():
            _start(c0 + 2, 0)

        _wait(c0 + 1, 1)
        _compute(c0 + 1, 1)
        return carry

    lax.fori_loop(0, _NCH // 2, pair_body, 0)

    bidx = lane << 4
    vn = zeros16
    vtp = zeros16
    vcs = zeros16
    for l in range(16):
        vn = vn + plsc.load_gather(accn, [bidx + l])
        vtp = vtp + plsc.load_gather(acctp, [bidx + l])
        vcs = vcs + plsc.load_gather(acccs, [bidx + l])
    stage[pl.ds(0, 16)] = vn
    stage[pl.ds(16, 16)] = vtp
    stage[pl.ds(32, 16)] = vcs
    pltpu.sync_copy(stage, out_hbm.at[w])


def _combine(p_ref, out_ref):
    x = p_ref[...]
    n = jnp.sum(x[:, 0:16], axis=0, keepdims=True)
    tp = jnp.sum(x[:, 16:32], axis=0, keepdims=True)
    cs = jnp.sum(x[:, 32:48], axis=0, keepdims=True)
    total = jnp.sum(n)
    nsafe = jnp.maximum(n, 1.0)
    term = jnp.where(n > 0.0, (n / total) * ((cs - tp) / nsafe) ** 2, 0.0)
    out_ref[...] = jnp.full((1, 1), jnp.sqrt(jnp.sum(term)), jnp.float32)


def kernel(probas, labels, matchings):
    labels32 = labels.astype(jnp.int32)
    match32 = matchings.astype(jnp.int32)

    mesh = plsc.VectorSubcoreMesh(core_axis_name="c", subcore_axis_name="s",
                                  num_cores=2, num_subcores=16)
    partials = pl.kernel(
        _sc_body,
        out_type=jax.ShapeDtypeStruct((_NW, 48), jnp.float32),
        mesh=mesh,
        compiler_params=pltpu.CompilerParams(needs_layout_passes=False, use_tc_tiling_on_sc=True),
        scratch_types=[
            pltpu.VMEM((_CR, _C), jnp.float32),
            pltpu.VMEM((_CR, _C), jnp.float32),
            pltpu.VMEM((_CR,), jnp.int32),
            pltpu.VMEM((_CR,), jnp.int32),
            pltpu.VMEM((_CR,), jnp.int32),
            pltpu.VMEM((_CR,), jnp.int32),
            pltpu.VMEM((256,), jnp.float32),
            pltpu.VMEM((256,), jnp.float32),
            pltpu.VMEM((256,), jnp.float32),
            pltpu.VMEM((48,), jnp.float32),
            pltpu.SemaphoreType.DMA,
            pltpu.SemaphoreType.DMA,
        ],
    )(probas, labels32, match32)

    out = pl.pallas_call(
        _combine,
        in_specs=[pl.BlockSpec((_NW, 48), lambda: (0, 0))],
        out_specs=pl.BlockSpec((1, 1), lambda: (0, 0)),
        out_shape=jax.ShapeDtypeStruct((1, 1), jnp.float32),
    )(partials)
    return out[0, 0]

# --- scband reference (transcript-rebuilt; emitter-appended) ---
"""Pipeline reference for scband-top-label-calibration-error-detection-46188078301369 (READ-ONLY COPY).

The authoritative reference and input builder live on the scoring server;
editing this copy changes nothing except your own understanding.
"""

import jax, jax.numpy as jnp
import numpy as np

N_BINS = 10
P = 2
N = 500000
C = 81

def setup_inputs(seed: int = 0) -> dict:
    key = jax.random.key(seed)
    k1, k2, k3 = jax.random.split(key, 3)
    probas = jax.random.uniform(k1, (N, C), dtype=jnp.float32)
    labels = jax.random.randint(k2, (N,), 0, 80, dtype=jnp.int64) if jax.config.jax_enable_x64 else jax.random.randint(k2, (N,), 0, 80, dtype=jnp.int32)
    matchings = jax.random.randint(k3, (N,), 0, 2, dtype=jnp.int32).astype(bool)
    return {"probas": probas, "labels": labels, "matchings": matchings}

def _calibration_error(confs, accs, n_samples, p=P):
    probas_bin = n_samples / jnp.nansum(n_samples)
    ce = jnp.nansum(probas_bin * (confs - accs) ** p) ** (1.0 / p)
    return ce

def reference(probas, labels, matchings):
    bins = jnp.linspace(0.0, 1.0, N_BINS + 1)
    pred_probas = probas[:, :-1]
    pred_confs = pred_probas.max(-1)
    pred_labels = pred_probas.argmax(-1)
    correct = pred_labels == labels
    mean_confs_, precisions_, n_samples_ = [], [], []
    for i in range(N_BINS):
        bin_start = bins[i]
        bin_end = bins[i + 1]
        ind = (pred_confs > bin_start) & (pred_confs <= bin_end)
        n_samples = jnp.sum(ind)
        # pred_labels[indices][matchings_bin] == positions where ind & matchings
        tp = jnp.sum(ind & matchings & correct)
        # false_positives = sum(~matchings_bin) + sum(~corrects_bin)
        fp = jnp.sum(ind & (~matchings)) + jnp.sum(ind & matchings & (~correct))
        nonempty = n_samples > 0
        conf_sum = jnp.sum(jnp.where(ind, pred_confs, 0.0))
        mean_conf = jnp.where(nonempty, conf_sum / jnp.maximum(n_samples, 1).astype(jnp.float32), jnp.nan)
        denom = (tp + fp).astype(jnp.float32)
        precision = jnp.where(nonempty, tp.astype(jnp.float32) / jnp.maximum(denom, 1.0), jnp.nan)
        mean_confs_.append(mean_conf)
        precisions_.append(precision)
        n_samples_.append(n_samples.astype(jnp.float32))
    confs = jnp.stack(mean_confs_)
    precisions = jnp.stack(precisions_)
    n_samples_arr = jnp.stack(n_samples_)
    ce = _calibration_error(confs, precisions, n_samples_arr, p=P)
    return ce

if __name__ == "__main__":
    import jax
    _d = setup_inputs()
    print(jax.jit(kernel)(*tuple(_d.values())))

</pallas_src>

<mosaic_0001>
#map = affine_map<(d0, d1) -> (0, 0)>
#map1 = affine_map<(d0, d1) -> (0)>
module attributes {stable_mosaic.version = 14 : i64} {
  func.func @_sc_body(%arg0: i32, %arg1: i32, %arg2: memref<500000x81xf32, #tpu.memory_space<hbm>>, %arg3: memref<500000xi32, #tpu.memory_space<hbm>>, %arg4: memref<500000xi32, #tpu.memory_space<hbm>>, %arg5: memref<32x48xf32, #tpu.memory_space<hbm>>, %arg6: memref<448x81xf32, #tpu.memory_space<vmem>>, %arg7: memref<448x81xf32, #tpu.memory_space<vmem>>, %arg8: memref<448xi32, #tpu.memory_space<vmem>>, %arg9: memref<448xi32, #tpu.memory_space<vmem>>, %arg10: memref<448xi32, #tpu.memory_space<vmem>>, %arg11: memref<448xi32, #tpu.memory_space<vmem>>, %arg12: memref<256xf32, #tpu.memory_space<vmem>>, %arg13: memref<256xf32, #tpu.memory_space<vmem>>, %arg14: memref<256xf32, #tpu.memory_space<vmem>>, %arg15: memref<48xf32, #tpu.memory_space<vmem>>, %arg16: memref<!tpu.dma_semaphore, #tpu.memory_space<semaphore_mem>>, %arg17: memref<!tpu.dma_semaphore, #tpu.memory_space<semaphore_mem>>) attributes {dimension_semantics = [#tpu.dimension_semantics<core_parallel>, #tpu.dimension_semantics<subcore_parallel>], iteration_bounds = array<i64: 2, 16>, scalar_prefetch = 0 : i64, scratch_operands = 12 : i64, tpu.core_type = #tpu.core_type<sc_vector_subcore>, window_params = [{transform_indices = #map}, {transform_indices = #map1}, {transform_indices = #map1}, {transform_indices = #map}]} {
    %mul3A = arith.constant 2 : i32
    %mul3A_0 = arith.muli %arg1, %mul3A : i32
    %add3A = arith.addi %mul3A_0, %arg0 : i32
    %iota3A = tpu.iota {dimensions = array<i32: 0>} : vector<16xi32>
    %jit3A = arith.constant 8 : i32
    %div3A = vector.broadcast %jit3A : i32 to vector<16xi32>
    %div3A_1 = arith.divsi %iota3A, %div3A : vector<16xi32>
    %sign3A = arith.constant 0 : i32
    %sign3A_2 = vector.broadcast %sign3A : i32 to vector<16xi32>
    %sign3A_3 = arith.cmpi sgt, %iota3A, %sign3A_2 : vector<16xi32>
    %sign3A_4 = arith.extui %sign3A_3 : vector<16xi1> to vector<16xi32>
    %sign3A_5 = arith.constant 0 : i32
    %sign3A_6 = vector.broadcast %sign3A_5 : i32 to vector<16xi32>
    %sign3A_7 = arith.cmpi slt, %iota3A, %sign3A_6 : vector<16xi32>
    %sign3A_8 = arith.extui %sign3A_7 : vector<16xi1> to vector<16xi32>
    %sign3A_9 = arith.subi %sign3A_4, %sign3A_8 : vector<16xi32>
    %sign3A_10 = arith.constant 0 : i32
    %sign3A_11 = arith.cmpi sgt, %jit3A, %sign3A_10 : i32
    %sign3A_12 = arith.extui %sign3A_11 : i1 to i32
    %sign3A_13 = arith.constant 0 : i32
    %sign3A_14 = arith.cmpi slt, %jit3A, %sign3A_13 : i32
    %sign3A_15 = arith.extui %sign3A_14 : i1 to i32
    %sign3A_16 = arith.subi %sign3A_12, %sign3A_15 : i32
    %ne3A = vector.broadcast %sign3A_16 : i32 to vector<16xi32>
    %ne3A_17 = arith.cmpi ne, %sign3A_9, %ne3A : vector<16xi32>
    %rem3A = vector.broadcast %jit3A : i32 to vector<16xi32>
    %rem3A_18 = arith.remsi %iota3A, %rem3A : vector<16xi32>
    %ne3A_19 = arith.constant 0 : i32
    %ne3A_20 = vector.broadcast %ne3A_19 : i32 to vector<16xi32>
    %ne3A_21 = arith.cmpi ne, %rem3A_18, %ne3A_20 : vector<16xi32>
    %and3A = arith.andi %ne3A_17, %ne3A_21 : vector<16xi1>
    %sub3A = arith.constant 1 : i32
    %sub3A_22 = vector.broadcast %sub3A : i32 to vector<16xi32>
    %sub3A_23 = arith.subi %div3A_1, %sub3A_22 : vector<16xi32>
    %select_n3A = arith.select %and3A, %sub3A_23, %div3A_1 : vector<16xi1>, vector<16xi32>
    %mul3A_24 = arith.constant 1024 : i32
    %mul3A_25 = vector.broadcast %mul3A_24 : i32 to vector<16xi32>
    %mul3A_26 = arith.muli %select_n3A, %mul3A_25 : vector<16xi32>
    %jit3A_27 = arith.constant 8 : i32
    %eq3A = arith.constant 0 : i32
    %eq3A_28 = arith.cmpi eq, %jit3A_27, %eq3A : i32
    %jit3A_29 = arith.constant 1 : i32
    %select_n3A_30 = arith.select %eq3A_28, %jit3A_29, %jit3A_27 : i32
    %rem3A_31 = vector.broadcast %select_n3A_30 : i32 to vector<16xi32>
    %rem3A_32 = arith.remsi %iota3A, %rem3A_31 : vector<16xi32>
    %ne3A_33 = arith.constant 0 : i32
    %ne3A_34 = vector.broadcast %ne3A_33 : i32 to vector<16xi32>
    %ne3A_35 = arith.cmpi ne, %rem3A_32, %ne3A_34 : vector<16xi32>
    %lt3A = arith.constant 0 : i32
    %lt3A_36 = vector.broadcast %lt3A : i32 to vector<16xi32>
    %lt3A_37 = arith.cmpi slt, %rem3A_32, %lt3A_36 : vector<16xi32>
    %lt3A_38 = arith.constant 0 : i32
    %lt3A_39 = arith.cmpi slt, %select_n3A_30, %lt3A_38 : i32
    %ne3A_40 = vector.broadcast %lt3A_39 : i1 to vector<16xi1>
    %ne3A_41 = vector.broadcast %ne3A_40 : vector<16xi1> to vector<16xi1>
    %ne3A_42 = arith.xori %lt3A_37, %ne3A_41 : vector<16xi1>
    %and3A_43 = arith.andi %ne3A_42, %ne3A_35 : vector<16xi1>
    %add3A_44 = vector.broadcast %select_n3A_30 : i32 to vector<16xi32>
    %add3A_45 = arith.addi %rem3A_32, %add3A_44 : vector<16xi32>
    %select_n3A_46 = arith.select %and3A_43, %add3A_45, %rem3A_32 : vector<16xi1>, vector<16xi32>
    %mul3A_47 = arith.constant 128 : i32
    %mul3A_48 = vector.broadcast %mul3A_47 : i32 to vector<16xi32>
    %mul3A_49 = arith.muli %select_n3A_46, %mul3A_48 : vector<16xi32>
    %add3A_50 = arith.addi %mul3A_26, %mul3A_49 : vector<16xi32>
    %mul3A_51 = arith.constant 5 : i32
    %mul3A_52 = vector.broadcast %mul3A_51 : i32 to vector<16xi32>
    %mul3A_53 = arith.muli %iota3A, %mul3A_52 : vector<16xi32>
    %broadcast_in_dim3A = arith.constant 0.000000e+00 : f32
    %broadcast_in_dim3A_54 = vector.broadcast %broadcast_in_dim3A : f32 to vector<16xf32>
    %broadcast_in_dim3A_55 = arith.constant 1.000000e+00 : f32
    %broadcast_in_dim3A_56 = vector.broadcast %broadcast_in_dim3A_55 : f32 to vector<16xf32>
    %broadcast_in_dim3A_57 = arith.constant 0 : i32
    %broadcast_in_dim3A_58 = vector.broadcast %broadcast_in_dim3A_57 : i32 to vector<16xi32>
    %swap3A = arith.constant 0 : index
    %swap3A_59 = tpu.vector_load %arg12[%swap3A] {strides = array<i32>} : memref<256xf32, #tpu.memory_space<vmem>>, vector<16xf32>,
    tpu.vector_store %arg12[%swap3A], %broadcast_in_dim3A_54 {strides = array<i32>} : memref<256xf32, #tpu.memory_space<vmem>>, vector<16xf32>,
    %swap3A_60 = arith.constant 0 : index
    %swap3A_61 = tpu.vector_load %arg13[%swap3A_60] {strides = array<i32>} : memref<256xf32, #tpu.memory_space<vmem>>, vector<16xf32>,
    tpu.vector_store %arg13[%swap3A_60], %broadcast_in_dim3A_54 {strides = array<i32>} : memref<256xf32, #tpu.memory_space<vmem>>, vector<16xf32>,
    %swap3A_62 = arith.constant 0 : index
    %swap3A_63 = tpu.vector_load %arg14[%swap3A_62] {strides = array<i32>} : memref<256xf32, #tpu.memory_space<vmem>>, vector<16xf32>,
    tpu.vector_store %arg14[%swap3A_62], %broadcast_in_dim3A_54 {strides = array<i32>} : memref<256xf32, #tpu.memory_space<vmem>>, vector<16xf32>,
    %swap3A_64 = arith.constant 16 : index
    %swap3A_65 = tpu.vector_load %arg12[%swap3A_64] {strides = array<i32>} : memref<256xf32, #tpu.memory_space<vmem>>, vector<16xf32>,
    tpu.vector_store %arg12[%swap3A_64], %broadcast_in_dim3A_54 {strides = array<i32>} : memref<256xf32, #tpu.memory_space<vmem>>, vector<16xf32>,
    %swap3A_66 = arith.constant 16 : index
    %swap3A_67 = tpu.vector_load %arg13[%swap3A_66] {strides = array<i32>} : memref<256xf32, #tpu.memory_space<vmem>>, vector<16xf32>,
    tpu.vector_store %arg13[%swap3A_66], %broadcast_in_dim3A_54 {strides = array<i32>} : memref<256xf32, #tpu.memory_space<vmem>>, vector<16xf32>,
    %swap3A_68 = arith.constant 16 : index
    %swap3A_69 = tpu.vector_load %arg14[%swap3A_68] {strides = array<i32>} : memref<256xf32, #tpu.memory_space<vmem>>, vector<16xf32>,
    tpu.vector_store %arg14[%swap3A_68], %broadcast_in_dim3A_54 {strides = array<i32>} : memref<256xf32, #tpu.memory_space<vmem>>, vector<16xf32>,
    %swap3A_70 = arith.constant 32 : index
    %swap3A_71 = tpu.vector_load %arg12[%swap3A_70] {strides = array<i32>} : memref<256xf32, #tpu.memory_space<vmem>>, vector<16xf32>,
    tpu.vector_store %arg12[%swap3A_70], %broadcast_in_dim3A_54 {strides = array<i32>} : memref<256xf32, #tpu.memory_space<vmem>>, vector<16xf32>,
    %swap3A_72 = arith.constant 32 : index
    %swap3A_73 = tpu.vector_load %arg13[%swap3A_72] {strides = array<i32>} : memref<256xf32, #tpu.memory_space<vmem>>, vector<16xf32>,
    tpu.vector_store %arg13[%swap3A_72], %broadcast_in_dim3A_54 {strides = array<i32>} : memref<256xf32, #tpu.memory_space<vmem>>, vector<16xf32>,
    %swap3A_74 = arith.constant 32 : index
    %swap3A_75 = tpu.vector_load %arg14[%swap3A_74] {strides = array<i32>} : memref<256xf32, #tpu.memory_space<vmem>>, vector<16xf32>,
    tpu.vector_store %arg14[%swap3A_74], %broadcast_in_dim3A_54 {strides = array<i32>} : memref<256xf32, #tpu.memory_space<vmem>>, vector<16xf32>,
    %swap3A_76 = arith.constant 48 : index
    %swap3A_77 = tpu.vector_load %arg12[%swap3A_76] {strides = array<i32>} : memref<256xf32, #tpu.memory_space<vmem>>, vector<16xf32>,
    tpu.vector_store %arg12[%swap3A_76], %broadcast_in_dim3A_54 {strides = array<i32>} : memref<256xf32, #tpu.memory_space<vmem>>, vector<16xf32>,
    %swap3A_78 = arith.constant 48 : index
    %swap3A_79 = tpu.vector_load %arg13[%swap3A_78] {strides = array<i32>} : memref<256xf32, #tpu.memory_space<vmem>>, vector<16xf32>,
    tpu.vector_store %arg13[%swap3A_78], %broadcast_in_dim3A_54 {strides = array<i32>} : memref<256xf32, #tpu.memory_space<vmem>>, vector<16xf32>,
    %swap3A_80 = arith.constant 48 : index
    %swap3A_81 = tpu.vector_load %arg14[%swap3A_80] {strides = array<i32>} : memref<256xf32, #tpu.memory_space<vmem>>, vector<16xf32>,
    tpu.vector_store %arg14[%swap3A_80], %broadcast_in_dim3A_54 {strides = array<i32>} : memref<256xf32, #tpu.memory_space<vmem>>, vector<16xf32>,
    %swap3A_82 = arith.constant 64 : index
    %swap3A_83 = tpu.vector_load %arg12[%swap3A_82] {strides = array<i32>} : memref<256xf32, #tpu.memory_space<vmem>>, vector<16xf32>,
    tpu.vector_store %arg12[%swap3A_82], %broadcast_in_dim3A_54 {strides = array<i32>} : memref<256xf32, #tpu.memory_space<vmem>>, vector<16xf32>,
    %swap3A_84 = arith.constant 64 : index
    %swap3A_85 = tpu.vector_load %arg13[%swap3A_84] {strides = array<i32>} : memref<256xf32, #tpu.memory_space<vmem>>, vector<16xf32>,
    tpu.vector_store %arg13[%swap3A_84], %broadcast_in_dim3A_54 {strides = array<i32>} : memref<256xf32, #tpu.memory_space<vmem>>, vector<16xf32>,
    %swap3A_86 = arith.constant 64 : index
    %swap3A_87 = tpu.vector_load %arg14[%swap3A_86] {strides = array<i32>} : memref<256xf32, #tpu.memory_space<vmem>>, vector<16xf32>,
    tpu.vector_store %arg14[%swap3A_86], %broadcast_in_dim3A_54 {strides = array<i32>} : memref<256xf32, #tpu.memory_space<vmem>>, vector<16xf32>,
    %swap3A_88 = arith.constant 80 : index
    %swap3A_89 = tpu.vector_load %arg12[%swap3A_88] {strides = array<i32>} : memref<256xf32, #tpu.memory_space<vmem>>, vector<16xf32>,
    tpu.vector_store %arg12[%swap3A_88], %broadcast_in_dim3A_54 {strides = array<i32>} : memref<256xf32, #tpu.memory_space<vmem>>, vector<16xf32>,
    %swap3A_90 = arith.constant 80 : index
    %swap3A_91 = tpu.vector_load %arg13[%swap3A_90] {strides = array<i32>} : memref<256xf32, #tpu.memory_space<vmem>>, vector<16xf32>,
    tpu.vector_store %arg13[%swap3A_90], %broadcast_in_dim3A_54 {strides = array<i32>} : memref<256xf32, #tpu.memory_space<vmem>>, vector<16xf32>,
    %swap3A_92 = arith.constant 80 : index
    %swap3A_93 = tpu.vector_load %arg14[%swap3A_92] {strides = array<i32>} : memref<256xf32, #tpu.memory_space<vmem>>, vector<16xf32>,
    tpu.vector_store %arg14[%swap3A_92], %broadcast_in_dim3A_54 {strides = array<i32>} : memref<256xf32, #tpu.memory_space<vmem>>, vector<16xf32>,
    %swap3A_94 = arith.constant 96 : index
    %swap3A_95 = tpu.vector_load %arg12[%swap3A_94] {strides = array<i32>} : memref<256xf32, #tpu.memory_space<vmem>>, vector<16xf32>,
    tpu.vector_store %arg12[%swap3A_94], %broadcast_in_dim3A_54 {strides = array<i32>} : memref<256xf32, #tpu.memory_space<vmem>>, vector<16xf32>,
    %swap3A_96 = arith.constant 96 : index
    %swap3A_97 = tpu.vector_load %arg13[%swap3A_96] {strides = array<i32>} : memref<256xf32, #tpu.memory_space<vmem>>, vector<16xf32>,
    tpu.vector_store %arg13[%swap3A_96], %broadcast_in_dim3A_54 {strides = array<i32>} : memref<256xf32, #tpu.memory_space<vmem>>, vector<16xf32>,
    %swap3A_98 = arith.constant 96 : index
    %swap3A_99 = tpu.vector_load %arg14[%swap3A_98] {strides = array<i32>} : memref<256xf32, #tpu.memory_space<vmem>>, vector<16xf32>,
    tpu.vector_store %arg14[%swap3A_98], %broadcast_in_dim3A_54 {strides = array<i32>} : memref<256xf32, #tpu.memory_space<vmem>>, vector<16xf32>,
    %swap3A_100 = arith.constant 112 : index
    %swap3A_101 = tpu.vector_load %arg12[%swap3A_100] {strides = array<i32>} : memref<256xf32, #tpu.memory_space<vmem>>, vector<16xf32>,
    tpu.vector_store %arg12[%swap3A_100], %broadcast_in_dim3A_54 {strides = array<i32>} : memref<256xf32, #tpu.memory_space<vmem>>, vector<16xf32>,
    %swap3A_102 = arith.constant 112 : index
    %swap3A_103 = tpu.vector_load %arg13[%swap3A_102] {strides = array<i32>} : memref<256xf32, #tpu.memory_space<vmem>>, vector<16xf32>,
    tpu.vector_store %arg13[%swap3A_102], %broadcast_in_dim3A_54 {strides = array<i32>} : memref<256xf32, #tpu.memory_space<vmem>>, vector<16xf32>,
    %swap3A_104 = arith.constant 112 : index
    %swap3A_105 = tpu.vector_load %arg14[%swap3A_104] {strides = array<i32>} : memref<256xf32, #tpu.memory_space<vmem>>, vector<16xf32>,
    tpu.vector_store %arg14[%swap3A_104], %broadcast_in_dim3A_54 {strides = array<i32>} : memref<256xf32, #tpu.memory_space<vmem>>, vector<16xf32>,
    %swap3A_106 = arith.constant 128 : index
    %swap3A_107 = tpu.vector_load %arg12[%swap3A_106] {strides = array<i32>} : memref<256xf32, #tpu.memory_space<vmem>>, vector<16xf32>,
    tpu.vector_store %arg12[%swap3A_106], %broadcast_in_dim3A_54 {strides = array<i32>} : memref<256xf32, #tpu.memory_space<vmem>>, vector<16xf32>,
    %swap3A_108 = arith.constant 128 : index
    %swap3A_109 = tpu.vector_load %arg13[%swap3A_108] {strides = array<i32>} : memref<256xf32, #tpu.memory_space<vmem>>, vector<16xf32>,
    tpu.vector_store %arg13[%swap3A_108], %broadcast_in_dim3A_54 {strides = array<i32>} : memref<256xf32, #tpu.memory_space<vmem>>, vector<16xf32>,
    %swap3A_110 = arith.constant 128 : index
    %swap3A_111 = tpu.vector_load %arg14[%swap3A_110] {strides = array<i32>} : memref<256xf32, #tpu.memory_space<vmem>>, vector<16xf32>,
    tpu.vector_store %arg14[%swap3A_110], %broadcast_in_dim3A_54 {strides = array<i32>} : memref<256xf32, #tpu.memory_space<vmem>>, vector<16xf32>,
    %swap3A_112 = arith.constant 144 : index
    %swap3A_113 = tpu.vector_load %arg12[%swap3A_112] {strides = array<i32>} : memref<256xf32, #tpu.memory_space<vmem>>, vector<16xf32>,
    tpu.vector_store %arg12[%swap3A_112], %broadcast_in_dim3A_54 {strides = array<i32>} : memref<256xf32, #tpu.memory_space<vmem>>, vector<16xf32>,
    %swap3A_114 = arith.constant 144 : index
    %swap3A_115 = tpu.vector_load %arg13[%swap3A_114] {strides = array<i32>} : memref<256xf32, #tpu.memory_space<vmem>>, vector<16xf32>,
    tpu.vector_store %arg13[%swap3A_114], %broadcast_in_dim3A_54 {strides = array<i32>} : memref<256xf32, #tpu.memory_space<vmem>>, vector<16xf32>,
    %swap3A_116 = arith.constant 144 : index
    %swap3A_117 = tpu.vector_load %arg14[%swap3A_116] {strides = array<i32>} : memref<256xf32, #tpu.memory_space<vmem>>, vector<16xf32>,
    tpu.vector_store %arg14[%swap3A_116], %broadcast_in_dim3A_54 {strides = array<i32>} : memref<256xf32, #tpu.memory_space<vmem>>, vector<16xf32>,
    %swap3A_118 = arith.constant 160 : index
    %swap3A_119 = tpu.vector_load %arg12[%swap3A_118] {strides = array<i32>} : memref<256xf32, #tpu.memory_space<vmem>>, vector<16xf32>,
    tpu.vector_store %arg12[%swap3A_118], %broadcast_in_dim3A_54 {strides = array<i32>} : memref<256xf32, #tpu.memory_space<vmem>>, vector<16xf32>,
    %swap3A_120 = arith.constant 160 : index
    %swap3A_121 = tpu.vector_load %arg13[%swap3A_120] {strides = array<i32>} : memref<256xf32, #tpu.memory_space<vmem>>, vector<16xf32>,
    tpu.vector_store %arg13[%swap3A_120], %broadcast_in_dim3A_54 {strides = array<i32>} : memref<256xf32, #tpu.memory_space<vmem>>, vector<16xf32>,
    %swap3A_122 = arith.constant 160 : index
    %swap3A_123 = tpu.vector_load %arg14[%swap3A_122] {strides = array<i32>} : memref<256xf32, #tpu.memory_space<vmem>>, vector<16xf32>,
    tpu.vector_store %arg14[%swap3A_122], %broadcast_in_dim3A_54 {strides = array<i32>} : memref<256xf32, #tpu.memory_space<vmem>>, vector<16xf32>,
    %swap3A_124 = arith.constant 176 : index
    %swap3A_125 = tpu.vector_load %arg12[%swap3A_124] {strides = array<i32>} : memref<256xf32, #tpu.memory_space<vmem>>, vector<16xf32>,
    tpu.vector_store %arg12[%swap3A_124], %broadcast_in_dim3A_54 {strides = array<i32>} : memref<256xf32, #tpu.memory_space<vmem>>, vector<16xf32>,
    %swap3A_126 = arith.constant 176 : index
    %swap3A_127 = tpu.vector_load %arg13[%swap3A_126] {strides = array<i32>} : memref<256xf32, #tpu.memory_space<vmem>>, vector<16xf32>,
    tpu.vector_store %arg13[%swap3A_126], %broadcast_in_dim3A_54 {strides = array<i32>} : memref<256xf32, #tpu.memory_space<vmem>>, vector<16xf32>,
    %swap3A_128 = arith.constant 176 : index
    %swap3A_129 = tpu.vector_load %arg14[%swap3A_128] {strides = array<i32>} : memref<256xf32, #tpu.memory_space<vmem>>, vector<16xf32>,
    tpu.vector_store %arg14[%swap3A_128], %broadcast_in_dim3A_54 {strides = array<i32>} : memref<256xf32, #tpu.memory_space<vmem>>, vector<16xf32>,
    %swap3A_130 = arith.constant 192 : index
    %swap3A_131 = tpu.vector_load %arg12[%swap3A_130] {strides = array<i32>} : memref<256xf32, #tpu.memory_space<vmem>>, vector<16xf32>,
    tpu.vector_store %arg12[%swap3A_130], %broadcast_in_dim3A_54 {strides = array<i32>} : memref<256xf32, #tpu.memory_space<vmem>>, vector<16xf32>,
    %swap3A_132 = arith.constant 192 : index
    %swap3A_133 = tpu.vector_load %arg13[%swap3A_132] {strides = array<i32>} : memref<256xf32, #tpu.memory_space<vmem>>, vector<16xf32>,
    tpu.vector_store %arg13[%swap3A_132], %broadcast_in_dim3A_54 {strides = array<i32>} : memref<256xf32, #tpu.memory_space<vmem>>, vector<16xf32>,
    %swap3A_134 = arith.constant 192 : index
    %swap3A_135 = tpu.vector_load %arg14[%swap3A_134] {strides = array<i32>} : memref<256xf32, #tpu.memory_space<vmem>>, vector<16xf32>,
    tpu.vector_store %arg14[%swap3A_134], %broadcast_in_dim3A_54 {strides = array<i32>} : memref<256xf32, #tpu.memory_space<vmem>>, vector<16xf32>,
    %swap3A_136 = arith.constant 208 : index
    %swap3A_137 = tpu.vector_load %arg12[%swap3A_136] {strides = array<i32>} : memref<256xf32, #tpu.memory_space<vmem>>, vector<16xf32>,
    tpu.vector_store %arg12[%swap3A_136], %broadcast_in_dim3A_54 {strides = array<i32>} : memref<256xf32, #tpu.memory_space<vmem>>, vector<16xf32>,
    %swap3A_138 = arith.constant 208 : index
    %swap3A_139 = tpu.vector_load %arg13[%swap3A_138] {strides = array<i32>} : memref<256xf32, #tpu.memory_space<vmem>>, vector<16xf32>,
    tpu.vector_store %arg13[%swap3A_138], %broadcast_in_dim3A_54 {strides = array<i32>} : memref<256xf32, #tpu.memory_space<vmem>>, vector<16xf32>,
    %swap3A_140 = arith.constant 208 : index
    %swap3A_141 = tpu.vector_load %arg14[%swap3A_140] {strides = array<i32>} : memref<256xf32, #tpu.memory_space<vmem>>, vector<16xf32>,
    tpu.vector_store %arg14[%swap3A_140], %broadcast_in_dim3A_54 {strides = array<i32>} : memref<256xf32, #tpu.memory_space<vmem>>, vector<16xf32>,
    %swap3A_142 = arith.constant 224 : index
    %swap3A_143 = tpu.vector_load %arg12[%swap3A_142] {strides = array<i32>} : memref<256xf32, #tpu.memory_space<vmem>>, vector<16xf32>,
    tpu.vector_store %arg12[%swap3A_142], %broadcast_in_dim3A_54 {strides = array<i32>} : memref<256xf32, #tpu.memory_space<vmem>>, vector<16xf32>,
    %swap3A_144 = arith.constant 224 : index
    %swap3A_145 = tpu.vector_load %arg13[%swap3A_144] {strides = array<i32>} : memref<256xf32, #tpu.memory_space<vmem>>, vector<16xf32>,
    tpu.vector_store %arg13[%swap3A_144], %broadcast_in_dim3A_54 {strides = array<i32>} : memref<256xf32, #tpu.memory_space<vmem>>, vector<16xf32>,
    %swap3A_146 = arith.constant 224 : index
    %swap3A_147 = tpu.vector_load %arg14[%swap3A_146] {strides = array<i32>} : memref<256xf32, #tpu.memory_space<vmem>>, vector<16xf32>,
    tpu.vector_store %arg14[%swap3A_146], %broadcast_in_dim3A_54 {strides = array<i32>} : memref<256xf32, #tpu.memory_space<vmem>>, vector<16xf32>,
    %swap3A_148 = arith.constant 240 : index
    %swap3A_149 = tpu.vector_load %arg12[%swap3A_148] {strides = array<i32>} : memref<256xf32, #tpu.memory_space<vmem>>, vector<16xf32>,
    tpu.vector_store %arg12[%swap3A_148], %broadcast_in_dim3A_54 {strides = array<i32>} : memref<256xf32, #tpu.memory_space<vmem>>, vector<16xf32>,
    %swap3A_150 = arith.constant 240 : index
    %swap3A_151 = tpu.vector_load %arg13[%swap3A_150] {strides = array<i32>} : memref<256xf32, #tpu.memory_space<vmem>>, vector<16xf32>,
    tpu.vector_store %arg13[%swap3A_150], %broadcast_in_dim3A_54 {strides = array<i32>} : memref<256xf32, #tpu.memory_space<vmem>>, vector<16xf32>,
    %swap3A_152 = arith.constant 240 : index
    %swap3A_153 = tpu.vector_load %arg14[%swap3A_152] {strides = array<i32>} : memref<256xf32, #tpu.memory_space<vmem>>, vector<16xf32>,
    tpu.vector_store %arg14[%swap3A_152], %broadcast_in_dim3A_54 {strides = array<i32>} : memref<256xf32, #tpu.memory_space<vmem>>, vector<16xf32>,
    %mul3A_154 = arith.constant 16128 : i32
    %mul3A_155 = arith.muli %add3A, %mul3A_154 : i32
    %add3A_156 = arith.constant 0 : i32
    %add3A_157 = arith.addi %mul3A_155, %add3A_156 : i32
    %min3A = arith.constant 499552 : i32
    %min3A_158 = arith.minsi %add3A_157, %min3A : i32
    %dma_start3A = arith.constant 0 : i32
    %dma_start3A_159 = tpu.memref_slice %arg2[%min3A_158, %dma_start3A] : memref<500000x81xf32, #tpu.memory_space<hbm>> -> memref<448x81xf32, #tpu.memory_space<hbm>>
    %dma_start3A_160 = arith.constant 0 : i32
    %dma_start3A_161 = tpu.memref_slice %arg2[%min3A_158, %dma_start3A_160] : memref<500000x81xf32, #tpu.memory_space<hbm>> -> memref<448x81xf32, #tpu.memory_space<hbm>>
    tpu.enqueue_dma source(%dma_start3A_161 : memref<448x81xf32, #tpu.memory_space<hbm>>) target(%arg6 : memref<448x81xf32, #tpu.memory_space<vmem>>) target_semaphore(%arg16 : memref<!tpu.dma_semaphore, #tpu.memory_space<semaphore_mem>>)
    %dma_start3A_162 = tpu.memref_slice %arg3[%min3A_158] : memref<500000xi32, #tpu.memory_space<hbm>> -> memref<448xi32, #tpu.memory_space<hbm>>
    %dma_start3A_163 = tpu.memref_slice %arg3[%min3A_158] : memref<500000xi32, #tpu.memory_space<hbm>> -> memref<448xi32, #tpu.memory_space<hbm>>
    tpu.enqueue_dma source(%dma_start3A_163 : memref<448xi32, #tpu.memory_space<hbm>>) target(%arg8 : memref<448xi32, #tpu.memory_space<vmem>>) target_semaphore(%arg16 : memref<!tpu.dma_semaphore, #tpu.memory_space<semaphore_mem>>)
    %dma_start3A_164 = tpu.memref_slice %arg4[%min3A_158] : memref<500000xi32, #tpu.memory_space<hbm>> -> memref<448xi32, #tpu.memory_space<hbm>>
    %dma_start3A_165 = tpu.memref_slice %arg4[%min3A_158] : memref<500000xi32, #tpu.memory_space<hbm>> -> memref<448xi32, #tpu.memory_space<hbm>>
    tpu.enqueue_dma source(%dma_start3A_165 : memref<448xi32, #tpu.memory_space<hbm>>) target(%arg10 : memref<448xi32, #tpu.memory_space<vmem>>) target_semaphore(%arg16 : memref<!tpu.dma_semaphore, #tpu.memory_space<semaphore_mem>>)
    %scan3A = arith.constant 0 : i32
    %scan3A_166 = arith.constant 0 : i32
    %scan3A_167 = arith.constant 18 : i32
    %scan3A_168 = arith.addi %scan3A_166, %scan3A_167 : i32
    %scan3A_169 = arith.constant 1 : i32
    scf.for %scan3A_418 = %scan3A_166 to %scan3A_168 step %scan3A_169  : i32 {
      %mul3A_419 = arith.constant 2 : i32
      %mul3A_420 = arith.muli %scan3A_418, %mul3A_419 : i32
      %add3A_421 = arith.constant 1 : i32
      %add3A_422 = arith.addi %mul3A_420, %add3A_421 : i32
      %mul3A_423 = arith.constant 448 : i32
      %mul3A_424 = arith.muli %add3A_422, %mul3A_423 : i32
      %add3A_425 = arith.addi %mul3A_155, %mul3A_424 : i32
      %min3A_426 = arith.constant 499552 : i32
      %min3A_427 = arith.minsi %add3A_425, %min3A_426 : i32
      %dma_start3A_428 = arith.constant 0 : i32
      %dma_start3A_429 = tpu.memref_slice %arg2[%min3A_427, %dma_start3A_428] : memref<500000x81xf32, #tpu.memory_space<hbm>> -> memref<448x81xf32, #tpu.memory_space<hbm>>
      %dma_start3A_430 = arith.constant 0 : i32
      %dma_start3A_431 = tpu.memref_slice %arg2[%min3A_427, %dma_start3A_430] : memref<500000x81xf32, #tpu.memory_space<hbm>> -> memref<448x81xf32, #tpu.memory_space<hbm>>
      tpu.enqueue_dma source(%dma_start3A_431 : memref<448x81xf32, #tpu.memory_space<hbm>>) target(%arg7 : memref<448x81xf32, #tpu.memory_space<vmem>>) target_semaphore(%arg17 : memref<!tpu.dma_semaphore, #tpu.memory_space<semaphore_mem>>)
      %dma_start3A_432 = tpu.memref_slice %arg3[%min3A_427] : memref<500000xi32, #tpu.memory_space<hbm>> -> memref<448xi32, #tpu.memory_space<hbm>>
      %dma_start3A_433 = tpu.memref_slice %arg3[%min3A_427] : memref<500000xi32, #tpu.memory_space<hbm>> -> memref<448xi32, #tpu.memory_space<hbm>>
      tpu.enqueue_dma source(%dma_start3A_433 : memref<448xi32, #tpu.memory_space<hbm>>) target(%arg9 : memref<448xi32, #tpu.memory_space<vmem>>) target_semaphore(%arg17 : memref<!tpu.dma_semaphore, #tpu.memory_space<semaphore_mem>>)
      %dma_start3A_434 = tpu.memref_slice %arg4[%min3A_427] : memref<500000xi32, #tpu.memory_space<hbm>> -> memref<448xi32, #tpu.memory_space<hbm>>
      %dma_start3A_435 = tpu.memref_slice %arg4[%min3A_427] : memref<500000xi32, #tpu.memory_space<hbm>> -> memref<448xi32, #tpu.memory_space<hbm>>
      tpu.enqueue_dma source(%dma_start3A_435 : memref<448xi32, #tpu.memory_space<hbm>>) target(%arg11 : memref<448xi32, #tpu.memory_space<vmem>>) target_semaphore(%arg17 : memref<!tpu.dma_semaphore, #tpu.memory_space<semaphore_mem>>)
      %mul3A_436 = arith.constant 448 : i32
      %mul3A_437 = arith.muli %mul3A_420, %mul3A_436 : i32
      %add3A_438 = arith.addi %mul3A_155, %mul3A_437 : i32
      %min3A_439 = arith.constant 499552 : i32
      %min3A_440 = arith.minsi %add3A_438, %min3A_439 : i32
      %dma_wait3A = arith.constant 0 : i32
      %dma_wait3A_441 = tpu.memref_slice %arg2[%min3A_440, %dma_wait3A] : memref<500000x81xf32, #tpu.memory_space<hbm>> -> memref<448x81xf32, #tpu.memory_space<hbm>>
      %dma_wait3A_442 = arith.constant 0 : i32
      %dma_wait3A_443 = tpu.memref_slice %arg2[%min3A_440, %dma_wait3A_442] : memref<500000x81xf32, #tpu.memory_space<hbm>> -> memref<448x81xf32, #tpu.memory_space<hbm>>
      tpu.wait_dma2 semaphore(%arg16 : memref<!tpu.dma_semaphore, #tpu.memory_space<semaphore_mem>>) src(%dma_wait3A_443 : memref<448x81xf32, #tpu.memory_space<hbm>>) dst(%arg6 : memref<448x81xf32, #tpu.memory_space<vmem>>)
      %dma_wait3A_444 = tpu.memref_slice %arg3[%min3A_440] : memref<500000xi32, #tpu.memory_space<hbm>> -> memref<448xi32, #tpu.memory_space<hbm>>
      %dma_wait3A_445 = tpu.memref_slice %arg3[%min3A_440] : memref<500000xi32, #tpu.memory_space<hbm>> -> memref<448xi32, #tpu.memory_space<hbm>>
      tpu.wait_dma2 semaphore(%arg16 : memref<!tpu.dma_semaphore, #tpu.memory_space<semaphore_mem>>) src(%dma_wait3A_445 : memref<448xi32, #tpu.memory_space<hbm>>) dst(%arg8 : memref<448xi32, #tpu.memory_space<vmem>>)
      %dma_wait3A_446 = tpu.memref_slice %arg4[%min3A_440] : memref<500000xi32, #tpu.memory_space<hbm>> -> memref<448xi32, #tpu.memory_space<hbm>>
      %dma_wait3A_447 = tpu.memref_slice %arg4[%min3A_440] : memref<500000xi32, #tpu.memory_space<hbm>> -> memref<448xi32, #tpu.memory_space<hbm>>
      tpu.wait_dma2 semaphore(%arg16 : memref<!tpu.dma_semaphore, #tpu.memory_space<semaphore_mem>>) src(%dma_wait3A_447 : memref<448xi32, #tpu.memory_space<hbm>>) dst(%arg10 : memref<448xi32, #tpu.memory_space<vmem>>)
      %mul3A_448 = arith.constant 448 : i32
      %mul3A_449 = arith.muli %mul3A_420, %mul3A_448 : i32
      %add3A_450 = arith.addi %mul3A_155, %mul3A_449 : i32
      %min3A_451 = arith.constant 499552 : i32
      %min3A_452 = arith.minsi %add3A_450, %min3A_451 : i32
      %sub3A_453 = arith.subi %add3A_450, %min3A_452 : i32
      %scan3A_454 = arith.constant 0 : i32
      %scan3A_455 = arith.constant 0 : i32
      %scan3A_456 = arith.constant 28 : i32
      %scan3A_457 = arith.addi %scan3A_455, %scan3A_456 : i32
      %scan3A_458 = arith.constant 1 : i32
      scf.for %scan3A_494 = %scan3A_455 to %scan3A_457 step %scan3A_458  : i32 {
        %mul3A_495 = arith.constant 16 : i32
        %mul3A_496 = arith.muli %scan3A_494, %mul3A_495 : i32
        %add3A_497 = vector.broadcast %mul3A_496 : i32 to vector<16xi32>
        %add3A_498 = arith.addi %add3A_497, %iota3A : vector<16xi32>
        %ge3A = vector.broadcast %sub3A_453 : i32 to vector<16xi32>
        %ge3A_499 = arith.cmpi sge, %add3A_498, %ge3A : vector<16xi32>
        %mul3A_500 = arith.constant 2048 : i32
        %mul3A_501 = arith.muli %scan3A_494, %mul3A_500 : i32
        %add3A_502 = vector.broadcast %mul3A_501 : i32 to vector<16xi32>
        %add3A_503 = arith.addi %add3A_502, %add3A_50 : vector<16xi32>
        %add3A_504 = arith.addi %add3A_503, %mul3A_53 : vector<16xi32>
        %gather3A_505 = tpu.vector_load_idx %arg6[%broadcast_in_dim3A_58, %add3A_504] masked %ge3A_499 : memref<448x81xf32, #tpu.memory_space<vmem>>[vector<16xi32>, vector<16xi32>], vector<16xf32>, vector<16xi1>
        %add3A_506 = arith.constant 1 : i32
        %add3A_507 = vector.broadcast %add3A_506 : i32 to vector<16xi32>
        %add3A_508 = arith.addi %mul3A_53, %add3A_507 : vector<16xi32>
        %eq3A_509 = arith.constant 80 : i32
        %eq3A_510 = vector.broadcast %eq3A_509 : i32 to vector<16xi32>
        %eq3A_511 = arith.cmpi eq, %add3A_508, %eq3A_510 : vector<16xi32>
        %jit3A_512 = arith.constant 0 : i32
        %broadcast_in_dim3A_513 = vector.broadcast %jit3A_512 : i32 to vector<16xi32>
        %select_n3A_514 = arith.select %eq3A_511, %broadcast_in_dim3A_513, %add3A_508 : vector<16xi1>, vector<16xi32>
        %add3A_515 = arith.addi %add3A_503, %select_n3A_514 : vector<16xi32>
        %gather3A_516 = tpu.vector_load_idx %arg6[%broadcast_in_dim3A_58, %add3A_515] masked %ge3A_499 : memref<448x81xf32, #tpu.memory_space<vmem>>[vector<16xi32>, vector<16xi32>], vector<16xf32>, vector<16xi1>
        %max3A = arith.maximumf %gather3A_505, %gather3A_516 : vector<16xf32>
        %add3A_517 = arith.constant 1 : i32
        %add3A_518 = vector.broadcast %add3A_517 : i32 to vector<16xi32>
        %add3A_519 = arith.addi %select_n3A_514, %add3A_518 : vector<16xi32>
        %eq3A_520 = arith.constant 80 : i32
        %eq3A_521 = vector.broadcast %eq3A_520 : i32 to vector<16xi32>
        %eq3A_522 = arith.cmpi eq, %add3A_519, %eq3A_521 : vector<16xi32>
        %jit3A_523 = arith.constant 0 : i32
        %broadcast_in_dim3A_524 = vector.broadcast %jit3A_523 : i32 to vector<16xi32>
        %select_n3A_525 = arith.select %eq3A_522, %broadcast_in_dim3A_524, %add3A_519 : vector<16xi1>, vector<16xi32>
        %add3A_526 = arith.addi %add3A_503, %select_n3A_525 : vector<16xi32>
        %gather3A_527 = tpu.vector_load_idx %arg6[%broadcast_in_dim3A_58, %add3A_526] masked %ge3A_499 : memref<448x81xf32, #tpu.memory_space<vmem>>[vector<16xi32>, vector<16xi32>], vector<16xf32>, vector<16xi1>
        %max3A_528 = arith.maximumf %max3A, %gather3A_527 : vector<16xf32>
        %add3A_529 = arith.constant 1 : i32
        %add3A_530 = vector.broadcast %add3A_529 : i32 to vector<16xi32>
        %add3A_531 = arith.addi %select_n3A_525, %add3A_530 : vector<16xi32>
        %eq3A_532 = arith.constant 80 : i32
        %eq3A_533 = vector.broadcast %eq3A_532 : i32 to vector<16xi32>
        %eq3A_534 = arith.cmpi eq, %add3A_531, %eq3A_533 : vector<16xi32>
        %jit3A_535 = arith.constant 0 : i32
        %broadcast_in_dim3A_536 = vector.broadcast %jit3A_535 : i32 to vector<16xi32>
        %select_n3A_537 = arith.select %eq3A_534, %broadcast_in_dim3A_536, %add3A_531 : vector<16xi1>, vector<16xi32>
        %add3A_538 = arith.addi %add3A_503, %select_n3A_537 : vector<16xi32>
        %gather3A_539 = tpu.vector_load_idx %arg6[%broadcast_in_dim3A_58, %add3A_538] masked %ge3A_499 : memref<448x81xf32, #tpu.memory_space<vmem>>[vector<16xi32>, vector<16xi32>], vector<16xf32>, vector<16xi1>
        %max3A_540 = arith.maximumf %max3A_528, %gather3A_539 : vector<16xf32>
        %add3A_541 = arith.constant 1 : i32
        %add3A_542 = vector.broadcast %add3A_541 : i32 to vector<16xi32>
        %add3A_543 = arith.addi %select_n3A_537, %add3A_542 : vector<16xi32>
        %eq3A_544 = arith.constant 80 : i32
        %eq3A_545 = vector.broadcast %eq3A_544 : i32 to vector<16xi32>
        %eq3A_546 = arith.cmpi eq, %add3A_543, %eq3A_545 : vector<16xi32>
        %jit3A_547 = arith.constant 0 : i32
        %broadcast_in_dim3A_548 = vector.broadcast %jit3A_547 : i32 to vector<16xi32>
        %select_n3A_549 = arith.select %eq3A_546, %broadcast_in_dim3A_548, %add3A_543 : vector<16xi1>, vector<16xi32>
        %add3A_550 = arith.addi %add3A_503, %select_n3A_549 : vector<16xi32>
        %gather3A_551 = tpu.vector_load_idx %arg6[%broadcast_in_dim3A_58, %add3A_550] masked %ge3A_499 : memref<448x81xf32, #tpu.memory_space<vmem>>[vector<16xi32>, vector<16xi32>], vector<16xf32>, vector<16xi1>
        %max3A_552 = arith.maximumf %max3A_540, %gather3A_551 : vector<16xf32>
        %add3A_553 = arith.constant 1 : i32
        %add3A_554 = vector.broadcast %add3A_553 : i32 to vector<16xi32>
        %add3A_555 = arith.addi %select_n3A_549, %add3A_554 : vector<16xi32>
        %eq3A_556 = arith.constant 80 : i32
        %eq3A_557 = vector.broadcast %eq3A_556 : i32 to vector<16xi32>
        %eq3A_558 = arith.cmpi eq, %add3A_555, %eq3A_557 : vector<16xi32>
        %jit3A_559 = arith.constant 0 : i32
        %broadcast_in_dim3A_560 = vector.broadcast %jit3A_559 : i32 to vector<16xi32>
        %select_n3A_561 = arith.select %eq3A_558, %broadcast_in_dim3A_560, %add3A_555 : vector<16xi1>, vector<16xi32>
        %add3A_562 = arith.addi %add3A_503, %select_n3A_561 : vector<16xi32>
        %gather3A_563 = tpu.vector_load_idx %arg6[%broadcast_in_dim3A_58, %add3A_562] masked %ge3A_499 : memref<448x81xf32, #tpu.memory_space<vmem>>[vector<16xi32>, vector<16xi32>], vector<16xf32>, vector<16xi1>
        %max3A_564 = arith.maximumf %max3A_552, %gather3A_563 : vector<16xf32>
        %add3A_565 = arith.constant 1 : i32
        %add3A_566 = vector.broadcast %add3A_565 : i32 to vector<16xi32>
        %add3A_567 = arith.addi %select_n3A_561, %add3A_566 : vector<16xi32>
        %eq3A_568 = arith.constant 80 : i32
        %eq3A_569 = vector.broadcast %eq3A_568 : i32 to vector<16xi32>
        %eq3A_570 = arith.cmpi eq, %add3A_567, %eq3A_569 : vector<16xi32>
        %jit3A_571 = arith.constant 0 : i32
        %broadcast_in_dim3A_572 = vector.broadcast %jit3A_571 : i32 to vector<16xi32>
        %select_n3A_573 = arith.select %eq3A_570, %broadcast_in_dim3A_572, %add3A_567 : vector<16xi1>, vector<16xi32>
        %add3A_574 = arith.addi %add3A_503, %select_n3A_573 : vector<16xi32>
        %gather3A_575 = tpu.vector_load_idx %arg6[%broadcast_in_dim3A_58, %add3A_574] masked %ge3A_499 : memref<448x81xf32, #tpu.memory_space<vmem>>[vector<16xi32>, vector<16xi32>], vector<16xf32>, vector<16xi1>
        %max3A_576 = arith.maximumf %max3A_564, %gather3A_575 : vector<16xf32>
        %add3A_577 = arith.constant 1 : i32
        %add3A_578 = vector.broadcast %add3A_577 : i32 to vector<16xi32>
        %add3A_579 = arith.addi %select_n3A_573, %add3A_578 : vector<16xi32>
        %eq3A_580 = arith.constant 80 : i32
        %eq3A_581 = vector.broadcast %eq3A_580 : i32 to vector<16xi32>
        %eq3A_582 = arith.cmpi eq, %add3A_579, %eq3A_581 : vector<16xi32>
        %jit3A_583 = arith.constant 0 : i32
        %broadcast_in_dim3A_584 = vector.broadcast %jit3A_583 : i32 to vector<16xi32>
        %select_n3A_585 = arith.select %eq3A_582, %broadcast_in_dim3A_584, %add3A_579 : vector<16xi1>, vector<16xi32>
        %add3A_586 = arith.addi %add3A_503, %select_n3A_585 : vector<16xi32>
        %gather3A_587 = tpu.vector_load_idx %arg6[%broadcast_in_dim3A_58, %add3A_586] masked %ge3A_499 : memref<448x81xf32, #tpu.memory_space<vmem>>[vector<16xi32>, vector<16xi32>], vector<16xf32>, vector<16xi1>
        %max3A_588 = arith.maximumf %max3A_576, %gather3A_587 : vector<16xf32>
        %add3A_589 = arith.constant 1 : i32
        %add3A_590 = vector.broadcast %add3A_589 : i32 to vector<16xi32>
        %add3A_591 = arith.addi %select_n3A_585, %add3A_590 : vector<16xi32>
        %eq3A_592 = arith.constant 80 : i32
        %eq3A_593 = vector.broadcast %eq3A_592 : i32 to vector<16xi32>
        %eq3A_594 = arith.cmpi eq, %add3A_591, %eq3A_593 : vector<16xi32>
        %jit3A_595 = arith.constant 0 : i32
        %broadcast_in_dim3A_596 = vector.broadcast %jit3A_595 : i32 to vector<16xi32>
        %select_n3A_597 = arith.select %eq3A_594, %broadcast_in_dim3A_596, %add3A_591 : vector<16xi1>, vector<16xi32>
        %add3A_598 = arith.addi %add3A_503, %select_n3A_597 : vector<16xi32>
        %gather3A_599 = tpu.vector_load_idx %arg6[%broadcast_in_dim3A_58, %add3A_598] masked %ge3A_499 : memref<448x81xf32, #tpu.memory_space<vmem>>[vector<16xi32>, vector<16xi32>], vector<16xf32>, vector<16xi1>
        %max3A_600 = arith.maximumf %max3A_588, %gather3A_599 : vector<16xf32>
        %add3A_601 = arith.constant 1 : i32
        %add3A_602 = vector.broadcast %add3A_601 : i32 to vector<16xi32>
        %add3A_603 = arith.addi %select_n3A_597, %add3A_602 : vector<16xi32>
        %eq3A_604 = arith.constant 80 : i32
        %eq3A_605 = vector.broadcast %eq3A_604 : i32 to vector<16xi32>
        %eq3A_606 = arith.cmpi eq, %add3A_603, %eq3A_605 : vector<16xi32>
        %jit3A_607 = arith.constant 0 : i32
        %broadcast_in_dim3A_608 = vector.broadcast %jit3A_607 : i32 to vector<16xi32>
        %select_n3A_609 = arith.select %eq3A_606, %broadcast_in_dim3A_608, %add3A_603 : vector<16xi1>, vector<16xi32>
        %add3A_610 = arith.addi %add3A_503, %select_n3A_609 : vector<16xi32>
        %gather3A_611 = tpu.vector_load_idx %arg6[%broadcast_in_dim3A_58, %add3A_610] masked %ge3A_499 : memref<448x81xf32, #tpu.memory_space<vmem>>[vector<16xi32>, vector<16xi32>], vector<16xf32>, vector<16xi1>
        %max3A_612 = arith.maximumf %max3A_600, %gather3A_611 : vector<16xf32>
        %add3A_613 = arith.constant 1 : i32
        %add3A_614 = vector.broadcast %add3A_613 : i32 to vector<16xi32>
        %add3A_615 = arith.addi %select_n3A_609, %add3A_614 : vector<16xi32>
        %eq3A_616 = arith.constant 80 : i32
        %eq3A_617 = vector.broadcast %eq3A_616 : i32 to vector<16xi32>
        %eq3A_618 = arith.cmpi eq, %add3A_615, %eq3A_617 : vector<16xi32>
        %jit3A_619 = arith.constant 0 : i32
        %broadcast_in_dim3A_620 = vector.broadcast %jit3A_619 : i32 to vector<16xi32>
        %select_n3A_621 = arith.select %eq3A_618, %broadcast_in_dim3A_620, %add3A_615 : vector<16xi1>, vector<16xi32>
        %add3A_622 = arith.addi %add3A_503, %select_n3A_621 : vector<16xi32>
        %gather3A_623 = tpu.vector_load_idx %arg6[%broadcast_in_dim3A_58, %add3A_622] masked %ge3A_499 : memref<448x81xf32, #tpu.memory_space<vmem>>[vector<16xi32>, vector<16xi32>], vector<16xf32>, vector<16xi1>
        %max3A_624 = arith.maximumf %max3A_612, %gather3A_623 : vector<16xf32>
        %add3A_625 = arith.constant 1 : i32
        %add3A_626 = vector.broadcast %add3A_625 : i32 to vector<16xi32>
        %add3A_627 = arith.addi %select_n3A_621, %add3A_626 : vector<16xi32>
        %eq3A_628 = arith.constant 80 : i32
        %eq3A_629 = vector.broadcast %eq3A_628 : i32 to vector<16xi32>
        %eq3A_630 = arith.cmpi eq, %add3A_627, %eq3A_629 : vector<16xi32>
        %jit3A_631 = arith.constant 0 : i32
        %broadcast_in_dim3A_632 = vector.broadcast %jit3A_631 : i32 to vector<16xi32>
        %select_n3A_633 = arith.select %eq3A_630, %broadcast_in_dim3A_632, %add3A_627 : vector<16xi1>, vector<16xi32>
        %add3A_634 = arith.addi %add3A_503, %select_n3A_633 : vector<16xi32>
        %gather3A_635 = tpu.vector_load_idx %arg6[%broadcast_in_dim3A_58, %add3A_634] masked %ge3A_499 : memref<448x81xf32, #tpu.memory_space<vmem>>[vector<16xi32>, vector<16xi32>], vector<16xf32>, vector<16xi1>
        %max3A_636 = arith.maximumf %max3A_624, %gather3A_635 : vector<16xf32>
        %add3A_637 = arith.constant 1 : i32
        %add3A_638 = vector.broadcast %add3A_637 : i32 to vector<16xi32>
        %add3A_639 = arith.addi %select_n3A_633, %add3A_638 : vector<16xi32>
        %eq3A_640 = arith.constant 80 : i32
        %eq3A_641 = vector.broadcast %eq3A_640 : i32 to vector<16xi32>
        %eq3A_642 = arith.cmpi eq, %add3A_639, %eq3A_641 : vector<16xi32>
        %jit3A_643 = arith.constant 0 : i32
        %broadcast_in_dim3A_644 = vector.broadcast %jit3A_643 : i32 to vector<16xi32>
        %select_n3A_645 = arith.select %eq3A_642, %broadcast_in_dim3A_644, %add3A_639 : vector<16xi1>, vector<16xi32>
        %add3A_646 = arith.addi %add3A_503, %select_n3A_645 : vector<16xi32>
        %gather3A_647 = tpu.vector_load_idx %arg6[%broadcast_in_dim3A_58, %add3A_646] masked %ge3A_499 : memref<448x81xf32, #tpu.memory_space<vmem>>[vector<16xi32>, vector<16xi32>], vector<16xf32>, vector<16xi1>
        %max3A_648 = arith.maximumf %max3A_636, %gather3A_647 : vector<16xf32>
        %add3A_649 = arith.constant 1 : i32
        %add3A_650 = vector.broadcast %add3A_649 : i32 to vector<16xi32>
        %add3A_651 = arith.addi %select_n3A_645, %add3A_650 : vector<16xi32>
        %eq3A_652 = arith.constant 80 : i32
        %eq3A_653 = vector.broadcast %eq3A_652 : i32 to vector<16xi32>
        %eq3A_654 = arith.cmpi eq, %add3A_651, %eq3A_653 : vector<16xi32>
        %jit3A_655 = arith.constant 0 : i32
        %broadcast_in_dim3A_656 = vector.broadcast %jit3A_655 : i32 to vector<16xi32>
        %select_n3A_657 = arith.select %eq3A_654, %broadcast_in_dim3A_656, %add3A_651 : vector<16xi1>, vector<16xi32>
        %add3A_658 = arith.addi %add3A_503, %select_n3A_657 : vector<16xi32>
        %gather3A_659 = tpu.vector_load_idx %arg6[%broadcast_in_dim3A_58, %add3A_658] masked %ge3A_499 : memref<448x81xf32, #tpu.memory_space<vmem>>[vector<16xi32>, vector<16xi32>], vector<16xf32>, vector<16xi1>
        %max3A_660 = arith.maximumf %max3A_648, %gather3A_659 : vector<16xf32>
        %add3A_661 = arith.constant 1 : i32
        %add3A_662 = vector.broadcast %add3A_661 : i32 to vector<16xi32>
        %add3A_663 = arith.addi %select_n3A_657, %add3A_662 : vector<16xi32>
        %eq3A_664 = arith.constant 80 : i32
        %eq3A_665 = vector.broadcast %eq3A_664 : i32 to vector<16xi32>
        %eq3A_666 = arith.cmpi eq, %add3A_663, %eq3A_665 : vector<16xi32>
        %jit3A_667 = arith.constant 0 : i32
        %broadcast_in_dim3A_668 = vector.broadcast %jit3A_667 : i32 to vector<16xi32>
        %select_n3A_669 = arith.select %eq3A_666, %broadcast_in_dim3A_668, %add3A_663 : vector<16xi1>, vector<16xi32>
        %add3A_670 = arith.addi %add3A_503, %select_n3A_669 : vector<16xi32>
        %gather3A_671 = tpu.vector_load_idx %arg6[%broadcast_in_dim3A_58, %add3A_670] masked %ge3A_499 : memref<448x81xf32, #tpu.memory_space<vmem>>[vector<16xi32>, vector<16xi32>], vector<16xf32>, vector<16xi1>
        %max3A_672 = arith.maximumf %max3A_660, %gather3A_671 : vector<16xf32>
        %add3A_673 = arith.constant 1 : i32
        %add3A_674 = vector.broadcast %add3A_673 : i32 to vector<16xi32>
        %add3A_675 = arith.addi %select_n3A_669, %add3A_674 : vector<16xi32>
        %eq3A_676 = arith.constant 80 : i32
        %eq3A_677 = vector.broadcast %eq3A_676 : i32 to vector<16xi32>
        %eq3A_678 = arith.cmpi eq, %add3A_675, %eq3A_677 : vector<16xi32>
        %jit3A_679 = arith.constant 0 : i32
        %broadcast_in_dim3A_680 = vector.broadcast %jit3A_679 : i32 to vector<16xi32>
        %select_n3A_681 = arith.select %eq3A_678, %broadcast_in_dim3A_680, %add3A_675 : vector<16xi1>, vector<16xi32>
        %add3A_682 = arith.addi %add3A_503, %select_n3A_681 : vector<16xi32>
        %gather3A_683 = tpu.vector_load_idx %arg6[%broadcast_in_dim3A_58, %add3A_682] masked %ge3A_499 : memref<448x81xf32, #tpu.memory_space<vmem>>[vector<16xi32>, vector<16xi32>], vector<16xf32>, vector<16xi1>
        %max3A_684 = arith.maximumf %max3A_672, %gather3A_683 : vector<16xf32>
        %add3A_685 = arith.constant 1 : i32
        %add3A_686 = vector.broadcast %add3A_685 : i32 to vector<16xi32>
        %add3A_687 = arith.addi %select_n3A_681, %add3A_686 : vector<16xi32>
        %eq3A_688 = arith.constant 80 : i32
        %eq3A_689 = vector.broadcast %eq3A_688 : i32 to vector<16xi32>
        %eq3A_690 = arith.cmpi eq, %add3A_687, %eq3A_689 : vector<16xi32>
        %jit3A_691 = arith.constant 0 : i32
        %broadcast_in_dim3A_692 = vector.broadcast %jit3A_691 : i32 to vector<16xi32>
        %select_n3A_693 = arith.select %eq3A_690, %broadcast_in_dim3A_692, %add3A_687 : vector<16xi1>, vector<16xi32>
        %add3A_694 = arith.addi %add3A_503, %select_n3A_693 : vector<16xi32>
        %gather3A_695 = tpu.vector_load_idx %arg6[%broadcast_in_dim3A_58, %add3A_694] masked %ge3A_499 : memref<448x81xf32, #tpu.memory_space<vmem>>[vector<16xi32>, vector<16xi32>], vector<16xf32>, vector<16xi1>
        %max3A_696 = arith.maximumf %max3A_684, %gather3A_695 : vector<16xf32>
        %add3A_697 = arith.constant 1 : i32
        %add3A_698 = vector.broadcast %add3A_697 : i32 to vector<16xi32>
        %add3A_699 = arith.addi %select_n3A_693, %add3A_698 : vector<16xi32>
        %eq3A_700 = arith.constant 80 : i32
        %eq3A_701 = vector.broadcast %eq3A_700 : i32 to vector<16xi32>
        %eq3A_702 = arith.cmpi eq, %add3A_699, %eq3A_701 : vector<16xi32>
        %jit3A_703 = arith.constant 0 : i32
        %broadcast_in_dim3A_704 = vector.broadcast %jit3A_703 : i32 to vector<16xi32>
        %select_n3A_705 = arith.select %eq3A_702, %broadcast_in_dim3A_704, %add3A_699 : vector<16xi1>, vector<16xi32>
        %add3A_706 = arith.addi %add3A_503, %select_n3A_705 : vector<16xi32>
        %gather3A_707 = tpu.vector_load_idx %arg6[%broadcast_in_dim3A_58, %add3A_706] masked %ge3A_499 : memref<448x81xf32, #tpu.memory_space<vmem>>[vector<16xi32>, vector<16xi32>], vector<16xf32>, vector<16xi1>
        %max3A_708 = arith.maximumf %max3A_696, %gather3A_707 : vector<16xf32>
        %add3A_709 = arith.constant 1 : i32
        %add3A_710 = vector.broadcast %add3A_709 : i32 to vector<16xi32>
        %add3A_711 = arith.addi %select_n3A_705, %add3A_710 : vector<16xi32>
        %eq3A_712 = arith.constant 80 : i32
        %eq3A_713 = vector.broadcast %eq3A_712 : i32 to vector<16xi32>
        %eq3A_714 = arith.cmpi eq, %add3A_711, %eq3A_713 : vector<16xi32>
        %jit3A_715 = arith.constant 0 : i32
        %broadcast_in_dim3A_716 = vector.broadcast %jit3A_715 : i32 to vector<16xi32>
        %select_n3A_717 = arith.select %eq3A_714, %broadcast_in_dim3A_716, %add3A_711 : vector<16xi1>, vector<16xi32>
        %add3A_718 = arith.addi %add3A_503, %select_n3A_717 : vector<16xi32>
        %gather3A_719 = tpu.vector_load_idx %arg6[%broadcast_in_dim3A_58, %add3A_718] masked %ge3A_499 : memref<448x81xf32, #tpu.memory_space<vmem>>[vector<16xi32>, vector<16xi32>], vector<16xf32>, vector<16xi1>
        %max3A_720 = arith.maximumf %max3A_708, %gather3A_719 : vector<16xf32>
        %add3A_721 = arith.constant 1 : i32
        %add3A_722 = vector.broadcast %add3A_721 : i32 to vector<16xi32>
        %add3A_723 = arith.addi %select_n3A_717, %add3A_722 : vector<16xi32>
        %eq3A_724 = arith.constant 80 : i32
        %eq3A_725 = vector.broadcast %eq3A_724 : i32 to vector<16xi32>
        %eq3A_726 = arith.cmpi eq, %add3A_723, %eq3A_725 : vector<16xi32>
        %jit3A_727 = arith.constant 0 : i32
        %broadcast_in_dim3A_728 = vector.broadcast %jit3A_727 : i32 to vector<16xi32>
        %select_n3A_729 = arith.select %eq3A_726, %broadcast_in_dim3A_728, %add3A_723 : vector<16xi1>, vector<16xi32>
        %add3A_730 = arith.addi %add3A_503, %select_n3A_729 : vector<16xi32>
        %gather3A_731 = tpu.vector_load_idx %arg6[%broadcast_in_dim3A_58, %add3A_730] masked %ge3A_499 : memref<448x81xf32, #tpu.memory_space<vmem>>[vector<16xi32>, vector<16xi32>], vector<16xf32>, vector<16xi1>
        %max3A_732 = arith.maximumf %max3A_720, %gather3A_731 : vector<16xf32>
        %add3A_733 = arith.constant 1 : i32
        %add3A_734 = vector.broadcast %add3A_733 : i32 to vector<16xi32>
        %add3A_735 = arith.addi %select_n3A_729, %add3A_734 : vector<16xi32>
        %eq3A_736 = arith.constant 80 : i32
        %eq3A_737 = vector.broadcast %eq3A_736 : i32 to vector<16xi32>
        %eq3A_738 = arith.cmpi eq, %add3A_735, %eq3A_737 : vector<16xi32>
        %jit3A_739 = arith.constant 0 : i32
        %broadcast_in_dim3A_740 = vector.broadcast %jit3A_739 : i32 to vector<16xi32>
        %select_n3A_741 = arith.select %eq3A_738, %broadcast_in_dim3A_740, %add3A_735 : vector<16xi1>, vector<16xi32>
        %add3A_742 = arith.addi %add3A_503, %select_n3A_741 : vector<16xi32>
        %gather3A_743 = tpu.vector_load_idx %arg6[%broadcast_in_dim3A_58, %add3A_742] masked %ge3A_499 : memref<448x81xf32, #tpu.memory_space<vmem>>[vector<16xi32>, vector<16xi32>], vector<16xf32>, vector<16xi1>
        %max3A_744 = arith.maximumf %max3A_732, %gather3A_743 : vector<16xf32>
        %add3A_745 = arith.constant 1 : i32
        %add3A_746 = vector.broadcast %add3A_745 : i32 to vector<16xi32>
        %add3A_747 = arith.addi %select_n3A_741, %add3A_746 : vector<16xi32>
        %eq3A_748 = arith.constant 80 : i32
        %eq3A_749 = vector.broadcast %eq3A_748 : i32 to vector<16xi32>
        %eq3A_750 = arith.cmpi eq, %add3A_747, %eq3A_749 : vector<16xi32>
        %jit3A_751 = arith.constant 0 : i32
        %broadcast_in_dim3A_752 = vector.broadcast %jit3A_751 : i32 to vector<16xi32>
        %select_n3A_753 = arith.select %eq3A_750, %broadcast_in_dim3A_752, %add3A_747 : vector<16xi1>, vector<16xi32>
        %add3A_754 = arith.addi %add3A_503, %select_n3A_753 : vector<16xi32>
        %gather3A_755 = tpu.vector_load_idx %arg6[%broadcast_in_dim3A_58, %add3A_754] masked %ge3A_499 : memref<448x81xf32, #tpu.memory_space<vmem>>[vector<16xi32>, vector<16xi32>], vector<16xf32>, vector<16xi1>
        %max3A_756 = arith.maximumf %max3A_744, %gather3A_755 : vector<16xf32>
        %add3A_757 = arith.constant 1 : i32
        %add3A_758 = vector.broadcast %add3A_757 : i32 to vector<16xi32>
        %add3A_759 = arith.addi %select_n3A_753, %add3A_758 : vector<16xi32>
        %eq3A_760 = arith.constant 80 : i32
        %eq3A_761 = vector.broadcast %eq3A_760 : i32 to vector<16xi32>
        %eq3A_762 = arith.cmpi eq, %add3A_759, %eq3A_761 : vector<16xi32>
        %jit3A_763 = arith.constant 0 : i32
        %broadcast_in_dim3A_764 = vector.broadcast %jit3A_763 : i32 to vector<16xi32>
        %select_n3A_765 = arith.select %eq3A_762, %broadcast_in_dim3A_764, %add3A_759 : vector<16xi1>, vector<16xi32>
        %add3A_766 = arith.addi %add3A_503, %select_n3A_765 : vector<16xi32>
        %gather3A_767 = tpu.vector_load_idx %arg6[%broadcast_in_dim3A_58, %add3A_766] masked %ge3A_499 : memref<448x81xf32, #tpu.memory_space<vmem>>[vector<16xi32>, vector<16xi32>], vector<16xf32>, vector<16xi1>
        %max3A_768 = arith.maximumf %max3A_756, %gather3A_767 : vector<16xf32>
        %add3A_769 = arith.constant 1 : i32
        %add3A_770 = vector.broadcast %add3A_769 : i32 to vector<16xi32>
        %add3A_771 = arith.addi %select_n3A_765, %add3A_770 : vector<16xi32>
        %eq3A_772 = arith.constant 80 : i32
        %eq3A_773 = vector.broadcast %eq3A_772 : i32 to vector<16xi32>
        %eq3A_774 = arith.cmpi eq, %add3A_771, %eq3A_773 : vector<16xi32>
        %jit3A_775 = arith.constant 0 : i32
        %broadcast_in_dim3A_776 = vector.broadcast %jit3A_775 : i32 to vector<16xi32>
        %select_n3A_777 = arith.select %eq3A_774, %broadcast_in_dim3A_776, %add3A_771 : vector<16xi1>, vector<16xi32>
        %add3A_778 = arith.addi %add3A_503, %select_n3A_777 : vector<16xi32>
        %gather3A_779 = tpu.vector_load_idx %arg6[%broadcast_in_dim3A_58, %add3A_778] masked %ge3A_499 : memref<448x81xf32, #tpu.memory_space<vmem>>[vector<16xi32>, vector<16xi32>], vector<16xf32>, vector<16xi1>
        %max3A_780 = arith.maximumf %max3A_768, %gather3A_779 : vector<16xf32>
        %add3A_781 = arith.constant 1 : i32
        %add3A_782 = vector.broadcast %add3A_781 : i32 to vector<16xi32>
        %add3A_783 = arith.addi %select_n3A_777, %add3A_782 : vector<16xi32>
        %eq3A_784 = arith.constant 80 : i32
        %eq3A_785 = vector.broadcast %eq3A_784 : i32 to vector<16xi32>
        %eq3A_786 = arith.cmpi eq, %add3A_783, %eq3A_785 : vector<16xi32>
        %jit3A_787 = arith.constant 0 : i32
        %broadcast_in_dim3A_788 = vector.broadcast %jit3A_787 : i32 to vector<16xi32>
        %select_n3A_789 = arith.select %eq3A_786, %broadcast_in_dim3A_788, %add3A_783 : vector<16xi1>, vector<16xi32>
        %add3A_790 = arith.addi %add3A_503, %select_n3A_789 : vector<16xi32>
        %gather3A_791 = tpu.vector_load_idx %arg6[%broadcast_in_dim3A_58, %add3A_790] masked %ge3A_499 : memref<448x81xf32, #tpu.memory_space<vmem>>[vector<16xi32>, vector<16xi32>], vector<16xf32>, vector<16xi1>
        %max3A_792 = arith.maximumf %max3A_780, %gather3A_791 : vector<16xf32>
        %add3A_793 = arith.constant 1 : i32
        %add3A_794 = vector.broadcast %add3A_793 : i32 to vector<16xi32>
        %add3A_795 = arith.addi %select_n3A_789, %add3A_794 : vector<16xi32>
        %eq3A_796 = arith.constant 80 : i32
        %eq3A_797 = vector.broadcast %eq3A_796 : i32 to vector<16xi32>
        %eq3A_798 = arith.cmpi eq, %add3A_795, %eq3A_797 : vector<16xi32>
        %jit3A_799 = arith.constant 0 : i32
        %broadcast_in_dim3A_800 = vector.broadcast %jit3A_799 : i32 to vector<16xi32>
        %select_n3A_801 = arith.select %eq3A_798, %broadcast_in_dim3A_800, %add3A_795 : vector<16xi1>, vector<16xi32>
        %add3A_802 = arith.addi %add3A_503, %select_n3A_801 : vector<16xi32>
        %gather3A_803 = tpu.vector_load_idx %arg6[%broadcast_in_dim3A_58, %add3A_802] masked %ge3A_499 : memref<448x81xf32, #tpu.memory_space<vmem>>[vector<16xi32>, vector<16xi32>], vector<16xf32>, vector<16xi1>
        %max3A_804 = arith.maximumf %max3A_792, %gather3A_803 : vector<16xf32>
        %add3A_805 = arith.constant 1 : i32
        %add3A_806 = vector.broadcast %add3A_805 : i32 to vector<16xi32>
        %add3A_807 = arith.addi %select_n3A_801, %add3A_806 : vector<16xi32>
        %eq3A_808 = arith.constant 80 : i32
        %eq3A_809 = vector.broadcast %eq3A_808 : i32 to vector<16xi32>
        %eq3A_810 = arith.cmpi eq, %add3A_807, %eq3A_809 : vector<16xi32>
        %jit3A_811 = arith.constant 0 : i32
        %broadcast_in_dim3A_812 = vector.broadcast %jit3A_811 : i32 to vector<16xi32>
        %select_n3A_813 = arith.select %eq3A_810, %broadcast_in_dim3A_812, %add3A_807 : vector<16xi1>, vector<16xi32>
        %add3A_814 = arith.addi %add3A_503, %select_n3A_813 : vector<16xi32>
        %gather3A_815 = tpu.vector_load_idx %arg6[%broadcast_in_dim3A_58, %add3A_814] masked %ge3A_499 : memref<448x81xf32, #tpu.memory_space<vmem>>[vector<16xi32>, vector<16xi32>], vector<16xf32>, vector<16xi1>
        %max3A_816 = arith.maximumf %max3A_804, %gather3A_815 : vector<16xf32>
        %add3A_817 = arith.constant 1 : i32
        %add3A_818 = vector.broadcast %add3A_817 : i32 to vector<16xi32>
        %add3A_819 = arith.addi %select_n3A_813, %add3A_818 : vector<16xi32>
        %eq3A_820 = arith.constant 80 : i32
        %eq3A_821 = vector.broadcast %eq3A_820 : i32 to vector<16xi32>
        %eq3A_822 = arith.cmpi eq, %add3A_819, %eq3A_821 : vector<16xi32>
        %jit3A_823 = arith.constant 0 : i32
        %broadcast_in_dim3A_824 = vector.broadcast %jit3A_823 : i32 to vector<16xi32>
        %select_n3A_825 = arith.select %eq3A_822, %broadcast_in_dim3A_824, %add3A_819 : vector<16xi1>, vector<16xi32>
        %add3A_826 = arith.addi %add3A_503, %select_n3A_825 : vector<16xi32>
        %gather3A_827 = tpu.vector_load_idx %arg6[%broadcast_in_dim3A_58, %add3A_826] masked %ge3A_499 : memref<448x81xf32, #tpu.memory_space<vmem>>[vector<16xi32>, vector<16xi32>], vector<16xf32>, vector<16xi1>
        %max3A_828 = arith.maximumf %max3A_816, %gather3A_827 : vector<16xf32>
        %add3A_829 = arith.constant 1 : i32
        %add3A_830 = vector.broadcast %add3A_829 : i32 to vector<16xi32>
        %add3A_831 = arith.addi %select_n3A_825, %add3A_830 : vector<16xi32>
        %eq3A_832 = arith.constant 80 : i32
        %eq3A_833 = vector.broadcast %eq3A_832 : i32 to vector<16xi32>
        %eq3A_834 = arith.cmpi eq, %add3A_831, %eq3A_833 : vector<16xi32>
        %jit3A_835 = arith.constant 0 : i32
        %broadcast_in_dim3A_836 = vector.broadcast %jit3A_835 : i32 to vector<16xi32>
        %select_n3A_837 = arith.select %eq3A_834, %broadcast_in_dim3A_836, %add3A_831 : vector<16xi1>, vector<16xi32>
        %add3A_838 = arith.addi %add3A_503, %select_n3A_837 : vector<16xi32>
        %gather3A_839 = tpu.vector_load_idx %arg6[%broadcast_in_dim3A_58, %add3A_838] masked %ge3A_499 : memref<448x81xf32, #tpu.memory_space<vmem>>[vector<16xi32>, vector<16xi32>], vector<16xf32>, vector<16xi1>
        %max3A_840 = arith.maximumf %max3A_828, %gather3A_839 : vector<16xf32>
        %add3A_841 = arith.constant 1 : i32
        %add3A_842 = vector.broadcast %add3A_841 : i32 to vector<16xi32>
        %add3A_843 = arith.addi %select_n3A_837, %add3A_842 : vector<16xi32>
        %eq3A_844 = arith.constant 80 : i32
        %eq3A_845 = vector.broadcast %eq3A_844 : i32 to vector<16xi32>
        %eq3A_846 = arith.cmpi eq, %add3A_843, %eq3A_845 : vector<16xi32>
        %jit3A_847 = arith.constant 0 : i32
        %broadcast_in_dim3A_848 = vector.broadcast %jit3A_847 : i32 to vector<16xi32>
        %select_n3A_849 = arith.select %eq3A_846, %broadcast_in_dim3A_848, %add3A_843 : vector<16xi1>, vector<16xi32>
        %add3A_850 = arith.addi %add3A_503, %select_n3A_849 : vector<16xi32>
        %gather3A_851 = tpu.vector_load_idx %arg6[%broadcast_in_dim3A_58, %add3A_850] masked %ge3A_499 : memref<448x81xf32, #tpu.memory_space<vmem>>[vector<16xi32>, vector<16xi32>], vector<16xf32>, vector<16xi1>
        %max3A_852 = arith.maximumf %max3A_840, %gather3A_851 : vector<16xf32>
        %add3A_853 = arith.constant 1 : i32
        %add3A_854 = vector.broadcast %add3A_853 : i32 to vector<16xi32>
        %add3A_855 = arith.addi %select_n3A_849, %add3A_854 : vector<16xi32>
        %eq3A_856 = arith.constant 80 : i32
        %eq3A_857 = vector.broadcast %eq3A_856 : i32 to vector<16xi32>
        %eq3A_858 = arith.cmpi eq, %add3A_855, %eq3A_857 : vector<16xi32>
        %jit3A_859 = arith.constant 0 : i32
        %broadcast_in_dim3A_860 = vector.broadcast %jit3A_859 : i32 to vector<16xi32>
        %select_n3A_861 = arith.select %eq3A_858, %broadcast_in_dim3A_860, %add3A_855 : vector<16xi1>, vector<16xi32>
        %add3A_862 = arith.addi %add3A_503, %select_n3A_861 : vector<16xi32>
        %gather3A_863 = tpu.vector_load_idx %arg6[%broadcast_in_dim3A_58, %add3A_862] masked %ge3A_499 : memref<448x81xf32, #tpu.memory_space<vmem>>[vector<16xi32>, vector<16xi32>], vector<16xf32>, vector<16xi1>
        %max3A_864 = arith.maximumf %max3A_852, %gather3A_863 : vector<16xf32>
        %add3A_865 = arith.constant 1 : i32
        %add3A_866 = vector.broadcast %add3A_865 : i32 to vector<16xi32>
        %add3A_867 = arith.addi %select_n3A_861, %add3A_866 : vector<16xi32>
        %eq3A_868 = arith.constant 80 : i32
        %eq3A_869 = vector.broadcast %eq3A_868 : i32 to vector<16xi32>
        %eq3A_870 = arith.cmpi eq, %add3A_867, %eq3A_869 : vector<16xi32>
        %jit3A_871 = arith.constant 0 : i32
        %broadcast_in_dim3A_872 = vector.broadcast %jit3A_871 : i32 to vector<16xi32>
        %select_n3A_873 = arith.select %eq3A_870, %broadcast_in_dim3A_872, %add3A_867 : vector<16xi1>, vector<16xi32>
        %add3A_874 = arith.addi %add3A_503, %select_n3A_873 : vector<16xi32>
        %gather3A_875 = tpu.vector_load_idx %arg6[%broadcast_in_dim3A_58, %add3A_874] masked %ge3A_499 : memref<448x81xf32, #tpu.memory_space<vmem>>[vector<16xi32>, vector<16xi32>], vector<16xf32>, vector<16xi1>
        %max3A_876 = arith.maximumf %max3A_864, %gather3A_875 : vector<16xf32>
        %add3A_877 = arith.constant 1 : i32
        %add3A_878 = vector.broadcast %add3A_877 : i32 to vector<16xi32>
        %add3A_879 = arith.addi %select_n3A_873, %add3A_878 : vector<16xi32>
        %eq3A_880 = arith.constant 80 : i32
        %eq3A_881 = vector.broadcast %eq3A_880 : i32 to vector<16xi32>
        %eq3A_882 = arith.cmpi eq, %add3A_879, %eq3A_881 : vector<16xi32>
        %jit3A_883 = arith.constant 0 : i32
        %broadcast_in_dim3A_884 = vector.broadcast %jit3A_883 : i32 to vector<16xi32>
        %select_n3A_885 = arith.select %eq3A_882, %broadcast_in_dim3A_884, %add3A_879 : vector<16xi1>, vector<16xi32>
        %add3A_886 = arith.addi %add3A_503, %select_n3A_885 : vector<16xi32>
        %gather3A_887 = tpu.vector_load_idx %arg6[%broadcast_in_dim3A_58, %add3A_886] masked %ge3A_499 : memref<448x81xf32, #tpu.memory_space<vmem>>[vector<16xi32>, vector<16xi32>], vector<16xf32>, vector<16xi1>
        %max3A_888 = arith.maximumf %max3A_876, %gather3A_887 : vector<16xf32>
        %add3A_889 = arith.constant 1 : i32
        %add3A_890 = vector.broadcast %add3A_889 : i32 to vector<16xi32>
        %add3A_891 = arith.addi %select_n3A_885, %add3A_890 : vector<16xi32>
        %eq3A_892 = arith.constant 80 : i32
        %eq3A_893 = vector.broadcast %eq3A_892 : i32 to vector<16xi32>
        %eq3A_894 = arith.cmpi eq, %add3A_891, %eq3A_893 : vector<16xi32>
        %jit3A_895 = arith.constant 0 : i32
        %broadcast_in_dim3A_896 = vector.broadcast %jit3A_895 : i32 to vector<16xi32>
        %select_n3A_897 = arith.select %eq3A_894, %broadcast_in_dim3A_896, %add3A_891 : vector<16xi1>, vector<16xi32>
        %add3A_898 = arith.addi %add3A_503, %select_n3A_897 : vector<16xi32>
        %gather3A_899 = tpu.vector_load_idx %arg6[%broadcast_in_dim3A_58, %add3A_898] masked %ge3A_499 : memref<448x81xf32, #tpu.memory_space<vmem>>[vector<16xi32>, vector<16xi32>], vector<16xf32>, vector<16xi1>
        %max3A_900 = arith.maximumf %max3A_888, %gather3A_899 : vector<16xf32>
        %add3A_901 = arith.constant 1 : i32
        %add3A_902 = vector.broadcast %add3A_901 : i32 to vector<16xi32>
        %add3A_903 = arith.addi %select_n3A_897, %add3A_902 : vector<16xi32>
        %eq3A_904 = arith.constant 80 : i32
        %eq3A_905 = vector.broadcast %eq3A_904 : i32 to vector<16xi32>
        %eq3A_906 = arith.cmpi eq, %add3A_903, %eq3A_905 : vector<16xi32>
        %jit3A_907 = arith.constant 0 : i32
        %broadcast_in_dim3A_908 = vector.broadcast %jit3A_907 : i32 to vector<16xi32>
        %select_n3A_909 = arith.select %eq3A_906, %broadcast_in_dim3A_908, %add3A_903 : vector<16xi1>, vector<16xi32>
        %add3A_910 = arith.addi %add3A_503, %select_n3A_909 : vector<16xi32>
        %gather3A_911 = tpu.vector_load_idx %arg6[%broadcast_in_dim3A_58, %add3A_910] masked %ge3A_499 : memref<448x81xf32, #tpu.memory_space<vmem>>[vector<16xi32>, vector<16xi32>], vector<16xf32>, vector<16xi1>
        %max3A_912 = arith.maximumf %max3A_900, %gather3A_911 : vector<16xf32>
        %add3A_913 = arith.constant 1 : i32
        %add3A_914 = vector.broadcast %add3A_913 : i32 to vector<16xi32>
        %add3A_915 = arith.addi %select_n3A_909, %add3A_914 : vector<16xi32>
        %eq3A_916 = arith.constant 80 : i32
        %eq3A_917 = vector.broadcast %eq3A_916 : i32 to vector<16xi32>
        %eq3A_918 = arith.cmpi eq, %add3A_915, %eq3A_917 : vector<16xi32>
        %jit3A_919 = arith.constant 0 : i32
        %broadcast_in_dim3A_920 = vector.broadcast %jit3A_919 : i32 to vector<16xi32>
        %select_n3A_921 = arith.select %eq3A_918, %broadcast_in_dim3A_920, %add3A_915 : vector<16xi1>, vector<16xi32>
        %add3A_922 = arith.addi %add3A_503, %select_n3A_921 : vector<16xi32>
        %gather3A_923 = tpu.vector_load_idx %arg6[%broadcast_in_dim3A_58, %add3A_922] masked %ge3A_499 : memref<448x81xf32, #tpu.memory_space<vmem>>[vector<16xi32>, vector<16xi32>], vector<16xf32>, vector<16xi1>
        %max3A_924 = arith.maximumf %max3A_912, %gather3A_923 : vector<16xf32>
        %add3A_925 = arith.constant 1 : i32
        %add3A_926 = vector.broadcast %add3A_925 : i32 to vector<16xi32>
        %add3A_927 = arith.addi %select_n3A_921, %add3A_926 : vector<16xi32>
        %eq3A_928 = arith.constant 80 : i32
        %eq3A_929 = vector.broadcast %eq3A_928 : i32 to vector<16xi32>
        %eq3A_930 = arith.cmpi eq, %add3A_927, %eq3A_929 : vector<16xi32>
        %jit3A_931 = arith.constant 0 : i32
        %broadcast_in_dim3A_932 = vector.broadcast %jit3A_931 : i32 to vector<16xi32>
        %select_n3A_933 = arith.select %eq3A_930, %broadcast_in_dim3A_932, %add3A_927 : vector<16xi1>, vector<16xi32>
        %add3A_934 = arith.addi %add3A_503, %select_n3A_933 : vector<16xi32>
        %gather3A_935 = tpu.vector_load_idx %arg6[%broadcast_in_dim3A_58, %add3A_934] masked %ge3A_499 : memref<448x81xf32, #tpu.memory_space<vmem>>[vector<16xi32>, vector<16xi32>], vector<16xf32>, vector<16xi1>
        %max3A_936 = arith.maximumf %max3A_924, %gather3A_935 : vector<16xf32>
        %add3A_937 = arith.constant 1 : i32
        %add3A_938 = vector.broadcast %add3A_937 : i32 to vector<16xi32>
        %add3A_939 = arith.addi %select_n3A_933, %add3A_938 : vector<16xi32>
        %eq3A_940 = arith.constant 80 : i32
        %eq3A_941 = vector.broadcast %eq3A_940 : i32 to vector<16xi32>
        %eq3A_942 = arith.cmpi eq, %add3A_939, %eq3A_941 : vector<16xi32>
        %jit3A_943 = arith.constant 0 : i32
        %broadcast_in_dim3A_944 = vector.broadcast %jit3A_943 : i32 to vector<16xi32>
        %select_n3A_945 = arith.select %eq3A_942, %broadcast_in_dim3A_944, %add3A_939 : vector<16xi1>, vector<16xi32>
        %add3A_946 = arith.addi %add3A_503, %select_n3A_945 : vector<16xi32>
        %gather3A_947 = tpu.vector_load_idx %arg6[%broadcast_in_dim3A_58, %add3A_946] masked %ge3A_499 : memref<448x81xf32, #tpu.memory_space<vmem>>[vector<16xi32>, vector<16xi32>], vector<16xf32>, vector<16xi1>
        %max3A_948 = arith.maximumf %max3A_936, %gather3A_947 : vector<16xf32>
        %add3A_949 = arith.constant 1 : i32
        %add3A_950 = vector.broadcast %add3A_949 : i32 to vector<16xi32>
        %add3A_951 = arith.addi %select_n3A_945, %add3A_950 : vector<16xi32>
        %eq3A_952 = arith.constant 80 : i32
        %eq3A_953 = vector.broadcast %eq3A_952 : i32 to vector<16xi32>
        %eq3A_954 = arith.cmpi eq, %add3A_951, %eq3A_953 : vector<16xi32>
        %jit3A_955 = arith.constant 0 : i32
        %broadcast_in_dim3A_956 = vector.broadcast %jit3A_955 : i32 to vector<16xi32>
        %select_n3A_957 = arith.select %eq3A_954, %broadcast_in_dim3A_956, %add3A_951 : vector<16xi1>, vector<16xi32>
        %add3A_958 = arith.addi %add3A_503, %select_n3A_957 : vector<16xi32>
        %gather3A_959 = tpu.vector_load_idx %arg6[%broadcast_in_dim3A_58, %add3A_958] masked %ge3A_499 : memref<448x81xf32, #tpu.memory_space<vmem>>[vector<16xi32>, vector<16xi32>], vector<16xf32>, vector<16xi1>
        %max3A_960 = arith.maximumf %max3A_948, %gather3A_959 : vector<16xf32>
        %add3A_961 = arith.constant 1 : i32
        %add3A_962 = vector.broadcast %add3A_961 : i32 to vector<16xi32>
        %add3A_963 = arith.addi %select_n3A_957, %add3A_962 : vector<16xi32>
        %eq3A_964 = arith.constant 80 : i32
        %eq3A_965 = vector.broadcast %eq3A_964 : i32 to vector<16xi32>
        %eq3A_966 = arith.cmpi eq, %add3A_963, %eq3A_965 : vector<16xi32>
        %jit3A_967 = arith.constant 0 : i32
        %broadcast_in_dim3A_968 = vector.broadcast %jit3A_967 : i32 to vector<16xi32>
        %select_n3A_969 = arith.select %eq3A_966, %broadcast_in_dim3A_968, %add3A_963 : vector<16xi1>, vector<16xi32>
        %add3A_970 = arith.addi %add3A_503, %select_n3A_969 : vector<16xi32>
        %gather3A_971 = tpu.vector_load_idx %arg6[%broadcast_in_dim3A_58, %add3A_970] masked %ge3A_499 : memref<448x81xf32, #tpu.memory_space<vmem>>[vector<16xi32>, vector<16xi32>], vector<16xf32>, vector<16xi1>
        %max3A_972 = arith.maximumf %max3A_960, %gather3A_971 : vector<16xf32>
        %add3A_973 = arith.constant 1 : i32
        %add3A_974 = vector.broadcast %add3A_973 : i32 to vector<16xi32>
        %add3A_975 = arith.addi %select_n3A_969, %add3A_974 : vector<16xi32>
        %eq3A_976 = arith.constant 80 : i32
        %eq3A_977 = vector.broadcast %eq3A_976 : i32 to vector<16xi32>
        %eq3A_978 = arith.cmpi eq, %add3A_975, %eq3A_977 : vector<16xi32>
        %jit3A_979 = arith.constant 0 : i32
        %broadcast_in_dim3A_980 = vector.broadcast %jit3A_979 : i32 to vector<16xi32>
        %select_n3A_981 = arith.select %eq3A_978, %broadcast_in_dim3A_980, %add3A_975 : vector<16xi1>, vector<16xi32>
        %add3A_982 = arith.addi %add3A_503, %select_n3A_981 : vector<16xi32>
        %gather3A_983 = tpu.vector_load_idx %arg6[%broadcast_in_dim3A_58, %add3A_982] masked %ge3A_499 : memref<448x81xf32, #tpu.memory_space<vmem>>[vector<16xi32>, vector<16xi32>], vector<16xf32>, vector<16xi1>
        %max3A_984 = arith.maximumf %max3A_972, %gather3A_983 : vector<16xf32>
        %add3A_985 = arith.constant 1 : i32
        %add3A_986 = vector.broadcast %add3A_985 : i32 to vector<16xi32>
        %add3A_987 = arith.addi %select_n3A_981, %add3A_986 : vector<16xi32>
        %eq3A_988 = arith.constant 80 : i32
        %eq3A_989 = vector.broadcast %eq3A_988 : i32 to vector<16xi32>
        %eq3A_990 = arith.cmpi eq, %add3A_987, %eq3A_989 : vector<16xi32>
        %jit3A_991 = arith.constant 0 : i32
        %broadcast_in_dim3A_992 = vector.broadcast %jit3A_991 : i32 to vector<16xi32>
        %select_n3A_993 = arith.select %eq3A_990, %broadcast_in_dim3A_992, %add3A_987 : vector<16xi1>, vector<16xi32>
        %add3A_994 = arith.addi %add3A_503, %select_n3A_993 : vector<16xi32>
        %gather3A_995 = tpu.vector_load_idx %arg6[%broadcast_in_dim3A_58, %add3A_994] masked %ge3A_499 : memref<448x81xf32, #tpu.memory_space<vmem>>[vector<16xi32>, vector<16xi32>], vector<16xf32>, vector<16xi1>
        %max3A_996 = arith.maximumf %max3A_984, %gather3A_995 : vector<16xf32>
        %add3A_997 = arith.constant 1 : i32
        %add3A_998 = vector.broadcast %add3A_997 : i32 to vector<16xi32>
        %add3A_999 = arith.addi %select_n3A_993, %add3A_998 : vector<16xi32>
        %eq3A_1000 = arith.constant 80 : i32
        %eq3A_1001 = vector.broadcast %eq3A_1000 : i32 to vector<16xi32>
        %eq3A_1002 = arith.cmpi eq, %add3A_999, %eq3A_1001 : vector<16xi32>
        %jit3A_1003 = arith.constant 0 : i32
        %broadcast_in_dim3A_1004 = vector.broadcast %jit3A_1003 : i32 to vector<16xi32>
        %select_n3A_1005 = arith.select %eq3A_1002, %broadcast_in_dim3A_1004, %add3A_999 : vector<16xi1>, vector<16xi32>
        %add3A_1006 = arith.addi %add3A_503, %select_n3A_1005 : vector<16xi32>
        %gather3A_1007 = tpu.vector_load_idx %arg6[%broadcast_in_dim3A_58, %add3A_1006] masked %ge3A_499 : memref<448x81xf32, #tpu.memory_space<vmem>>[vector<16xi32>, vector<16xi32>], vector<16xf32>, vector<16xi1>
        %max3A_1008 = arith.maximumf %max3A_996, %gather3A_1007 : vector<16xf32>
        %add3A_1009 = arith.constant 1 : i32
        %add3A_1010 = vector.broadcast %add3A_1009 : i32 to vector<16xi32>
        %add3A_1011 = arith.addi %select_n3A_1005, %add3A_1010 : vector<16xi32>
        %eq3A_1012 = arith.constant 80 : i32
        %eq3A_1013 = vector.broadcast %eq3A_1012 : i32 to vector<16xi32>
        %eq3A_1014 = arith.cmpi eq, %add3A_1011, %eq3A_1013 : vector<16xi32>
        %jit3A_1015 = arith.constant 0 : i32
        %broadcast_in_dim3A_1016 = vector.broadcast %jit3A_1015 : i32 to vector<16xi32>
        %select_n3A_1017 = arith.select %eq3A_1014, %broadcast_in_dim3A_1016, %add3A_1011 : vector<16xi1>, vector<16xi32>
        %add3A_1018 = arith.addi %add3A_503, %select_n3A_1017 : vector<16xi32>
        %gather3A_1019 = tpu.vector_load_idx %arg6[%broadcast_in_dim3A_58, %add3A_1018] masked %ge3A_499 : memref<448x81xf32, #tpu.memory_space<vmem>>[vector<16xi32>, vector<16xi32>], vector<16xf32>, vector<16xi1>
        %max3A_1020 = arith.maximumf %max3A_1008, %gather3A_1019 : vector<16xf32>
        %add3A_1021 = arith.constant 1 : i32
        %add3A_1022 = vector.broadcast %add3A_1021 : i32 to vector<16xi32>
        %add3A_1023 = arith.addi %select_n3A_1017, %add3A_1022 : vector<16xi32>
        %eq3A_1024 = arith.constant 80 : i32
        %eq3A_1025 = vector.broadcast %eq3A_1024 : i32 to vector<16xi32>
        %eq3A_1026 = arith.cmpi eq, %add3A_1023, %eq3A_1025 : vector<16xi32>
        %jit3A_1027 = arith.constant 0 : i32
        %broadcast_in_dim3A_1028 = vector.broadcast %jit3A_1027 : i32 to vector<16xi32>
        %select_n3A_1029 = arith.select %eq3A_1026, %broadcast_in_dim3A_1028, %add3A_1023 : vector<16xi1>, vector<16xi32>
        %add3A_1030 = arith.addi %add3A_503, %select_n3A_1029 : vector<16xi32>
        %gather3A_1031 = tpu.vector_load_idx %arg6[%broadcast_in_dim3A_58, %add3A_1030] masked %ge3A_499 : memref<448x81xf32, #tpu.memory_space<vmem>>[vector<16xi32>, vector<16xi32>], vector<16xf32>, vector<16xi1>
        %max3A_1032 = arith.maximumf %max3A_1020, %gather3A_1031 : vector<16xf32>
        %add3A_1033 = arith.constant 1 : i32
        %add3A_1034 = vector.broadcast %add3A_1033 : i32 to vector<16xi32>
        %add3A_1035 = arith.addi %select_n3A_1029, %add3A_1034 : vector<16xi32>
        %eq3A_1036 = arith.constant 80 : i32
        %eq3A_1037 = vector.broadcast %eq3A_1036 : i32 to vector<16xi32>
        %eq3A_1038 = arith.cmpi eq, %add3A_1035, %eq3A_1037 : vector<16xi32>
        %jit3A_1039 = arith.constant 0 : i32
        %broadcast_in_dim3A_1040 = vector.broadcast %jit3A_1039 : i32 to vector<16xi32>
        %select_n3A_1041 = arith.select %eq3A_1038, %broadcast_in_dim3A_1040, %add3A_1035 : vector<16xi1>, vector<16xi32>
        %add3A_1042 = arith.addi %add3A_503, %select_n3A_1041 : vector<16xi32>
        %gather3A_1043 = tpu.vector_load_idx %arg6[%broadcast_in_dim3A_58, %add3A_1042] masked %ge3A_499 : memref<448x81xf32, #tpu.memory_space<vmem>>[vector<16xi32>, vector<16xi32>], vector<16xf32>, vector<16xi1>
        %max3A_1044 = arith.maximumf %max3A_1032, %gather3A_1043 : vector<16xf32>
        %add3A_1045 = arith.constant 1 : i32
        %add3A_1046 = vector.broadcast %add3A_1045 : i32 to vector<16xi32>
        %add3A_1047 = arith.addi %select_n3A_1041, %add3A_1046 : vector<16xi32>
        %eq3A_1048 = arith.constant 80 : i32
        %eq3A_1049 = vector.broadcast %eq3A_1048 : i32 to vector<16xi32>
        %eq3A_1050 = arith.cmpi eq, %add3A_1047, %eq3A_1049 : vector<16xi32>
        %jit3A_1051 = arith.constant 0 : i32
        %broadcast_in_dim3A_1052 = vector.broadcast %jit3A_1051 : i32 to vector<16xi32>
        %select_n3A_1053 = arith.select %eq3A_1050, %broadcast_in_dim3A_1052, %add3A_1047 : vector<16xi1>, vector<16xi32>
        %add3A_1054 = arith.addi %add3A_503, %select_n3A_1053 : vector<16xi32>
        %gather3A_1055 = tpu.vector_load_idx %arg6[%broadcast_in_dim3A_58, %add3A_1054] masked %ge3A_499 : memref<448x81xf32, #tpu.memory_space<vmem>>[vector<16xi32>, vector<16xi32>], vector<16xf32>, vector<16xi1>
        %max3A_1056 = arith.maximumf %max3A_1044, %gather3A_1055 : vector<16xf32>
        %add3A_1057 = arith.constant 1 : i32
        %add3A_1058 = vector.broadcast %add3A_1057 : i32 to vector<16xi32>
        %add3A_1059 = arith.addi %select_n3A_1053, %add3A_1058 : vector<16xi32>
        %eq3A_1060 = arith.constant 80 : i32
        %eq3A_1061 = vector.broadcast %eq3A_1060 : i32 to vector<16xi32>
        %eq3A_1062 = arith.cmpi eq, %add3A_1059, %eq3A_1061 : vector<16xi32>
        %jit3A_1063 = arith.constant 0 : i32
        %broadcast_in_dim3A_1064 = vector.broadcast %jit3A_1063 : i32 to vector<16xi32>
        %select_n3A_1065 = arith.select %eq3A_1062, %broadcast_in_dim3A_1064, %add3A_1059 : vector<16xi1>, vector<16xi32>
        %add3A_1066 = arith.addi %add3A_503, %select_n3A_1065 : vector<16xi32>
        %gather3A_1067 = tpu.vector_load_idx %arg6[%broadcast_in_dim3A_58, %add3A_1066] masked %ge3A_499 : memref<448x81xf32, #tpu.memory_space<vmem>>[vector<16xi32>, vector<16xi32>], vector<16xf32>, vector<16xi1>
        %max3A_1068 = arith.maximumf %max3A_1056, %gather3A_1067 : vector<16xf32>
        %add3A_1069 = arith.constant 1 : i32
        %add3A_1070 = vector.broadcast %add3A_1069 : i32 to vector<16xi32>
        %add3A_1071 = arith.addi %select_n3A_1065, %add3A_1070 : vector<16xi32>
        %eq3A_1072 = arith.constant 80 : i32
        %eq3A_1073 = vector.broadcast %eq3A_1072 : i32 to vector<16xi32>
        %eq3A_1074 = arith.cmpi eq, %add3A_1071, %eq3A_1073 : vector<16xi32>
        %jit3A_1075 = arith.constant 0 : i32
        %broadcast_in_dim3A_1076 = vector.broadcast %jit3A_1075 : i32 to vector<16xi32>
        %select_n3A_1077 = arith.select %eq3A_1074, %broadcast_in_dim3A_1076, %add3A_1071 : vector<16xi1>, vector<16xi32>
        %add3A_1078 = arith.addi %add3A_503, %select_n3A_1077 : vector<16xi32>
        %gather3A_1079 = tpu.vector_load_idx %arg6[%broadcast_in_dim3A_58, %add3A_1078] masked %ge3A_499 : memref<448x81xf32, #tpu.memory_space<vmem>>[vector<16xi32>, vector<16xi32>], vector<16xf32>, vector<16xi1>
        %max3A_1080 = arith.maximumf %max3A_1068, %gather3A_1079 : vector<16xf32>
        %add3A_1081 = arith.constant 1 : i32
        %add3A_1082 = vector.broadcast %add3A_1081 : i32 to vector<16xi32>
        %add3A_1083 = arith.addi %select_n3A_1077, %add3A_1082 : vector<16xi32>
        %eq3A_1084 = arith.constant 80 : i32
        %eq3A_1085 = vector.broadcast %eq3A_1084 : i32 to vector<16xi32>
        %eq3A_1086 = arith.cmpi eq, %add3A_1083, %eq3A_1085 : vector<16xi32>
        %jit3A_1087 = arith.constant 0 : i32
        %broadcast_in_dim3A_1088 = vector.broadcast %jit3A_1087 : i32 to vector<16xi32>
        %select_n3A_1089 = arith.select %eq3A_1086, %broadcast_in_dim3A_1088, %add3A_1083 : vector<16xi1>, vector<16xi32>
        %add3A_1090 = arith.addi %add3A_503, %select_n3A_1089 : vector<16xi32>
        %gather3A_1091 = tpu.vector_load_idx %arg6[%broadcast_in_dim3A_58, %add3A_1090] masked %ge3A_499 : memref<448x81xf32, #tpu.memory_space<vmem>>[vector<16xi32>, vector<16xi32>], vector<16xf32>, vector<16xi1>
        %max3A_1092 = arith.maximumf %max3A_1080, %gather3A_1091 : vector<16xf32>
        %add3A_1093 = arith.constant 1 : i32
        %add3A_1094 = vector.broadcast %add3A_1093 : i32 to vector<16xi32>
        %add3A_1095 = arith.addi %select_n3A_1089, %add3A_1094 : vector<16xi32>
        %eq3A_1096 = arith.constant 80 : i32
        %eq3A_1097 = vector.broadcast %eq3A_1096 : i32 to vector<16xi32>
        %eq3A_1098 = arith.cmpi eq, %add3A_1095, %eq3A_1097 : vector<16xi32>
        %jit3A_1099 = arith.constant 0 : i32
        %broadcast_in_dim3A_1100 = vector.broadcast %jit3A_1099 : i32 to vector<16xi32>
        %select_n3A_1101 = arith.select %eq3A_1098, %broadcast_in_dim3A_1100, %add3A_1095 : vector<16xi1>, vector<16xi32>
        %add3A_1102 = arith.addi %add3A_503, %select_n3A_1101 : vector<16xi32>
        %gather3A_1103 = tpu.vector_load_idx %arg6[%broadcast_in_dim3A_58, %add3A_1102] masked %ge3A_499 : memref<448x81xf32, #tpu.memory_space<vmem>>[vector<16xi32>, vector<16xi32>], vector<16xf32>, vector<16xi1>
        %max3A_1104 = arith.maximumf %max3A_1092, %gather3A_1103 : vector<16xf32>
        %add3A_1105 = arith.constant 1 : i32
        %add3A_1106 = vector.broadcast %add3A_1105 : i32 to vector<16xi32>
        %add3A_1107 = arith.addi %select_n3A_1101, %add3A_1106 : vector<16xi32>
        %eq3A_1108 = arith.constant 80 : i32
        %eq3A_1109 = vector.broadcast %eq3A_1108 : i32 to vector<16xi32>
        %eq3A_1110 = arith.cmpi eq, %add3A_1107, %eq3A_1109 : vector<16xi32>
        %jit3A_1111 = arith.constant 0 : i32
        %broadcast_in_dim3A_1112 = vector.broadcast %jit3A_1111 : i32 to vector<16xi32>
        %select_n3A_1113 = arith.select %eq3A_1110, %broadcast_in_dim3A_1112, %add3A_1107 : vector<16xi1>, vector<16xi32>
        %add3A_1114 = arith.addi %add3A_503, %select_n3A_1113 : vector<16xi32>
        %gather3A_1115 = tpu.vector_load_idx %arg6[%broadcast_in_dim3A_58, %add3A_1114] masked %ge3A_499 : memref<448x81xf32, #tpu.memory_space<vmem>>[vector<16xi32>, vector<16xi32>], vector<16xf32>, vector<16xi1>
        %max3A_1116 = arith.maximumf %max3A_1104, %gather3A_1115 : vector<16xf32>
        %add3A_1117 = arith.constant 1 : i32
        %add3A_1118 = vector.broadcast %add3A_1117 : i32 to vector<16xi32>
        %add3A_1119 = arith.addi %select_n3A_1113, %add3A_1118 : vector<16xi32>
        %eq3A_1120 = arith.constant 80 : i32
        %eq3A_1121 = vector.broadcast %eq3A_1120 : i32 to vector<16xi32>
        %eq3A_1122 = arith.cmpi eq, %add3A_1119, %eq3A_1121 : vector<16xi32>
        %jit3A_1123 = arith.constant 0 : i32
        %broadcast_in_dim3A_1124 = vector.broadcast %jit3A_1123 : i32 to vector<16xi32>
        %select_n3A_1125 = arith.select %eq3A_1122, %broadcast_in_dim3A_1124, %add3A_1119 : vector<16xi1>, vector<16xi32>
        %add3A_1126 = arith.addi %add3A_503, %select_n3A_1125 : vector<16xi32>
        %gather3A_1127 = tpu.vector_load_idx %arg6[%broadcast_in_dim3A_58, %add3A_1126] masked %ge3A_499 : memref<448x81xf32, #tpu.memory_space<vmem>>[vector<16xi32>, vector<16xi32>], vector<16xf32>, vector<16xi1>
        %max3A_1128 = arith.maximumf %max3A_1116, %gather3A_1127 : vector<16xf32>
        %add3A_1129 = arith.constant 1 : i32
        %add3A_1130 = vector.broadcast %add3A_1129 : i32 to vector<16xi32>
        %add3A_1131 = arith.addi %select_n3A_1125, %add3A_1130 : vector<16xi32>
        %eq3A_1132 = arith.constant 80 : i32
        %eq3A_1133 = vector.broadcast %eq3A_1132 : i32 to vector<16xi32>
        %eq3A_1134 = arith.cmpi eq, %add3A_1131, %eq3A_1133 : vector<16xi32>
        %jit3A_1135 = arith.constant 0 : i32
        %broadcast_in_dim3A_1136 = vector.broadcast %jit3A_1135 : i32 to vector<16xi32>
        %select_n3A_1137 = arith.select %eq3A_1134, %broadcast_in_dim3A_1136, %add3A_1131 : vector<16xi1>, vector<16xi32>
        %add3A_1138 = arith.addi %add3A_503, %select_n3A_1137 : vector<16xi32>
        %gather3A_1139 = tpu.vector_load_idx %arg6[%broadcast_in_dim3A_58, %add3A_1138] masked %ge3A_499 : memref<448x81xf32, #tpu.memory_space<vmem>>[vector<16xi32>, vector<16xi32>], vector<16xf32>, vector<16xi1>
        %max3A_1140 = arith.maximumf %max3A_1128, %gather3A_1139 : vector<16xf32>
        %add3A_1141 = arith.constant 1 : i32
        %add3A_1142 = vector.broadcast %add3A_1141 : i32 to vector<16xi32>
        %add3A_1143 = arith.addi %select_n3A_1137, %add3A_1142 : vector<16xi32>
        %eq3A_1144 = arith.constant 80 : i32
        %eq3A_1145 = vector.broadcast %eq3A_1144 : i32 to vector<16xi32>
        %eq3A_1146 = arith.cmpi eq, %add3A_1143, %eq3A_1145 : vector<16xi32>
        %jit3A_1147 = arith.constant 0 : i32
        %broadcast_in_dim3A_1148 = vector.broadcast %jit3A_1147 : i32 to vector<16xi32>
        %select_n3A_1149 = arith.select %eq3A_1146, %broadcast_in_dim3A_1148, %add3A_1143 : vector<16xi1>, vector<16xi32>
        %add3A_1150 = arith.addi %add3A_503, %select_n3A_1149 : vector<16xi32>
        %gather3A_1151 = tpu.vector_load_idx %arg6[%broadcast_in_dim3A_58, %add3A_1150] masked %ge3A_499 : memref<448x81xf32, #tpu.memory_space<vmem>>[vector<16xi32>, vector<16xi32>], vector<16xf32>, vector<16xi1>
        %max3A_1152 = arith.maximumf %max3A_1140, %gather3A_1151 : vector<16xf32>
        %add3A_1153 = arith.constant 1 : i32
        %add3A_1154 = vector.broadcast %add3A_1153 : i32 to vector<16xi32>
        %add3A_1155 = arith.addi %select_n3A_1149, %add3A_1154 : vector<16xi32>
        %eq3A_1156 = arith.constant 80 : i32
        %eq3A_1157 = vector.broadcast %eq3A_1156 : i32 to vector<16xi32>
        %eq3A_1158 = arith.cmpi eq, %add3A_1155, %eq3A_1157 : vector<16xi32>
        %jit3A_1159 = arith.constant 0 : i32
        %broadcast_in_dim3A_1160 = vector.broadcast %jit3A_1159 : i32 to vector<16xi32>
        %select_n3A_1161 = arith.select %eq3A_1158, %broadcast_in_dim3A_1160, %add3A_1155 : vector<16xi1>, vector<16xi32>
        %add3A_1162 = arith.addi %add3A_503, %select_n3A_1161 : vector<16xi32>
        %gather3A_1163 = tpu.vector_load_idx %arg6[%broadcast_in_dim3A_58, %add3A_1162] masked %ge3A_499 : memref<448x81xf32, #tpu.memory_space<vmem>>[vector<16xi32>, vector<16xi32>], vector<16xf32>, vector<16xi1>
        %max3A_1164 = arith.maximumf %max3A_1152, %gather3A_1163 : vector<16xf32>
        %add3A_1165 = arith.constant 1 : i32
        %add3A_1166 = vector.broadcast %add3A_1165 : i32 to vector<16xi32>
        %add3A_1167 = arith.addi %select_n3A_1161, %add3A_1166 : vector<16xi32>
        %eq3A_1168 = arith.constant 80 : i32
        %eq3A_1169 = vector.broadcast %eq3A_1168 : i32 to vector<16xi32>
        %eq3A_1170 = arith.cmpi eq, %add3A_1167, %eq3A_1169 : vector<16xi32>
        %jit3A_1171 = arith.constant 0 : i32
        %broadcast_in_dim3A_1172 = vector.broadcast %jit3A_1171 : i32 to vector<16xi32>
        %select_n3A_1173 = arith.select %eq3A_1170, %broadcast_in_dim3A_1172, %add3A_1167 : vector<16xi1>, vector<16xi32>
        %add3A_1174 = arith.addi %add3A_503, %select_n3A_1173 : vector<16xi32>
        %gather3A_1175 = tpu.vector_load_idx %arg6[%broadcast_in_dim3A_58, %add3A_1174] masked %ge3A_499 : memref<448x81xf32, #tpu.memory_space<vmem>>[vector<16xi32>, vector<16xi32>], vector<16xf32>, vector<16xi1>
        %max3A_1176 = arith.maximumf %max3A_1164, %gather3A_1175 : vector<16xf32>
        %add3A_1177 = arith.constant 1 : i32
        %add3A_1178 = vector.broadcast %add3A_1177 : i32 to vector<16xi32>
        %add3A_1179 = arith.addi %select_n3A_1173, %add3A_1178 : vector<16xi32>
        %eq3A_1180 = arith.constant 80 : i32
        %eq3A_1181 = vector.broadcast %eq3A_1180 : i32 to vector<16xi32>
        %eq3A_1182 = arith.cmpi eq, %add3A_1179, %eq3A_1181 : vector<16xi32>
        %jit3A_1183 = arith.constant 0 : i32
        %broadcast_in_dim3A_1184 = vector.broadcast %jit3A_1183 : i32 to vector<16xi32>
        %select_n3A_1185 = arith.select %eq3A_1182, %broadcast_in_dim3A_1184, %add3A_1179 : vector<16xi1>, vector<16xi32>
        %add3A_1186 = arith.addi %add3A_503, %select_n3A_1185 : vector<16xi32>
        %gather3A_1187 = tpu.vector_load_idx %arg6[%broadcast_in_dim3A_58, %add3A_1186] masked %ge3A_499 : memref<448x81xf32, #tpu.memory_space<vmem>>[vector<16xi32>, vector<16xi32>], vector<16xf32>, vector<16xi1>
        %max3A_1188 = arith.maximumf %max3A_1176, %gather3A_1187 : vector<16xf32>
        %add3A_1189 = arith.constant 1 : i32
        %add3A_1190 = vector.broadcast %add3A_1189 : i32 to vector<16xi32>
        %add3A_1191 = arith.addi %select_n3A_1185, %add3A_1190 : vector<16xi32>
        %eq3A_1192 = arith.constant 80 : i32
        %eq3A_1193 = vector.broadcast %eq3A_1192 : i32 to vector<16xi32>
        %eq3A_1194 = arith.cmpi eq, %add3A_1191, %eq3A_1193 : vector<16xi32>
        %jit3A_1195 = arith.constant 0 : i32
        %broadcast_in_dim3A_1196 = vector.broadcast %jit3A_1195 : i32 to vector<16xi32>
        %select_n3A_1197 = arith.select %eq3A_1194, %broadcast_in_dim3A_1196, %add3A_1191 : vector<16xi1>, vector<16xi32>
        %add3A_1198 = arith.addi %add3A_503, %select_n3A_1197 : vector<16xi32>
        %gather3A_1199 = tpu.vector_load_idx %arg6[%broadcast_in_dim3A_58, %add3A_1198] masked %ge3A_499 : memref<448x81xf32, #tpu.memory_space<vmem>>[vector<16xi32>, vector<16xi32>], vector<16xf32>, vector<16xi1>
        %max3A_1200 = arith.maximumf %max3A_1188, %gather3A_1199 : vector<16xf32>
        %add3A_1201 = arith.constant 1 : i32
        %add3A_1202 = vector.broadcast %add3A_1201 : i32 to vector<16xi32>
        %add3A_1203 = arith.addi %select_n3A_1197, %add3A_1202 : vector<16xi32>
        %eq3A_1204 = arith.constant 80 : i32
        %eq3A_1205 = vector.broadcast %eq3A_1204 : i32 to vector<16xi32>
        %eq3A_1206 = arith.cmpi eq, %add3A_1203, %eq3A_1205 : vector<16xi32>
        %jit3A_1207 = arith.constant 0 : i32
        %broadcast_in_dim3A_1208 = vector.broadcast %jit3A_1207 : i32 to vector<16xi32>
        %select_n3A_1209 = arith.select %eq3A_1206, %broadcast_in_dim3A_1208, %add3A_1203 : vector<16xi1>, vector<16xi32>
        %add3A_1210 = arith.addi %add3A_503, %select_n3A_1209 : vector<16xi32>
        %gather3A_1211 = tpu.vector_load_idx %arg6[%broadcast_in_dim3A_58, %add3A_1210] masked %ge3A_499 : memref<448x81xf32, #tpu.memory_space<vmem>>[vector<16xi32>, vector<16xi32>], vector<16xf32>, vector<16xi1>
        %max3A_1212 = arith.maximumf %max3A_1200, %gather3A_1211 : vector<16xf32>
        %add3A_1213 = arith.constant 1 : i32
        %add3A_1214 = vector.broadcast %add3A_1213 : i32 to vector<16xi32>
        %add3A_1215 = arith.addi %select_n3A_1209, %add3A_1214 : vector<16xi32>
        %eq3A_1216 = arith.constant 80 : i32
        %eq3A_1217 = vector.broadcast %eq3A_1216 : i32 to vector<16xi32>
        %eq3A_1218 = arith.cmpi eq, %add3A_1215, %eq3A_1217 : vector<16xi32>
        %jit3A_1219 = arith.constant 0 : i32
        %broadcast_in_dim3A_1220 = vector.broadcast %jit3A_1219 : i32 to vector<16xi32>
        %select_n3A_1221 = arith.select %eq3A_1218, %broadcast_in_dim3A_1220, %add3A_1215 : vector<16xi1>, vector<16xi32>
        %add3A_1222 = arith.addi %add3A_503, %select_n3A_1221 : vector<16xi32>
        %gather3A_1223 = tpu.vector_load_idx %arg6[%broadcast_in_dim3A_58, %add3A_1222] masked %ge3A_499 : memref<448x81xf32, #tpu.memory_space<vmem>>[vector<16xi32>, vector<16xi32>], vector<16xf32>, vector<16xi1>
        %max3A_1224 = arith.maximumf %max3A_1212, %gather3A_1223 : vector<16xf32>
        %add3A_1225 = arith.constant 1 : i32
        %add3A_1226 = vector.broadcast %add3A_1225 : i32 to vector<16xi32>
        %add3A_1227 = arith.addi %select_n3A_1221, %add3A_1226 : vector<16xi32>
        %eq3A_1228 = arith.constant 80 : i32
        %eq3A_1229 = vector.broadcast %eq3A_1228 : i32 to vector<16xi32>
        %eq3A_1230 = arith.cmpi eq, %add3A_1227, %eq3A_1229 : vector<16xi32>
        %jit3A_1231 = arith.constant 0 : i32
        %broadcast_in_dim3A_1232 = vector.broadcast %jit3A_1231 : i32 to vector<16xi32>
        %select_n3A_1233 = arith.select %eq3A_1230, %broadcast_in_dim3A_1232, %add3A_1227 : vector<16xi1>, vector<16xi32>
        %add3A_1234 = arith.addi %add3A_503, %select_n3A_1233 : vector<16xi32>
        %gather3A_1235 = tpu.vector_load_idx %arg6[%broadcast_in_dim3A_58, %add3A_1234] masked %ge3A_499 : memref<448x81xf32, #tpu.memory_space<vmem>>[vector<16xi32>, vector<16xi32>], vector<16xf32>, vector<16xi1>
        %max3A_1236 = arith.maximumf %max3A_1224, %gather3A_1235 : vector<16xf32>
        %add3A_1237 = arith.constant 1 : i32
        %add3A_1238 = vector.broadcast %add3A_1237 : i32 to vector<16xi32>
        %add3A_1239 = arith.addi %select_n3A_1233, %add3A_1238 : vector<16xi32>
        %eq3A_1240 = arith.constant 80 : i32
        %eq3A_1241 = vector.broadcast %eq3A_1240 : i32 to vector<16xi32>
        %eq3A_1242 = arith.cmpi eq, %add3A_1239, %eq3A_1241 : vector<16xi32>
        %jit3A_1243 = arith.constant 0 : i32
        %broadcast_in_dim3A_1244 = vector.broadcast %jit3A_1243 : i32 to vector<16xi32>
        %select_n3A_1245 = arith.select %eq3A_1242, %broadcast_in_dim3A_1244, %add3A_1239 : vector<16xi1>, vector<16xi32>
        %add3A_1246 = arith.addi %add3A_503, %select_n3A_1245 : vector<16xi32>
        %gather3A_1247 = tpu.vector_load_idx %arg6[%broadcast_in_dim3A_58, %add3A_1246] masked %ge3A_499 : memref<448x81xf32, #tpu.memory_space<vmem>>[vector<16xi32>, vector<16xi32>], vector<16xf32>, vector<16xi1>
        %max3A_1248 = arith.maximumf %max3A_1236, %gather3A_1247 : vector<16xf32>
        %add3A_1249 = arith.constant 1 : i32
        %add3A_1250 = vector.broadcast %add3A_1249 : i32 to vector<16xi32>
        %add3A_1251 = arith.addi %select_n3A_1245, %add3A_1250 : vector<16xi32>
        %eq3A_1252 = arith.constant 80 : i32
        %eq3A_1253 = vector.broadcast %eq3A_1252 : i32 to vector<16xi32>
        %eq3A_1254 = arith.cmpi eq, %add3A_1251, %eq3A_1253 : vector<16xi32>
        %jit3A_1255 = arith.constant 0 : i32
        %broadcast_in_dim3A_1256 = vector.broadcast %jit3A_1255 : i32 to vector<16xi32>
        %select_n3A_1257 = arith.select %eq3A_1254, %broadcast_in_dim3A_1256, %add3A_1251 : vector<16xi1>, vector<16xi32>
        %add3A_1258 = arith.addi %add3A_503, %select_n3A_1257 : vector<16xi32>
        %gather3A_1259 = tpu.vector_load_idx %arg6[%broadcast_in_dim3A_58, %add3A_1258] masked %ge3A_499 : memref<448x81xf32, #tpu.memory_space<vmem>>[vector<16xi32>, vector<16xi32>], vector<16xf32>, vector<16xi1>
        %max3A_1260 = arith.maximumf %max3A_1248, %gather3A_1259 : vector<16xf32>
        %add3A_1261 = arith.constant 1 : i32
        %add3A_1262 = vector.broadcast %add3A_1261 : i32 to vector<16xi32>
        %add3A_1263 = arith.addi %select_n3A_1257, %add3A_1262 : vector<16xi32>
        %eq3A_1264 = arith.constant 80 : i32
        %eq3A_1265 = vector.broadcast %eq3A_1264 : i32 to vector<16xi32>
        %eq3A_1266 = arith.cmpi eq, %add3A_1263, %eq3A_1265 : vector<16xi32>
        %jit3A_1267 = arith.constant 0 : i32
        %broadcast_in_dim3A_1268 = vector.broadcast %jit3A_1267 : i32 to vector<16xi32>
        %select_n3A_1269 = arith.select %eq3A_1266, %broadcast_in_dim3A_1268, %add3A_1263 : vector<16xi1>, vector<16xi32>
        %add3A_1270 = arith.addi %add3A_503, %select_n3A_1269 : vector<16xi32>
        %gather3A_1271 = tpu.vector_load_idx %arg6[%broadcast_in_dim3A_58, %add3A_1270] masked %ge3A_499 : memref<448x81xf32, #tpu.memory_space<vmem>>[vector<16xi32>, vector<16xi32>], vector<16xf32>, vector<16xi1>
        %max3A_1272 = arith.maximumf %max3A_1260, %gather3A_1271 : vector<16xf32>
        %add3A_1273 = arith.constant 1 : i32
        %add3A_1274 = vector.broadcast %add3A_1273 : i32 to vector<16xi32>
        %add3A_1275 = arith.addi %select_n3A_1269, %add3A_1274 : vector<16xi32>
        %eq3A_1276 = arith.constant 80 : i32
        %eq3A_1277 = vector.broadcast %eq3A_1276 : i32 to vector<16xi32>
        %eq3A_1278 = arith.cmpi eq, %add3A_1275, %eq3A_1277 : vector<16xi32>
        %jit3A_1279 = arith.constant 0 : i32
        %broadcast_in_dim3A_1280 = vector.broadcast %jit3A_1279 : i32 to vector<16xi32>
        %select_n3A_1281 = arith.select %eq3A_1278, %broadcast_in_dim3A_1280, %add3A_1275 : vector<16xi1>, vector<16xi32>
        %add3A_1282 = arith.addi %add3A_503, %select_n3A_1281 : vector<16xi32>
        %gather3A_1283 = tpu.vector_load_idx %arg6[%broadcast_in_dim3A_58, %add3A_1282] masked %ge3A_499 : memref<448x81xf32, #tpu.memory_space<vmem>>[vector<16xi32>, vector<16xi32>], vector<16xf32>, vector<16xi1>
        %max3A_1284 = arith.maximumf %max3A_1272, %gather3A_1283 : vector<16xf32>
        %add3A_1285 = arith.constant 1 : i32
        %add3A_1286 = vector.broadcast %add3A_1285 : i32 to vector<16xi32>
        %add3A_1287 = arith.addi %select_n3A_1281, %add3A_1286 : vector<16xi32>
        %eq3A_1288 = arith.constant 80 : i32
        %eq3A_1289 = vector.broadcast %eq3A_1288 : i32 to vector<16xi32>
        %eq3A_1290 = arith.cmpi eq, %add3A_1287, %eq3A_1289 : vector<16xi32>
        %jit3A_1291 = arith.constant 0 : i32
        %broadcast_in_dim3A_1292 = vector.broadcast %jit3A_1291 : i32 to vector<16xi32>
        %select_n3A_1293 = arith.select %eq3A_1290, %broadcast_in_dim3A_1292, %add3A_1287 : vector<16xi1>, vector<16xi32>
        %add3A_1294 = arith.addi %add3A_503, %select_n3A_1293 : vector<16xi32>
        %gather3A_1295 = tpu.vector_load_idx %arg6[%broadcast_in_dim3A_58, %add3A_1294] masked %ge3A_499 : memref<448x81xf32, #tpu.memory_space<vmem>>[vector<16xi32>, vector<16xi32>], vector<16xf32>, vector<16xi1>
        %max3A_1296 = arith.maximumf %max3A_1284, %gather3A_1295 : vector<16xf32>
        %add3A_1297 = arith.constant 1 : i32
        %add3A_1298 = vector.broadcast %add3A_1297 : i32 to vector<16xi32>
        %add3A_1299 = arith.addi %select_n3A_1293, %add3A_1298 : vector<16xi32>
        %eq3A_1300 = arith.constant 80 : i32
        %eq3A_1301 = vector.broadcast %eq3A_1300 : i32 to vector<16xi32>
        %eq3A_1302 = arith.cmpi eq, %add3A_1299, %eq3A_1301 : vector<16xi32>
        %jit3A_1303 = arith.constant 0 : i32
        %broadcast_in_dim3A_1304 = vector.broadcast %jit3A_1303 : i32 to vector<16xi32>
        %select_n3A_1305 = arith.select %eq3A_1302, %broadcast_in_dim3A_1304, %add3A_1299 : vector<16xi1>, vector<16xi32>
        %add3A_1306 = arith.addi %add3A_503, %select_n3A_1305 : vector<16xi32>
        %gather3A_1307 = tpu.vector_load_idx %arg6[%broadcast_in_dim3A_58, %add3A_1306] masked %ge3A_499 : memref<448x81xf32, #tpu.memory_space<vmem>>[vector<16xi32>, vector<16xi32>], vector<16xf32>, vector<16xi1>
        %max3A_1308 = arith.maximumf %max3A_1296, %gather3A_1307 : vector<16xf32>
        %add3A_1309 = arith.constant 1 : i32
        %add3A_1310 = vector.broadcast %add3A_1309 : i32 to vector<16xi32>
        %add3A_1311 = arith.addi %select_n3A_1305, %add3A_1310 : vector<16xi32>
        %eq3A_1312 = arith.constant 80 : i32
        %eq3A_1313 = vector.broadcast %eq3A_1312 : i32 to vector<16xi32>
        %eq3A_1314 = arith.cmpi eq, %add3A_1311, %eq3A_1313 : vector<16xi32>
        %jit3A_1315 = arith.constant 0 : i32
        %broadcast_in_dim3A_1316 = vector.broadcast %jit3A_1315 : i32 to vector<16xi32>
        %select_n3A_1317 = arith.select %eq3A_1314, %broadcast_in_dim3A_1316, %add3A_1311 : vector<16xi1>, vector<16xi32>
        %add3A_1318 = arith.addi %add3A_503, %select_n3A_1317 : vector<16xi32>
        %gather3A_1319 = tpu.vector_load_idx %arg6[%broadcast_in_dim3A_58, %add3A_1318] masked %ge3A_499 : memref<448x81xf32, #tpu.memory_space<vmem>>[vector<16xi32>, vector<16xi32>], vector<16xf32>, vector<16xi1>
        %max3A_1320 = arith.maximumf %max3A_1308, %gather3A_1319 : vector<16xf32>
        %add3A_1321 = arith.constant 1 : i32
        %add3A_1322 = vector.broadcast %add3A_1321 : i32 to vector<16xi32>
        %add3A_1323 = arith.addi %select_n3A_1317, %add3A_1322 : vector<16xi32>
        %eq3A_1324 = arith.constant 80 : i32
        %eq3A_1325 = vector.broadcast %eq3A_1324 : i32 to vector<16xi32>
        %eq3A_1326 = arith.cmpi eq, %add3A_1323, %eq3A_1325 : vector<16xi32>
        %jit3A_1327 = arith.constant 0 : i32
        %broadcast_in_dim3A_1328 = vector.broadcast %jit3A_1327 : i32 to vector<16xi32>
        %select_n3A_1329 = arith.select %eq3A_1326, %broadcast_in_dim3A_1328, %add3A_1323 : vector<16xi1>, vector<16xi32>
        %add3A_1330 = arith.addi %add3A_503, %select_n3A_1329 : vector<16xi32>
        %gather3A_1331 = tpu.vector_load_idx %arg6[%broadcast_in_dim3A_58, %add3A_1330] masked %ge3A_499 : memref<448x81xf32, #tpu.memory_space<vmem>>[vector<16xi32>, vector<16xi32>], vector<16xf32>, vector<16xi1>
        %max3A_1332 = arith.maximumf %max3A_1320, %gather3A_1331 : vector<16xf32>
        %add3A_1333 = arith.constant 1 : i32
        %add3A_1334 = vector.broadcast %add3A_1333 : i32 to vector<16xi32>
        %add3A_1335 = arith.addi %select_n3A_1329, %add3A_1334 : vector<16xi32>
        %eq3A_1336 = arith.constant 80 : i32
        %eq3A_1337 = vector.broadcast %eq3A_1336 : i32 to vector<16xi32>
        %eq3A_1338 = arith.cmpi eq, %add3A_1335, %eq3A_1337 : vector<16xi32>
        %jit3A_1339 = arith.constant 0 : i32
        %broadcast_in_dim3A_1340 = vector.broadcast %jit3A_1339 : i32 to vector<16xi32>
        %select_n3A_1341 = arith.select %eq3A_1338, %broadcast_in_dim3A_1340, %add3A_1335 : vector<16xi1>, vector<16xi32>
        %add3A_1342 = arith.addi %add3A_503, %select_n3A_1341 : vector<16xi32>
        %gather3A_1343 = tpu.vector_load_idx %arg6[%broadcast_in_dim3A_58, %add3A_1342] masked %ge3A_499 : memref<448x81xf32, #tpu.memory_space<vmem>>[vector<16xi32>, vector<16xi32>], vector<16xf32>, vector<16xi1>
        %max3A_1344 = arith.maximumf %max3A_1332, %gather3A_1343 : vector<16xf32>
        %add3A_1345 = arith.constant 1 : i32
        %add3A_1346 = vector.broadcast %add3A_1345 : i32 to vector<16xi32>
        %add3A_1347 = arith.addi %select_n3A_1341, %add3A_1346 : vector<16xi32>
        %eq3A_1348 = arith.constant 80 : i32
        %eq3A_1349 = vector.broadcast %eq3A_1348 : i32 to vector<16xi32>
        %eq3A_1350 = arith.cmpi eq, %add3A_1347, %eq3A_1349 : vector<16xi32>
        %jit3A_1351 = arith.constant 0 : i32
        %broadcast_in_dim3A_1352 = vector.broadcast %jit3A_1351 : i32 to vector<16xi32>
        %select_n3A_1353 = arith.select %eq3A_1350, %broadcast_in_dim3A_1352, %add3A_1347 : vector<16xi1>, vector<16xi32>
        %add3A_1354 = arith.addi %add3A_503, %select_n3A_1353 : vector<16xi32>
        %gather3A_1355 = tpu.vector_load_idx %arg6[%broadcast_in_dim3A_58, %add3A_1354] masked %ge3A_499 : memref<448x81xf32, #tpu.memory_space<vmem>>[vector<16xi32>, vector<16xi32>], vector<16xf32>, vector<16xi1>
        %max3A_1356 = arith.maximumf %max3A_1344, %gather3A_1355 : vector<16xf32>
        %add3A_1357 = arith.constant 1 : i32
        %add3A_1358 = vector.broadcast %add3A_1357 : i32 to vector<16xi32>
        %add3A_1359 = arith.addi %select_n3A_1353, %add3A_1358 : vector<16xi32>
        %eq3A_1360 = arith.constant 80 : i32
        %eq3A_1361 = vector.broadcast %eq3A_1360 : i32 to vector<16xi32>
        %eq3A_1362 = arith.cmpi eq, %add3A_1359, %eq3A_1361 : vector<16xi32>
        %jit3A_1363 = arith.constant 0 : i32
        %broadcast_in_dim3A_1364 = vector.broadcast %jit3A_1363 : i32 to vector<16xi32>
        %select_n3A_1365 = arith.select %eq3A_1362, %broadcast_in_dim3A_1364, %add3A_1359 : vector<16xi1>, vector<16xi32>
        %add3A_1366 = arith.addi %add3A_503, %select_n3A_1365 : vector<16xi32>
        %gather3A_1367 = tpu.vector_load_idx %arg6[%broadcast_in_dim3A_58, %add3A_1366] masked %ge3A_499 : memref<448x81xf32, #tpu.memory_space<vmem>>[vector<16xi32>, vector<16xi32>], vector<16xf32>, vector<16xi1>
        %max3A_1368 = arith.maximumf %max3A_1356, %gather3A_1367 : vector<16xf32>
        %add3A_1369 = arith.constant 1 : i32
        %add3A_1370 = vector.broadcast %add3A_1369 : i32 to vector<16xi32>
        %add3A_1371 = arith.addi %select_n3A_1365, %add3A_1370 : vector<16xi32>
        %eq3A_1372 = arith.constant 80 : i32
        %eq3A_1373 = vector.broadcast %eq3A_1372 : i32 to vector<16xi32>
        %eq3A_1374 = arith.cmpi eq, %add3A_1371, %eq3A_1373 : vector<16xi32>
        %jit3A_1375 = arith.constant 0 : i32
        %broadcast_in_dim3A_1376 = vector.broadcast %jit3A_1375 : i32 to vector<16xi32>
        %select_n3A_1377 = arith.select %eq3A_1374, %broadcast_in_dim3A_1376, %add3A_1371 : vector<16xi1>, vector<16xi32>
        %add3A_1378 = arith.addi %add3A_503, %select_n3A_1377 : vector<16xi32>
        %gather3A_1379 = tpu.vector_load_idx %arg6[%broadcast_in_dim3A_58, %add3A_1378] masked %ge3A_499 : memref<448x81xf32, #tpu.memory_space<vmem>>[vector<16xi32>, vector<16xi32>], vector<16xf32>, vector<16xi1>
        %max3A_1380 = arith.maximumf %max3A_1368, %gather3A_1379 : vector<16xf32>
        %add3A_1381 = arith.constant 1 : i32
        %add3A_1382 = vector.broadcast %add3A_1381 : i32 to vector<16xi32>
        %add3A_1383 = arith.addi %select_n3A_1377, %add3A_1382 : vector<16xi32>
        %eq3A_1384 = arith.constant 80 : i32
        %eq3A_1385 = vector.broadcast %eq3A_1384 : i32 to vector<16xi32>
        %eq3A_1386 = arith.cmpi eq, %add3A_1383, %eq3A_1385 : vector<16xi32>
        %jit3A_1387 = arith.constant 0 : i32
        %broadcast_in_dim3A_1388 = vector.broadcast %jit3A_1387 : i32 to vector<16xi32>
        %select_n3A_1389 = arith.select %eq3A_1386, %broadcast_in_dim3A_1388, %add3A_1383 : vector<16xi1>, vector<16xi32>
        %add3A_1390 = arith.addi %add3A_503, %select_n3A_1389 : vector<16xi32>
        %gather3A_1391 = tpu.vector_load_idx %arg6[%broadcast_in_dim3A_58, %add3A_1390] masked %ge3A_499 : memref<448x81xf32, #tpu.memory_space<vmem>>[vector<16xi32>, vector<16xi32>], vector<16xf32>, vector<16xi1>
        %max3A_1392 = arith.maximumf %max3A_1380, %gather3A_1391 : vector<16xf32>
        %add3A_1393 = arith.constant 1 : i32
        %add3A_1394 = vector.broadcast %add3A_1393 : i32 to vector<16xi32>
        %add3A_1395 = arith.addi %select_n3A_1389, %add3A_1394 : vector<16xi32>
        %eq3A_1396 = arith.constant 80 : i32
        %eq3A_1397 = vector.broadcast %eq3A_1396 : i32 to vector<16xi32>
        %eq3A_1398 = arith.cmpi eq, %add3A_1395, %eq3A_1397 : vector<16xi32>
        %jit3A_1399 = arith.constant 0 : i32
        %broadcast_in_dim3A_1400 = vector.broadcast %jit3A_1399 : i32 to vector<16xi32>
        %select_n3A_1401 = arith.select %eq3A_1398, %broadcast_in_dim3A_1400, %add3A_1395 : vector<16xi1>, vector<16xi32>
        %add3A_1402 = arith.addi %add3A_503, %select_n3A_1401 : vector<16xi32>
        %gather3A_1403 = tpu.vector_load_idx %arg6[%broadcast_in_dim3A_58, %add3A_1402] masked %ge3A_499 : memref<448x81xf32, #tpu.memory_space<vmem>>[vector<16xi32>, vector<16xi32>], vector<16xf32>, vector<16xi1>
        %max3A_1404 = arith.maximumf %max3A_1392, %gather3A_1403 : vector<16xf32>
        %add3A_1405 = arith.constant 1 : i32
        %add3A_1406 = vector.broadcast %add3A_1405 : i32 to vector<16xi32>
        %add3A_1407 = arith.addi %select_n3A_1401, %add3A_1406 : vector<16xi32>
        %eq3A_1408 = arith.constant 80 : i32
        %eq3A_1409 = vector.broadcast %eq3A_1408 : i32 to vector<16xi32>
        %eq3A_1410 = arith.cmpi eq, %add3A_1407, %eq3A_1409 : vector<16xi32>
        %jit3A_1411 = arith.constant 0 : i32
        %broadcast_in_dim3A_1412 = vector.broadcast %jit3A_1411 : i32 to vector<16xi32>
        %select_n3A_1413 = arith.select %eq3A_1410, %broadcast_in_dim3A_1412, %add3A_1407 : vector<16xi1>, vector<16xi32>
        %add3A_1414 = arith.addi %add3A_503, %select_n3A_1413 : vector<16xi32>
        %gather3A_1415 = tpu.vector_load_idx %arg6[%broadcast_in_dim3A_58, %add3A_1414] masked %ge3A_499 : memref<448x81xf32, #tpu.memory_space<vmem>>[vector<16xi32>, vector<16xi32>], vector<16xf32>, vector<16xi1>
        %max3A_1416 = arith.maximumf %max3A_1404, %gather3A_1415 : vector<16xf32>
        %add3A_1417 = arith.constant 1 : i32
        %add3A_1418 = vector.broadcast %add3A_1417 : i32 to vector<16xi32>
        %add3A_1419 = arith.addi %select_n3A_1413, %add3A_1418 : vector<16xi32>
        %eq3A_1420 = arith.constant 80 : i32
        %eq3A_1421 = vector.broadcast %eq3A_1420 : i32 to vector<16xi32>
        %eq3A_1422 = arith.cmpi eq, %add3A_1419, %eq3A_1421 : vector<16xi32>
        %jit3A_1423 = arith.constant 0 : i32
        %broadcast_in_dim3A_1424 = vector.broadcast %jit3A_1423 : i32 to vector<16xi32>
        %select_n3A_1425 = arith.select %eq3A_1422, %broadcast_in_dim3A_1424, %add3A_1419 : vector<16xi1>, vector<16xi32>
        %add3A_1426 = arith.addi %add3A_503, %select_n3A_1425 : vector<16xi32>
        %gather3A_1427 = tpu.vector_load_idx %arg6[%broadcast_in_dim3A_58, %add3A_1426] masked %ge3A_499 : memref<448x81xf32, #tpu.memory_space<vmem>>[vector<16xi32>, vector<16xi32>], vector<16xf32>, vector<16xi1>
        %max3A_1428 = arith.maximumf %max3A_1416, %gather3A_1427 : vector<16xf32>
        %add3A_1429 = arith.constant 1 : i32
        %add3A_1430 = vector.broadcast %add3A_1429 : i32 to vector<16xi32>
        %add3A_1431 = arith.addi %select_n3A_1425, %add3A_1430 : vector<16xi32>
        %eq3A_1432 = arith.constant 80 : i32
        %eq3A_1433 = vector.broadcast %eq3A_1432 : i32 to vector<16xi32>
        %eq3A_1434 = arith.cmpi eq, %add3A_1431, %eq3A_1433 : vector<16xi32>
        %jit3A_1435 = arith.constant 0 : i32
        %broadcast_in_dim3A_1436 = vector.broadcast %jit3A_1435 : i32 to vector<16xi32>
        %select_n3A_1437 = arith.select %eq3A_1434, %broadcast_in_dim3A_1436, %add3A_1431 : vector<16xi1>, vector<16xi32>
        %add3A_1438 = arith.addi %add3A_503, %select_n3A_1437 : vector<16xi32>
        %gather3A_1439 = tpu.vector_load_idx %arg6[%broadcast_in_dim3A_58, %add3A_1438] masked %ge3A_499 : memref<448x81xf32, #tpu.memory_space<vmem>>[vector<16xi32>, vector<16xi32>], vector<16xf32>, vector<16xi1>
        %max3A_1440 = arith.maximumf %max3A_1428, %gather3A_1439 : vector<16xf32>
        %add3A_1441 = arith.constant 1 : i32
        %add3A_1442 = vector.broadcast %add3A_1441 : i32 to vector<16xi32>
        %add3A_1443 = arith.addi %select_n3A_1437, %add3A_1442 : vector<16xi32>
        %eq3A_1444 = arith.constant 80 : i32
        %eq3A_1445 = vector.broadcast %eq3A_1444 : i32 to vector<16xi32>
        %eq3A_1446 = arith.cmpi eq, %add3A_1443, %eq3A_1445 : vector<16xi32>
        %jit3A_1447 = arith.constant 0 : i32
        %broadcast_in_dim3A_1448 = vector.broadcast %jit3A_1447 : i32 to vector<16xi32>
        %select_n3A_1449 = arith.select %eq3A_1446, %broadcast_in_dim3A_1448, %add3A_1443 : vector<16xi1>, vector<16xi32>
        %add3A_1450 = arith.addi %add3A_503, %select_n3A_1449 : vector<16xi32>
        %gather3A_1451 = tpu.vector_load_idx %arg6[%broadcast_in_dim3A_58, %add3A_1450] masked %ge3A_499 : memref<448x81xf32, #tpu.memory_space<vmem>>[vector<16xi32>, vector<16xi32>], vector<16xf32>, vector<16xi1>
        %max3A_1452 = arith.maximumf %max3A_1440, %gather3A_1451 : vector<16xf32>
        %mul3A_1453 = arith.constant 16 : i32
        %mul3A_1454 = arith.muli %scan3A_494, %mul3A_1453 : i32
        %get3A = arith.index_cast %mul3A_1454 : i32 to index
        %get3A_1455 = tpu.vector_load %arg8[%get3A] {strides = array<i32>} : memref<448xi32, #tpu.memory_space<vmem>>, vector<16xi32>,
        %mul3A_1456 = arith.constant 16 : i32
        %mul3A_1457 = arith.muli %scan3A_494, %mul3A_1456 : i32
        %get3A_1458 = arith.index_cast %mul3A_1457 : i32 to index
        %get3A_1459 = tpu.vector_load %arg10[%get3A_1458] {strides = array<i32>} : memref<448xi32, #tpu.memory_space<vmem>>, vector<16xi32>,
        %add3A_1460 = arith.addi %add3A_503, %get3A_1455 : vector<16xi32>
        %gather3A_1461 = tpu.vector_load_idx %arg6[%broadcast_in_dim3A_58, %add3A_1460] masked %ge3A_499 : memref<448x81xf32, #tpu.memory_space<vmem>>[vector<16xi32>, vector<16xi32>], vector<16xf32>, vector<16xi1>
        %eq3A_1462 = arith.cmpf oeq, %gather3A_1461, %max3A_1452 : vector<16xf32>
        %ne3A_1463 = arith.constant 0 : i32
        %ne3A_1464 = vector.broadcast %ne3A_1463 : i32 to vector<16xi32>
        %ne3A_1465 = arith.cmpi ne, %get3A_1459, %ne3A_1464 : vector<16xi32>
        %and3A_1466 = arith.andi %eq3A_1462, %ne3A_1465 : vector<16xi1>
        %jit3A_1467 = arith.constant 1.000000e+00 : f32
        %jit3A_1468 = arith.constant 0.000000e+00 : f32
        %broadcast_in_dim3A_1469 = vector.broadcast %jit3A_1467 : f32 to vector<16xf32>
        %broadcast_in_dim3A_1470 = vector.broadcast %jit3A_1468 : f32 to vector<16xf32>
        %select_n3A_1471 = arith.select %and3A_1466, %broadcast_in_dim3A_1469, %broadcast_in_dim3A_1470 : vector<16xi1>, vector<16xf32>
        %mul3A_1472 = arith.constant 1.000000e+01 : f32
        %mul3A_1473 = vector.broadcast %mul3A_1472 : f32 to vector<16xf32>
        %mul3A_1474 = arith.mulf %max3A_1452, %mul3A_1473 : vector<16xf32>
        %convert_element_type3A_1475 = arith.fptosi %mul3A_1474 : vector<16xf32> to vector<16xi32>
        %convert_element_type3A_1476 = arith.sitofp %convert_element_type3A_1475 : vector<16xi32> to vector<16xf32>
        %eq3A_1477 = arith.cmpf oeq, %convert_element_type3A_1476, %mul3A_1474 : vector<16xf32>
        %sub3A_1478 = arith.constant 1 : i32
        %sub3A_1479 = vector.broadcast %sub3A_1478 : i32 to vector<16xi32>
        %sub3A_1480 = arith.subi %convert_element_type3A_1475, %sub3A_1479 : vector<16xi32>
        %select_n3A_1481 = arith.select %eq3A_1477, %sub3A_1480, %convert_element_type3A_1475 : vector<16xi1>, vector<16xi32>
        %ge3A_1482 = arith.constant 0 : i32
        %ge3A_1483 = vector.broadcast %ge3A_1482 : i32 to vector<16xi32>
        %ge3A_1484 = arith.cmpi sge, %select_n3A_1481, %ge3A_1483 : vector<16xi32>
        %and3A_1485 = arith.andi %ge3A_499, %ge3A_1484 : vector<16xi1>
        %shift_left3A_1486 = arith.constant 4 : i32
        %shift_left3A_1487 = vector.broadcast %shift_left3A_1486 : i32 to vector<16xi32>
        %shift_left3A_1488 = arith.shli %select_n3A_1481, %shift_left3A_1487 : vector<16xi32>
        %add3A_1489 = arith.addi %shift_left3A_1488, %iota3A : vector<16xi32>
        tpu.vector_store_idx %arg12[%add3A_1489], %broadcast_in_dim3A_56 masked %and3A_1485 {add = true} : memref<256xf32, #tpu.memory_space<vmem>>[vector<16xi32>], vector<16xf32>, vector<16xi1>
        tpu.vector_store_idx %arg13[%add3A_1489], %select_n3A_1471 masked %and3A_1485 {add = true} : memref<256xf32, #tpu.memory_space<vmem>>[vector<16xi32>], vector<16xf32>, vector<16xi1>
        tpu.vector_store_idx %arg14[%add3A_1489], %max3A_1452 masked %and3A_1485 {add = true} : memref<256xf32, #tpu.memory_space<vmem>>[vector<16xi32>], vector<16xf32>, vector<16xi1>
      }
      %scan3A_459 = arith.constant 28 : i32
      %add3A_460 = arith.constant 2 : i32
      %add3A_461 = arith.addi %mul3A_420, %add3A_460 : i32
      %lt3A_462 = arith.constant 36 : i32
      %lt3A_463 = arith.cmpi slt, %add3A_461, %lt3A_462 : i32
      %convert_element_type3A = arith.extui %lt3A_463 : i1 to i32
      %cond3A = arith.constant 0 : i32
      %cond3A_464 = arith.cmpi ne, %convert_element_type3A, %cond3A : i32
      scf.if %cond3A_464 {
        %add3A_494 = arith.constant 2 : i32
        %add3A_495 = arith.addi %mul3A_420, %add3A_494 : i32
        %mul3A_496 = arith.constant 448 : i32
        %mul3A_497 = arith.muli %add3A_495, %mul3A_496 : i32
        %add3A_498 = arith.addi %mul3A_155, %mul3A_497 : i32
        %min3A_499 = arith.constant 499552 : i32
        %min3A_500 = arith.minsi %add3A_498, %min3A_499 : i32
        %dma_start3A_501 = arith.constant 0 : i32
        %dma_start3A_502 = tpu.memref_slice %arg2[%min3A_500, %dma_start3A_501] : memref<500000x81xf32, #tpu.memory_space<hbm>> -> memref<448x81xf32, #tpu.memory_space<hbm>>
        %dma_start3A_503 = arith.constant 0 : i32
        %dma_start3A_504 = tpu.memref_slice %arg2[%min3A_500, %dma_start3A_503] : memref<500000x81xf32, #tpu.memory_space<hbm>> -> memref<448x81xf32, #tpu.memory_space<hbm>>
        tpu.enqueue_dma source(%dma_start3A_504 : memref<448x81xf32, #tpu.memory_space<hbm>>) target(%arg6 : memref<448x81xf32, #tpu.memory_space<vmem>>) target_semaphore(%arg16 : memref<!tpu.dma_semaphore, #tpu.memory_space<semaphore_mem>>)
        %dma_start3A_505 = tpu.memref_slice %arg3[%min3A_500] : memref<500000xi32, #tpu.memory_space<hbm>> -> memref<448xi32, #tpu.memory_space<hbm>>
        %dma_start3A_506 = tpu.memref_slice %arg3[%min3A_500] : memref<500000xi32, #tpu.memory_space<hbm>> -> memref<448xi32, #tpu.memory_space<hbm>>
        tpu.enqueue_dma source(%dma_start3A_506 : memref<448xi32, #tpu.memory_space<hbm>>) target(%arg8 : memref<448xi32, #tpu.memory_space<vmem>>) target_semaphore(%arg16 : memref<!tpu.dma_semaphore, #tpu.memory_space<semaphore_mem>>)
        %dma_start3A_507 = tpu.memref_slice %arg4[%min3A_500] : memref<500000xi32, #tpu.memory_space<hbm>> -> memref<448xi32, #tpu.memory_space<hbm>>
        %dma_start3A_508 = tpu.memref_slice %arg4[%min3A_500] : memref<500000xi32, #tpu.memory_space<hbm>> -> memref<448xi32, #tpu.memory_space<hbm>>
        tpu.enqueue_dma source(%dma_start3A_508 : memref<448xi32, #tpu.memory_space<hbm>>) target(%arg10 : memref<448xi32, #tpu.memory_space<vmem>>) target_semaphore(%arg16 : memref<!tpu.dma_semaphore, #tpu.memory_space<semaphore_mem>>)
      } else {
      }
      %add3A_465 = arith.constant 1 : i32
      %add3A_466 = arith.addi %mul3A_420, %add3A_465 : i32
      %mul3A_467 = arith.constant 448 : i32
      %mul3A_468 = arith.muli %add3A_466, %mul3A_467 : i32
      %add3A_469 = arith.addi %mul3A_155, %mul3A_468 : i32
      %min3A_470 = arith.constant 499552 : i32
      %min3A_471 = arith.minsi %add3A_469, %min3A_470 : i32
      %dma_wait3A_472 = arith.constant 0 : i32
      %dma_wait3A_473 = tpu.memref_slice %arg2[%min3A_471, %dma_wait3A_472] : memref<500000x81xf32, #tpu.memory_space<hbm>> -> memref<448x81xf32, #tpu.memory_space<hbm>>
      %dma_wait3A_474 = arith.constant 0 : i32
      %dma_wait3A_475 = tpu.memref_slice %arg2[%min3A_471, %dma_wait3A_474] : memref<500000x81xf32, #tpu.memory_space<hbm>> -> memref<448x81xf32, #tpu.memory_space<hbm>>
      tpu.wait_dma2 semaphore(%arg17 : memref<!tpu.dma_semaphore, #tpu.memory_space<semaphore_mem>>) src(%dma_wait3A_475 : memref<448x81xf32, #tpu.memory_space<hbm>>) dst(%arg7 : memref<448x81xf32, #tpu.memory_space<vmem>>)
      %dma_wait3A_476 = tpu.memref_slice %arg3[%min3A_471] : memref<500000xi32, #tpu.memory_space<hbm>> -> memref<448xi32, #tpu.memory_space<hbm>>
      %dma_wait3A_477 = tpu.memref_slice %arg3[%min3A_471] : memref<500000xi32, #tpu.memory_space<hbm>> -> memref<448xi32, #tpu.memory_space<hbm>>
      tpu.wait_dma2 semaphore(%arg17 : memref<!tpu.dma_semaphore, #tpu.memory_space<semaphore_mem>>) src(%dma_wait3A_477 : memref<448xi32, #tpu.memory_space<hbm>>) dst(%arg9 : memref<448xi32, #tpu.memory_space<vmem>>)
      %dma_wait3A_478 = tpu.memref_slice %arg4[%min3A_471] : memref<500000xi32, #tpu.memory_space<hbm>> -> memref<448xi32, #tpu.memory_space<hbm>>
      %dma_wait3A_479 = tpu.memref_slice %arg4[%min3A_471] : memref<500000xi32, #tpu.memory_space<hbm>> -> memref<448xi32, #tpu.memory_space<hbm>>
      tpu.wait_dma2 semaphore(%arg17 : memref<!tpu.dma_semaphore, #tpu.memory_space<semaphore_mem>>) src(%dma_wait3A_479 : memref<448xi32, #tpu.memory_space<hbm>>) dst(%arg11 : memref<448xi32, #tpu.memory_space<vmem>>)
      %add3A_480 = arith.constant 1 : i32
      %add3A_481 = arith.addi %mul3A_420, %add3A_480 : i32
      %mul3A_482 = arith.constant 448 : i32
      %mul3A_483 = arith.muli %add3A_481, %mul3A_482 : i32
      %add3A_484 = arith.addi %mul3A_155, %mul3A_483 : i32
      %min3A_485 = arith.constant 499552 : i32
      %min3A_486 = arith.minsi %add3A_484, %min3A_485 : i32
      %sub3A_487 = arith.subi %add3A_484, %min3A_486 : i32
      %scan3A_488 = arith.constant 0 : i32
      %scan3A_489 = arith.constant 0 : i32
      %scan3A_490 = arith.constant 28 : i32
      %scan3A_491 = arith.addi %scan3A_489, %scan3A_490 : i32
      %scan3A_492 = arith.constant 1 : i32
      scf.for %scan3A_494 = %scan3A_489 to %scan3A_491 step %scan3A_492  : i32 {
        %mul3A_495 = arith.constant 16 : i32
        %mul3A_496 = arith.muli %scan3A_494, %mul3A_495 : i32
        %add3A_497 = vector.broadcast %mul3A_496 : i32 to vector<16xi32>
        %add3A_498 = arith.addi %add3A_497, %iota3A : vector<16xi32>
        %ge3A = vector.broadcast %sub3A_487 : i32 to vector<16xi32>
        %ge3A_499 = arith.cmpi sge, %add3A_498, %ge3A : vector<16xi32>
        %mul3A_500 = arith.constant 2048 : i32
        %mul3A_501 = arith.muli %scan3A_494, %mul3A_500 : i32
        %add3A_502 = vector.broadcast %mul3A_501 : i32 to vector<16xi32>
        %add3A_503 = arith.addi %add3A_502, %add3A_50 : vector<16xi32>
        %add3A_504 = arith.addi %add3A_503, %mul3A_53 : vector<16xi32>
        %gather3A_505 = tpu.vector_load_idx %arg7[%broadcast_in_dim3A_58, %add3A_504] masked %ge3A_499 : memref<448x81xf32, #tpu.memory_space<vmem>>[vector<16xi32>, vector<16xi32>], vector<16xf32>, vector<16xi1>
        %add3A_506 = arith.constant 1 : i32
        %add3A_507 = vector.broadcast %add3A_506 : i32 to vector<16xi32>
        %add3A_508 = arith.addi %mul3A_53, %add3A_507 : vector<16xi32>
        %eq3A_509 = arith.constant 80 : i32
        %eq3A_510 = vector.broadcast %eq3A_509 : i32 to vector<16xi32>
        %eq3A_511 = arith.cmpi eq, %add3A_508, %eq3A_510 : vector<16xi32>
        %jit3A_512 = arith.constant 0 : i32
        %broadcast_in_dim3A_513 = vector.broadcast %jit3A_512 : i32 to vector<16xi32>
        %select_n3A_514 = arith.select %eq3A_511, %broadcast_in_dim3A_513, %add3A_508 : vector<16xi1>, vector<16xi32>
        %add3A_515 = arith.addi %add3A_503, %select_n3A_514 : vector<16xi32>
        %gather3A_516 = tpu.vector_load_idx %arg7[%broadcast_in_dim3A_58, %add3A_515] masked %ge3A_499 : memref<448x81xf32, #tpu.memory_space<vmem>>[vector<16xi32>, vector<16xi32>], vector<16xf32>, vector<16xi1>
        %max3A = arith.maximumf %gather3A_505, %gather3A_516 : vector<16xf32>
        %add3A_517 = arith.constant 1 : i32
        %add3A_518 = vector.broadcast %add3A_517 : i32 to vector<16xi32>
        %add3A_519 = arith.addi %select_n3A_514, %add3A_518 : vector<16xi32>
        %eq3A_520 = arith.constant 80 : i32
        %eq3A_521 = vector.broadcast %eq3A_520 : i32 to vector<16xi32>
        %eq3A_522 = arith.cmpi eq, %add3A_519, %eq3A_521 : vector<16xi32>
        %jit3A_523 = arith.constant 0 : i32
        %broadcast_in_dim3A_524 = vector.broadcast %jit3A_523 : i32 to vector<16xi32>
        %select_n3A_525 = arith.select %eq3A_522, %broadcast_in_dim3A_524, %add3A_519 : vector<16xi1>, vector<16xi32>
        %add3A_526 = arith.addi %add3A_503, %select_n3A_525 : vector<16xi32>
        %gather3A_527 = tpu.vector_load_idx %arg7[%broadcast_in_dim3A_58, %add3A_526] masked %ge3A_499 : memref<448x81xf32, #tpu.memory_space<vmem>>[vector<16xi32>, vector<16xi32>], vector<16xf32>, vector<16xi1>
        %max3A_528 = arith.maximumf %max3A, %gather3A_527 : vector<16xf32>
        %add3A_529 = arith.constant 1 : i32
        %add3A_530 = vector.broadcast %add3A_529 : i32 to vector<16xi32>
        %add3A_531 = arith.addi %select_n3A_525, %add3A_530 : vector<16xi32>
        %eq3A_532 = arith.constant 80 : i32
        %eq3A_533 = vector.broadcast %eq3A_532 : i32 to vector<16xi32>
        %eq3A_534 = arith.cmpi eq, %add3A_531, %eq3A_533 : vector<16xi32>
        %jit3A_535 = arith.constant 0 : i32
        %broadcast_in_dim3A_536 = vector.broadcast %jit3A_535 : i32 to vector<16xi32>
        %select_n3A_537 = arith.select %eq3A_534, %broadcast_in_dim3A_536, %add3A_531 : vector<16xi1>, vector<16xi32>
        %add3A_538 = arith.addi %add3A_503, %select_n3A_537 : vector<16xi32>
        %gather3A_539 = tpu.vector_load_idx %arg7[%broadcast_in_dim3A_58, %add3A_538] masked %ge3A_499 : memref<448x81xf32, #tpu.memory_space<vmem>>[vector<16xi32>, vector<16xi32>], vector<16xf32>, vector<16xi1>
        %max3A_540 = arith.maximumf %max3A_528, %gather3A_539 : vector<16xf32>
        %add3A_541 = arith.constant 1 : i32
        %add3A_542 = vector.broadcast %add3A_541 : i32 to vector<16xi32>
        %add3A_543 = arith.addi %select_n3A_537, %add3A_542 : vector<16xi32>
        %eq3A_544 = arith.constant 80 : i32
        %eq3A_545 = vector.broadcast %eq3A_544 : i32 to vector<16xi32>
        %eq3A_546 = arith.cmpi eq, %add3A_543, %eq3A_545 : vector<16xi32>
        %jit3A_547 = arith.constant 0 : i32
        %broadcast_in_dim3A_548 = vector.broadcast %jit3A_547 : i32 to vector<16xi32>
        %select_n3A_549 = arith.select %eq3A_546, %broadcast_in_dim3A_548, %add3A_543 : vector<16xi1>, vector<16xi32>
        %add3A_550 = arith.addi %add3A_503, %select_n3A_549 : vector<16xi32>
        %gather3A_551 = tpu.vector_load_idx %arg7[%broadcast_in_dim3A_58, %add3A_550] masked %ge3A_499 : memref<448x81xf32, #tpu.memory_space<vmem>>[vector<16xi32>, vector<16xi32>], vector<16xf32>, vector<16xi1>
        %max3A_552 = arith.maximumf %max3A_540, %gather3A_551 : vector<16xf32>
        %add3A_553 = arith.constant 1 : i32
        %add3A_554 = vector.broadcast %add3A_553 : i32 to vector<16xi32>
        %add3A_555 = arith.addi %select_n3A_549, %add3A_554 : vector<16xi32>
        %eq3A_556 = arith.constant 80 : i32
        %eq3A_557 = vector.broadcast %eq3A_556 : i32 to vector<16xi32>
        %eq3A_558 = arith.cmpi eq, %add3A_555, %eq3A_557 : vector<16xi32>
        %jit3A_559 = arith.constant 0 : i32
        %broadcast_in_dim3A_560 = vector.broadcast %jit3A_559 : i32 to vector<16xi32>
        %select_n3A_561 = arith.select %eq3A_558, %broadcast_in_dim3A_560, %add3A_555 : vector<16xi1>, vector<16xi32>
        %add3A_562 = arith.addi %add3A_503, %select_n3A_561 : vector<16xi32>
        %gather3A_563 = tpu.vector_load_idx %arg7[%broadcast_in_dim3A_58, %add3A_562] masked %ge3A_499 : memref<448x81xf32, #tpu.memory_space<vmem>>[vector<16xi32>, vector<16xi32>], vector<16xf32>, vector<16xi1>
        %max3A_564 = arith.maximumf %max3A_552, %gather3A_563 : vector<16xf32>
        %add3A_565 = arith.constant 1 : i32
        %add3A_566 = vector.broadcast %add3A_565 : i32 to vector<16xi32>
        %add3A_567 = arith.addi %select_n3A_561, %add3A_566 : vector<16xi32>
        %eq3A_568 = arith.constant 80 : i32
        %eq3A_569 = vector.broadcast %eq3A_568 : i32 to vector<16xi32>
        %eq3A_570 = arith.cmpi eq, %add3A_567, %eq3A_569 : vector<16xi32>
        %jit3A_571 = arith.constant 0 : i32
        %broadcast_in_dim3A_572 = vector.broadcast %jit3A_571 : i32 to vector<16xi32>
        %select_n3A_573 = arith.select %eq3A_570, %broadcast_in_dim3A_572, %add3A_567 : vector<16xi1>, vector<16xi32>
        %add3A_574 = arith.addi %add3A_503, %select_n3A_573 : vector<16xi32>
        %gather3A_575 = tpu.vector_load_idx %arg7[%broadcast_in_dim3A_58, %add3A_574] masked %ge3A_499 : memref<448x81xf32, #tpu.memory_space<vmem>>[vector<16xi32>, vector<16xi32>], vector<16xf32>, vector<16xi1>
        %max3A_576 = arith.maximumf %max3A_564, %gather3A_575 : vector<16xf32>
        %add3A_577 = arith.constant 1 : i32
        %add3A_578 = vector.broadcast %add3A_577 : i32 to vector<16xi32>
        %add3A_579 = arith.addi %select_n3A_573, %add3A_578 : vector<16xi32>
        %eq3A_580 = arith.constant 80 : i32
        %eq3A_581 = vector.broadcast %eq3A_580 : i32 to vector<16xi32>
        %eq3A_582 = arith.cmpi eq, %add3A_579, %eq3A_581 : vector<16xi32>
        %jit3A_583 = arith.constant 0 : i32
        %broadcast_in_dim3A_584 = vector.broadcast %jit3A_583 : i32 to vector<16xi32>
        %select_n3A_585 = arith.select %eq3A_582, %broadcast_in_dim3A_584, %add3A_579 : vector<16xi1>, vector<16xi32>
        %add3A_586 = arith.addi %add3A_503, %select_n3A_585 : vector<16xi32>
        %gather3A_587 = tpu.vector_load_idx %arg7[%broadcast_in_dim3A_58, %add3A_586] masked %ge3A_499 : memref<448x81xf32, #tpu.memory_space<vmem>>[vector<16xi32>, vector<16xi32>], vector<16xf32>, vector<16xi1>
        %max3A_588 = arith.maximumf %max3A_576, %gather3A_587 : vector<16xf32>
        %add3A_589 = arith.constant 1 : i32
        %add3A_590 = vector.broadcast %add3A_589 : i32 to vector<16xi32>
        %add3A_591 = arith.addi %select_n3A_585, %add3A_590 : vector<16xi32>
        %eq3A_592 = arith.constant 80 : i32
        %eq3A_593 = vector.broadcast %eq3A_592 : i32 to vector<16xi32>
        %eq3A_594 = arith.cmpi eq, %add3A_591, %eq3A_593 : vector<16xi32>
        %jit3A_595 = arith.constant 0 : i32
        %broadcast_in_dim3A_596 = vector.broadcast %jit3A_595 : i32 to vector<16xi32>
        %select_n3A_597 = arith.select %eq3A_594, %broadcast_in_dim3A_596, %add3A_591 : vector<16xi1>, vector<16xi32>
        %add3A_598 = arith.addi %add3A_503, %select_n3A_597 : vector<16xi32>
        %gather3A_599 = tpu.vector_load_idx %arg7[%broadcast_in_dim3A_58, %add3A_598] masked %ge3A_499 : memref<448x81xf32, #tpu.memory_space<vmem>>[vector<16xi32>, vector<16xi32>], vector<16xf32>, vector<16xi1>
        %max3A_600 = arith.maximumf %max3A_588, %gather3A_599 : vector<16xf32>
        %add3A_601 = arith.constant 1 : i32
        %add3A_602 = vector.broadcast %add3A_601 : i32 to vector<16xi32>
        %add3A_603 = arith.addi %select_n3A_597, %add3A_602 : vector<16xi32>
        %eq3A_604 = arith.constant 80 : i32
        %eq3A_605 = vector.broadcast %eq3A_604 : i32 to vector<16xi32>
        %eq3A_606 = arith.cmpi eq, %add3A_603, %eq3A_605 : vector<16xi32>
        %jit3A_607 = arith.constant 0 : i32
        %broadcast_in_dim3A_608 = vector.broadcast %jit3A_607 : i32 to vector<16xi32>
        %select_n3A_609 = arith.select %eq3A_606, %broadcast_in_dim3A_608, %add3A_603 : vector<16xi1>, vector<16xi32>
        %add3A_610 = arith.addi %add3A_503, %select_n3A_609 : vector<16xi32>
        %gather3A_611 = tpu.vector_load_idx %arg7[%broadcast_in_dim3A_58, %add3A_610] masked %ge3A_499 : memref<448x81xf32, #tpu.memory_space<vmem>>[vector<16xi32>, vector<16xi32>], vector<16xf32>, vector<16xi1>
        %max3A_612 = arith.maximumf %max3A_600, %gather3A_611 : vector<16xf32>
        %add3A_613 = arith.constant 1 : i32
        %add3A_614 = vector.broadcast %add3A_613 : i32 to vector<16xi32>
        %add3A_615 = arith.addi %select_n3A_609, %add3A_614 : vector<16xi32>
        %eq3A_616 = arith.constant 80 : i32
        %eq3A_617 = vector.broadcast %eq3A_616 : i32 to vector<16xi32>
        %eq3A_618 = arith.cmpi eq, %add3A_615, %eq3A_617 : vector<16xi32>
        %jit3A_619 = arith.constant 0 : i32
        %broadcast_in_dim3A_620 = vector.broadcast %jit3A_619 : i32 to vector<16xi32>
        %select_n3A_621 = arith.select %eq3A_618, %broadcast_in_dim3A_620, %add3A_615 : vector<16xi1>, vector<16xi32>
        %add3A_622 = arith.addi %add3A_503, %select_n3A_621 : vector<16xi32>
        %gather3A_623 = tpu.vector_load_idx %arg7[%broadcast_in_dim3A_58, %add3A_622] masked %ge3A_499 : memref<448x81xf32, #tpu.memory_space<vmem>>[vector<16xi32>, vector<16xi32>], vector<16xf32>, vector<16xi1>
        %max3A_624 = arith.maximumf %max3A_612, %gather3A_623 : vector<16xf32>
        %add3A_625 = arith.constant 1 : i32
        %add3A_626 = vector.broadcast %add3A_625 : i32 to vector<16xi32>
        %add3A_627 = arith.addi %select_n3A_621, %add3A_626 : vector<16xi32>
        %eq3A_628 = arith.constant 80 : i32
        %eq3A_629 = vector.broadcast %eq3A_628 : i32 to vector<16xi32>
        %eq3A_630 = arith.cmpi eq, %add3A_627, %eq3A_629 : vector<16xi32>
        %jit3A_631 = arith.constant 0 : i32
        %broadcast_in_dim3A_632 = vector.broadcast %jit3A_631 : i32 to vector<16xi32>
        %select_n3A_633 = arith.select %eq3A_630, %broadcast_in_dim3A_632, %add3A_627 : vector<16xi1>, vector<16xi32>
        %add3A_634 = arith.addi %add3A_503, %select_n3A_633 : vector<16xi32>
        %gather3A_635 = tpu.vector_load_idx %arg7[%broadcast_in_dim3A_58, %add3A_634] masked %ge3A_499 : memref<448x81xf32, #tpu.memory_space<vmem>>[vector<16xi32>, vector<16xi32>], vector<16xf32>, vector<16xi1>
        %max3A_636 = arith.maximumf %max3A_624, %gather3A_635 : vector<16xf32>
        %add3A_637 = arith.constant 1 : i32
        %add3A_638 = vector.broadcast %add3A_637 : i32 to vector<16xi32>
        %add3A_639 = arith.addi %select_n3A_633, %add3A_638 : vector<16xi32>
        %eq3A_640 = arith.constant 80 : i32
        %eq3A_641 = vector.broadcast %eq3A_640 : i32 to vector<16xi32>
        %eq3A_642 = arith.cmpi eq, %add3A_639, %eq3A_641 : vector<16xi32>
        %jit3A_643 = arith.constant 0 : i32
        %broadcast_in_dim3A_644 = vector.broadcast %jit3A_643 : i32 to vector<16xi32>
        %select_n3A_645 = arith.select %eq3A_642, %broadcast_in_dim3A_644, %add3A_639 : vector<16xi1>, vector<16xi32>
        %add3A_646 = arith.addi %add3A_503, %select_n3A_645 : vector<16xi32>
        %gather3A_647 = tpu.vector_load_idx %arg7[%broadcast_in_dim3A_58, %add3A_646] masked %ge3A_499 : memref<448x81xf32, #tpu.memory_space<vmem>>[vector<16xi32>, vector<16xi32>], vector<16xf32>, vector<16xi1>
        %max3A_648 = arith.maximumf %max3A_636, %gather3A_647 : vector<16xf32>
        %add3A_649 = arith.constant 1 : i32
        %add3A_650 = vector.broadcast %add3A_649 : i32 to vector<16xi32>
        %add3A_651 = arith.addi %select_n3A_645, %add3A_650 : vector<16xi32>
        %eq3A_652 = arith.constant 80 : i32
        %eq3A_653 = vector.broadcast %eq3A_652 : i32 to vector<16xi32>
        %eq3A_654 = arith.cmpi eq, %add3A_651, %eq3A_653 : vector<16xi32>
        %jit3A_655 = arith.constant 0 : i32
        %broadcast_in_dim3A_656 = vector.broadcast %jit3A_655 : i32 to vector<16xi32>
        %select_n3A_657 = arith.select %eq3A_654, %broadcast_in_dim3A_656, %add3A_651 : vector<16xi1>, vector<16xi32>
        %add3A_658 = arith.addi %add3A_503, %select_n3A_657 : vector<16xi32>
        %gather3A_659 = tpu.vector_load_idx %arg7[%broadcast_in_dim3A_58, %add3A_658] masked %ge3A_499 : memref<448x81xf32, #tpu.memory_space<vmem>>[vector<16xi32>, vector<16xi32>], vector<16xf32>, vector<16xi1>
        %max3A_660 = arith.maximumf %max3A_648, %gather3A_659 : vector<16xf32>
        %add3A_661 = arith.constant 1 : i32
        %add3A_662 = vector.broadcast %add3A_661 : i32 to vector<16xi32>
        %add3A_663 = arith.addi %select_n3A_657, %add3A_662 : vector<16xi32>
        %eq3A_664 = arith.constant 80 : i32
        %eq3A_665 = vector.broadcast %eq3A_664 : i32 to vector<16xi32>
        %eq3A_666 = arith.cmpi eq, %add3A_663, %eq3A_665 : vector<16xi32>
        %jit3A_667 = arith.constant 0 : i32
        %broadcast_in_dim3A_668 = vector.broadcast %jit3A_667 : i32 to vector<16xi32>
        %select_n3A_669 = arith.select %eq3A_666, %broadcast_in_dim3A_668, %add3A_663 : vector<16xi1>, vector<16xi32>
        %add3A_670 = arith.addi %add3A_503, %select_n3A_669 : vector<16xi32>
        %gather3A_671 = tpu.vector_load_idx %arg7[%broadcast_in_dim3A_58, %add3A_670] masked %ge3A_499 : memref<448x81xf32, #tpu.memory_space<vmem>>[vector<16xi32>, vector<16xi32>], vector<16xf32>, vector<16xi1>
        %max3A_672 = arith.maximumf %max3A_660, %gather3A_671 : vector<16xf32>
        %add3A_673 = arith.constant 1 : i32
        %add3A_674 = vector.broadcast %add3A_673 : i32 to vector<16xi32>
        %add3A_675 = arith.addi %select_n3A_669, %add3A_674 : vector<16xi32>
        %eq3A_676 = arith.constant 80 : i32
        %eq3A_677 = vector.broadcast %eq3A_676 : i32 to vector<16xi32>
        %eq3A_678 = arith.cmpi eq, %add3A_675, %eq3A_677 : vector<16xi32>
        %jit3A_679 = arith.constant 0 : i32
        %broadcast_in_dim3A_680 = vector.broadcast %jit3A_679 : i32 to vector<16xi32>
        %select_n3A_681 = arith.select %eq3A_678, %broadcast_in_dim3A_680, %add3A_675 : vector<16xi1>, vector<16xi32>
        %add3A_682 = arith.addi %add3A_503, %select_n3A_681 : vector<16xi32>
        %gather3A_683 = tpu.vector_load_idx %arg7[%broadcast_in_dim3A_58, %add3A_682] masked %ge3A_499 : memref<448x81xf32, #tpu.memory_space<vmem>>[vector<16xi32>, vector<16xi32>], vector<16xf32>, vector<16xi1>
        %max3A_684 = arith.maximumf %max3A_672, %gather3A_683 : vector<16xf32>
        %add3A_685 = arith.constant 1 : i32
        %add3A_686 = vector.broadcast %add3A_685 : i32 to vector<16xi32>
        %add3A_687 = arith.addi %select_n3A_681, %add3A_686 : vector<16xi32>
        %eq3A_688 = arith.constant 80 : i32
        %eq3A_689 = vector.broadcast %eq3A_688 : i32 to vector<16xi32>
        %eq3A_690 = arith.cmpi eq, %add3A_687, %eq3A_689 : vector<16xi32>
        %jit3A_691 = arith.constant 0 : i32
        %broadcast_in_dim3A_692 = vector.broadcast %jit3A_691 : i32 to vector<16xi32>
        %select_n3A_693 = arith.select %eq3A_690, %broadcast_in_dim3A_692, %add3A_687 : vector<16xi1>, vector<16xi32>
        %add3A_694 = arith.addi %add3A_503, %select_n3A_693 : vector<16xi32>
        %gather3A_695 = tpu.vector_load_idx %arg7[%broadcast_in_dim3A_58, %add3A_694] masked %ge3A_499 : memref<448x81xf32, #tpu.memory_space<vmem>>[vector<16xi32>, vector<16xi32>], vector<16xf32>, vector<16xi1>
        %max3A_696 = arith.maximumf %max3A_684, %gather3A_695 : vector<16xf32>
        %add3A_697 = arith.constant 1 : i32
        %add3A_698 = vector.broadcast %add3A_697 : i32 to vector<16xi32>
        %add3A_699 = arith.addi %select_n3A_693, %add3A_698 : vector<16xi32>
        %eq3A_700 = arith.constant 80 : i32
        %eq3A_701 = vector.broadcast %eq3A_700 : i32 to vector<16xi32>
        %eq3A_702 = arith.cmpi eq, %add3A_699, %eq3A_701 : vector<16xi32>
        %jit3A_703 = arith.constant 0 : i32
        %broadcast_in_dim3A_704 = vector.broadcast %jit3A_703 : i32 to vector<16xi32>
        %select_n3A_705 = arith.select %eq3A_702, %broadcast_in_dim3A_704, %add3A_699 : vector<16xi1>, vector<16xi32>
        %add3A_706 = arith.addi %add3A_503, %select_n3A_705 : vector<16xi32>
        %gather3A_707 = tpu.vector_load_idx %arg7[%broadcast_in_dim3A_58, %add3A_706] masked %ge3A_499 : memref<448x81xf32, #tpu.memory_space<vmem>>[vector<16xi32>, vector<16xi32>], vector<16xf32>, vector<16xi1>
        %max3A_708 = arith.maximumf %max3A_696, %gather3A_707 : vector<16xf32>
        %add3A_709 = arith.constant 1 : i32
        %add3A_710 = vector.broadcast %add3A_709 : i32 to vector<16xi32>
        %add3A_711 = arith.addi %select_n3A_705, %add3A_710 : vector<16xi32>
        %eq3A_712 = arith.constant 80 : i32
        %eq3A_713 = vector.broadcast %eq3A_712 : i32 to vector<16xi32>
        %eq3A_714 = arith.cmpi eq, %add3A_711, %eq3A_713 : vector<16xi32>
        %jit3A_715 = arith.constant 0 : i32
        %broadcast_in_dim3A_716 = vector.broadcast %jit3A_715 : i32 to vector<16xi32>
        %select_n3A_717 = arith.select %eq3A_714, %broadcast_in_dim3A_716, %add3A_711 : vector<16xi1>, vector<16xi32>
        %add3A_718 = arith.addi %add3A_503, %select_n3A_717 : vector<16xi32>
        %gather3A_719 = tpu.vector_load_idx %arg7[%broadcast_in_dim3A_58, %add3A_718] masked %ge3A_499 : memref<448x81xf32, #tpu.memory_space<vmem>>[vector<16xi32>, vector<16xi32>], vector<16xf32>, vector<16xi1>
        %max3A_720 = arith.maximumf %max3A_708, %gather3A_719 : vector<16xf32>
        %add3A_721 = arith.constant 1 : i32
        %add3A_722 = vector.broadcast %add3A_721 : i32 to vector<16xi32>
        %add3A_723 = arith.addi %select_n3A_717, %add3A_722 : vector<16xi32>
        %eq3A_724 = arith.constant 80 : i32
        %eq3A_725 = vector.broadcast %eq3A_724 : i32 to vector<16xi32>
        %eq3A_726 = arith.cmpi eq, %add3A_723, %eq3A_725 : vector<16xi32>
        %jit3A_727 = arith.constant 0 : i32
        %broadcast_in_dim3A_728 = vector.broadcast %jit3A_727 : i32 to vector<16xi32>
        %select_n3A_729 = arith.select %eq3A_726, %broadcast_in_dim3A_728, %add3A_723 : vector<16xi1>, vector<16xi32>
        %add3A_730 = arith.addi %add3A_503, %select_n3A_729 : vector<16xi32>
        %gather3A_731 = tpu.vector_load_idx %arg7[%broadcast_in_dim3A_58, %add3A_730] masked %ge3A_499 : memref<448x81xf32, #tpu.memory_space<vmem>>[vector<16xi32>, vector<16xi32>], vector<16xf32>, vector<16xi1>
        %max3A_732 = arith.maximumf %max3A_720, %gather3A_731 : vector<16xf32>
        %add3A_733 = arith.constant 1 : i32
        %add3A_734 = vector.broadcast %add3A_733 : i32 to vector<16xi32>
        %add3A_735 = arith.addi %select_n3A_729, %add3A_734 : vector<16xi32>
        %eq3A_736 = arith.constant 80 : i32
        %eq3A_737 = vector.broadcast %eq3A_736 : i32 to vector<16xi32>
        %eq3A_738 = arith.cmpi eq, %add3A_735, %eq3A_737 : vector<16xi32>
        %jit3A_739 = arith.constant 0 : i32
        %broadcast_in_dim3A_740 = vector.broadcast %jit3A_739 : i32 to vector<16xi32>
        %select_n3A_741 = arith.select %eq3A_738, %broadcast_in_dim3A_740, %add3A_735 : vector<16xi1>, vector<16xi32>
        %add3A_742 = arith.addi %add3A_503, %select_n3A_741 : vector<16xi32>
        %gather3A_743 = tpu.vector_load_idx %arg7[%broadcast_in_dim3A_58, %add3A_742] masked %ge3A_499 : memref<448x81xf32, #tpu.memory_space<vmem>>[vector<16xi32>, vector<16xi32>], vector<16xf32>, vector<16xi1>
        %max3A_744 = arith.maximumf %max3A_732, %gather3A_743 : vector<16xf32>
        %add3A_745 = arith.constant 1 : i32
        %add3A_746 = vector.broadcast %add3A_745 : i32 to vector<16xi32>
        %add3A_747 = arith.addi %select_n3A_741, %add3A_746 : vector<16xi32>
        %eq3A_748 = arith.constant 80 : i32
        %eq3A_749 = vector.broadcast %eq3A_748 : i32 to vector<16xi32>
        %eq3A_750 = arith.cmpi eq, %add3A_747, %eq3A_749 : vector<16xi32>
        %jit3A_751 = arith.constant 0 : i32
        %broadcast_in_dim3A_752 = vector.broadcast %jit3A_751 : i32 to vector<16xi32>
        %select_n3A_753 = arith.select %eq3A_750, %broadcast_in_dim3A_752, %add3A_747 : vector<16xi1>, vector<16xi32>
        %add3A_754 = arith.addi %add3A_503, %select_n3A_753 : vector<16xi32>
        %gather3A_755 = tpu.vector_load_idx %arg7[%broadcast_in_dim3A_58, %add3A_754] masked %ge3A_499 : memref<448x81xf32, #tpu.memory_space<vmem>>[vector<16xi32>, vector<16xi32>], vector<16xf32>, vector<16xi1>
        %max3A_756 = arith.maximumf %max3A_744, %gather3A_755 : vector<16xf32>
        %add3A_757 = arith.constant 1 : i32
        %add3A_758 = vector.broadcast %add3A_757 : i32 to vector<16xi32>
        %add3A_759 = arith.addi %select_n3A_753, %add3A_758 : vector<16xi32>
        %eq3A_760 = arith.constant 80 : i32
        %eq3A_761 = vector.broadcast %eq3A_760 : i32 to vector<16xi32>
        %eq3A_762 = arith.cmpi eq, %add3A_759, %eq3A_761 : vector<16xi32>
        %jit3A_763 = arith.constant 0 : i32
        %broadcast_in_dim3A_764 = vector.broadcast %jit3A_763 : i32 to vector<16xi32>
        %select_n3A_765 = arith.select %eq3A_762, %broadcast_in_dim3A_764, %add3A_759 : vector<16xi1>, vector<16xi32>
        %add3A_766 = arith.addi %add3A_503, %select_n3A_765 : vector<16xi32>
        %gather3A_767 = tpu.vector_load_idx %arg7[%broadcast_in_dim3A_58, %add3A_766] masked %ge3A_499 : memref<448x81xf32, #tpu.memory_space<vmem>>[vector<16xi32>, vector<16xi32>], vector<16xf32>, vector<16xi1>
        %max3A_768 = arith.maximumf %max3A_756, %gather3A_767 : vector<16xf32>
        %add3A_769 = arith.constant 1 : i32
        %add3A_770 = vector.broadcast %add3A_769 : i32 to vector<16xi32>
        %add3A_771 = arith.addi %select_n3A_765, %add3A_770 : vector<16xi32>
        %eq3A_772 = arith.constant 80 : i32
        %eq3A_773 = vector.broadcast %eq3A_772 : i32 to vector<16xi32>
        %eq3A_774 = arith.cmpi eq, %add3A_771, %eq3A_773 : vector<16xi32>
        %jit3A_775 = arith.constant 0 : i32
        %broadcast_in_dim3A_776 = vector.broadcast %jit3A_775 : i32 to vector<16xi32>
        %select_n3A_777 = arith.select %eq3A_774, %broadcast_in_dim3A_776, %add3A_771 : vector<16xi1>, vector<16xi32>
        %add3A_778 = arith.addi %add3A_503, %select_n3A_777 : vector<16xi32>
        %gather3A_779 = tpu.vector_load_idx %arg7[%broadcast_in_dim3A_58, %add3A_778] masked %ge3A_499 : memref<448x81xf32, #tpu.memory_space<vmem>>[vector<16xi32>, vector<16xi32>], vector<16xf32>, vector<16xi1>
        %max3A_780 = arith.maximumf %max3A_768, %gather3A_779 : vector<16xf32>
        %add3A_781 = arith.constant 1 : i32
        %add3A_782 = vector.broadcast %add3A_781 : i32 to vector<16xi32>
        %add3A_783 = arith.addi %select_n3A_777, %add3A_782 : vector<16xi32>
        %eq3A_784 = arith.constant 80 : i32
        %eq3A_785 = vector.broadcast %eq3A_784 : i32 to vector<16xi32>
        %eq3A_786 = arith.cmpi eq, %add3A_783, %eq3A_785 : vector<16xi32>
        %jit3A_787 = arith.constant 0 : i32
        %broadcast_in_dim3A_788 = vector.broadcast %jit3A_787 : i32 to vector<16xi32>
        %select_n3A_789 = arith.select %eq3A_786, %broadcast_in_dim3A_788, %add3A_783 : vector<16xi1>, vector<16xi32>
        %add3A_790 = arith.addi %add3A_503, %select_n3A_789 : vector<16xi32>
        %gather3A_791 = tpu.vector_load_idx %arg7[%broadcast_in_dim3A_58, %add3A_790] masked %ge3A_499 : memref<448x81xf32, #tpu.memory_space<vmem>>[vector<16xi32>, vector<16xi32>], vector<16xf32>, vector<16xi1>
        %max3A_792 = arith.maximumf %max3A_780, %gather3A_791 : vector<16xf32>
        %add3A_793 = arith.constant 1 : i32
        %add3A_794 = vector.broadcast %add3A_793 : i32 to vector<16xi32>
        %add3A_795 = arith.addi %select_n3A_789, %add3A_794 : vector<16xi32>
        %eq3A_796 = arith.constant 80 : i32
        %eq3A_797 = vector.broadcast %eq3A_796 : i32 to vector<16xi32>
        %eq3A_798 = arith.cmpi eq, %add3A_795, %eq3A_797 : vector<16xi32>
        %jit3A_799 = arith.constant 0 : i32
        %broadcast_in_dim3A_800 = vector.broadcast %jit3A_799 : i32 to vector<16xi32>
        %select_n3A_801 = arith.select %eq3A_798, %broadcast_in_dim3A_800, %add3A_795 : vector<16xi1>, vector<16xi32>
        %add3A_802 = arith.addi %add3A_503, %select_n3A_801 : vector<16xi32>
        %gather3A_803 = tpu.vector_load_idx %arg7[%broadcast_in_dim3A_58, %add3A_802] masked %ge3A_499 : memref<448x81xf32, #tpu.memory_space<vmem>>[vector<16xi32>, vector<16xi32>], vector<16xf32>, vector<16xi1>
        %max3A_804 = arith.maximumf %max3A_792, %gather3A_803 : vector<16xf32>
        %add3A_805 = arith.constant 1 : i32
        %add3A_806 = vector.broadcast %add3A_805 : i32 to vector<16xi32>
        %add3A_807 = arith.addi %select_n3A_801, %add3A_806 : vector<16xi32>
        %eq3A_808 = arith.constant 80 : i32
        %eq3A_809 = vector.broadcast %eq3A_808 : i32 to vector<16xi32>
        %eq3A_810 = arith.cmpi eq, %add3A_807, %eq3A_809 : vector<16xi32>
        %jit3A_811 = arith.constant 0 : i32
        %broadcast_in_dim3A_812 = vector.broadcast %jit3A_811 : i32 to vector<16xi32>
        %select_n3A_813 = arith.select %eq3A_810, %broadcast_in_dim3A_812, %add3A_807 : vector<16xi1>, vector<16xi32>
        %add3A_814 = arith.addi %add3A_503, %select_n3A_813 : vector<16xi32>
        %gather3A_815 = tpu.vector_load_idx %arg7[%broadcast_in_dim3A_58, %add3A_814] masked %ge3A_499 : memref<448x81xf32, #tpu.memory_space<vmem>>[vector<16xi32>, vector<16xi32>], vector<16xf32>, vector<16xi1>
        %max3A_816 = arith.maximumf %max3A_804, %gather3A_815 : vector<16xf32>
        %add3A_817 = arith.constant 1 : i32
        %add3A_818 = vector.broadcast %add3A_817 : i32 to vector<16xi32>
        %add3A_819 = arith.addi %select_n3A_813, %add3A_818 : vector<16xi32>
        %eq3A_820 = arith.constant 80 : i32
        %eq3A_821 = vector.broadcast %eq3A_820 : i32 to vector<16xi32>
        %eq3A_822 = arith.cmpi eq, %add3A_819, %eq3A_821 : vector<16xi32>
        %jit3A_823 = arith.constant 0 : i32
        %broadcast_in_dim3A_824 = vector.broadcast %jit3A_823 : i32 to vector<16xi32>
        %select_n3A_825 = arith.select %eq3A_822, %broadcast_in_dim3A_824, %add3A_819 : vector<16xi1>, vector<16xi32>
        %add3A_826 = arith.addi %add3A_503, %select_n3A_825 : vector<16xi32>
        %gather3A_827 = tpu.vector_load_idx %arg7[%broadcast_in_dim3A_58, %add3A_826] masked %ge3A_499 : memref<448x81xf32, #tpu.memory_space<vmem>>[vector<16xi32>, vector<16xi32>], vector<16xf32>, vector<16xi1>
        %max3A_828 = arith.maximumf %max3A_816, %gather3A_827 : vector<16xf32>
        %add3A_829 = arith.constant 1 : i32
        %add3A_830 = vector.broadcast %add3A_829 : i32 to vector<16xi32>
        %add3A_831 = arith.addi %select_n3A_825, %add3A_830 : vector<16xi32>
        %eq3A_832 = arith.constant 80 : i32
        %eq3A_833 = vector.broadcast %eq3A_832 : i32 to vector<16xi32>
        %eq3A_834 = arith.cmpi eq, %add3A_831, %eq3A_833 : vector<16xi32>
        %jit3A_835 = arith.constant 0 : i32
        %broadcast_in_dim3A_836 = vector.broadcast %jit3A_835 : i32 to vector<16xi32>
        %select_n3A_837 = arith.select %eq3A_834, %broadcast_in_dim3A_836, %add3A_831 : vector<16xi1>, vector<16xi32>
        %add3A_838 = arith.addi %add3A_503, %select_n3A_837 : vector<16xi32>
        %gather3A_839 = tpu.vector_load_idx %arg7[%broadcast_in_dim3A_58, %add3A_838] masked %ge3A_499 : memref<448x81xf32, #tpu.memory_space<vmem>>[vector<16xi32>, vector<16xi32>], vector<16xf32>, vector<16xi1>
        %max3A_840 = arith.maximumf %max3A_828, %gather3A_839 : vector<16xf32>
        %add3A_841 = arith.constant 1 : i32
        %add3A_842 = vector.broadcast %add3A_841 : i32 to vector<16xi32>
        %add3A_843 = arith.addi %select_n3A_837, %add3A_842 : vector<16xi32>
        %eq3A_844 = arith.constant 80 : i32
        %eq3A_845 = vector.broadcast %eq3A_844 : i32 to vector<16xi32>
        %eq3A_846 = arith.cmpi eq, %add3A_843, %eq3A_845 : vector<16xi32>
        %jit3A_847 = arith.constant 0 : i32
        %broadcast_in_dim3A_848 = vector.broadcast %jit3A_847 : i32 to vector<16xi32>
        %select_n3A_849 = arith.select %eq3A_846, %broadcast_in_dim3A_848, %add3A_843 : vector<16xi1>, vector<16xi32>
        %add3A_850 = arith.addi %add3A_503, %select_n3A_849 : vector<16xi32>
        %gather3A_851 = tpu.vector_load_idx %arg7[%broadcast_in_dim3A_58, %add3A_850] masked %ge3A_499 : memref<448x81xf32, #tpu.memory_space<vmem>>[vector<16xi32>, vector<16xi32>], vector<16xf32>, vector<16xi1>
        %max3A_852 = arith.maximumf %max3A_840, %gather3A_851 : vector<16xf32>
        %add3A_853 = arith.constant 1 : i32
        %add3A_854 = vector.broadcast %add3A_853 : i32 to vector<16xi32>
        %add3A_855 = arith.addi %select_n3A_849, %add3A_854 : vector<16xi32>
        %eq3A_856 = arith.constant 80 : i32
        %eq3A_857 = vector.broadcast %eq3A_856 : i32 to vector<16xi32>
        %eq3A_858 = arith.cmpi eq, %add3A_855, %eq3A_857 : vector<16xi32>
        %jit3A_859 = arith.constant 0 : i32
        %broadcast_in_dim3A_860 = vector.broadcast %jit3A_859 : i32 to vector<16xi32>
        %select_n3A_861 = arith.select %eq3A_858, %broadcast_in_dim3A_860, %add3A_855 : vector<16xi1>, vector<16xi32>
        %add3A_862 = arith.addi %add3A_503, %select_n3A_861 : vector<16xi32>
        %gather3A_863 = tpu.vector_load_idx %arg7[%broadcast_in_dim3A_58, %add3A_862] masked %ge3A_499 : memref<448x81xf32, #tpu.memory_space<vmem>>[vector<16xi32>, vector<16xi32>], vector<16xf32>, vector<16xi1>
        %max3A_864 = arith.maximumf %max3A_852, %gather3A_863 : vector<16xf32>
        %add3A_865 = arith.constant 1 : i32
        %add3A_866 = vector.broadcast %add3A_865 : i32 to vector<16xi32>
        %add3A_867 = arith.addi %select_n3A_861, %add3A_866 : vector<16xi32>
        %eq3A_868 = arith.constant 80 : i32
        %eq3A_869 = vector.broadcast %eq3A_868 : i32 to vector<16xi32>
        %eq3A_870 = arith.cmpi eq, %add3A_867, %eq3A_869 : vector<16xi32>
        %jit3A_871 = arith.constant 0 : i32
        %broadcast_in_dim3A_872 = vector.broadcast %jit3A_871 : i32 to vector<16xi32>
        %select_n3A_873 = arith.select %eq3A_870, %broadcast_in_dim3A_872, %add3A_867 : vector<16xi1>, vector<16xi32>
        %add3A_874 = arith.addi %add3A_503, %select_n3A_873 : vector<16xi32>
        %gather3A_875 = tpu.vector_load_idx %arg7[%broadcast_in_dim3A_58, %add3A_874] masked %ge3A_499 : memref<448x81xf32, #tpu.memory_space<vmem>>[vector<16xi32>, vector<16xi32>], vector<16xf32>, vector<16xi1>
        %max3A_876 = arith.maximumf %max3A_864, %gather3A_875 : vector<16xf32>
        %add3A_877 = arith.constant 1 : i32
        %add3A_878 = vector.broadcast %add3A_877 : i32 to vector<16xi32>
        %add3A_879 = arith.addi %select_n3A_873, %add3A_878 : vector<16xi32>
        %eq3A_880 = arith.constant 80 : i32
        %eq3A_881 = vector.broadcast %eq3A_880 : i32 to vector<16xi32>
        %eq3A_882 = arith.cmpi eq, %add3A_879, %eq3A_881 : vector<16xi32>
        %jit3A_883 = arith.constant 0 : i32
        %broadcast_in_dim3A_884 = vector.broadcast %jit3A_883 : i32 to vector<16xi32>
        %select_n3A_885 = arith.select %eq3A_882, %broadcast_in_dim3A_884, %add3A_879 : vector<16xi1>, vector<16xi32>
        %add3A_886 = arith.addi %add3A_503, %select_n3A_885 : vector<16xi32>
        %gather3A_887 = tpu.vector_load_idx %arg7[%broadcast_in_dim3A_58, %add3A_886] masked %ge3A_499 : memref<448x81xf32, #tpu.memory_space<vmem>>[vector<16xi32>, vector<16xi32>], vector<16xf32>, vector<16xi1>
        %max3A_888 = arith.maximumf %max3A_876, %gather3A_887 : vector<16xf32>
        %add3A_889 = arith.constant 1 : i32
        %add3A_890 = vector.broadcast %add3A_889 : i32 to vector<16xi32>
        %add3A_891 = arith.addi %select_n3A_885, %add3A_890 : vector<16xi32>
        %eq3A_892 = arith.constant 80 : i32
        %eq3A_893 = vector.broadcast %eq3A_892 : i32 to vector<16xi32>
        %eq3A_894 = arith.cmpi eq, %add3A_891, %eq3A_893 : vector<16xi32>
        %jit3A_895 = arith.constant 0 : i32
        %broadcast_in_dim3A_896 = vector.broadcast %jit3A_895 : i32 to vector<16xi32>
        %select_n3A_897 = arith.select %eq3A_894, %broadcast_in_dim3A_896, %add3A_891 : vector<16xi1>, vector<16xi32>
        %add3A_898 = arith.addi %add3A_503, %select_n3A_897 : vector<16xi32>
        %gather3A_899 = tpu.vector_load_idx %arg7[%broadcast_in_dim3A_58, %add3A_898] masked %ge3A_499 : memref<448x81xf32, #tpu.memory_space<vmem>>[vector<16xi32>, vector<16xi32>], vector<16xf32>, vector<16xi1>
        %max3A_900 = arith.maximumf %max3A_888, %gather3A_899 : vector<16xf32>
        %add3A_901 = arith.constant 1 : i32
        %add3A_902 = vector.broadcast %add3A_901 : i32 to vector<16xi32>
        %add3A_903 = arith.addi %select_n3A_897, %add3A_902 : vector<16xi32>
        %eq3A_904 = arith.constant 80 : i32
        %eq3A_905 = vector.broadcast %eq3A_904 : i32 to vector<16xi32>
        %eq3A_906 = arith.cmpi eq, %add3A_903, %eq3A_905 : vector<16xi32>
        %jit3A_907 = arith.constant 0 : i32
        %broadcast_in_dim3A_908 = vector.broadcast %jit3A_907 : i32 to vector<16xi32>
        %select_n3A_909 = arith.select %eq3A_906, %broadcast_in_dim3A_908, %add3A_903 : vector<16xi1>, vector<16xi32>
        %add3A_910 = arith.addi %add3A_503, %select_n3A_909 : vector<16xi32>
        %gather3A_911 = tpu.vector_load_idx %arg7[%broadcast_in_dim3A_58, %add3A_910] masked %ge3A_499 : memref<448x81xf32, #tpu.memory_space<vmem>>[vector<16xi32>, vector<16xi32>], vector<16xf32>, vector<16xi1>
        %max3A_912 = arith.maximumf %max3A_900, %gather3A_911 : vector<16xf32>
        %add3A_913 = arith.constant 1 : i32
        %add3A_914 = vector.broadcast %add3A_913 : i32 to vector<16xi32>
        %add3A_915 = arith.addi %select_n3A_909, %add3A_914 : vector<16xi32>
        %eq3A_916 = arith.constant 80 : i32
        %eq3A_917 = vector.broadcast %eq3A_916 : i32 to vector<16xi32>
        %eq3A_918 = arith.cmpi eq, %add3A_915, %eq3A_917 : vector<16xi32>
        %jit3A_919 = arith.constant 0 : i32
        %broadcast_in_dim3A_920 = vector.broadcast %jit3A_919 : i32 to vector<16xi32>
        %select_n3A_921 = arith.select %eq3A_918, %broadcast_in_dim3A_920, %add3A_915 : vector<16xi1>, vector<16xi32>
        %add3A_922 = arith.addi %add3A_503, %select_n3A_921 : vector<16xi32>
        %gather3A_923 = tpu.vector_load_idx %arg7[%broadcast_in_dim3A_58, %add3A_922] masked %ge3A_499 : memref<448x81xf32, #tpu.memory_space<vmem>>[vector<16xi32>, vector<16xi32>], vector<16xf32>, vector<16xi1>
        %max3A_924 = arith.maximumf %max3A_912, %gather3A_923 : vector<16xf32>
        %add3A_925 = arith.constant 1 : i32
        %add3A_926 = vector.broadcast %add3A_925 : i32 to vector<16xi32>
        %add3A_927 = arith.addi %select_n3A_921, %add3A_926 : vector<16xi32>
        %eq3A_928 = arith.constant 80 : i32
        %eq3A_929 = vector.broadcast %eq3A_928 : i32 to vector<16xi32>
        %eq3A_930 = arith.cmpi eq, %add3A_927, %eq3A_929 : vector<16xi32>
        %jit3A_931 = arith.constant 0 : i32
        %broadcast_in_dim3A_932 = vector.broadcast %jit3A_931 : i32 to vector<16xi32>
        %select_n3A_933 = arith.select %eq3A_930, %broadcast_in_dim3A_932, %add3A_927 : vector<16xi1>, vector<16xi32>
        %add3A_934 = arith.addi %add3A_503, %select_n3A_933 : vector<16xi32>
        %gather3A_935 = tpu.vector_load_idx %arg7[%broadcast_in_dim3A_58, %add3A_934] masked %ge3A_499 : memref<448x81xf32, #tpu.memory_space<vmem>>[vector<16xi32>, vector<16xi32>], vector<16xf32>, vector<16xi1>
        %max3A_936 = arith.maximumf %max3A_924, %gather3A_935 : vector<16xf32>
        %add3A_937 = arith.constant 1 : i32
        %add3A_938 = vector.broadcast %add3A_937 : i32 to vector<16xi32>
        %add3A_939 = arith.addi %select_n3A_933, %add3A_938 : vector<16xi32>
        %eq3A_940 = arith.constant 80 : i32
        %eq3A_941 = vector.broadcast %eq3A_940 : i32 to vector<16xi32>
        %eq3A_942 = arith.cmpi eq, %add3A_939, %eq3A_941 : vector<16xi32>
        %jit3A_943 = arith.constant 0 : i32
        %broadcast_in_dim3A_944 = vector.broadcast %jit3A_943 : i32 to vector<16xi32>
        %select_n3A_945 = arith.select %eq3A_942, %broadcast_in_dim3A_944, %add3A_939 : vector<16xi1>, vector<16xi32>
        %add3A_946 = arith.addi %add3A_503, %select_n3A_945 : vector<16xi32>
        %gather3A_947 = tpu.vector_load_idx %arg7[%broadcast_in_dim3A_58, %add3A_946] masked %ge3A_499 : memref<448x81xf32, #tpu.memory_space<vmem>>[vector<16xi32>, vector<16xi32>], vector<16xf32>, vector<16xi1>
        %max3A_948 = arith.maximumf %max3A_936, %gather3A_947 : vector<16xf32>
        %add3A_949 = arith.constant 1 : i32
        %add3A_950 = vector.broadcast %add3A_949 : i32 to vector<16xi32>
        %add3A_951 = arith.addi %select_n3A_945, %add3A_950 : vector<16xi32>
        %eq3A_952 = arith.constant 80 : i32
        %eq3A_953 = vector.broadcast %eq3A_952 : i32 to vector<16xi32>
        %eq3A_954 = arith.cmpi eq, %add3A_951, %eq3A_953 : vector<16xi32>
        %jit3A_955 = arith.constant 0 : i32
        %broadcast_in_dim3A_956 = vector.broadcast %jit3A_955 : i32 to vector<16xi32>
        %select_n3A_957 = arith.select %eq3A_954, %broadcast_in_dim3A_956, %add3A_951 : vector<16xi1>, vector<16xi32>
        %add3A_958 = arith.addi %add3A_503, %select_n3A_957 : vector<16xi32>
        %gather3A_959 = tpu.vector_load_idx %arg7[%broadcast_in_dim3A_58, %add3A_958] masked %ge3A_499 : memref<448x81xf32, #tpu.memory_space<vmem>>[vector<16xi32>, vector<16xi32>], vector<16xf32>, vector<16xi1>
        %max3A_960 = arith.maximumf %max3A_948, %gather3A_959 : vector<16xf32>
        %add3A_961 = arith.constant 1 : i32
        %add3A_962 = vector.broadcast %add3A_961 : i32 to vector<16xi32>
        %add3A_963 = arith.addi %select_n3A_957, %add3A_962 : vector<16xi32>
        %eq3A_964 = arith.constant 80 : i32
        %eq3A_965 = vector.broadcast %eq3A_964 : i32 to vector<16xi32>
        %eq3A_966 = arith.cmpi eq, %add3A_963, %eq3A_965 : vector<16xi32>
        %jit3A_967 = arith.constant 0 : i32
        %broadcast_in_dim3A_968 = vector.broadcast %jit3A_967 : i32 to vector<16xi32>
        %select_n3A_969 = arith.select %eq3A_966, %broadcast_in_dim3A_968, %add3A_963 : vector<16xi1>, vector<16xi32>
        %add3A_970 = arith.addi %add3A_503, %select_n3A_969 : vector<16xi32>
        %gather3A_971 = tpu.vector_load_idx %arg7[%broadcast_in_dim3A_58, %add3A_970] masked %ge3A_499 : memref<448x81xf32, #tpu.memory_space<vmem>>[vector<16xi32>, vector<16xi32>], vector<16xf32>, vector<16xi1>
        %max3A_972 = arith.maximumf %max3A_960, %gather3A_971 : vector<16xf32>
        %add3A_973 = arith.constant 1 : i32
        %add3A_974 = vector.broadcast %add3A_973 : i32 to vector<16xi32>
        %add3A_975 = arith.addi %select_n3A_969, %add3A_974 : vector<16xi32>
        %eq3A_976 = arith.constant 80 : i32
        %eq3A_977 = vector.broadcast %eq3A_976 : i32 to vector<16xi32>
        %eq3A_978 = arith.cmpi eq, %add3A_975, %eq3A_977 : vector<16xi32>
        %jit3A_979 = arith.constant 0 : i32
        %broadcast_in_dim3A_980 = vector.broadcast %jit3A_979 : i32 to vector<16xi32>
        %select_n3A_981 = arith.select %eq3A_978, %broadcast_in_dim3A_980, %add3A_975 : vector<16xi1>, vector<16xi32>
        %add3A_982 = arith.addi %add3A_503, %select_n3A_981 : vector<16xi32>
        %gather3A_983 = tpu.vector_load_idx %arg7[%broadcast_in_dim3A_58, %add3A_982] masked %ge3A_499 : memref<448x81xf32, #tpu.memory_space<vmem>>[vector<16xi32>, vector<16xi32>], vector<16xf32>, vector<16xi1>
        %max3A_984 = arith.maximumf %max3A_972, %gather3A_983 : vector<16xf32>
        %add3A_985 = arith.constant 1 : i32
        %add3A_986 = vector.broadcast %add3A_985 : i32 to vector<16xi32>
        %add3A_987 = arith.addi %select_n3A_981, %add3A_986 : vector<16xi32>
        %eq3A_988 = arith.constant 80 : i32
        %eq3A_989 = vector.broadcast %eq3A_988 : i32 to vector<16xi32>
        %eq3A_990 = arith.cmpi eq, %add3A_987, %eq3A_989 : vector<16xi32>
        %jit3A_991 = arith.constant 0 : i32
        %broadcast_in_dim3A_992 = vector.broadcast %jit3A_991 : i32 to vector<16xi32>
        %select_n3A_993 = arith.select %eq3A_990, %broadcast_in_dim3A_992, %add3A_987 : vector<16xi1>, vector<16xi32>
        %add3A_994 = arith.addi %add3A_503, %select_n3A_993 : vector<16xi32>
        %gather3A_995 = tpu.vector_load_idx %arg7[%broadcast_in_dim3A_58, %add3A_994] masked %ge3A_499 : memref<448x81xf32, #tpu.memory_space<vmem>>[vector<16xi32>, vector<16xi32>], vector<16xf32>, vector<16xi1>
        %max3A_996 = arith.maximumf %max3A_984, %gather3A_995 : vector<16xf32>
        %add3A_997 = arith.constant 1 : i32
        %add3A_998 = vector.broadcast %add3A_997 : i32 to vector<16xi32>
        %add3A_999 = arith.addi %select_n3A_993, %add3A_998 : vector<16xi32>
        %eq3A_1000 = arith.constant 80 : i32
        %eq3A_1001 = vector.broadcast %eq3A_1000 : i32 to vector<16xi32>
        %eq3A_1002 = arith.cmpi eq, %add3A_999, %eq3A_1001 : vector<16xi32>
        %jit3A_1003 = arith.constant 0 : i32
        %broadcast_in_dim3A_1004 = vector.broadcast %jit3A_1003 : i32 to vector<16xi32>
        %select_n3A_1005 = arith.select %eq3A_1002, %broadcast_in_dim3A_1004, %add3A_999 : vector<16xi1>, vector<16xi32>
        %add3A_1006 = arith.addi %add3A_503, %select_n3A_1005 : vector<16xi32>
        %gather3A_1007 = tpu.vector_load_idx %arg7[%broadcast_in_dim3A_58, %add3A_1006] masked %ge3A_499 : memref<448x81xf32, #tpu.memory_space<vmem>>[vector<16xi32>, vector<16xi32>], vector<16xf32>, vector<16xi1>
        %max3A_1008 = arith.maximumf %max3A_996, %gather3A_1007 : vector<16xf32>
        %add3A_1009 = arith.constant 1 : i32
        %add3A_1010 = vector.broadcast %add3A_1009 : i32 to vector<16xi32>
        %add3A_1011 = arith.addi %select_n3A_1005, %add3A_1010 : vector<16xi32>
        %eq3A_1012 = arith.constant 80 : i32
        %eq3A_1013 = vector.broadcast %eq3A_1012 : i32 to vector<16xi32>
        %eq3A_1014 = arith.cmpi eq, %add3A_1011, %eq3A_1013 : vector<16xi32>
        %jit3A_1015 = arith.constant 0 : i32
        %broadcast_in_dim3A_1016 = vector.broadcast %jit3A_1015 : i32 to vector<16xi32>
        %select_n3A_1017 = arith.select %eq3A_1014, %broadcast_in_dim3A_1016, %add3A_1011 : vector<16xi1>, vector<16xi32>
        %add3A_1018 = arith.addi %add3A_503, %select_n3A_1017 : vector<16xi32>
        %gather3A_1019 = tpu.vector_load_idx %arg7[%broadcast_in_dim3A_58, %add3A_1018] masked %ge3A_499 : memref<448x81xf32, #tpu.memory_space<vmem>>[vector<16xi32>, vector<16xi32>], vector<16xf32>, vector<16xi1>
        %max3A_1020 = arith.maximumf %max3A_1008, %gather3A_1019 : vector<16xf32>
        %add3A_1021 = arith.constant 1 : i32
        %add3A_1022 = vector.broadcast %add3A_1021 : i32 to vector<16xi32>
        %add3A_1023 = arith.addi %select_n3A_1017, %add3A_1022 : vector<16xi32>
        %eq3A_1024 = arith.constant 80 : i32
        %eq3A_1025 = vector.broadcast %eq3A_1024 : i32 to vector<16xi32>
        %eq3A_1026 = arith.cmpi eq, %add3A_1023, %eq3A_1025 : vector<16xi32>
        %jit3A_1027 = arith.constant 0 : i32
        %broadcast_in_dim3A_1028 = vector.broadcast %jit3A_1027 : i32 to vector<16xi32>
        %select_n3A_1029 = arith.select %eq3A_1026, %broadcast_in_dim3A_1028, %add3A_1023 : vector<16xi1>, vector<16xi32>
        %add3A_1030 = arith.addi %add3A_503, %select_n3A_1029 : vector<16xi32>
        %gather3A_1031 = tpu.vector_load_idx %arg7[%broadcast_in_dim3A_58, %add3A_1030] masked %ge3A_499 : memref<448x81xf32, #tpu.memory_space<vmem>>[vector<16xi32>, vector<16xi32>], vector<16xf32>, vector<16xi1>
        %max3A_1032 = arith.maximumf %max3A_1020, %gather3A_1031 : vector<16xf32>
        %add3A_1033 = arith.constant 1 : i32
        %add3A_1034 = vector.broadcast %add3A_1033 : i32 to vector<16xi32>
        %add3A_1035 = arith.addi %select_n3A_1029, %add3A_1034 : vector<16xi32>
        %eq3A_1036 = arith.constant 80 : i32
        %eq3A_1037 = vector.broadcast %eq3A_1036 : i32 to vector<16xi32>
        %eq3A_1038 = arith.cmpi eq, %add3A_1035, %eq3A_1037 : vector<16xi32>
        %jit3A_1039 = arith.constant 0 : i32
        %broadcast_in_dim3A_1040 = vector.broadcast %jit3A_1039 : i32 to vector<16xi32>
        %select_n3A_1041 = arith.select %eq3A_1038, %broadcast_in_dim3A_1040, %add3A_1035 : vector<16xi1>, vector<16xi32>
        %add3A_1042 = arith.addi %add3A_503, %select_n3A_1041 : vector<16xi32>
        %gather3A_1043 = tpu.vector_load_idx %arg7[%broadcast_in_dim3A_58, %add3A_1042] masked %ge3A_499 : memref<448x81xf32, #tpu.memory_space<vmem>>[vector<16xi32>, vector<16xi32>], vector<16xf32>, vector<16xi1>
        %max3A_1044 = arith.maximumf %max3A_1032, %gather3A_1043 : vector<16xf32>
        %add3A_1045 = arith.constant 1 : i32
        %add3A_1046 = vector.broadcast %add3A_1045 : i32 to vector<16xi32>
        %add3A_1047 = arith.addi %select_n3A_1041, %add3A_1046 : vector<16xi32>
        %eq3A_1048 = arith.constant 80 : i32
        %eq3A_1049 = vector.broadcast %eq3A_1048 : i32 to vector<16xi32>
        %eq3A_1050 = arith.cmpi eq, %add3A_1047, %eq3A_1049 : vector<16xi32>
        %jit3A_1051 = arith.constant 0 : i32
        %broadcast_in_dim3A_1052 = vector.broadcast %jit3A_1051 : i32 to vector<16xi32>
        %select_n3A_1053 = arith.select %eq3A_1050, %broadcast_in_dim3A_1052, %add3A_1047 : vector<16xi1>, vector<16xi32>
        %add3A_1054 = arith.addi %add3A_503, %select_n3A_1053 : vector<16xi32>
        %gather3A_1055 = tpu.vector_load_idx %arg7[%broadcast_in_dim3A_58, %add3A_1054] masked %ge3A_499 : memref<448x81xf32, #tpu.memory_space<vmem>>[vector<16xi32>, vector<16xi32>], vector<16xf32>, vector<16xi1>
        %max3A_1056 = arith.maximumf %max3A_1044, %gather3A_1055 : vector<16xf32>
        %add3A_1057 = arith.constant 1 : i32
        %add3A_1058 = vector.broadcast %add3A_1057 : i32 to vector<16xi32>
        %add3A_1059 = arith.addi %select_n3A_1053, %add3A_1058 : vector<16xi32>
        %eq3A_1060 = arith.constant 80 : i32
        %eq3A_1061 = vector.broadcast %eq3A_1060 : i32 to vector<16xi32>
        %eq3A_1062 = arith.cmpi eq, %add3A_1059, %eq3A_1061 : vector<16xi32>
        %jit3A_1063 = arith.constant 0 : i32
        %broadcast_in_dim3A_1064 = vector.broadcast %jit3A_1063 : i32 to vector<16xi32>
        %select_n3A_1065 = arith.select %eq3A_1062, %broadcast_in_dim3A_1064, %add3A_1059 : vector<16xi1>, vector<16xi32>
        %add3A_1066 = arith.addi %add3A_503, %select_n3A_1065 : vector<16xi32>
        %gather3A_1067 = tpu.vector_load_idx %arg7[%broadcast_in_dim3A_58, %add3A_1066] masked %ge3A_499 : memref<448x81xf32, #tpu.memory_space<vmem>>[vector<16xi32>, vector<16xi32>], vector<16xf32>, vector<16xi1>
        %max3A_1068 = arith.maximumf %max3A_1056, %gather3A_1067 : vector<16xf32>
        %add3A_1069 = arith.constant 1 : i32
        %add3A_1070 = vector.broadcast %add3A_1069 : i32 to vector<16xi32>
        %add3A_1071 = arith.addi %select_n3A_1065, %add3A_1070 : vector<16xi32>
        %eq3A_1072 = arith.constant 80 : i32
        %eq3A_1073 = vector.broadcast %eq3A_1072 : i32 to vector<16xi32>
        %eq3A_1074 = arith.cmpi eq, %add3A_1071, %eq3A_1073 : vector<16xi32>
        %jit3A_1075 = arith.constant 0 : i32
        %broadcast_in_dim3A_1076 = vector.broadcast %jit3A_1075 : i32 to vector<16xi32>
        %select_n3A_1077 = arith.select %eq3A_1074, %broadcast_in_dim3A_1076, %add3A_1071 : vector<16xi1>, vector<16xi32>
        %add3A_1078 = arith.addi %add3A_503, %select_n3A_1077 : vector<16xi32>
        %gather3A_1079 = tpu.vector_load_idx %arg7[%broadcast_in_dim3A_58, %add3A_1078] masked %ge3A_499 : memref<448x81xf32, #tpu.memory_space<vmem>>[vector<16xi32>, vector<16xi32>], vector<16xf32>, vector<16xi1>
        %max3A_1080 = arith.maximumf %max3A_1068, %gather3A_1079 : vector<16xf32>
        %add3A_1081 = arith.constant 1 : i32
        %add3A_1082 = vector.broadcast %add3A_1081 : i32 to vector<16xi32>
        %add3A_1083 = arith.addi %select_n3A_1077, %add3A_1082 : vector<16xi32>
        %eq3A_1084 = arith.constant 80 : i32
        %eq3A_1085 = vector.broadcast %eq3A_1084 : i32 to vector<16xi32>
        %eq3A_1086 = arith.cmpi eq, %add3A_1083, %eq3A_1085 : vector<16xi32>
        %jit3A_1087 = arith.constant 0 : i32
        %broadcast_in_dim3A_1088 = vector.broadcast %jit3A_1087 : i32 to vector<16xi32>
        %select_n3A_1089 = arith.select %eq3A_1086, %broadcast_in_dim3A_1088, %add3A_1083 : vector<16xi1>, vector<16xi32>
        %add3A_1090 = arith.addi %add3A_503, %select_n3A_1089 : vector<16xi32>
        %gather3A_1091 = tpu.vector_load_idx %arg7[%broadcast_in_dim3A_58, %add3A_1090] masked %ge3A_499 : memref<448x81xf32, #tpu.memory_space<vmem>>[vector<16xi32>, vector<16xi32>], vector<16xf32>, vector<16xi1>
        %max3A_1092 = arith.maximumf %max3A_1080, %gather3A_1091 : vector<16xf32>
        %add3A_1093 = arith.constant 1 : i32
        %add3A_1094 = vector.broadcast %add3A_1093 : i32 to vector<16xi32>
        %add3A_1095 = arith.addi %select_n3A_1089, %add3A_1094 : vector<16xi32>
        %eq3A_1096 = arith.constant 80 : i32
        %eq3A_1097 = vector.broadcast %eq3A_1096 : i32 to vector<16xi32>
        %eq3A_1098 = arith.cmpi eq, %add3A_1095, %eq3A_1097 : vector<16xi32>
        %jit3A_1099 = arith.constant 0 : i32
        %broadcast_in_dim3A_1100 = vector.broadcast %jit3A_1099 : i32 to vector<16xi32>
        %select_n3A_1101 = arith.select %eq3A_1098, %broadcast_in_dim3A_1100, %add3A_1095 : vector<16xi1>, vector<16xi32>
        %add3A_1102 = arith.addi %add3A_503, %select_n3A_1101 : vector<16xi32>
        %gather3A_1103 = tpu.vector_load_idx %arg7[%broadcast_in_dim3A_58, %add3A_1102] masked %ge3A_499 : memref<448x81xf32, #tpu.memory_space<vmem>>[vector<16xi32>, vector<16xi32>], vector<16xf32>, vector<16xi1>
        %max3A_1104 = arith.maximumf %max3A_1092, %gather3A_1103 : vector<16xf32>
        %add3A_1105 = arith.constant 1 : i32
        %add3A_1106 = vector.broadcast %add3A_1105 : i32 to vector<16xi32>
        %add3A_1107 = arith.addi %select_n3A_1101, %add3A_1106 : vector<16xi32>
        %eq3A_1108 = arith.constant 80 : i32
        %eq3A_1109 = vector.broadcast %eq3A_1108 : i32 to vector<16xi32>
        %eq3A_1110 = arith.cmpi eq, %add3A_1107, %eq3A_1109 : vector<16xi32>
        %jit3A_1111 = arith.constant 0 : i32
        %broadcast_in_dim3A_1112 = vector.broadcast %jit3A_1111 : i32 to vector<16xi32>
        %select_n3A_1113 = arith.select %eq3A_1110, %broadcast_in_dim3A_1112, %add3A_1107 : vector<16xi1>, vector<16xi32>
        %add3A_1114 = arith.addi %add3A_503, %select_n3A_1113 : vector<16xi32>
        %gather3A_1115 = tpu.vector_load_idx %arg7[%broadcast_in_dim3A_58, %add3A_1114] masked %ge3A_499 : memref<448x81xf32, #tpu.memory_space<vmem>>[vector<16xi32>, vector<16xi32>], vector<16xf32>, vector<16xi1>
        %max3A_1116 = arith.maximumf %max3A_1104, %gather3A_1115 : vector<16xf32>
        %add3A_1117 = arith.constant 1 : i32
        %add3A_1118 = vector.broadcast %add3A_1117 : i32 to vector<16xi32>
        %add3A_1119 = arith.addi %select_n3A_1113, %add3A_1118 : vector<16xi32>
        %eq3A_1120 = arith.constant 80 : i32
        %eq3A_1121 = vector.broadcast %eq3A_1120 : i32 to vector<16xi32>
        %eq3A_1122 = arith.cmpi eq, %add3A_1119, %eq3A_1121 : vector<16xi32>
        %jit3A_1123 = arith.constant 0 : i32
        %broadcast_in_dim3A_1124 = vector.broadcast %jit3A_1123 : i32 to vector<16xi32>
        %select_n3A_1125 = arith.select %eq3A_1122, %broadcast_in_dim3A_1124, %add3A_1119 : vector<16xi1>, vector<16xi32>
        %add3A_1126 = arith.addi %add3A_503, %select_n3A_1125 : vector<16xi32>
        %gather3A_1127 = tpu.vector_load_idx %arg7[%broadcast_in_dim3A_58, %add3A_1126] masked %ge3A_499 : memref<448x81xf32, #tpu.memory_space<vmem>>[vector<16xi32>, vector<16xi32>], vector<16xf32>, vector<16xi1>
        %max3A_1128 = arith.maximumf %max3A_1116, %gather3A_1127 : vector<16xf32>
        %add3A_1129 = arith.constant 1 : i32
        %add3A_1130 = vector.broadcast %add3A_1129 : i32 to vector<16xi32>
        %add3A_1131 = arith.addi %select_n3A_1125, %add3A_1130 : vector<16xi32>
        %eq3A_1132 = arith.constant 80 : i32
        %eq3A_1133 = vector.broadcast %eq3A_1132 : i32 to vector<16xi32>
        %eq3A_1134 = arith.cmpi eq, %add3A_1131, %eq3A_1133 : vector<16xi32>
        %jit3A_1135 = arith.constant 0 : i32
        %broadcast_in_dim3A_1136 = vector.broadcast %jit3A_1135 : i32 to vector<16xi32>
        %select_n3A_1137 = arith.select %eq3A_1134, %broadcast_in_dim3A_1136, %add3A_1131 : vector<16xi1>, vector<16xi32>
        %add3A_1138 = arith.addi %add3A_503, %select_n3A_1137 : vector<16xi32>
        %gather3A_1139 = tpu.vector_load_idx %arg7[%broadcast_in_dim3A_58, %add3A_1138] masked %ge3A_499 : memref<448x81xf32, #tpu.memory_space<vmem>>[vector<16xi32>, vector<16xi32>], vector<16xf32>, vector<16xi1>
        %max3A_1140 = arith.maximumf %max3A_1128, %gather3A_1139 : vector<16xf32>
        %add3A_1141 = arith.constant 1 : i32
        %add3A_1142 = vector.broadcast %add3A_1141 : i32 to vector<16xi32>
        %add3A_1143 = arith.addi %select_n3A_1137, %add3A_1142 : vector<16xi32>
        %eq3A_1144 = arith.constant 80 : i32
        %eq3A_1145 = vector.broadcast %eq3A_1144 : i32 to vector<16xi32>
        %eq3A_1146 = arith.cmpi eq, %add3A_1143, %eq3A_1145 : vector<16xi32>
        %jit3A_1147 = arith.constant 0 : i32
        %broadcast_in_dim3A_1148 = vector.broadcast %jit3A_1147 : i32 to vector<16xi32>
        %select_n3A_1149 = arith.select %eq3A_1146, %broadcast_in_dim3A_1148, %add3A_1143 : vector<16xi1>, vector<16xi32>
        %add3A_1150 = arith.addi %add3A_503, %select_n3A_1149 : vector<16xi32>
        %gather3A_1151 = tpu.vector_load_idx %arg7[%broadcast_in_dim3A_58, %add3A_1150] masked %ge3A_499 : memref<448x81xf32, #tpu.memory_space<vmem>>[vector<16xi32>, vector<16xi32>], vector<16xf32>, vector<16xi1>
        %max3A_1152 = arith.maximumf %max3A_1140, %gather3A_1151 : vector<16xf32>
        %add3A_1153 = arith.constant 1 : i32
        %add3A_1154 = vector.broadcast %add3A_1153 : i32 to vector<16xi32>
        %add3A_1155 = arith.addi %select_n3A_1149, %add3A_1154 : vector<16xi32>
        %eq3A_1156 = arith.constant 80 : i32
        %eq3A_1157 = vector.broadcast %eq3A_1156 : i32 to vector<16xi32>
        %eq3A_1158 = arith.cmpi eq, %add3A_1155, %eq3A_1157 : vector<16xi32>
        %jit3A_1159 = arith.constant 0 : i32
        %broadcast_in_dim3A_1160 = vector.broadcast %jit3A_1159 : i32 to vector<16xi32>
        %select_n3A_1161 = arith.select %eq3A_1158, %broadcast_in_dim3A_1160, %add3A_1155 : vector<16xi1>, vector<16xi32>
        %add3A_1162 = arith.addi %add3A_503, %select_n3A_1161 : vector<16xi32>
        %gather3A_1163 = tpu.vector_load_idx %arg7[%broadcast_in_dim3A_58, %add3A_1162] masked %ge3A_499 : memref<448x81xf32, #tpu.memory_space<vmem>>[vector<16xi32>, vector<16xi32>], vector<16xf32>, vector<16xi1>
        %max3A_1164 = arith.maximumf %max3A_1152, %gather3A_1163 : vector<16xf32>
        %add3A_1165 = arith.constant 1 : i32
        %add3A_1166 = vector.broadcast %add3A_1165 : i32 to vector<16xi32>
        %add3A_1167 = arith.addi %select_n3A_1161, %add3A_1166 : vector<16xi32>
        %eq3A_1168 = arith.constant 80 : i32
        %eq3A_1169 = vector.broadcast %eq3A_1168 : i32 to vector<16xi32>
        %eq3A_1170 = arith.cmpi eq, %add3A_1167, %eq3A_1169 : vector<16xi32>
        %jit3A_1171 = arith.constant 0 : i32
        %broadcast_in_dim3A_1172 = vector.broadcast %jit3A_1171 : i32 to vector<16xi32>
        %select_n3A_1173 = arith.select %eq3A_1170, %broadcast_in_dim3A_1172, %add3A_1167 : vector<16xi1>, vector<16xi32>
        %add3A_1174 = arith.addi %add3A_503, %select_n3A_1173 : vector<16xi32>
        %gather3A_1175 = tpu.vector_load_idx %arg7[%broadcast_in_dim3A_58, %add3A_1174] masked %ge3A_499 : memref<448x81xf32, #tpu.memory_space<vmem>>[vector<16xi32>, vector<16xi32>], vector<16xf32>, vector<16xi1>
        %max3A_1176 = arith.maximumf %max3A_1164, %gather3A_1175 : vector<16xf32>
        %add3A_1177 = arith.constant 1 : i32
        %add3A_1178 = vector.broadcast %add3A_1177 : i32 to vector<16xi32>
        %add3A_1179 = arith.addi %select_n3A_1173, %add3A_1178 : vector<16xi32>
        %eq3A_1180 = arith.constant 80 : i32
        %eq3A_1181 = vector.broadcast %eq3A_1180 : i32 to vector<16xi32>
        %eq3A_1182 = arith.cmpi eq, %add3A_1179, %eq3A_1181 : vector<16xi32>
        %jit3A_1183 = arith.constant 0 : i32
        %broadcast_in_dim3A_1184 = vector.broadcast %jit3A_1183 : i32 to vector<16xi32>
        %select_n3A_1185 = arith.select %eq3A_1182, %broadcast_in_dim3A_1184, %add3A_1179 : vector<16xi1>, vector<16xi32>
        %add3A_1186 = arith.addi %add3A_503, %select_n3A_1185 : vector<16xi32>
        %gather3A_1187 = tpu.vector_load_idx %arg7[%broadcast_in_dim3A_58, %add3A_1186] masked %ge3A_499 : memref<448x81xf32, #tpu.memory_space<vmem>>[vector<16xi32>, vector<16xi32>], vector<16xf32>, vector<16xi1>
        %max3A_1188 = arith.maximumf %max3A_1176, %gather3A_1187 : vector<16xf32>
        %add3A_1189 = arith.constant 1 : i32
        %add3A_1190 = vector.broadcast %add3A_1189 : i32 to vector<16xi32>
        %add3A_1191 = arith.addi %select_n3A_1185, %add3A_1190 : vector<16xi32>
        %eq3A_1192 = arith.constant 80 : i32
        %eq3A_1193 = vector.broadcast %eq3A_1192 : i32 to vector<16xi32>
        %eq3A_1194 = arith.cmpi eq, %add3A_1191, %eq3A_1193 : vector<16xi32>
        %jit3A_1195 = arith.constant 0 : i32
        %broadcast_in_dim3A_1196 = vector.broadcast %jit3A_1195 : i32 to vector<16xi32>
        %select_n3A_1197 = arith.select %eq3A_1194, %broadcast_in_dim3A_1196, %add3A_1191 : vector<16xi1>, vector<16xi32>
        %add3A_1198 = arith.addi %add3A_503, %select_n3A_1197 : vector<16xi32>
        %gather3A_1199 = tpu.vector_load_idx %arg7[%broadcast_in_dim3A_58, %add3A_1198] masked %ge3A_499 : memref<448x81xf32, #tpu.memory_space<vmem>>[vector<16xi32>, vector<16xi32>], vector<16xf32>, vector<16xi1>
        %max3A_1200 = arith.maximumf %max3A_1188, %gather3A_1199 : vector<16xf32>
        %add3A_1201 = arith.constant 1 : i32
        %add3A_1202 = vector.broadcast %add3A_1201 : i32 to vector<16xi32>
        %add3A_1203 = arith.addi %select_n3A_1197, %add3A_1202 : vector<16xi32>
        %eq3A_1204 = arith.constant 80 : i32
        %eq3A_1205 = vector.broadcast %eq3A_1204 : i32 to vector<16xi32>
        %eq3A_1206 = arith.cmpi eq, %add3A_1203, %eq3A_1205 : vector<16xi32>
        %jit3A_1207 = arith.constant 0 : i32
        %broadcast_in_dim3A_1208 = vector.broadcast %jit3A_1207 : i32 to vector<16xi32>
        %select_n3A_1209 = arith.select %eq3A_1206, %broadcast_in_dim3A_1208, %add3A_1203 : vector<16xi1>, vector<16xi32>
        %add3A_1210 = arith.addi %add3A_503, %select_n3A_1209 : vector<16xi32>
        %gather3A_1211 = tpu.vector_load_idx %arg7[%broadcast_in_dim3A_58, %add3A_1210] masked %ge3A_499 : memref<448x81xf32, #tpu.memory_space<vmem>>[vector<16xi32>, vector<16xi32>], vector<16xf32>, vector<16xi1>
        %max3A_1212 = arith.maximumf %max3A_1200, %gather3A_1211 : vector<16xf32>
        %add3A_1213 = arith.constant 1 : i32
        %add3A_1214 = vector.broadcast %add3A_1213 : i32 to vector<16xi32>
        %add3A_1215 = arith.addi %select_n3A_1209, %add3A_1214 : vector<16xi32>
        %eq3A_1216 = arith.constant 80 : i32
        %eq3A_1217 = vector.broadcast %eq3A_1216 : i32 to vector<16xi32>
        %eq3A_1218 = arith.cmpi eq, %add3A_1215, %eq3A_1217 : vector<16xi32>
        %jit3A_1219 = arith.constant 0 : i32
        %broadcast_in_dim3A_1220 = vector.broadcast %jit3A_1219 : i32 to vector<16xi32>
        %select_n3A_1221 = arith.select %eq3A_1218, %broadcast_in_dim3A_1220, %add3A_1215 : vector<16xi1>, vector<16xi32>
        %add3A_1222 = arith.addi %add3A_503, %select_n3A_1221 : vector<16xi32>
        %gather3A_1223 = tpu.vector_load_idx %arg7[%broadcast_in_dim3A_58, %add3A_1222] masked %ge3A_499 : memref<448x81xf32, #tpu.memory_space<vmem>>[vector<16xi32>, vector<16xi32>], vector<16xf32>, vector<16xi1>
        %max3A_1224 = arith.maximumf %max3A_1212, %gather3A_1223 : vector<16xf32>
        %add3A_1225 = arith.constant 1 : i32
        %add3A_1226 = vector.broadcast %add3A_1225 : i32 to vector<16xi32>
        %add3A_1227 = arith.addi %select_n3A_1221, %add3A_1226 : vector<16xi32>
        %eq3A_1228 = arith.constant 80 : i32
        %eq3A_1229 = vector.broadcast %eq3A_1228 : i32 to vector<16xi32>
        %eq3A_1230 = arith.cmpi eq, %add3A_1227, %eq3A_1229 : vector<16xi32>
        %jit3A_1231 = arith.constant 0 : i32
        %broadcast_in_dim3A_1232 = vector.broadcast %jit3A_1231 : i32 to vector<16xi32>
        %select_n3A_1233 = arith.select %eq3A_1230, %broadcast_in_dim3A_1232, %add3A_1227 : vector<16xi1>, vector<16xi32>
        %add3A_1234 = arith.addi %add3A_503, %select_n3A_1233 : vector<16xi32>
        %gather3A_1235 = tpu.vector_load_idx %arg7[%broadcast_in_dim3A_58, %add3A_1234] masked %ge3A_499 : memref<448x81xf32, #tpu.memory_space<vmem>>[vector<16xi32>, vector<16xi32>], vector<16xf32>, vector<16xi1>
        %max3A_1236 = arith.maximumf %max3A_1224, %gather3A_1235 : vector<16xf32>
        %add3A_1237 = arith.constant 1 : i32
        %add3A_1238 = vector.broadcast %add3A_1237 : i32 to vector<16xi32>
        %add3A_1239 = arith.addi %select_n3A_1233, %add3A_1238 : vector<16xi32>
        %eq3A_1240 = arith.constant 80 : i32
        %eq3A_1241 = vector.broadcast %eq3A_1240 : i32 to vector<16xi32>
        %eq3A_1242 = arith.cmpi eq, %add3A_1239, %eq3A_1241 : vector<16xi32>
        %jit3A_1243 = arith.constant 0 : i32
        %broadcast_in_dim3A_1244 = vector.broadcast %jit3A_1243 : i32 to vector<16xi32>
        %select_n3A_1245 = arith.select %eq3A_1242, %broadcast_in_dim3A_1244, %add3A_1239 : vector<16xi1>, vector<16xi32>
        %add3A_1246 = arith.addi %add3A_503, %select_n3A_1245 : vector<16xi32>
        %gather3A_1247 = tpu.vector_load_idx %arg7[%broadcast_in_dim3A_58, %add3A_1246] masked %ge3A_499 : memref<448x81xf32, #tpu.memory_space<vmem>>[vector<16xi32>, vector<16xi32>], vector<16xf32>, vector<16xi1>
        %max3A_1248 = arith.maximumf %max3A_1236, %gather3A_1247 : vector<16xf32>
        %add3A_1249 = arith.constant 1 : i32
        %add3A_1250 = vector.broadcast %add3A_1249 : i32 to vector<16xi32>
        %add3A_1251 = arith.addi %select_n3A_1245, %add3A_1250 : vector<16xi32>
        %eq3A_1252 = arith.constant 80 : i32
        %eq3A_1253 = vector.broadcast %eq3A_1252 : i32 to vector<16xi32>
        %eq3A_1254 = arith.cmpi eq, %add3A_1251, %eq3A_1253 : vector<16xi32>
        %jit3A_1255 = arith.constant 0 : i32
        %broadcast_in_dim3A_1256 = vector.broadcast %jit3A_1255 : i32 to vector<16xi32>
        %select_n3A_1257 = arith.select %eq3A_1254, %broadcast_in_dim3A_1256, %add3A_1251 : vector<16xi1>, vector<16xi32>
        %add3A_1258 = arith.addi %add3A_503, %select_n3A_1257 : vector<16xi32>
        %gather3A_1259 = tpu.vector_load_idx %arg7[%broadcast_in_dim3A_58, %add3A_1258] masked %ge3A_499 : memref<448x81xf32, #tpu.memory_space<vmem>>[vector<16xi32>, vector<16xi32>], vector<16xf32>, vector<16xi1>
        %max3A_1260 = arith.maximumf %max3A_1248, %gather3A_1259 : vector<16xf32>
        %add3A_1261 = arith.constant 1 : i32
        %add3A_1262 = vector.broadcast %add3A_1261 : i32 to vector<16xi32>
        %add3A_1263 = arith.addi %select_n3A_1257, %add3A_1262 : vector<16xi32>
        %eq3A_1264 = arith.constant 80 : i32
        %eq3A_1265 = vector.broadcast %eq3A_1264 : i32 to vector<16xi32>
        %eq3A_1266 = arith.cmpi eq, %add3A_1263, %eq3A_1265 : vector<16xi32>
        %jit3A_1267 = arith.constant 0 : i32
        %broadcast_in_dim3A_1268 = vector.broadcast %jit3A_1267 : i32 to vector<16xi32>
        %select_n3A_1269 = arith.select %eq3A_1266, %broadcast_in_dim3A_1268, %add3A_1263 : vector<16xi1>, vector<16xi32>
        %add3A_1270 = arith.addi %add3A_503, %select_n3A_1269 : vector<16xi32>
        %gather3A_1271 = tpu.vector_load_idx %arg7[%broadcast_in_dim3A_58, %add3A_1270] masked %ge3A_499 : memref<448x81xf32, #tpu.memory_space<vmem>>[vector<16xi32>, vector<16xi32>], vector<16xf32>, vector<16xi1>
        %max3A_1272 = arith.maximumf %max3A_1260, %gather3A_1271 : vector<16xf32>
        %add3A_1273 = arith.constant 1 : i32
        %add3A_1274 = vector.broadcast %add3A_1273 : i32 to vector<16xi32>
        %add3A_1275 = arith.addi %select_n3A_1269, %add3A_1274 : vector<16xi32>
        %eq3A_1276 = arith.constant 80 : i32
        %eq3A_1277 = vector.broadcast %eq3A_1276 : i32 to vector<16xi32>
        %eq3A_1278 = arith.cmpi eq, %add3A_1275, %eq3A_1277 : vector<16xi32>
        %jit3A_1279 = arith.constant 0 : i32
        %broadcast_in_dim3A_1280 = vector.broadcast %jit3A_1279 : i32 to vector<16xi32>
        %select_n3A_1281 = arith.select %eq3A_1278, %broadcast_in_dim3A_1280, %add3A_1275 : vector<16xi1>, vector<16xi32>
        %add3A_1282 = arith.addi %add3A_503, %select_n3A_1281 : vector<16xi32>
        %gather3A_1283 = tpu.vector_load_idx %arg7[%broadcast_in_dim3A_58, %add3A_1282] masked %ge3A_499 : memref<448x81xf32, #tpu.memory_space<vmem>>[vector<16xi32>, vector<16xi32>], vector<16xf32>, vector<16xi1>
        %max3A_1284 = arith.maximumf %max3A_1272, %gather3A_1283 : vector<16xf32>
        %add3A_1285 = arith.constant 1 : i32
        %add3A_1286 = vector.broadcast %add3A_1285 : i32 to vector<16xi32>
        %add3A_1287 = arith.addi %select_n3A_1281, %add3A_1286 : vector<16xi32>
        %eq3A_1288 = arith.constant 80 : i32
        %eq3A_1289 = vector.broadcast %eq3A_1288 : i32 to vector<16xi32>
        %eq3A_1290 = arith.cmpi eq, %add3A_1287, %eq3A_1289 : vector<16xi32>
        %jit3A_1291 = arith.constant 0 : i32
        %broadcast_in_dim3A_1292 = vector.broadcast %jit3A_1291 : i32 to vector<16xi32>
        %select_n3A_1293 = arith.select %eq3A_1290, %broadcast_in_dim3A_1292, %add3A_1287 : vector<16xi1>, vector<16xi32>
        %add3A_1294 = arith.addi %add3A_503, %select_n3A_1293 : vector<16xi32>
        %gather3A_1295 = tpu.vector_load_idx %arg7[%broadcast_in_dim3A_58, %add3A_1294] masked %ge3A_499 : memref<448x81xf32, #tpu.memory_space<vmem>>[vector<16xi32>, vector<16xi32>], vector<16xf32>, vector<16xi1>
        %max3A_1296 = arith.maximumf %max3A_1284, %gather3A_1295 : vector<16xf32>
        %add3A_1297 = arith.constant 1 : i32
        %add3A_1298 = vector.broadcast %add3A_1297 : i32 to vector<16xi32>
        %add3A_1299 = arith.addi %select_n3A_1293, %add3A_1298 : vector<16xi32>
        %eq3A_1300 = arith.constant 80 : i32
        %eq3A_1301 = vector.broadcast %eq3A_1300 : i32 to vector<16xi32>
        %eq3A_1302 = arith.cmpi eq, %add3A_1299, %eq3A_1301 : vector<16xi32>
        %jit3A_1303 = arith.constant 0 : i32
        %broadcast_in_dim3A_1304 = vector.broadcast %jit3A_1303 : i32 to vector<16xi32>
        %select_n3A_1305 = arith.select %eq3A_1302, %broadcast_in_dim3A_1304, %add3A_1299 : vector<16xi1>, vector<16xi32>
        %add3A_1306 = arith.addi %add3A_503, %select_n3A_1305 : vector<16xi32>
        %gather3A_1307 = tpu.vector_load_idx %arg7[%broadcast_in_dim3A_58, %add3A_1306] masked %ge3A_499 : memref<448x81xf32, #tpu.memory_space<vmem>>[vector<16xi32>, vector<16xi32>], vector<16xf32>, vector<16xi1>
        %max3A_1308 = arith.maximumf %max3A_1296, %gather3A_1307 : vector<16xf32>
        %add3A_1309 = arith.constant 1 : i32
        %add3A_1310 = vector.broadcast %add3A_1309 : i32 to vector<16xi32>
        %add3A_1311 = arith.addi %select_n3A_1305, %add3A_1310 : vector<16xi32>
        %eq3A_1312 = arith.constant 80 : i32
        %eq3A_1313 = vector.broadcast %eq3A_1312 : i32 to vector<16xi32>
        %eq3A_1314 = arith.cmpi eq, %add3A_1311, %eq3A_1313 : vector<16xi32>
        %jit3A_1315 = arith.constant 0 : i32
        %broadcast_in_dim3A_1316 = vector.broadcast %jit3A_1315 : i32 to vector<16xi32>
        %select_n3A_1317 = arith.select %eq3A_1314, %broadcast_in_dim3A_1316, %add3A_1311 : vector<16xi1>, vector<16xi32>
        %add3A_1318 = arith.addi %add3A_503, %select_n3A_1317 : vector<16xi32>
        %gather3A_1319 = tpu.vector_load_idx %arg7[%broadcast_in_dim3A_58, %add3A_1318] masked %ge3A_499 : memref<448x81xf32, #tpu.memory_space<vmem>>[vector<16xi32>, vector<16xi32>], vector<16xf32>, vector<16xi1>
        %max3A_1320 = arith.maximumf %max3A_1308, %gather3A_1319 : vector<16xf32>
        %add3A_1321 = arith.constant 1 : i32
        %add3A_1322 = vector.broadcast %add3A_1321 : i32 to vector<16xi32>
        %add3A_1323 = arith.addi %select_n3A_1317, %add3A_1322 : vector<16xi32>
        %eq3A_1324 = arith.constant 80 : i32
        %eq3A_1325 = vector.broadcast %eq3A_1324 : i32 to vector<16xi32>
        %eq3A_1326 = arith.cmpi eq, %add3A_1323, %eq3A_1325 : vector<16xi32>
        %jit3A_1327 = arith.constant 0 : i32
        %broadcast_in_dim3A_1328 = vector.broadcast %jit3A_1327 : i32 to vector<16xi32>
        %select_n3A_1329 = arith.select %eq3A_1326, %broadcast_in_dim3A_1328, %add3A_1323 : vector<16xi1>, vector<16xi32>
        %add3A_1330 = arith.addi %add3A_503, %select_n3A_1329 : vector<16xi32>
        %gather3A_1331 = tpu.vector_load_idx %arg7[%broadcast_in_dim3A_58, %add3A_1330] masked %ge3A_499 : memref<448x81xf32, #tpu.memory_space<vmem>>[vector<16xi32>, vector<16xi32>], vector<16xf32>, vector<16xi1>
        %max3A_1332 = arith.maximumf %max3A_1320, %gather3A_1331 : vector<16xf32>
        %add3A_1333 = arith.constant 1 : i32
        %add3A_1334 = vector.broadcast %add3A_1333 : i32 to vector<16xi32>
        %add3A_1335 = arith.addi %select_n3A_1329, %add3A_1334 : vector<16xi32>
        %eq3A_1336 = arith.constant 80 : i32
        %eq3A_1337 = vector.broadcast %eq3A_1336 : i32 to vector<16xi32>
        %eq3A_1338 = arith.cmpi eq, %add3A_1335, %eq3A_1337 : vector<16xi32>
        %jit3A_1339 = arith.constant 0 : i32
        %broadcast_in_dim3A_1340 = vector.broadcast %jit3A_1339 : i32 to vector<16xi32>
        %select_n3A_1341 = arith.select %eq3A_1338, %broadcast_in_dim3A_1340, %add3A_1335 : vector<16xi1>, vector<16xi32>
        %add3A_1342 = arith.addi %add3A_503, %select_n3A_1341 : vector<16xi32>
        %gather3A_1343 = tpu.vector_load_idx %arg7[%broadcast_in_dim3A_58, %add3A_1342] masked %ge3A_499 : memref<448x81xf32, #tpu.memory_space<vmem>>[vector<16xi32>, vector<16xi32>], vector<16xf32>, vector<16xi1>
        %max3A_1344 = arith.maximumf %max3A_1332, %gather3A_1343 : vector<16xf32>
        %add3A_1345 = arith.constant 1 : i32
        %add3A_1346 = vector.broadcast %add3A_1345 : i32 to vector<16xi32>
        %add3A_1347 = arith.addi %select_n3A_1341, %add3A_1346 : vector<16xi32>
        %eq3A_1348 = arith.constant 80 : i32
        %eq3A_1349 = vector.broadcast %eq3A_1348 : i32 to vector<16xi32>
        %eq3A_1350 = arith.cmpi eq, %add3A_1347, %eq3A_1349 : vector<16xi32>
        %jit3A_1351 = arith.constant 0 : i32
        %broadcast_in_dim3A_1352 = vector.broadcast %jit3A_1351 : i32 to vector<16xi32>
        %select_n3A_1353 = arith.select %eq3A_1350, %broadcast_in_dim3A_1352, %add3A_1347 : vector<16xi1>, vector<16xi32>
        %add3A_1354 = arith.addi %add3A_503, %select_n3A_1353 : vector<16xi32>
        %gather3A_1355 = tpu.vector_load_idx %arg7[%broadcast_in_dim3A_58, %add3A_1354] masked %ge3A_499 : memref<448x81xf32, #tpu.memory_space<vmem>>[vector<16xi32>, vector<16xi32>], vector<16xf32>, vector<16xi1>
        %max3A_1356 = arith.maximumf %max3A_1344, %gather3A_1355 : vector<16xf32>
        %add3A_1357 = arith.constant 1 : i32
        %add3A_1358 = vector.broadcast %add3A_1357 : i32 to vector<16xi32>
        %add3A_1359 = arith.addi %select_n3A_1353, %add3A_1358 : vector<16xi32>
        %eq3A_1360 = arith.constant 80 : i32
        %eq3A_1361 = vector.broadcast %eq3A_1360 : i32 to vector<16xi32>
        %eq3A_1362 = arith.cmpi eq, %add3A_1359, %eq3A_1361 : vector<16xi32>
        %jit3A_1363 = arith.constant 0 : i32
        %broadcast_in_dim3A_1364 = vector.broadcast %jit3A_1363 : i32 to vector<16xi32>
        %select_n3A_1365 = arith.select %eq3A_1362, %broadcast_in_dim3A_1364, %add3A_1359 : vector<16xi1>, vector<16xi32>
        %add3A_1366 = arith.addi %add3A_503, %select_n3A_1365 : vector<16xi32>
        %gather3A_1367 = tpu.vector_load_idx %arg7[%broadcast_in_dim3A_58, %add3A_1366] masked %ge3A_499 : memref<448x81xf32, #tpu.memory_space<vmem>>[vector<16xi32>, vector<16xi32>], vector<16xf32>, vector<16xi1>
        %max3A_1368 = arith.maximumf %max3A_1356, %gather3A_1367 : vector<16xf32>
        %add3A_1369 = arith.constant 1 : i32
        %add3A_1370 = vector.broadcast %add3A_1369 : i32 to vector<16xi32>
        %add3A_1371 = arith.addi %select_n3A_1365, %add3A_1370 : vector<16xi32>
        %eq3A_1372 = arith.constant 80 : i32
        %eq3A_1373 = vector.broadcast %eq3A_1372 : i32 to vector<16xi32>
        %eq3A_1374 = arith.cmpi eq, %add3A_1371, %eq3A_1373 : vector<16xi32>
        %jit3A_1375 = arith.constant 0 : i32
        %broadcast_in_dim3A_1376 = vector.broadcast %jit3A_1375 : i32 to vector<16xi32>
        %select_n3A_1377 = arith.select %eq3A_1374, %broadcast_in_dim3A_1376, %add3A_1371 : vector<16xi1>, vector<16xi32>
        %add3A_1378 = arith.addi %add3A_503, %select_n3A_1377 : vector<16xi32>
        %gather3A_1379 = tpu.vector_load_idx %arg7[%broadcast_in_dim3A_58, %add3A_1378] masked %ge3A_499 : memref<448x81xf32, #tpu.memory_space<vmem>>[vector<16xi32>, vector<16xi32>], vector<16xf32>, vector<16xi1>
        %max3A_1380 = arith.maximumf %max3A_1368, %gather3A_1379 : vector<16xf32>
        %add3A_1381 = arith.constant 1 : i32
        %add3A_1382 = vector.broadcast %add3A_1381 : i32 to vector<16xi32>
        %add3A_1383 = arith.addi %select_n3A_1377, %add3A_1382 : vector<16xi32>
        %eq3A_1384 = arith.constant 80 : i32
        %eq3A_1385 = vector.broadcast %eq3A_1384 : i32 to vector<16xi32>
        %eq3A_1386 = arith.cmpi eq, %add3A_1383, %eq3A_1385 : vector<16xi32>
        %jit3A_1387 = arith.constant 0 : i32
        %broadcast_in_dim3A_1388 = vector.broadcast %jit3A_1387 : i32 to vector<16xi32>
        %select_n3A_1389 = arith.select %eq3A_1386, %broadcast_in_dim3A_1388, %add3A_1383 : vector<16xi1>, vector<16xi32>
        %add3A_1390 = arith.addi %add3A_503, %select_n3A_1389 : vector<16xi32>
        %gather3A_1391 = tpu.vector_load_idx %arg7[%broadcast_in_dim3A_58, %add3A_1390] masked %ge3A_499 : memref<448x81xf32, #tpu.memory_space<vmem>>[vector<16xi32>, vector<16xi32>], vector<16xf32>, vector<16xi1>
        %max3A_1392 = arith.maximumf %max3A_1380, %gather3A_1391 : vector<16xf32>
        %add3A_1393 = arith.constant 1 : i32
        %add3A_1394 = vector.broadcast %add3A_1393 : i32 to vector<16xi32>
        %add3A_1395 = arith.addi %select_n3A_1389, %add3A_1394 : vector<16xi32>
        %eq3A_1396 = arith.constant 80 : i32
        %eq3A_1397 = vector.broadcast %eq3A_1396 : i32 to vector<16xi32>
        %eq3A_1398 = arith.cmpi eq, %add3A_1395, %eq3A_1397 : vector<16xi32>
        %jit3A_1399 = arith.constant 0 : i32
        %broadcast_in_dim3A_1400 = vector.broadcast %jit3A_1399 : i32 to vector<16xi32>
        %select_n3A_1401 = arith.select %eq3A_1398, %broadcast_in_dim3A_1400, %add3A_1395 : vector<16xi1>, vector<16xi32>
        %add3A_1402 = arith.addi %add3A_503, %select_n3A_1401 : vector<16xi32>
        %gather3A_1403 = tpu.vector_load_idx %arg7[%broadcast_in_dim3A_58, %add3A_1402] masked %ge3A_499 : memref<448x81xf32, #tpu.memory_space<vmem>>[vector<16xi32>, vector<16xi32>], vector<16xf32>, vector<16xi1>
        %max3A_1404 = arith.maximumf %max3A_1392, %gather3A_1403 : vector<16xf32>
        %add3A_1405 = arith.constant 1 : i32
        %add3A_1406 = vector.broadcast %add3A_1405 : i32 to vector<16xi32>
        %add3A_1407 = arith.addi %select_n3A_1401, %add3A_1406 : vector<16xi32>
        %eq3A_1408 = arith.constant 80 : i32
        %eq3A_1409 = vector.broadcast %eq3A_1408 : i32 to vector<16xi32>
        %eq3A_1410 = arith.cmpi eq, %add3A_1407, %eq3A_1409 : vector<16xi32>
        %jit3A_1411 = arith.constant 0 : i32
        %broadcast_in_dim3A_1412 = vector.broadcast %jit3A_1411 : i32 to vector<16xi32>
        %select_n3A_1413 = arith.select %eq3A_1410, %broadcast_in_dim3A_1412, %add3A_1407 : vector<16xi1>, vector<16xi32>
        %add3A_1414 = arith.addi %add3A_503, %select_n3A_1413 : vector<16xi32>
        %gather3A_1415 = tpu.vector_load_idx %arg7[%broadcast_in_dim3A_58, %add3A_1414] masked %ge3A_499 : memref<448x81xf32, #tpu.memory_space<vmem>>[vector<16xi32>, vector<16xi32>], vector<16xf32>, vector<16xi1>
        %max3A_1416 = arith.maximumf %max3A_1404, %gather3A_1415 : vector<16xf32>
        %add3A_1417 = arith.constant 1 : i32
        %add3A_1418 = vector.broadcast %add3A_1417 : i32 to vector<16xi32>
        %add3A_1419 = arith.addi %select_n3A_1413, %add3A_1418 : vector<16xi32>
        %eq3A_1420 = arith.constant 80 : i32
        %eq3A_1421 = vector.broadcast %eq3A_1420 : i32 to vector<16xi32>
        %eq3A_1422 = arith.cmpi eq, %add3A_1419, %eq3A_1421 : vector<16xi32>
        %jit3A_1423 = arith.constant 0 : i32
        %broadcast_in_dim3A_1424 = vector.broadcast %jit3A_1423 : i32 to vector<16xi32>
        %select_n3A_1425 = arith.select %eq3A_1422, %broadcast_in_dim3A_1424, %add3A_1419 : vector<16xi1>, vector<16xi32>
        %add3A_1426 = arith.addi %add3A_503, %select_n3A_1425 : vector<16xi32>
        %gather3A_1427 = tpu.vector_load_idx %arg7[%broadcast_in_dim3A_58, %add3A_1426] masked %ge3A_499 : memref<448x81xf32, #tpu.memory_space<vmem>>[vector<16xi32>, vector<16xi32>], vector<16xf32>, vector<16xi1>
        %max3A_1428 = arith.maximumf %max3A_1416, %gather3A_1427 : vector<16xf32>
        %add3A_1429 = arith.constant 1 : i32
        %add3A_1430 = vector.broadcast %add3A_1429 : i32 to vector<16xi32>
        %add3A_1431 = arith.addi %select_n3A_1425, %add3A_1430 : vector<16xi32>
        %eq3A_1432 = arith.constant 80 : i32
        %eq3A_1433 = vector.broadcast %eq3A_1432 : i32 to vector<16xi32>
        %eq3A_1434 = arith.cmpi eq, %add3A_1431, %eq3A_1433 : vector<16xi32>
        %jit3A_1435 = arith.constant 0 : i32
        %broadcast_in_dim3A_1436 = vector.broadcast %jit3A_1435 : i32 to vector<16xi32>
        %select_n3A_1437 = arith.select %eq3A_1434, %broadcast_in_dim3A_1436, %add3A_1431 : vector<16xi1>, vector<16xi32>
        %add3A_1438 = arith.addi %add3A_503, %select_n3A_1437 : vector<16xi32>
        %gather3A_1439 = tpu.vector_load_idx %arg7[%broadcast_in_dim3A_58, %add3A_1438] masked %ge3A_499 : memref<448x81xf32, #tpu.memory_space<vmem>>[vector<16xi32>, vector<16xi32>], vector<16xf32>, vector<16xi1>
        %max3A_1440 = arith.maximumf %max3A_1428, %gather3A_1439 : vector<16xf32>
        %add3A_1441 = arith.constant 1 : i32
        %add3A_1442 = vector.broadcast %add3A_1441 : i32 to vector<16xi32>
        %add3A_1443 = arith.addi %select_n3A_1437, %add3A_1442 : vector<16xi32>
        %eq3A_1444 = arith.constant 80 : i32
        %eq3A_1445 = vector.broadcast %eq3A_1444 : i32 to vector<16xi32>
        %eq3A_1446 = arith.cmpi eq, %add3A_1443, %eq3A_1445 : vector<16xi32>
        %jit3A_1447 = arith.constant 0 : i32
        %broadcast_in_dim3A_1448 = vector.broadcast %jit3A_1447 : i32 to vector<16xi32>
        %select_n3A_1449 = arith.select %eq3A_1446, %broadcast_in_dim3A_1448, %add3A_1443 : vector<16xi1>, vector<16xi32>
        %add3A_1450 = arith.addi %add3A_503, %select_n3A_1449 : vector<16xi32>
        %gather3A_1451 = tpu.vector_load_idx %arg7[%broadcast_in_dim3A_58, %add3A_1450] masked %ge3A_499 : memref<448x81xf32, #tpu.memory_space<vmem>>[vector<16xi32>, vector<16xi32>], vector<16xf32>, vector<16xi1>
        %max3A_1452 = arith.maximumf %max3A_1440, %gather3A_1451 : vector<16xf32>
        %mul3A_1453 = arith.constant 16 : i32
        %mul3A_1454 = arith.muli %scan3A_494, %mul3A_1453 : i32
        %get3A = arith.index_cast %mul3A_1454 : i32 to index
        %get3A_1455 = tpu.vector_load %arg9[%get3A] {strides = array<i32>} : memref<448xi32, #tpu.memory_space<vmem>>, vector<16xi32>,
        %mul3A_1456 = arith.constant 16 : i32
        %mul3A_1457 = arith.muli %scan3A_494, %mul3A_1456 : i32
        %get3A_1458 = arith.index_cast %mul3A_1457 : i32 to index
        %get3A_1459 = tpu.vector_load %arg11[%get3A_1458] {strides = array<i32>} : memref<448xi32, #tpu.memory_space<vmem>>, vector<16xi32>,
        %add3A_1460 = arith.addi %add3A_503, %get3A_1455 : vector<16xi32>
        %gather3A_1461 = tpu.vector_load_idx %arg7[%broadcast_in_dim3A_58, %add3A_1460] masked %ge3A_499 : memref<448x81xf32, #tpu.memory_space<vmem>>[vector<16xi32>, vector<16xi32>], vector<16xf32>, vector<16xi1>
        %eq3A_1462 = arith.cmpf oeq, %gather3A_1461, %max3A_1452 : vector<16xf32>
        %ne3A_1463 = arith.constant 0 : i32
        %ne3A_1464 = vector.broadcast %ne3A_1463 : i32 to vector<16xi32>
        %ne3A_1465 = arith.cmpi ne, %get3A_1459, %ne3A_1464 : vector<16xi32>
        %and3A_1466 = arith.andi %eq3A_1462, %ne3A_1465 : vector<16xi1>
        %jit3A_1467 = arith.constant 1.000000e+00 : f32
        %jit3A_1468 = arith.constant 0.000000e+00 : f32
        %broadcast_in_dim3A_1469 = vector.broadcast %jit3A_1467 : f32 to vector<16xf32>
        %broadcast_in_dim3A_1470 = vector.broadcast %jit3A_1468 : f32 to vector<16xf32>
        %select_n3A_1471 = arith.select %and3A_1466, %broadcast_in_dim3A_1469, %broadcast_in_dim3A_1470 : vector<16xi1>, vector<16xf32>
        %mul3A_1472 = arith.constant 1.000000e+01 : f32
        %mul3A_1473 = vector.broadcast %mul3A_1472 : f32 to vector<16xf32>
        %mul3A_1474 = arith.mulf %max3A_1452, %mul3A_1473 : vector<16xf32>
        %convert_element_type3A_1475 = arith.fptosi %mul3A_1474 : vector<16xf32> to vector<16xi32>
        %convert_element_type3A_1476 = arith.sitofp %convert_element_type3A_1475 : vector<16xi32> to vector<16xf32>
        %eq3A_1477 = arith.cmpf oeq, %convert_element_type3A_1476, %mul3A_1474 : vector<16xf32>
        %sub3A_1478 = arith.constant 1 : i32
        %sub3A_1479 = vector.broadcast %sub3A_1478 : i32 to vector<16xi32>
        %sub3A_1480 = arith.subi %convert_element_type3A_1475, %sub3A_1479 : vector<16xi32>
        %select_n3A_1481 = arith.select %eq3A_1477, %sub3A_1480, %convert_element_type3A_1475 : vector<16xi1>, vector<16xi32>
        %ge3A_1482 = arith.constant 0 : i32
        %ge3A_1483 = vector.broadcast %ge3A_1482 : i32 to vector<16xi32>
        %ge3A_1484 = arith.cmpi sge, %select_n3A_1481, %ge3A_1483 : vector<16xi32>
        %and3A_1485 = arith.andi %ge3A_499, %ge3A_1484 : vector<16xi1>
        %shift_left3A_1486 = arith.constant 4 : i32
        %shift_left3A_1487 = vector.broadcast %shift_left3A_1486 : i32 to vector<16xi32>
        %shift_left3A_1488 = arith.shli %select_n3A_1481, %shift_left3A_1487 : vector<16xi32>
        %add3A_1489 = arith.addi %shift_left3A_1488, %iota3A : vector<16xi32>
        tpu.vector_store_idx %arg12[%add3A_1489], %broadcast_in_dim3A_56 masked %and3A_1485 {add = true} : memref<256xf32, #tpu.memory_space<vmem>>[vector<16xi32>], vector<16xf32>, vector<16xi1>
        tpu.vector_store_idx %arg13[%add3A_1489], %select_n3A_1471 masked %and3A_1485 {add = true} : memref<256xf32, #tpu.memory_space<vmem>>[vector<16xi32>], vector<16xf32>, vector<16xi1>
        tpu.vector_store_idx %arg14[%add3A_1489], %max3A_1452 masked %and3A_1485 {add = true} : memref<256xf32, #tpu.memory_space<vmem>>[vector<16xi32>], vector<16xf32>, vector<16xi1>
      }
      %scan3A_493 = arith.constant 28 : i32
    }
    %scan3A_170 = arith.constant 18 : i32
    %shift_left3A = arith.constant 4 : i32
    %shift_left3A_171 = vector.broadcast %shift_left3A : i32 to vector<16xi32>
    %shift_left3A_172 = arith.shli %iota3A, %shift_left3A_171 : vector<16xi32>
    %add3A_173 = arith.constant 0 : i32
    %add3A_174 = vector.broadcast %add3A_173 : i32 to vector<16xi32>
    %add3A_175 = arith.addi %shift_left3A_172, %add3A_174 : vector<16xi32>
    %gather3A = tpu.vector_load_idx %arg12[%add3A_175] : memref<256xf32, #tpu.memory_space<vmem>>[vector<16xi32>], vector<16xf32>,
    %add3A_176 = arith.addf %broadcast_in_dim3A_54, %gather3A : vector<16xf32>
    %add3A_177 = arith.constant 0 : i32
    %add3A_178 = vector.broadcast %add3A_177 : i32 to vector<16xi32>
    %add3A_179 = arith.addi %shift_left3A_172, %add3A_178 : vector<16xi32>
    %gather3A_180 = tpu.vector_load_idx %arg13[%add3A_179] : memref<256xf32, #tpu.memory_space<vmem>>[vector<16xi32>], vector<16xf32>,
    %add3A_181 = arith.addf %broadcast_in_dim3A_54, %gather3A_180 : vector<16xf32>
    %add3A_182 = arith.constant 0 : i32
    %add3A_183 = vector.broadcast %add3A_182 : i32 to vector<16xi32>
    %add3A_184 = arith.addi %shift_left3A_172, %add3A_183 : vector<16xi32>
    %gather3A_185 = tpu.vector_load_idx %arg14[%add3A_184] : memref<256xf32, #tpu.memory_space<vmem>>[vector<16xi32>], vector<16xf32>,
    %add3A_186 = arith.addf %broadcast_in_dim3A_54, %gather3A_185 : vector<16xf32>
    %add3A_187 = arith.constant 1 : i32
    %add3A_188 = vector.broadcast %add3A_187 : i32 to vector<16xi32>
    %add3A_189 = arith.addi %shift_left3A_172, %add3A_188 : vector<16xi32>
    %gather3A_190 = tpu.vector_load_idx %arg12[%add3A_189] : memref<256xf32, #tpu.memory_space<vmem>>[vector<16xi32>], vector<16xf32>,
    %add3A_191 = arith.addf %add3A_176, %gather3A_190 : vector<16xf32>
    %add3A_192 = arith.constant 1 : i32
    %add3A_193 = vector.broadcast %add3A_192 : i32 to vector<16xi32>
    %add3A_194 = arith.addi %shift_left3A_172, %add3A_193 : vector<16xi32>
    %gather3A_195 = tpu.vector_load_idx %arg13[%add3A_194] : memref<256xf32, #tpu.memory_space<vmem>>[vector<16xi32>], vector<16xf32>,
    %add3A_196 = arith.addf %add3A_181, %gather3A_195 : vector<16xf32>
    %add3A_197 = arith.constant 1 : i32
    %add3A_198 = vector.broadcast %add3A_197 : i32 to vector<16xi32>
    %add3A_199 = arith.addi %shift_left3A_172, %add3A_198 : vector<16xi32>
    %gather3A_200 = tpu.vector_load_idx %arg14[%add3A_199] : memref<256xf32, #tpu.memory_space<vmem>>[vector<16xi32>], vector<16xf32>,
    %add3A_201 = arith.addf %add3A_186, %gather3A_200 : vector<16xf32>
    %add3A_202 = arith.constant 2 : i32
    %add3A_203 = vector.broadcast %add3A_202 : i32 to vector<16xi32>
    %add3A_204 = arith.addi %shift_left3A_172, %add3A_203 : vector<16xi32>
    %gather3A_205 = tpu.vector_load_idx %arg12[%add3A_204] : memref<256xf32, #tpu.memory_space<vmem>>[vector<16xi32>], vector<16xf32>,
    %add3A_206 = arith.addf %add3A_191, %gather3A_205 : vector<16xf32>
    %add3A_207 = arith.constant 2 : i32
    %add3A_208 = vector.broadcast %add3A_207 : i32 to vector<16xi32>
    %add3A_209 = arith.addi %shift_left3A_172, %add3A_208 : vector<16xi32>
    %gather3A_210 = tpu.vector_load_idx %arg13[%add3A_209] : memref<256xf32, #tpu.memory_space<vmem>>[vector<16xi32>], vector<16xf32>,
    %add3A_211 = arith.addf %add3A_196, %gather3A_210 : vector<16xf32>
    %add3A_212 = arith.constant 2 : i32
    %add3A_213 = vector.broadcast %add3A_212 : i32 to vector<16xi32>
    %add3A_214 = arith.addi %shift_left3A_172, %add3A_213 : vector<16xi32>
    %gather3A_215 = tpu.vector_load_idx %arg14[%add3A_214] : memref<256xf32, #tpu.memory_space<vmem>>[vector<16xi32>], vector<16xf32>,
    %add3A_216 = arith.addf %add3A_201, %gather3A_215 : vector<16xf32>
    %add3A_217 = arith.constant 3 : i32
    %add3A_218 = vector.broadcast %add3A_217 : i32 to vector<16xi32>
    %add3A_219 = arith.addi %shift_left3A_172, %add3A_218 : vector<16xi32>
    %gather3A_220 = tpu.vector_load_idx %arg12[%add3A_219] : memref<256xf32, #tpu.memory_space<vmem>>[vector<16xi32>], vector<16xf32>,
    %add3A_221 = arith.addf %add3A_206, %gather3A_220 : vector<16xf32>
    %add3A_222 = arith.constant 3 : i32
    %add3A_223 = vector.broadcast %add3A_222 : i32 to vector<16xi32>
    %add3A_224 = arith.addi %shift_left3A_172, %add3A_223 : vector<16xi32>
    %gather3A_225 = tpu.vector_load_idx %arg13[%add3A_224] : memref<256xf32, #tpu.memory_space<vmem>>[vector<16xi32>], vector<16xf32>,
    %add3A_226 = arith.addf %add3A_211, %gather3A_225 : vector<16xf32>
    %add3A_227 = arith.constant 3 : i32
    %add3A_228 = vector.broadcast %add3A_227 : i32 to vector<16xi32>
    %add3A_229 = arith.addi %shift_left3A_172, %add3A_228 : vector<16xi32>
    %gather3A_230 = tpu.vector_load_idx %arg14[%add3A_229] : memref<256xf32, #tpu.memory_space<vmem>>[vector<16xi32>], vector<16xf32>,
    %add3A_231 = arith.addf %add3A_216, %gather3A_230 : vector<16xf32>
    %add3A_232 = arith.constant 4 : i32
    %add3A_233 = vector.broadcast %add3A_232 : i32 to vector<16xi32>
    %add3A_234 = arith.addi %shift_left3A_172, %add3A_233 : vector<16xi32>
    %gather3A_235 = tpu.vector_load_idx %arg12[%add3A_234] : memref<256xf32, #tpu.memory_space<vmem>>[vector<16xi32>], vector<16xf32>,
    %add3A_236 = arith.addf %add3A_221, %gather3A_235 : vector<16xf32>
    %add3A_237 = arith.constant 4 : i32
    %add3A_238 = vector.broadcast %add3A_237 : i32 to vector<16xi32>
    %add3A_239 = arith.addi %shift_left3A_172, %add3A_238 : vector<16xi32>
    %gather3A_240 = tpu.vector_load_idx %arg13[%add3A_239] : memref<256xf32, #tpu.memory_space<vmem>>[vector<16xi32>], vector<16xf32>,
    %add3A_241 = arith.addf %add3A_226, %gather3A_240 : vector<16xf32>
    %add3A_242 = arith.constant 4 : i32
    %add3A_243 = vector.broadcast %add3A_242 : i32 to vector<16xi32>
    %add3A_244 = arith.addi %shift_left3A_172, %add3A_243 : vector<16xi32>
    %gather3A_245 = tpu.vector_load_idx %arg14[%add3A_244] : memref<256xf32, #tpu.memory_space<vmem>>[vector<16xi32>], vector<16xf32>,
    %add3A_246 = arith.addf %add3A_231, %gather3A_245 : vector<16xf32>
    %add3A_247 = arith.constant 5 : i32
    %add3A_248 = vector.broadcast %add3A_247 : i32 to vector<16xi32>
    %add3A_249 = arith.addi %shift_left3A_172, %add3A_248 : vector<16xi32>
    %gather3A_250 = tpu.vector_load_idx %arg12[%add3A_249] : memref<256xf32, #tpu.memory_space<vmem>>[vector<16xi32>], vector<16xf32>,
    %add3A_251 = arith.addf %add3A_236, %gather3A_250 : vector<16xf32>
    %add3A_252 = arith.constant 5 : i32
    %add3A_253 = vector.broadcast %add3A_252 : i32 to vector<16xi32>
    %add3A_254 = arith.addi %shift_left3A_172, %add3A_253 : vector<16xi32>
    %gather3A_255 = tpu.vector_load_idx %arg13[%add3A_254] : memref<256xf32, #tpu.memory_space<vmem>>[vector<16xi32>], vector<16xf32>,
    %add3A_256 = arith.addf %add3A_241, %gather3A_255 : vector<16xf32>
    %add3A_257 = arith.constant 5 : i32
    %add3A_258 = vector.broadcast %add3A_257 : i32 to vector<16xi32>
    %add3A_259 = arith.addi %shift_left3A_172, %add3A_258 : vector<16xi32>
    %gather3A_260 = tpu.vector_load_idx %arg14[%add3A_259] : memref<256xf32, #tpu.memory_space<vmem>>[vector<16xi32>], vector<16xf32>,
    %add3A_261 = arith.addf %add3A_246, %gather3A_260 : vector<16xf32>
    %add3A_262 = arith.constant 6 : i32
    %add3A_263 = vector.broadcast %add3A_262 : i32 to vector<16xi32>
    %add3A_264 = arith.addi %shift_left3A_172, %add3A_263 : vector<16xi32>
    %gather3A_265 = tpu.vector_load_idx %arg12[%add3A_264] : memref<256xf32, #tpu.memory_space<vmem>>[vector<16xi32>], vector<16xf32>,
    %add3A_266 = arith.addf %add3A_251, %gather3A_265 : vector<16xf32>
    %add3A_267 = arith.constant 6 : i32
    %add3A_268 = vector.broadcast %add3A_267 : i32 to vector<16xi32>
    %add3A_269 = arith.addi %shift_left3A_172, %add3A_268 : vector<16xi32>
    %gather3A_270 = tpu.vector_load_idx %arg13[%add3A_269] : memref<256xf32, #tpu.memory_space<vmem>>[vector<16xi32>], vector<16xf32>,
    %add3A_271 = arith.addf %add3A_256, %gather3A_270 : vector<16xf32>
    %add3A_272 = arith.constant 6 : i32
    %add3A_273 = vector.broadcast %add3A_272 : i32 to vector<16xi32>
    %add3A_274 = arith.addi %shift_left3A_172, %add3A_273 : vector<16xi32>
    %gather3A_275 = tpu.vector_load_idx %arg14[%add3A_274] : memref<256xf32, #tpu.memory_space<vmem>>[vector<16xi32>], vector<16xf32>,
    %add3A_276 = arith.addf %add3A_261, %gather3A_275 : vector<16xf32>
    %add3A_277 = arith.constant 7 : i32
    %add3A_278 = vector.broadcast %add3A_277 : i32 to vector<16xi32>
    %add3A_279 = arith.addi %shift_left3A_172, %add3A_278 : vector<16xi32>
    %gather3A_280 = tpu.vector_load_idx %arg12[%add3A_279] : memref<256xf32, #tpu.memory_space<vmem>>[vector<16xi32>], vector<16xf32>,
    %add3A_281 = arith.addf %add3A_266, %gather3A_280 : vector<16xf32>
    %add3A_282 = arith.constant 7 : i32
    %add3A_283 = vector.broadcast %add3A_282 : i32 to vector<16xi32>
    %add3A_284 = arith.addi %shift_left3A_172, %add3A_283 : vector<16xi32>
    %gather3A_285 = tpu.vector_load_idx %arg13[%add3A_284] : memref<256xf32, #tpu.memory_space<vmem>>[vector<16xi32>], vector<16xf32>,
    %add3A_286 = arith.addf %add3A_271, %gather3A_285 : vector<16xf32>
    %add3A_287 = arith.constant 7 : i32
    %add3A_288 = vector.broadcast %add3A_287 : i32 to vector<16xi32>
    %add3A_289 = arith.addi %shift_left3A_172, %add3A_288 : vector<16xi32>
    %gather3A_290 = tpu.vector_load_idx %arg14[%add3A_289] : memref<256xf32, #tpu.memory_space<vmem>>[vector<16xi32>], vector<16xf32>,
    %add3A_291 = arith.addf %add3A_276, %gather3A_290 : vector<16xf32>
    %add3A_292 = arith.constant 8 : i32
    %add3A_293 = vector.broadcast %add3A_292 : i32 to vector<16xi32>
    %add3A_294 = arith.addi %shift_left3A_172, %add3A_293 : vector<16xi32>
    %gather3A_295 = tpu.vector_load_idx %arg12[%add3A_294] : memref<256xf32, #tpu.memory_space<vmem>>[vector<16xi32>], vector<16xf32>,
    %add3A_296 = arith.addf %add3A_281, %gather3A_295 : vector<16xf32>
    %add3A_297 = arith.constant 8 : i32
    %add3A_298 = vector.broadcast %add3A_297 : i32 to vector<16xi32>
    %add3A_299 = arith.addi %shift_left3A_172, %add3A_298 : vector<16xi32>
    %gather3A_300 = tpu.vector_load_idx %arg13[%add3A_299] : memref<256xf32, #tpu.memory_space<vmem>>[vector<16xi32>], vector<16xf32>,
    %add3A_301 = arith.addf %add3A_286, %gather3A_300 : vector<16xf32>
    %add3A_302 = arith.constant 8 : i32
    %add3A_303 = vector.broadcast %add3A_302 : i32 to vector<16xi32>
    %add3A_304 = arith.addi %shift_left3A_172, %add3A_303 : vector<16xi32>
    %gather3A_305 = tpu.vector_load_idx %arg14[%add3A_304] : memref<256xf32, #tpu.memory_space<vmem>>[vector<16xi32>], vector<16xf32>,
    %add3A_306 = arith.addf %add3A_291, %gather3A_305 : vector<16xf32>
    %add3A_307 = arith.constant 9 : i32
    %add3A_308 = vector.broadcast %add3A_307 : i32 to vector<16xi32>
    %add3A_309 = arith.addi %shift_left3A_172, %add3A_308 : vector<16xi32>
    %gather3A_310 = tpu.vector_load_idx %arg12[%add3A_309] : memref<256xf32, #tpu.memory_space<vmem>>[vector<16xi32>], vector<16xf32>,
    %add3A_311 = arith.addf %add3A_296, %gather3A_310 : vector<16xf32>
    %add3A_312 = arith.constant 9 : i32
    %add3A_313 = vector.broadcast %add3A_312 : i32 to vector<16xi32>
    %add3A_314 = arith.addi %shift_left3A_172, %add3A_313 : vector<16xi32>
    %gather3A_315 = tpu.vector_load_idx %arg13[%add3A_314] : memref<256xf32, #tpu.memory_space<vmem>>[vector<16xi32>], vector<16xf32>,
    %add3A_316 = arith.addf %add3A_301, %gather3A_315 : vector<16xf32>
    %add3A_317 = arith.constant 9 : i32
    %add3A_318 = vector.broadcast %add3A_317 : i32 to vector<16xi32>
    %add3A_319 = arith.addi %shift_left3A_172, %add3A_318 : vector<16xi32>
    %gather3A_320 = tpu.vector_load_idx %arg14[%add3A_319] : memref<256xf32, #tpu.memory_space<vmem>>[vector<16xi32>], vector<16xf32>,
    %add3A_321 = arith.addf %add3A_306, %gather3A_320 : vector<16xf32>
    %add3A_322 = arith.constant 10 : i32
    %add3A_323 = vector.broadcast %add3A_322 : i32 to vector<16xi32>
    %add3A_324 = arith.addi %shift_left3A_172, %add3A_323 : vector<16xi32>
    %gather3A_325 = tpu.vector_load_idx %arg12[%add3A_324] : memref<256xf32, #tpu.memory_space<vmem>>[vector<16xi32>], vector<16xf32>,
    %add3A_326 = arith.addf %add3A_311, %gather3A_325 : vector<16xf32>
    %add3A_327 = arith.constant 10 : i32
    %add3A_328 = vector.broadcast %add3A_327 : i32 to vector<16xi32>
    %add3A_329 = arith.addi %shift_left3A_172, %add3A_328 : vector<16xi32>
    %gather3A_330 = tpu.vector_load_idx %arg13[%add3A_329] : memref<256xf32, #tpu.memory_space<vmem>>[vector<16xi32>], vector<16xf32>,
    %add3A_331 = arith.addf %add3A_316, %gather3A_330 : vector<16xf32>
    %add3A_332 = arith.constant 10 : i32
    %add3A_333 = vector.broadcast %add3A_332 : i32 to vector<16xi32>
    %add3A_334 = arith.addi %shift_left3A_172, %add3A_333 : vector<16xi32>
    %gather3A_335 = tpu.vector_load_idx %arg14[%add3A_334] : memref<256xf32, #tpu.memory_space<vmem>>[vector<16xi32>], vector<16xf32>,
    %add3A_336 = arith.addf %add3A_321, %gather3A_335 : vector<16xf32>
    %add3A_337 = arith.constant 11 : i32
    %add3A_338 = vector.broadcast %add3A_337 : i32 to vector<16xi32>
    %add3A_339 = arith.addi %shift_left3A_172, %add3A_338 : vector<16xi32>
    %gather3A_340 = tpu.vector_load_idx %arg12[%add3A_339] : memref<256xf32, #tpu.memory_space<vmem>>[vector<16xi32>], vector<16xf32>,
    %add3A_341 = arith.addf %add3A_326, %gather3A_340 : vector<16xf32>
    %add3A_342 = arith.constant 11 : i32
    %add3A_343 = vector.broadcast %add3A_342 : i32 to vector<16xi32>
    %add3A_344 = arith.addi %shift_left3A_172, %add3A_343 : vector<16xi32>
    %gather3A_345 = tpu.vector_load_idx %arg13[%add3A_344] : memref<256xf32, #tpu.memory_space<vmem>>[vector<16xi32>], vector<16xf32>,
    %add3A_346 = arith.addf %add3A_331, %gather3A_345 : vector<16xf32>
    %add3A_347 = arith.constant 11 : i32
    %add3A_348 = vector.broadcast %add3A_347 : i32 to vector<16xi32>
    %add3A_349 = arith.addi %shift_left3A_172, %add3A_348 : vector<16xi32>
    %gather3A_350 = tpu.vector_load_idx %arg14[%add3A_349] : memref<256xf32, #tpu.memory_space<vmem>>[vector<16xi32>], vector<16xf32>,
    %add3A_351 = arith.addf %add3A_336, %gather3A_350 : vector<16xf32>
    %add3A_352 = arith.constant 12 : i32
    %add3A_353 = vector.broadcast %add3A_352 : i32 to vector<16xi32>
    %add3A_354 = arith.addi %shift_left3A_172, %add3A_353 : vector<16xi32>
    %gather3A_355 = tpu.vector_load_idx %arg12[%add3A_354] : memref<256xf32, #tpu.memory_space<vmem>>[vector<16xi32>], vector<16xf32>,
    %add3A_356 = arith.addf %add3A_341, %gather3A_355 : vector<16xf32>
    %add3A_357 = arith.constant 12 : i32
    %add3A_358 = vector.broadcast %add3A_357 : i32 to vector<16xi32>
    %add3A_359 = arith.addi %shift_left3A_172, %add3A_358 : vector<16xi32>
    %gather3A_360 = tpu.vector_load_idx %arg13[%add3A_359] : memref<256xf32, #tpu.memory_space<vmem>>[vector<16xi32>], vector<16xf32>,
    %add3A_361 = arith.addf %add3A_346, %gather3A_360 : vector<16xf32>
    %add3A_362 = arith.constant 12 : i32
    %add3A_363 = vector.broadcast %add3A_362 : i32 to vector<16xi32>
    %add3A_364 = arith.addi %shift_left3A_172, %add3A_363 : vector<16xi32>
    %gather3A_365 = tpu.vector_load_idx %arg14[%add3A_364] : memref<256xf32, #tpu.memory_space<vmem>>[vector<16xi32>], vector<16xf32>,
    %add3A_366 = arith.addf %add3A_351, %gather3A_365 : vector<16xf32>
    %add3A_367 = arith.constant 13 : i32
    %add3A_368 = vector.broadcast %add3A_367 : i32 to vector<16xi32>
    %add3A_369 = arith.addi %shift_left3A_172, %add3A_368 : vector<16xi32>
    %gather3A_370 = tpu.vector_load_idx %arg12[%add3A_369] : memref<256xf32, #tpu.memory_space<vmem>>[vector<16xi32>], vector<16xf32>,
    %add3A_371 = arith.addf %add3A_356, %gather3A_370 : vector<16xf32>
    %add3A_372 = arith.constant 13 : i32
    %add3A_373 = vector.broadcast %add3A_372 : i32 to vector<16xi32>
    %add3A_374 = arith.addi %shift_left3A_172, %add3A_373 : vector<16xi32>
    %gather3A_375 = tpu.vector_load_idx %arg13[%add3A_374] : memref<256xf32, #tpu.memory_space<vmem>>[vector<16xi32>], vector<16xf32>,
    %add3A_376 = arith.addf %add3A_361, %gather3A_375 : vector<16xf32>
    %add3A_377 = arith.constant 13 : i32
    %add3A_378 = vector.broadcast %add3A_377 : i32 to vector<16xi32>
    %add3A_379 = arith.addi %shift_left3A_172, %add3A_378 : vector<16xi32>
    %gather3A_380 = tpu.vector_load_idx %arg14[%add3A_379] : memref<256xf32, #tpu.memory_space<vmem>>[vector<16xi32>], vector<16xf32>,
    %add3A_381 = arith.addf %add3A_366, %gather3A_380 : vector<16xf32>
    %add3A_382 = arith.constant 14 : i32
    %add3A_383 = vector.broadcast %add3A_382 : i32 to vector<16xi32>
    %add3A_384 = arith.addi %shift_left3A_172, %add3A_383 : vector<16xi32>
    %gather3A_385 = tpu.vector_load_idx %arg12[%add3A_384] : memref<256xf32, #tpu.memory_space<vmem>>[vector<16xi32>], vector<16xf32>,
    %add3A_386 = arith.addf %add3A_371, %gather3A_385 : vector<16xf32>
    %add3A_387 = arith.constant 14 : i32
    %add3A_388 = vector.broadcast %add3A_387 : i32 to vector<16xi32>
    %add3A_389 = arith.addi %shift_left3A_172, %add3A_388 : vector<16xi32>
    %gather3A_390 = tpu.vector_load_idx %arg13[%add3A_389] : memref<256xf32, #tpu.memory_space<vmem>>[vector<16xi32>], vector<16xf32>,
    %add3A_391 = arith.addf %add3A_376, %gather3A_390 : vector<16xf32>
    %add3A_392 = arith.constant 14 : i32
    %add3A_393 = vector.broadcast %add3A_392 : i32 to vector<16xi32>
    %add3A_394 = arith.addi %shift_left3A_172, %add3A_393 : vector<16xi32>
    %gather3A_395 = tpu.vector_load_idx %arg14[%add3A_394] : memref<256xf32, #tpu.memory_space<vmem>>[vector<16xi32>], vector<16xf32>,
    %add3A_396 = arith.addf %add3A_381, %gather3A_395 : vector<16xf32>
    %add3A_397 = arith.constant 15 : i32
    %add3A_398 = vector.broadcast %add3A_397 : i32 to vector<16xi32>
    %add3A_399 = arith.addi %shift_left3A_172, %add3A_398 : vector<16xi32>
    %gather3A_400 = tpu.vector_load_idx %arg12[%add3A_399] : memref<256xf32, #tpu.memory_space<vmem>>[vector<16xi32>], vector<16xf32>,
    %add3A_401 = arith.addf %add3A_386, %gather3A_400 : vector<16xf32>
    %add3A_402 = arith.constant 15 : i32
    %add3A_403 = vector.broadcast %add3A_402 : i32 to vector<16xi32>
    %add3A_404 = arith.addi %shift_left3A_172, %add3A_403 : vector<16xi32>
    %gather3A_405 = tpu.vector_load_idx %arg13[%add3A_404] : memref<256xf32, #tpu.memory_space<vmem>>[vector<16xi32>], vector<16xf32>,
    %add3A_406 = arith.addf %add3A_391, %gather3A_405 : vector<16xf32>
    %add3A_407 = arith.constant 15 : i32
    %add3A_408 = vector.broadcast %add3A_407 : i32 to vector<16xi32>
    %add3A_409 = arith.addi %shift_left3A_172, %add3A_408 : vector<16xi32>
    %gather3A_410 = tpu.vector_load_idx %arg14[%add3A_409] : memref<256xf32, #tpu.memory_space<vmem>>[vector<16xi32>], vector<16xf32>,
    %add3A_411 = arith.addf %add3A_396, %gather3A_410 : vector<16xf32>
    %swap3A_412 = arith.constant 0 : index
    %swap3A_413 = tpu.vector_load %arg15[%swap3A_412] {strides = array<i32>} : memref<48xf32, #tpu.memory_space<vmem>>, vector<16xf32>,
    tpu.vector_store %arg15[%swap3A_412], %add3A_401 {strides = array<i32>} : memref<48xf32, #tpu.memory_space<vmem>>, vector<16xf32>,
    %swap3A_414 = arith.constant 16 : index
    %swap3A_415 = tpu.vector_load %arg15[%swap3A_414] {strides = array<i32>} : memref<48xf32, #tpu.memory_space<vmem>>, vector<16xf32>,
    tpu.vector_store %arg15[%swap3A_414], %add3A_406 {strides = array<i32>} : memref<48xf32, #tpu.memory_space<vmem>>, vector<16xf32>,
    %swap3A_416 = arith.constant 32 : index
    %swap3A_417 = tpu.vector_load %arg15[%swap3A_416] {strides = array<i32>} : memref<48xf32, #tpu.memory_space<vmem>>, vector<16xf32>,
    tpu.vector_store %arg15[%swap3A_416], %add3A_411 {strides = array<i32>} : memref<48xf32, #tpu.memory_space<vmem>>, vector<16xf32>,
    "tpu.region"() ({
      %run_scoped3A = tpu.sem_alloc : memref<!tpu.dma_semaphore, #tpu.memory_space<semaphore_mem>>
      %dma_start3A_418 = arith.constant 0 : i32
      %dma_start3A_419 = tpu.memref_slice %arg5[%add3A, %dma_start3A_418] : memref<32x48xf32, #tpu.memory_space<hbm>> -> memref<1x48xf32, #tpu.memory_space<hbm>>
      %dma_start3A_420 = tpu.memref_squeeze %dma_start3A_419 : memref<1x48xf32, #tpu.memory_space<hbm>> -> memref<48xf32, #tpu.memory_space<hbm>>
      %dma_start3A_421 = arith.constant 0 : i32
      %dma_start3A_422 = tpu.memref_slice %arg5[%add3A, %dma_start3A_421] : memref<32x48xf32, #tpu.memory_space<hbm>> -> memref<1x48xf32, #tpu.memory_space<hbm>>
      %dma_start3A_423 = tpu.memref_squeeze %dma_start3A_422 : memref<1x48xf32, #tpu.memory_space<hbm>> -> memref<48xf32, #tpu.memory_space<hbm>>
      tpu.enqueue_dma source(%arg15 : memref<48xf32, #tpu.memory_space<vmem>>) target(%dma_start3A_423 : memref<48xf32, #tpu.memory_space<hbm>>) target_semaphore(%run_scoped3A : memref<!tpu.dma_semaphore, #tpu.memory_space<semaphore_mem>>)
      %dma_wait3A = arith.constant 0 : i32
      %dma_wait3A_424 = tpu.memref_slice %arg5[%add3A, %dma_wait3A] : memref<32x48xf32, #tpu.memory_space<hbm>> -> memref<1x48xf32, #tpu.memory_space<hbm>>
      %dma_wait3A_425 = tpu.memref_squeeze %dma_wait3A_424 : memref<1x48xf32, #tpu.memory_space<hbm>> -> memref<48xf32, #tpu.memory_space<hbm>>
      %dma_wait3A_426 = arith.constant 0 : i32
      %dma_wait3A_427 = tpu.memref_slice %arg5[%add3A, %dma_wait3A_426] : memref<32x48xf32, #tpu.memory_space<hbm>> -> memref<1x48xf32, #tpu.memory_space<hbm>>
      %dma_wait3A_428 = tpu.memref_squeeze %dma_wait3A_427 : memref<1x48xf32, #tpu.memory_space<hbm>> -> memref<48xf32, #tpu.memory_space<hbm>>
      tpu.wait_dma2 semaphore(%run_scoped3A : memref<!tpu.dma_semaphore, #tpu.memory_space<semaphore_mem>>) src(%arg15 : memref<48xf32, #tpu.memory_space<vmem>>) dst(%dma_wait3A_428 : memref<48xf32, #tpu.memory_space<hbm>>)
      tpu.yield
    }) : () -> ()
    return
  }
}

module attributes {stable_mosaic.version = 14 : i64} {
  func.func @_combine(%arg0: memref<32x48xf32, #tpu.memory_space<vmem>>, %arg1: memref<1x1xf32, #tpu.memory_space<vmem>>) attributes {dimension_semantics = [], scalar_prefetch = 0 : i64, scratch_operands = 0 : i64, tpu.core_type = #tpu.core_type<tc>} {
    %get3A = arith.constant 0 : index
    %get3A_0 = arith.constant 0 : index
    %get3A_1 = vector.load %arg0[%get3A, %get3A_0] : memref<32x48xf32, #tpu.memory_space<vmem>>, vector<32x48xf32>
    %slice3A = vector.extract_strided_slice %get3A_1 {offsets = [0, 0], sizes = [32, 16], strides = [1, 1]} : vector<32x48xf32> to vector<32x16xf32>
    %reduce_sum3A = arith.constant dense<0.000000e+00> : vector<16xf32>
    %reduce_sum3A_2 = vector.multi_reduction <add>, %slice3A, %reduce_sum3A [0] : vector<32x16xf32> to vector<16xf32>
    %broadcast_in_dim3A = vector.shape_cast %reduce_sum3A_2 : vector<16xf32> to vector<1x16xf32>
    %slice3A_3 = vector.extract_strided_slice %get3A_1 {offsets = [0, 16], sizes = [32, 16], strides = [1, 1]} : vector<32x48xf32> to vector<32x16xf32>
    %reduce_sum3A_4 = arith.constant dense<0.000000e+00> : vector<16xf32>
    %reduce_sum3A_5 = vector.multi_reduction <add>, %slice3A_3, %reduce_sum3A_4 [0] : vector<32x16xf32> to vector<16xf32>
    %broadcast_in_dim3A_6 = vector.shape_cast %reduce_sum3A_5 : vector<16xf32> to vector<1x16xf32>
    %slice3A_7 = vector.extract_strided_slice %get3A_1 {offsets = [0, 32], sizes = [32, 16], strides = [1, 1]} : vector<32x48xf32> to vector<32x16xf32>
    %reduce_sum3A_8 = arith.constant dense<0.000000e+00> : vector<16xf32>
    %reduce_sum3A_9 = vector.multi_reduction <add>, %slice3A_7, %reduce_sum3A_8 [0] : vector<32x16xf32> to vector<16xf32>
    %broadcast_in_dim3A_10 = vector.shape_cast %reduce_sum3A_9 : vector<16xf32> to vector<1x16xf32>
    %reduce_sum3A_11 = vector.shape_cast %broadcast_in_dim3A : vector<1x16xf32> to vector<1x1x16xf32>
    %reduce_sum3A_12 = arith.constant dense<0.000000e+00> : vector<1xf32>
    %reduce_sum3A_13 = vector.multi_reduction <add>, %reduce_sum3A_11, %reduce_sum3A_12 [1, 2] : vector<1x1x16xf32> to vector<1xf32>
    %reduce_sum3A_14 = vector.shape_cast %reduce_sum3A_13 : vector<1xf32> to vector<1x1x1xf32>
    %reduce_sum3A_15 = vector.extract %reduce_sum3A_14[0, 0, 0] : f32 from vector<1x1x1xf32>
    %max3A = arith.constant 1.000000e+00 : f32
    %max3A_16 = vector.broadcast %max3A : f32 to vector<1x16xf32>
    %max3A_17 = arith.maximumf %broadcast_in_dim3A, %max3A_16 : vector<1x16xf32>
    %gt3A = arith.constant 0.000000e+00 : f32
    %gt3A_18 = vector.broadcast %gt3A : f32 to vector<1x16xf32>
    %gt3A_19 = arith.cmpf ogt, %broadcast_in_dim3A, %gt3A_18 : vector<1x16xf32>
    %div3A = vector.broadcast %reduce_sum3A_15 : f32 to vector<1x16xf32>
    %div3A_20 = arith.divf %broadcast_in_dim3A, %div3A : vector<1x16xf32>
    %sub3A = arith.subf %broadcast_in_dim3A_10, %broadcast_in_dim3A_6 : vector<1x16xf32>
    %div3A_21 = arith.divf %sub3A, %max3A_17 : vector<1x16xf32>
    %integer_pow3A = arith.mulf %div3A_21, %div3A_21 : vector<1x16xf32>
    %mul3A = arith.mulf %div3A_20, %integer_pow3A : vector<1x16xf32>
    %jit3A = arith.constant 0.000000e+00 : f32
    %broadcast_in_dim3A_22 = vector.broadcast %jit3A : f32 to vector<1x16xf32>
    %select_n3A = arith.select %gt3A_19, %mul3A, %broadcast_in_dim3A_22 : vector<1x16xi1>, vector<1x16xf32>
    %reduce_sum3A_23 = vector.shape_cast %select_n3A : vector<1x16xf32> to vector<1x1x16xf32>
    %reduce_sum3A_24 = arith.constant dense<0.000000e+00> : vector<1xf32>
    %reduce_sum3A_25 = vector.multi_reduction <add>, %reduce_sum3A_23, %reduce_sum3A_24 [1, 2] : vector<1x1x16xf32> to vector<1xf32>
    %reduce_sum3A_26 = vector.shape_cast %reduce_sum3A_25 : vector<1xf32> to vector<1x1x1xf32>
    %reduce_sum3A_27 = vector.extract %reduce_sum3A_26[0, 0, 0] : f32 from vector<1x1x1xf32>
    %sqrt3A = math.sqrt %reduce_sum3A_27 : f32
    %broadcast_in_dim3A_28 = vector.broadcast %sqrt3A : f32 to vector<1x1xf32>
    %swap3A = arith.constant 0 : index
    %swap3A_29 = arith.constant 0 : index
    %swap3A_30 = vector.load %arg1[%swap3A, %swap3A_29] : memref<1x1xf32, #tpu.memory_space<vmem>>, vector<1x1xf32>
    tpu.vector_store %arg1[%swap3A, %swap3A_29], %broadcast_in_dim3A_28 {strides = array<i32>} : memref<1x1xf32, #tpu.memory_space<vmem>>, vector<1x1xf32>,
    return
  }
}

</mosaic_0001>

<sc_bundles>
// kernel: kernel.4.cloned.1.call-start
scs
__scs_entry_jumppad:
0x0: {  	(pc) =	sbr.rel $0x88, $3  }
0x1: {  	(tag) =	ssettag $0x0;
	lr =	simm.s32 $0x1  }
0x2: {  	[smem:$0x3F9E] =	sst lr;
	_ =	strace $0xD0000000  }
0x3: {  	_ = 	snop  }
0x4: {  	_ = 	snop  }
0x5: {  	_ = 	snop  }
0x6: {  	_ = 	snop  }
0x7: {  	_ = 	snop  }
__scs_overlays_trampoline_lowered:
0x8: {  	[smem:$0x3FAD] =	sst s0  }
0x9: {  	[smem:$0x3FAE] =	sst s1  }
0xa: {  	[smem:$0x3FAF] =	sst s2  }
0xb: {  	[smem:$0x3FB0] =	sst s3  }
0xc: {  	[smem:$0x3FB1] =	sst s4  }
0xd: {  	[smem:$0x3FB2] =	sst s5  }
0xe: {  	[smem:$0x3FB3] =	sst s6  }
0xf: {  	[smem:$0x3FB4] =	sst s7  }
0x10: {  	[smem:$0x3FB5] =	sst s8  }
0x11: {  	[smem:$0x3FB6] =	sst s9;
	s0 =	simm.s32 @!p0 $0x0  }
0x12: {  	s1 =	sld [smem:$0x3F9C];
	s0 =	simm.s32 @p0 $0x1  }
0x13: {  	[smem:$0x3FB7] =	sst s0;
	s0 =	simm.s32 @!p1 $0x0  }
0x14: {  	s2 =	sld [smem:$0x3F9B];
	s0 =	simm.s32 @p1 $0x1  }
0x15: {  	[smem:$0x3FB8] =	sst s0;
	s0 =	simm.s32 @!p2 $0x0  }
0x16: {  	s3 =	sld [smem:$0x3FDB];
	s0 =	simm.s32 @p2 $0x1  }
0x17: {  	s4 =	simm.s32 $0x1BF5;
	[smem:$0x3FBA] =	sst s0  }
0x18: {  	s0 =	sld [smem:$0x3F9D];
	_ =	swait.ge [sflag:s4], $0x0  }
0x19: {  	s7 =	sld [smem:$0x3F9E]  }
0x1a: {  	s8 =	sadd.s32 $0xFFFFE003, lr  }
0x1b: {  	s9 =	sadd.s32 $0xFFFFFEF7, lr;
	s5 =	simm.s32 $0xFFFFFFFF;
	p2 =	slt.u32 s8, $0xFFFFF086  }
0x1c: {  	p1 =	slt.u32 s9, $0xF7A;
	s5 =	simm.s32 @!p2 $0x0  }
0x1d: {  	s5 =	simm.s32 @p1 $0x1;
	p0 =	seq.s32 s7, s2  }
0x1e: {  	s7 =	smul.u32 @!p0 $0xF7A, s2;
	p2 =	seq.s32 @!p0 s5, $0x0  }
0x1f: {  	s9 =	smul.u32 $0xF7A, s1;
	s8 =	simm.s32 @!p0 $0x1BF5;
	p2 =	por !p2, p0  }
0x20: {  	[sflag:s8] =	ssyncset.s32 @!p0 $0xFFFFF086;
	s6 =	sadd.s32 @!p0 s3, s7;
	s7 =	simm.s32 @!p0 $0x108  }
0x21: {  	s3 =	sadd.s32 s3, s9;
	s6 =	sadd.s32 @!p0 $0x88, s6;
	s7 =	simm.s32 @p2 $0x1082  }
0x22: {  	[simem:s7], [sflag:s8] =	dma.local @!p0 [hbm:s6], $0xF7A  }
0x23: {  	s9 =	sor.u32 $0xD0000000, s2;
	s6 =	simm.s32 $0x108;
	_ =	swait.ge @!p0 [sflag:s8], $0x0  }
0x24: {  	s3 =	sadd.s32 $0x88, s3;
	s6 =	simm.s32 @!p1 $0x1082;
	[sflag:s4] =	ssyncset.s32 $0xFFFFF086  }
0x25: {  	[simem:s6], [sflag:s4] =	dma.local [hbm:s3], $0xF7A  }
0x26: {  	[smem:$0x3F9E] =	sst s1;
	(tag) =	ssettag s2;
	_ =	strace s9  }
0x27: {  	s1 =	sld [smem:$0x3FAE]  }
0x28: {  	s2 =	sld [smem:$0x3FAF]  }
0x29: {  	s4 =	sld [smem:$0x3FB1]  }
0x2a: {  	p0 =	seq.s32 s5, $0x0;
	s5 =	sld [smem:$0x3FB2]  }
0x2b: {  	s6 =	sld [smem:$0x3FB3]  }
0x2c: {  	s7 =	sld [smem:$0x3FB4]  }
0x2d: {  	s3 =	simm.s32 $0x108;
	s8 =	sld [smem:$0x3FB5]  }
0x2e: {  	s3 =	simm.s32 @!p0 $0x1082;
	s9 =	sld [smem:$0x3FB6]  }
0x2f: {  	lr =	sadd.s32 s0, s3;
	s0 =	sld [smem:$0x3FAD]  }
0x30: {  	s3 =	sld [smem:$0x3FB0]  }
0x31: {  	[smem:$0x3FB9] =	sst s10  }
0x32: {  	s10 =	sld [smem:$0x3FB7];
	_ =	sdelay $0x3  }
0x33: {  	p0 =	seq.s32 s10, $0x1;
	s10 =	sld [smem:$0x3FB9];
	_ =	sdelay $0x3  }
0x34: {  	[smem:$0x3FB9] =	sst s10  }
0x35: {  	s10 =	sld [smem:$0x3FB8];
	_ =	sdelay $0x3  }
0x36: {  	p1 =	seq.s32 s10, $0x1;
	s10 =	sld [smem:$0x3FB9];
	_ =	sdelay $0x3  }
0x37: {  	[smem:$0x3FB9] =	sst s10  }
0x38: {  	s10 =	sld [smem:$0x3FBA]  }
0x39: {  	_ = 	snop;
	(pc) =	sbr.ind lr, $3  }
0x3a: {  	_ = 	snop  }
0x3b: {  	_ = 	snop  }
0x3c: {  	p2 =	seq.s32 s10, $0x1;
	s10 =	sld [smem:$0x3FB9]  }
0x3d: {  	_ =	shalt  }
0x3e: {  	_ =	shalt  }
0x3f: {  	_ =	shalt  }
0x40: {  	_ =	shalt  }
0x41: {  	_ =	shalt  }
0x42: {  	_ =	shalt  }
0x43: {  	_ =	shalt  }
0x44: {  	_ =	shalt  }
0x45: {  	_ =	shalt  }
0x46: {  	_ =	shalt  }
0x47: {  	_ =	shalt  }
0x48: {  	_ =	shalt  }
0x49: {  	_ =	shalt  }
0x4a: {  	_ =	shalt  }
0x4b: {  	_ =	shalt  }
0x4c: {  	_ =	shalt  }
0x4d: {  	_ =	shalt  }
0x4e: {  	_ =	shalt  }
0x4f: {  	_ =	shalt  }
0x50: {  	_ =	shalt  }
0x51: {  	_ =	shalt  }
0x52: {  	_ =	shalt  }
0x53: {  	_ =	shalt  }
0x54: {  	_ =	shalt  }
0x55: {  	_ =	shalt  }
0x56: {  	_ =	shalt  }
0x57: {  	_ =	shalt  }
0x58: {  	_ =	shalt  }
0x59: {  	_ =	shalt  }
0x5a: {  	_ =	shalt  }
0x5b: {  	_ =	shalt  }
0x5c: {  	_ =	shalt  }
0x5d: {  	_ =	shalt  }
0x5e: {  	_ =	shalt  }
0x5f: {  	_ =	shalt  }
0x60: {  	_ =	shalt  }
0x61: {  	_ =	shalt  }
0x62: {  	_ =	shalt  }
0x63: {  	_ =	shalt  }
0x64: {  	_ =	shalt  }
0x65: {  	_ =	shalt  }
0x66: {  	_ =	shalt  }
0x67: {  	_ =	shalt  }
0x68: {  	_ =	shalt  }
0x69: {  	_ =	shalt  }
0x6a: {  	_ =	shalt  }
0x6b: {  	_ =	shalt  }
0x6c: {  	_ =	shalt  }
0x6d: {  	_ =	shalt  }
0x6e: {  	_ =	shalt  }
0x6f: {  	_ =	shalt  }
0x70: {  	_ =	shalt  }
0x71: {  	_ =	shalt  }
0x72: {  	_ =	shalt  }
0x73: {  	_ =	shalt  }
0x74: {  	_ =	shalt  }
0x75: {  	_ =	shalt  }
0x76: {  	_ =	shalt  }
0x77: {  	_ =	shalt  }
0x78: {  	_ =	shalt  }
0x79: {  	_ =	shalt  }
0x7a: {  	_ =	shalt  }
0x7b: {  	_ =	shalt  }
0x7c: {  	_ =	shalt  }
0x7d: {  	_ =	shalt  }
0x7e: {  	_ =	shalt  }
0x7f: {  	_ =	shalt  }
0x80: {  	_ =	shalt  }
0x81: {  	_ =	shalt  }
0x82: {  	_ =	shalt  }
0x83: {  	_ =	shalt  }
0x84: {  	_ =	shalt  }
0x85: {  	_ =	shalt  }
0x86: {  	_ =	shalt  }
0x87: {  	_ =	shalt  }
.Lfunc_end0:
.L_simem_size_0:
called_computation_lowered:
.L_overlay_start_0:
0x88: {  	s2 =	sld [smem:$0x3FD9]  }
0x89: {  	s3 =	sld [smem:$0x3FFE];
	_ =	sdelay $0x1  }
0x8a: {  	s1 =	srdreg.scid  }
0x8b: {  	s0 =	sand.u32 $0x1, s1  }
0x8c: {  	s17 =	sshll.u32 s0, $0xA;
	s2 =	sadd.s32 s3, s2  }
0x8d: {  	s2 =	sadd.s32 s2, s17  }
0x8e: {  	[smem:$0x3FC5] =	sst s2  }
0x8f: {  	_ = 	snop  }
0x90: {  	s2 =	sld [smem:$0x3FC8];
	(tm) =	ssettm $0x1  }
0x91: {  	s18 =	sld [smem:$0x3FFB];
	_ =	sdelay $0x3  }
0x92: {  	_ =	strace s18  }
0x93: {  	s3 =	sld [smem:$0x3FFC];
	_ =	sdelay $0x3  }
0x94: {  	_ =	strace s3  }
0x95: {  	s3 =	sld [smem:$0x3FFD];
	_ =	sdelay $0x3  }
0x96: {  	_ =	strace s3  }
0x97: {  	_ =	strace $0x8FFFFFFF  }
0x98: {  	s19 =	sld [smem:$0x3FDB];
	_ =	sdelay $0x1  }
0x99: {  	s4 =	simm.s32 $_scs_section_size  }
0x9a: {  	s5 =	simm.s32 $_size__tile_overlayer_lowered;
	s6 =	simm.s32 $_tile_overlayer_lowered  }
0x9b: {  	s22 =	simm.s32 $0x1BFF;
	s21 =	sshll.u32 s6, $0x1;
	s3 =	sadd.s32 s4, s19  }
0x9c: {  	s7 =	simm.s32 $0x0;
	s20 =	sshll.u32 s5, $0x1;
	s5 =	sadd.s32 s21, s3  }
0x9d: {  	[timem:s7], [sflag:s22] =	dma.local [hbm:s5], s20  }
0x9e: {  	_ =	swait.ge [sflag:s22], s20  }
0x9f: {  	s4 =	ssub.s32 $0x0, s20;
	[sflag:s22] =	ssyncset.done $0x0  }
0xa0: {  	[sflag:s22] =	ssyncadd.s32 s4;
	_ =	sdelay $0x1  }
0xa1: {  	s23 =	simm.s32 $0x1B8B  }
0xa2: {  	_ =	swait.ge [sflag:s23], $0x1  }
0xa3: {  	[sflag:s23] =	ssyncset.done $0x0  }
0xa4: {  	s25 =	simm.s32 $0x1B8E;
	s24 =	sld [smem:$0x3FFE];
	[sflag:s23] =	ssyncadd.s32 $0xFFFFFFFF  }
0xa5: {  	s26 =	simm.s32 $execute0_lowered;
	[smem:$0x3FD2] =	sst s25  }
0xa6: {  	s5 =	sshll.u32 s26, $0x1;
	_ =	strace $0x80000046;
	[dreg:$0x1] =	wrdreg $0xFFFFFFFF  }
0xa7: {  	s28 =	simm.s32 $_size_execute0_lowered;
	s3 =	sadd.s32 s3, s5;
	[dreg:$0x0] =	wrdreg $0x0  }
0xa8: {  	s5 =	sshll.u32 s28, $0x1;
	[dreg:$0x2] =	wrdreg s3  }
0xa9: {  	[dreg:$0x3] =	wrdreg s5  }
0xaa: {  	[dreg:$0x4] =	wrdreg $0xC0  }
0xab: {  	_ =	task [dreg:s7], $0x5FFFF  }
0xac: {  	[dreg:$0x1] =	wrdreg $0xFFFFFFFF  }
0xad: {  	[dreg:$0x0] =	wrdreg $0x60  }
0xae: {  	[dreg:$0x2] =	wrdreg s24  }
0xaf: {  	[dreg:$0x3] =	wrdreg s2  }
0xb0: {  	[dreg:$0x4] =	wrdreg $0x9  }
0xb1: {  	_ =	task.clear_ibuf [dreg:s7], $0x5FFFF;
	_ =	strace $0x90000046  }
0xb2: {  	s29 =	simm.s32 $0x9;
	_ =	strace $0x80000048  }
0xb3: {  	_ =	swait.ge [sflag:s29], $0x1  }
0xb4: {  	[sflag:s29] =	ssyncadd.s32 $0xFFFFFFFF  }
0xb5: {  	_ =	strace $0x90000048  }
0xb6: {  	_ =	sfence  }
0xb7: {  	s30 =	sld [smem:$0x0];
	_ =	sdelay $0x2  }
0xb8: {  	s31 =	sshll.u32 s1, $0xD;
	s1 =	sshrl.u32 s1, $0x2  }
0xb9: {  	s3 =	sand.u32 $0x4000, s31;
	s1 =	sadd.s32 s1, s30  }
0xba: {  	s0 =	sor.u32 s3, s0;
	s1 =	sshll.u32 s1, $0x11  }
0xbb: {  	s0 =	sor.u32 s1, s0  }
0xbc: {  	s0 =	sadd.s32 $0x8F2B, s0  }
0xbd: {  	[sflag:s0] =	ssyncadd.remote.s32 $0x1  }
0xbe: {  	_ =	sfence.sel $0xFFFF  }
0xbf: {  	[dreg:$0x0] =	wrdreg $0xFFFFFFFF;
	(pc) =	sbr.abs _section_cstart, $3  }
0xc0: {  	[dreg:$0x1] =	wrdreg $0xFFFFFFFF  }
0xc1: {  	_ =	task.clear_ibuf [dreg:s7], $0x2FFFF;
	_ =	strace $0x9FFFFFFF  }
0xc2: {  	(tm) =	ssettm $0x7FFFFFFF  }
0xc3: {  	_ =	shalt  }
tec
execute0_lowered:
.L_overlay_start_1:
0x0: {  	(tag) =	ssettag $0x1  }
0x1: {  	v0 =	vimm.s32 $0x780;
	vm5 =	vcmask $0x300  }
0x2: {  	vm6 =	vcmask $0x704;
	v0 =	vsel vm5, $0x5, v0  }
0x3: {  	vm7 =	vcmask $0xB08;
	v0 =	vsel vm6, $0x8A, v0  }
0x4: {  	vm8 =	vcmask $0xF0C;
	v0 =	vsel vm7, $0x10F, v0  }
0x5: {  	vm9 =	vcmask $0x1310;
	v0 =	vsel vm8, $0x194, v0  }
0x6: {  	vm4 =	vcmask $0x1714;
	v0 =	vsel vm9, $0x219, v0  }
0x7: {  	vm3 =	vcmask $0x1B18;
	v0 =	vsel vm4, $0x29E, v0  }
0x8: {  	vm2 =	vcmask $0x1F1C;
	v0 =	vsel vm3, $0x323, v0  }
0x9: {  	vm1 =	vcmask $0x2320;
	v1 =	vimm.s32 $0x781;
	v0 =	vsel vm2, $0x3A8, v0  }
0xa: {  	vm0 =	vcmask $0x2724;
	v1 =	vsel vm5, $0x6, v1;
	v0 =	vsel vm1, $0x42D, v0  }
0xb: {  	v2 =	vimm.s32 $0x782;
	v1 =	vsel vm6, $0x8B, v1;
	v0 =	vsel vm0, $0x4B2, v0  }
0xc: {  	v2 =	vsel vm5, $0x7, v2;
	[tilespmem:$0x1F4D0] =	vst v0;
	v0 =	vsel vm7, $0x110, v1  }
0xd: {  	v3 =	vimm.s32 $0x783;
	[tilespmem:$0x1F4B0] =	vst v0;
	v0 =	vsel vm6, $0x8C, v2  }
0xe: {  	v4 =	vimm.s32 $0x784;
	[tilespmem:$0x1F4C0] =	vst v0;
	v0 =	vsel vm5, $0x8, v3  }
0xf: {  	v5 =	vimm.s32 $0x785;
	[tilespmem:$0x1F4E0] =	vst v0;
	v0 =	vsel vm5, $0x9, v4  }
0x10: {  	v6 =	vimm.s32 $0x786;
	[tilespmem:$0x1F4F0] =	vst v0;
	v0 =	vsel vm5, $0xA, v5  }
0x11: {  	v7 =	vimm.s32 $0x787;
	[tilespmem:$0x1F500] =	vst v0;
	v0 =	vsel vm5, $0xB, v6  }
0x12: {  	v8 =	vimm.s32 $0x788;
	[tilespmem:$0x1F510] =	vst v0;
	v0 =	vsel vm5, $0xC, v7  }
0x13: {  	v9 =	vimm.s32 $0x789;
	[tilespmem:$0x1F520] =	vst v0;
	v0 =	vsel vm5, $0xD, v8  }
0x14: {  	v10 =	vimm.s32 $0x78A;
	[tilespmem:$0x1F530] =	vst v0;
	v0 =	vsel vm5, $0xE, v9  }
0x15: {  	v11 =	vimm.s32 $0x78B;
	[tilespmem:$0x1F540] =	vst v0;
	v0 =	vsel vm5, $0xF, v10  }
0x16: {  	v12 =	vimm.s32 $0x78C;
	[tilespmem:$0x1F550] =	vst v0;
	v0 =	vsel vm5, $0x10, v11  }
0x17: {  	v13 =	vimm.s32 $0x78D;
	[tilespmem:$0x1F560] =	vst v0;
	v0 =	vsel vm5, $0x11, v12  }
0x18: {  	v14 =	vimm.s32 $0x78E;
	[tilespmem:$0x1F570] =	vst v0;
	v0 =	vsel vm5, $0x12, v13  }
0x19: {  	v15 =	vimm.s32 $0x78F;
	[tilespmem:$0x1F580] =	vst v0;
	v0 =	vsel vm5, $0x13, v14  }
0x1a: {  	v16 =	vimm.s32 $0x790;
	[tilespmem:$0x1F590] =	vst v0;
	v0 =	vsel vm5, $0x14, v15  }
0x1b: {  	v17 =	vimm.s32 $0x791;
	[tilespmem:$0x1F5A0] =	vst v0;
	v0 =	vsel vm5, $0x15, v16  }
0x1c: {  	v18 =	vimm.s32 $0x792;
	[tilespmem:$0x1F5B0] =	vst v0;
	v0 =	vsel vm5, $0x16, v17  }
0x1d: {  	v19 =	vimm.s32 $0x793;
	[tilespmem:$0x1F5C0] =	vst v0;
	v0 =	vsel vm5, $0x17, v18  }
0x1e: {  	v20 =	vimm.s32 $0x794;
	[tilespmem:$0x1F5D0] =	vst v0;
	v0 =	vsel vm5, $0x18, v19  }
0x1f: {  	v21 =	vimm.s32 $0x795;
	[tilespmem:$0x1F5E0] =	vst v0;
	v0 =	vsel vm5, $0x19, v20  }
0x20: {  	v22 =	vimm.s32 $0x796;
	[tilespmem:$0x1F5F0] =	vst v0;
	v0 =	vsel vm5, $0x1A, v21  }
0x21: {  	v23 =	vimm.s32 $0x797;
	[tilespmem:$0x1F600] =	vst v0;
	v0 =	vsel vm5, $0x1B, v22  }
0x22: {  	v24 =	vimm.s32 $0x798;
	[tilespmem:$0x1F610] =	vst v0;
	v0 =	vsel vm5, $0x1C, v23  }
0x23: {  	v25 =	vimm.s32 $0x799;
	[tilespmem:$0x1F620] =	vst v0;
	v0 =	vsel vm5, $0x1D, v24  }
0x24: {  	v26 =	vimm.s32 $0x79A;
	[tilespmem:$0x1F630] =	vst v0;
	v0 =	vsel vm5, $0x1E, v25  }
0x25: {  	v27 =	vimm.s32 $0x79B;
	[tilespmem:$0x1F640] =	vst v0;
	v0 =	vsel vm5, $0x1F, v26  }
0x26: {  	v28 =	vimm.s32 $0x79C;
	[tilespmem:$0x1F650] =	vst v0;
	v0 =	vsel vm5, $0x20, v27  }
0x27: {  	v29 =	vimm.s32 $0x79D;
	[tilespmem:$0x1F660] =	vst v0;
	v0 =	vsel vm5, $0x21, v28  }
0x28: {  	v30 =	vimm.s32 $0x79E;
	[tilespmem:$0x1F670] =	vst v0;
	v0 =	vsel vm5, $0x22, v29  }
0x29: {  	v31 =	vimm.s32 $0x79F;
	[tilespmem:$0x1F680] =	vst v0;
	v0 =	vsel vm5, $0x23, v30  }
0x2a: {  	v32 =	vimm.s32 $0x7A0;
	[tilespmem:$0x1F690] =	vst v0;
	v0 =	vsel vm5, $0x24, v31  }
0x2b: {  	v33 =	vimm.s32 $0x7A1;
	[tilespmem:$0x1F6A0] =	vst v0;
	v0 =	vsel vm5, $0x25, v32  }
0x2c: {  	v34 =	vimm.s32 $0x7A2;
	[tilespmem:$0x1F6B0] =	vst v0;
	v0 =	vsel vm5, $0x26, v33  }
0x2d: {  	v35 =	vimm.s32 $0x7A3;
	[tilespmem:$0x1F6C0] =	vst v0;
	v0 =	vsel vm5, $0x27, v34  }
0x2e: {  	v36 =	vimm.s32 $0x7A4;
	[tilespmem:$0x1F6D0] =	vst v0;
	v0 =	vsel vm5, $0x28, v35  }
0x2f: {  	v37 =	vimm.s32 $0x7A5;
	[tilespmem:$0x1F6E0] =	vst v0;
	v0 =	vsel vm5, $0x29, v36  }
0x30: {  	v38 =	vimm.s32 $0x7A6;
	[tilespmem:$0x1F6F0] =	vst v0;
	v0 =	vsel vm5, $0x2A, v37  }
0x31: {  	v39 =	vimm.s32 $0x7A7;
	[tilespmem:$0x1F700] =	vst v0;
	v0 =	vsel vm5, $0x2B, v38  }
0x32: {  	v40 =	vimm.s32 $0x7A8;
	[tilespmem:$0x1F710] =	vst v0;
	v0 =	vsel vm5, $0x2C, v39  }
0x33: {  	v41 =	vimm.s32 $0x7A9;
	[tilespmem:$0x1F720] =	vst v0;
	v0 =	vsel vm5, $0x2D, v40  }
0x34: {  	v42 =	vimm.s32 $0x7AA;
	[tilespmem:$0x1F730] =	vst v0;
	v0 =	vsel vm5, $0x2E, v41  }
0x35: {  	v43 =	vimm.s32 $0x7AB;
	[tilespmem:$0x1F740] =	vst v0;
	v0 =	vsel vm5, $0x2F, v42  }
0x36: {  	v44 =	vimm.s32 $0x7AC;
	[tilespmem:$0x1F750] =	vst v0;
	v0 =	vsel vm5, $0x30, v43  }
0x37: {  	v45 =	vimm.s32 $0x7AD;
	[tilespmem:$0x1F760] =	vst v0;
	v0 =	vsel vm5, $0x31, v44  }
0x38: {  	v46 =	vimm.s32 $0x7AE;
	[tilespmem:$0x1F770] =	vst v0;
	v0 =	vsel vm5, $0x32, v45  }
0x39: {  	v47 =	vimm.s32 $0x7AF;
	[tilespmem:$0x1F780] =	vst v0;
	v0 =	vsel vm5, $0x33, v46  }
0x3a: {  	v48 =	vimm.s32 $0x7B0;
	[tilespmem:$0x1F790] =	vst v0;
	v0 =	vsel vm5, $0x34, v47  }
0x3b: {  	v49 =	vimm.s32 $0x7B1;
	[tilespmem:$0x1F7A0] =	vst v0;
	v0 =	vsel vm5, $0x35, v48  }
0x3c: {  	v50 =	vimm.s32 $0x7B2;
	[tilespmem:$0x1F7B0] =	vst v0;
	v0 =	vsel vm5, $0x36, v49  }
0x3d: {  	v51 =	vimm.s32 $0x7B3;
	[tilespmem:$0x1F7C0] =	vst v0;
	v0 =	vsel vm5, $0x37, v50  }
0x3e: {  	v52 =	vimm.s32 $0x7B4;
	[tilespmem:$0x1F7D0] =	vst v0;
	v0 =	vsel vm5, $0x38, v51  }
0x3f: {  	v53 =	vimm.s32 $0x7B5;
	[tilespmem:$0x1F7E0] =	vst v0;
	v0 =	vsel vm5, $0x39, v52  }
0x40: {  	v54 =	vimm.s32 $0x7B6;
	[tilespmem:$0x1F7F0] =	vst v0;
	v0 =	vsel vm5, $0x3A, v53  }
0x41: {  	v55 =	vimm.s32 $0x7B7;
	[tilespmem:$0x1F800] =	vst v0;
	v0 =	vsel vm5, $0x3B, v54  }
0x42: {  	v56 =	vimm.s32 $0x7B8;
	[tilespmem:$0x1F810] =	vst v0;
	v0 =	vsel vm5, $0x3C, v55  }
0x43: {  	v57 =	vimm.s32 $0x7B9;
	[tilespmem:$0x1F820] =	vst v0;
	v0 =	vsel vm5, $0x3D, v56  }
0x44: {  	v58 =	vimm.s32 $0x7BA;
	[tilespmem:$0x1F830] =	vst v0;
	v0 =	vsel vm5, $0x3E, v57  }
0x45: {  	v59 =	vimm.s32 $0x7BB;
	[tilespmem:$0x1F840] =	vst v0;
	v0 =	vsel vm5, $0x3F, v58  }
0x46: {  	v60 =	vimm.s32 $0x7BC;
	[tilespmem:$0x1F850] =	vst v0;
	v0 =	vsel vm5, $0x40, v59  }
0x47: {  	v61 =	vimm.s32 $0x7BD;
	[tilespmem:$0x1F860] =	vst v0;
	v0 =	vsel vm5, $0x41, v60  }
0x48: {  	v62 =	vimm.s32 $0x7BE;
	[tilespmem:$0x1F870] =	vst v0;
	v0 =	vsel vm5, $0x42, v61  }
0x49: {  	[tilespmem:$0x1F880] =	vst v0;
	v0 =	vsel vm5, $0x43, v62  }
0x4a: {  	[tilespmem:$0x1F890] =	vst v0;
	v0 =	vimm.s32 $0x7C0  }
0x4b: {  	v1 =	vimm.s32 $0x7C1;
	v0 =	vsel vm5, $0x45, v0  }
0x4c: {  	v63 =	vimm.s32 $0x7BF;
	[tilespmem:$0x1F8B0] =	vst v0;
	v0 =	vsel vm5, $0x46, v1  }
0x4d: {  	v2 =	vsel vm5, $0x44, v63;
	[tilespmem:$0x1F8C0] =	vst v0;
	v0 =	vimm.s32 $0x7C2  }
0x4e: {  	[tilespmem:$0x1F8A0] =	vst v2;
	v1 =	vimm.s32 $0x7C3;
	v0 =	vsel vm5, $0x47, v0  }
0x4f: {  	v2 =	vimm.s32 $0x7C4;
	[tilespmem:$0x1F8D0] =	vst v0;
	v0 =	vsel vm5, $0x48, v1  }
0x50: {  	[tilespmem:$0x1F8E0] =	vst v0;
	v0 =	vsel vm5, $0x49, v2  }
0x51: {  	[tilespmem:$0x1F8F0] =	vst v0;
	v0 =	vimm.s32 $0x7C5  }
0x52: {  	v1 =	vimm.s32 $0x7C6;
	v0 =	vsel vm5, $0x4A, v0  }
0x53: {  	v2 =	vimm.s32 $0x7C7;
	[tilespmem:$0x1F900] =	vst v0;
	v0 =	vsel vm5, $0x4B, v1  }
0x54: {  	[tilespmem:$0x1F910] =	vst v0;
	v0 =	vsel vm5, $0x4C, v2  }
0x55: {  	v2 =	vimm.s32 $0x7CA;
	[tilespmem:$0x1F920] =	vst v0;
	v0 =	vimm.s32 $0x7C8  }
0x56: {  	v3 =	vsel vm5, $0x4D, v0;
	v0 =	vsel vm5, $0x4F, v2;
	v2 =	vld [tilespmem:$0x1F880];
	_ =	sdelay $0x4  }
0x57: {  	v2 =	vsel vm6, $0xC7, v2  }
0x58: {  	[tilespmem:$0x1F940] =	vst v2;
	v2 =	vld [tilespmem:$0x1F890];
	_ =	sdelay $0x4  }
0x59: {  	v2 =	vsel vm6, $0xC8, v2  }
0x5a: {  	[tilespmem:$0x1F950] =	vst v2;
	v2 =	vld [tilespmem:$0x1F8A0];
	_ =	sdelay $0x4  }
0x5b: {  	v2 =	vsel vm6, $0xC9, v2  }
0x5c: {  	[tilespmem:$0x1F960] =	vst v2;
	v2 =	vld [tilespmem:$0x1F8B0];
	_ =	sdelay $0x4  }
0x5d: {  	v2 =	vsel vm6, $0xCA, v2  }
0x5e: {  	[tilespmem:$0x1F970] =	vst v2;
	v2 =	vld [tilespmem:$0x1F8C0];
	_ =	sdelay $0x4  }
0x5f: {  	v2 =	vsel vm6, $0xCB, v2  }
0x60: {  	[tilespmem:$0x1F980] =	vst v2;
	v2 =	vld [tilespmem:$0x1F8D0];
	_ =	sdelay $0x4  }
0x61: {  	v2 =	vsel vm6, $0xCC, v2  }
0x62: {  	[tilespmem:$0x1F990] =	vst v2;
	v2 =	vld [tilespmem:$0x1F8E0];
	_ =	sdelay $0x4  }
0x63: {  	v2 =	vsel vm6, $0xCD, v2  }
0x64: {  	[tilespmem:$0x1F9A0] =	vst v2;
	v2 =	vld [tilespmem:$0x1F8F0];
	_ =	sdelay $0x4  }
0x65: {  	v2 =	vsel vm6, $0xCE, v2  }
0x66: {  	[tilespmem:$0x1F9B0] =	vst v2;
	v2 =	vld [tilespmem:$0x1F900];
	_ =	sdelay $0x4  }
0x67: {  	v2 =	vsel vm6, $0xCF, v2  }
0x68: {  	[tilespmem:$0x1F9C0] =	vst v2;
	v2 =	vld [tilespmem:$0x1F910];
	_ =	sdelay $0x4  }
0x69: {  	v2 =	vsel vm6, $0x80, v2  }
0x6a: {  	[tilespmem:$0x1F9D0] =	vst v2;
	v2 =	vld [tilespmem:$0x1F920];
	_ =	sdelay $0x4  }
0x6b: {  	[tilespmem:$0x1F930] =	vst v0;
	v2 =	vsel vm6, $0x81, v2  }
0x6c: {  	[tilespmem:$0x1F9E0] =	vst v2;
	v2 =	vld [tilespmem:$0x1F930];
	_ =	sdelay $0x4  }
0x6d: {  	v2 =	vsel vm6, $0x84, v2  }
0x6e: {  	[tilespmem:$0x1F9F0] =	vst v2;
	v2 =	vld [tilespmem:$0x1F940];
	_ =	sdelay $0x4  }
0x6f: {  	v2 =	vsel vm7, $0x14C, v2  }
0x70: {  	[tilespmem:$0x1FA00] =	vst v2;
	v2 =	vld [tilespmem:$0x1F950];
	_ =	sdelay $0x4  }
0x71: {  	v2 =	vsel vm7, $0x14D, v2  }
0x72: {  	[tilespmem:$0x1FA10] =	vst v2;
	v2 =	vld [tilespmem:$0x1F960];
	_ =	sdelay $0x4  }
0x73: {  	v2 =	vsel vm7, $0x14E, v2  }
0x74: {  	[tilespmem:$0x1FA20] =	vst v2;
	v2 =	vld [tilespmem:$0x1F970];
	_ =	sdelay $0x4  }
0x75: {  	v2 =	vsel vm7, $0x14F, v2  }
0x76: {  	[tilespmem:$0x1FA30] =	vst v2;
	v2 =	vld [tilespmem:$0x1F980];
	_ =	sdelay $0x4  }
0x77: {  	v2 =	vsel vm7, $0x100, v2  }
0x78: {  	[tilespmem:$0x1FA40] =	vst v2;
	v2 =	vld [tilespmem:$0x1F990];
	_ =	sdelay $0x4  }
0x79: {  	v2 =	vsel vm7, $0x101, v2  }
0x7a: {  	[tilespmem:$0x1FA50] =	vst v2;
	v2 =	vld [tilespmem:$0x1F9A0];
	_ =	sdelay $0x4  }
0x7b: {  	v2 =	vsel vm7, $0x102, v2  }
0x7c: {  	[tilespmem:$0x1FA60] =	vst v2;
	v2 =	vld [tilespmem:$0x1F9B0];
	_ =	sdelay $0x4  }
0x7d: {  	v2 =	vsel vm7, $0x103, v2  }
0x7e: {  	[tilespmem:$0x1FA70] =	vst v2;
	v2 =	vld [tilespmem:$0x1F9C0];
	_ =	sdelay $0x4  }
0x7f: {  	v2 =	vsel vm7, $0x104, v2  }
0x80: {  	[tilespmem:$0x1FA80] =	vst v2;
	v2 =	vld [tilespmem:$0x1F9D0];
	_ =	sdelay $0x4  }
0x81: {  	v2 =	vsel vm7, $0x105, v2  }
0x82: {  	[tilespmem:$0x1FA90] =	vst v2;
	v2 =	vld [tilespmem:$0x1F9E0];
	_ =	sdelay $0x4  }
0x83: {  	v2 =	vsel vm7, $0x106, v2  }
0x84: {  	[tilespmem:$0x1FAA0] =	vst v2;
	v2 =	vld [tilespmem:$0x1F9F0];
	_ =	sdelay $0x4  }
0x85: {  	v2 =	vsel vm7, $0x109, v2  }
0x86: {  	[tilespmem:$0x1FAB0] =	vst v2;
	v2 =	vld [tilespmem:$0x1FA00];
	_ =	sdelay $0x4  }
0x87: {  	v2 =	vsel vm8, $0x181, v2  }
0x88: {  	[tilespmem:$0x1FAC0] =	vst v2;
	v2 =	vld [tilespmem:$0x1FA10];
	_ =	sdelay $0x4  }
0x89: {  	v2 =	vsel vm8, $0x182, v2  }
0x8a: {  	[tilespmem:$0x1FAD0] =	vst v2;
	v2 =	vld [tilespmem:$0x1FA20];
	_ =	sdelay $0x4  }
0x8b: {  	v2 =	vsel vm8, $0x183, v2  }
0x8c: {  	[tilespmem:$0x1FAE0] =	vst v2;
	v2 =	vld [tilespmem:$0x1FA30];
	_ =	sdelay $0x1  }
0x8d: {  	v6 =	vld [tilespmem:$0x1F4E0]  }
0x8e: {  	v7 =	vld [tilespmem:$0x1F4F0]  }
0x8f: {  	v8 =	vld [tilespmem:$0x1F500]  }
0x90: {  	v9 =	vld [tilespmem:$0x1F510];
	v2 =	vsel vm8, $0x184, v2  }
0x91: {  	[tilespmem:$0x1FAF0] =	vst v2;
	v2 =	vld [tilespmem:$0x1FA40]  }
0x92: {  	vm12 =	vcmask $0x2F2C;
	vm13 =	vcmask $0x3330;
	vm14 =	vcmask $0x3734;
	v10 =	vld [tilespmem:$0x1F520]  }
0x93: {  	vm15 =	vcmask $0x3B38;
	v6 =	vsel vm6, $0x8D, v6;
	v11 =	vld [tilespmem:$0x1F530];
	v7 =	vsel vm6, $0x8E, v7  }
0x94: {  	v12 =	vld [tilespmem:$0x1F540];
	v6 =	vsel vm7, $0x112, v6;
	v8 =	vsel vm6, $0x8F, v8;
	v7 =	vsel vm7, $0x113, v7  }
0x95: {  	v13 =	vld [tilespmem:$0x1F550];
	v6 =	vsel vm8, $0x197, v6;
	v9 =	vsel vm6, $0x90, v9;
	v8 =	vsel vm7, $0x114, v8  }
0x96: {  	v14 =	vld [tilespmem:$0x1F560];
	v7 =	vsel vm8, $0x198, v7;
	v6 =	vsel vm9, $0x21C, v6;
	v2 =	vsel vm8, $0x185, v2  }
0x97: {  	v10 =	vsel vm6, $0x91, v10;
	v9 =	vsel vm7, $0x115, v9;
	v8 =	vsel vm8, $0x199, v8;
	[tilespmem:$0x1FB00] =	vst v2;
	v2 =	vld [tilespmem:$0x1FA50]  }
0x98: {  	v7 =	vsel vm9, $0x21D, v7;
	v11 =	vsel vm6, $0x92, v11;
	v10 =	vsel vm7, $0x116, v10  }
0x99: {  	v15 =	vld [tilespmem:$0x1F570];
	v9 =	vsel vm8, $0x19A, v9;
	v8 =	vsel vm9, $0x21E, v8;
	v12 =	vsel vm6, $0x93, v12  }
0x9a: {  	v16 =	vld [tilespmem:$0x1F580];
	v11 =	vsel vm7, $0x117, v11;
	v10 =	vsel vm8, $0x19B, v10;
	v9 =	vsel vm9, $0x21F, v9  }
0x9b: {  	v17 =	vld [tilespmem:$0x1F590];
	v13 =	vsel vm6, $0x94, v13;
	v12 =	vsel vm7, $0x118, v12;
	v11 =	vsel vm8, $0x19C, v11  }
0x9c: {  	v18 =	vld [tilespmem:$0x1F5A0];
	v10 =	vsel vm9, $0x220, v10;
	v14 =	vsel vm6, $0x95, v14;
	v2 =	vsel vm8, $0x186, v2  }
0x9d: {  	v13 =	vsel vm7, $0x119, v13;
	v12 =	vsel vm8, $0x19D, v12;
	v11 =	vsel vm9, $0x221, v11;
	[tilespmem:$0x1FB10] =	vst v2;
	v2 =	vld [tilespmem:$0x1FA60]  }
0x9e: {  	v19 =	vld [tilespmem:$0x1F5B0];
	v15 =	vsel vm6, $0x96, v15;
	v14 =	vsel vm7, $0x11A, v14;
	v13 =	vsel vm8, $0x19E, v13  }
0x9f: {  	v12 =	vsel vm9, $0x222, v12;
	v16 =	vsel vm6, $0x97, v16;
	v15 =	vsel vm7, $0x11B, v15  }
0xa0: {  	v14 =	vsel vm8, $0x19F, v14;
	v13 =	vsel vm9, $0x223, v13;
	v17 =	vsel vm6, $0x98, v17;
	v24 =	vld [tilespmem:$0x1F600]  }
0xa1: {  	v16 =	vsel vm7, $0x11C, v16;
	v15 =	vsel vm8, $0x1A0, v15;
	v14 =	vsel vm9, $0x224, v14;
	v25 =	vld [tilespmem:$0x1F610]  }
0xa2: {  	v18 =	vsel vm6, $0x99, v18;
	v17 =	vsel vm7, $0x11D, v17;
	v26 =	vld [tilespmem:$0x1F620];
	v2 =	vsel vm8, $0x187, v2  }
0xa3: {  	v16 =	vsel vm8, $0x1A1, v16;
	v15 =	vsel vm9, $0x225, v15;
	v19 =	vsel vm6, $0x9A, v19;
	[tilespmem:$0x1FB20] =	vst v2;
	v2 =	vld [tilespmem:$0x1FA70]  }
0xa4: {  	v18 =	vsel vm7, $0x11E, v18;
	v17 =	vsel vm8, $0x1A2, v17;
	v16 =	vsel vm9, $0x226, v16;
	v27 =	vld [tilespmem:$0x1F630]  }
0xa5: {  	v19 =	vsel vm7, $0x11F, v19;
	v18 =	vsel vm8, $0x1A3, v18;
	v17 =	vsel vm9, $0x227, v17;
	v28 =	vld [tilespmem:$0x1F640]  }
0xa6: {  	v19 =	vsel vm8, $0x1A4, v19;
	v18 =	vsel vm9, $0x228, v18;
	v24 =	vsel vm6, $0x9F, v24  }
0xa7: {  	v19 =	vsel vm9, $0x229, v19;
	v29 =	vld [tilespmem:$0x1F650];
	v25 =	vsel vm6, $0xA0, v25;
	v24 =	vsel vm7, $0x124, v24  }
0xa8: {  	v30 =	vld [tilespmem:$0x1F660];
	v26 =	vsel vm6, $0xA1, v26;
	v25 =	vsel vm7, $0x125, v25;
	v2 =	vsel vm8, $0x188, v2  }
0xa9: {  	v24 =	vsel vm8, $0x1A9, v24;
	v27 =	vsel vm6, $0xA2, v27;
	v26 =	vsel vm7, $0x126, v26;
	[tilespmem:$0x1FB30] =	vst v2;
	v2 =	vld [tilespmem:$0x1FA80]  }
0xaa: {  	v31 =	vld [tilespmem:$0x1F670];
	v25 =	vsel vm8, $0x1AA, v25;
	v24 =	vsel vm9, $0x22E, v24;
	v28 =	vsel vm6, $0xA3, v28  }
0xab: {  	v32 =	vld [tilespmem:$0x1F5C0];
	v27 =	vsel vm7, $0x127, v27;
	v26 =	vsel vm8, $0x1AB, v26;
	v25 =	vsel vm9, $0x22F, v25  }
0xac: {  	v33 =	vld [tilespmem:$0x1F5D0];
	v29 =	vsel vm6, $0xA4, v29;
	v28 =	vsel vm7, $0x128, v28;
	v27 =	vsel vm8, $0x1AC, v27  }
0xad: {  	v34 =	vld [tilespmem:$0x1F5E0];
	v26 =	vsel vm9, $0x230, v26;
	v30 =	vsel vm6, $0xA5, v30;
	v29 =	vsel vm7, $0x129, v29  }
0xae: {  	v35 =	vld [tilespmem:$0x1F5F0];
	v28 =	vsel vm8, $0x1AD, v28;
	v27 =	vsel vm9, $0x231, v27;
	v2 =	vsel vm8, $0x189, v2  }
0xaf: {  	v31 =	vsel vm6, $0xA6, v31;
	v30 =	vsel vm7, $0x12A, v30;
	v29 =	vsel vm8, $0x1AE, v29;
	[tilespmem:$0x1FB40] =	vst v2;
	v2 =	vld [tilespmem:$0x1FA90]  }
0xb0: {  	v28 =	vsel vm9, $0x232, v28;
	v20 =	vsel vm6, $0x9B, v32;
	v31 =	vsel vm7, $0x12B, v31;
	v0 =	vld [tilespmem:$0x1F4B0]  }
0xb1: {  	v30 =	vsel vm8, $0x1AF, v30;
	v29 =	vsel vm9, $0x233, v29;
	v21 =	vsel vm6, $0x9C, v33  }
0xb2: {  	v36 =	vld [tilespmem:$0x1F680];
	v20 =	vsel vm7, $0x120, v20;
	v31 =	vsel vm8, $0x1B0, v31;
	v1 =	vimm.s32 $0x7C9  }
0xb3: {  	v30 =	vsel vm9, $0x234, v30;
	v22 =	vsel vm6, $0x9D, v34;
	v4 =	vsel vm5, $0x4E, v1;
	v1 =	vld [tilespmem:$0x1F4C0]  }
0xb4: {  	v21 =	vsel vm7, $0x121, v21;
	v20 =	vsel vm8, $0x1A5, v20;
	v2 =	vsel vm8, $0x18A, v2  }
0xb5: {  	v31 =	vsel vm9, $0x235, v31;
	v23 =	vsel vm6, $0x9E, v35;
	v0 =	vsel vm8, $0x195, v0;
	[tilespmem:$0x1FB50] =	vst v2;
	v2 =	vld [tilespmem:$0x1FAA0]  }
0xb6: {  	v22 =	vsel vm7, $0x122, v22;
	v21 =	vsel vm8, $0x1A6, v21;
	v0 =	vsel vm9, $0x21A, v0  }
0xb7: {  	v20 =	vsel vm9, $0x22A, v20;
	v32 =	vsel vm6, $0xA7, v36;
	v0 =	vsel vm4, $0x29F, v0  }
0xb8: {  	v5 =	vld [tilespmem:$0x1F4D0];
	v23 =	vsel vm7, $0x123, v23;
	v1 =	vsel vm7, $0x111, v1;
	v0 =	vsel vm3, $0x324, v0  }
0xb9: {  	v22 =	vsel vm8, $0x1A7, v22;
	v1 =	vsel vm8, $0x196, v1;
	v0 =	vsel vm2, $0x3A9, v0  }
0xba: {  	v1 =	vsel vm9, $0x21B, v1;
	v0 =	vsel vm1, $0x42E, v0;
	v2 =	vsel vm8, $0x18B, v2  }
0xbb: {  	vm5 =	vcmask $0x2B28;
	v1 =	vsel vm4, $0x2A0, v1;
	v0 =	vsel vm0, $0x4B3, v0;
	[tilespmem:$0x1FB60] =	vst v2;
	v2 =	vld [tilespmem:$0x1FAB0]  }
0xbc: {  	v21 =	vsel vm9, $0x22B, v21;
	v1 =	vsel vm3, $0x325, v1;
	v0 =	vsel vm5, $0x538, v0  }
0xbd: {  	v37 =	vld [tilespmem:$0x1F690];
	v5 =	vsel vm5, $0x537, v5;
	v1 =	vsel vm2, $0x3AA, v1;
	v0 =	vsel vm12, $0x5BD, v0  }
0xbe: {  	v5 =	vsel vm12, $0x5BC, v5;
	v1 =	vsel vm1, $0x42F, v1;
	v0 =	vsel vm13, $0x642, v0  }
0xbf: {  	v5 =	vsel vm13, $0x641, v5;
	v1 =	vsel vm0, $0x4B4, v1;
	v0 =	vsel vm14, $0x6C7, v0  }
0xc0: {  	v38 =	vld [tilespmem:$0x1F6A0];
	v1 =	vsel vm5, $0x539, v1;
	v0 =	vsel vm15, $0x74C, v0;
	v2 =	vsel vm8, $0x18E, v2  }
0xc1: {  	v5 =	vsel vm14, $0x6C6, v5;
	v1 =	vsel vm12, $0x5BE, v1;
	[tilespmem:$0x1FB80] =	vst v0;
	v2 =	vsel vm9, $0x213, v2  }
0xc2: {  	v33 =	vsel vm6, $0xA8, v37;
	v1 =	vsel vm13, $0x643, v1;
	[tilespmem:$0x1FF70] =	vst v2;
	v2 =	vsel vm15, $0x74B, v5  }
0xc3: {  	v32 =	vsel vm7, $0x12C, v32;
	v0 =	vsel vm14, $0x6C8, v1;
	[tilespmem:$0x1FB70] =	vst v2;
	v2 =	vsel vm4, $0x2A1, v6  }
0xc4: {  	v23 =	vsel vm8, $0x1A8, v23;
	v0 =	vsel vm15, $0x74D, v0;
	v1 =	vsel vm3, $0x326, v2  }
0xc5: {  	v22 =	vsel vm9, $0x22C, v22;
	v34 =	vsel vm6, $0xA9, v38;
	[tilespmem:$0x1FB90] =	vst v0;
	v0 =	vsel vm2, $0x3AB, v1  }
0xc6: {  	v33 =	vsel vm7, $0x12D, v33;
	v1 =	vsel vm4, $0x2A2, v7;
	v0 =	vsel vm1, $0x430, v0  }
0xc7: {  	v32 =	vsel vm8, $0x1B1, v32;
	v1 =	vsel vm3, $0x327, v1;
	v0 =	vsel vm0, $0x4B5, v0  }
0xc8: {  	v2 =	vsel vm4, $0x2A3, v8;
	v1 =	vsel vm2, $0x3AC, v1;
	v0 =	vsel vm5, $0x53A, v0  }
0xc9: {  	v39 =	vld [tilespmem:$0x1F6B0];
	v2 =	vsel vm3, $0x328, v2;
	v1 =	vsel vm1, $0x431, v1;
	v0 =	vsel vm12, $0x5BF, v0  }
0xca: {  	v2 =	vsel vm2, $0x3AD, v2;
	v1 =	vsel vm0, $0x4B6, v1;
	v0 =	vsel vm13, $0x644, v0  }
0xcb: {  	v2 =	vsel vm1, $0x432, v2;
	v1 =	vsel vm5, $0x53B, v1;
	v0 =	vsel vm14, $0x6C9, v0  }
0xcc: {  	v2 =	vsel vm0, $0x4B7, v2;
	v1 =	vsel vm12, $0x5C0, v1;
	v0 =	vsel vm15, $0x74E, v0  }
0xcd: {  	v40 =	vld [tilespmem:$0x1F6C0];
	v23 =	vsel vm9, $0x22D, v23;
	v2 =	vsel vm5, $0x53C, v2;
	[tilespmem:$0x1FBA0] =	vst v0;
	v0 =	vsel vm13, $0x645, v1  }
0xce: {  	v35 =	vsel vm6, $0xAA, v39;
	v1 =	vsel vm12, $0x5C1, v2;
	v0 =	vsel vm14, $0x6CA, v0  }
0xcf: {  	v34 =	vsel vm7, $0x12E, v34;
	v1 =	vsel vm13, $0x646, v1;
	v0 =	vsel vm15, $0x74F, v0  }
0xd0: {  	v33 =	vsel vm8, $0x1B2, v33;
	v2 =	vsel vm4, $0x2A4, v9;
	[tilespmem:$0x1FBB0] =	vst v0;
	v0 =	vsel vm14, $0x6CB, v1  }
0xd1: {  	v32 =	vsel vm9, $0x236, v32;
	v1 =	vsel vm3, $0x329, v2;
	v0 =	vsel vm15, $0x700, v0  }
0xd2: {  	v36 =	vsel vm6, $0xAB, v40;
	v35 =	vsel vm7, $0x12F, v35;
	[tilespmem:$0x1FBC0] =	vst v0;
	v0 =	vsel vm2, $0x3AE, v1  }
0xd3: {  	v34 =	vsel vm8, $0x1B3, v34;
	v1 =	vsel vm4, $0x2A5, v10;
	v0 =	vsel vm1, $0x433, v0  }
0xd4: {  	v33 =	vsel vm9, $0x237, v33;
	v1 =	vsel vm3, $0x32A, v1;
	v0 =	vsel vm0, $0x4B8, v0  }
0xd5: {  	v41 =	vld [tilespmem:$0x1F6D0];
	v2 =	vsel vm4, $0x2A6, v11;
	v1 =	vsel vm2, $0x3AF, v1;
	v0 =	vsel vm5, $0x53D, v0  }
0xd6: {  	v2 =	vsel vm3, $0x32B, v2;
	v1 =	vsel vm1, $0x434, v1;
	v0 =	vsel vm12, $0x5C2, v0  }
0xd7: {  	v2 =	vsel vm2, $0x3B0, v2;
	v1 =	vsel vm0, $0x4B9, v1;
	v0 =	vsel vm13, $0x647, v0  }
0xd8: {  	v2 =	vsel vm1, $0x435, v2;
	v1 =	vsel vm5, $0x53E, v1;
	v0 =	vsel vm14, $0x6CC, v0  }
0xd9: {  	v42 =	vld [tilespmem:$0x1F6E0];
	v2 =	vsel vm0, $0x4BA, v2;
	v1 =	vsel vm12, $0x5C3, v1;
	v0 =	vsel vm15, $0x701, v0  }
0xda: {  	v37 =	vsel vm6, $0xAC, v41;
	v2 =	vsel vm5, $0x53F, v2;
	[tilespmem:$0x1FBD0] =	vst v0;
	v0 =	vsel vm13, $0x648, v1  }
0xdb: {  	v36 =	vsel vm7, $0x130, v36;
	v1 =	vsel vm12, $0x5C4, v2;
	v0 =	vsel vm14, $0x6CD, v0  }
0xdc: {  	v43 =	vld [tilespmem:$0x1F6F0];
	v35 =	vsel vm8, $0x1B4, v35;
	v1 =	vsel vm13, $0x649, v1;
	v0 =	vsel vm15, $0x702, v0  }
0xdd: {  	v34 =	vsel vm9, $0x238, v34;
	v2 =	vsel vm4, $0x2A7, v12;
	[tilespmem:$0x1FBE0] =	vst v0;
	v0 =	vsel vm14, $0x6CE, v1  }
0xde: {  	v38 =	vsel vm6, $0xAD, v42;
	v1 =	vsel vm3, $0x32C, v2;
	v0 =	vsel vm15, $0x703, v0  }
0xdf: {  	v37 =	vsel vm7, $0x131, v37;
	v36 =	vsel vm8, $0x1B5, v36;
	[tilespmem:$0x1FBF0] =	vst v0;
	v0 =	vsel vm2, $0x3B1, v1  }
0xe0: {  	v35 =	vsel vm9, $0x239, v35;
	v1 =	vsel vm4, $0x2A8, v13;
	v0 =	vsel vm1, $0x436, v0  }
0xe1: {  	v39 =	vsel vm6, $0xAE, v43;
	v1 =	vsel vm3, $0x32D, v1;
	v0 =	vsel vm0, $0x4BB, v0  }
0xe2: {  	v2 =	vsel vm4, $0x2A9, v14;
	v1 =	vsel vm2, $0x3B2, v1;
	v0 =	vsel vm5, $0x540, v0  }
0xe3: {  	v2 =	vsel vm3, $0x32E, v2;
	v1 =	vsel vm1, $0x437, v1;
	v0 =	vsel vm12, $0x5C5, v0  }
0xe4: {  	v2 =	vsel vm2, $0x3B3, v2;
	v1 =	vsel vm0, $0x4BC, v1;
	v0 =	vsel vm13, $0x64A, v0  }
0xe5: {  	v44 =	vld [tilespmem:$0x1F700];
	v2 =	vsel vm1, $0x438, v2;
	v1 =	vsel vm5, $0x541, v1;
	v0 =	vsel vm14, $0x6CF, v0  }
0xe6: {  	v2 =	vsel vm0, $0x4BD, v2;
	v1 =	vsel vm12, $0x5C6, v1;
	v0 =	vsel vm15, $0x704, v0  }
0xe7: {  	v38 =	vsel vm7, $0x132, v38;
	v2 =	vsel vm5, $0x542, v2;
	[tilespmem:$0x1FC00] =	vst v0;
	v0 =	vsel vm13, $0x64B, v1  }
0xe8: {  	v45 =	vld [tilespmem:$0x1F710];
	v37 =	vsel vm8, $0x1B6, v37;
	v1 =	vsel vm12, $0x5C7, v2;
	v0 =	vsel vm14, $0x680, v0  }
0xe9: {  	v36 =	vsel vm9, $0x23A, v36;
	v1 =	vsel vm13, $0x64C, v1;
	v0 =	vsel vm15, $0x705, v0  }
0xea: {  	v40 =	vsel vm6, $0xAF, v44;
	v2 =	vsel vm4, $0x2AA, v15;
	[tilespmem:$0x1FC10] =	vst v0;
	v0 =	vsel vm14, $0x681, v1  }
0xeb: {  	v39 =	vsel vm7, $0x133, v39;
	v1 =	vsel vm3, $0x32F, v2;
	v0 =	vsel vm15, $0x706, v0  }
0xec: {  	v38 =	vsel vm8, $0x1B7, v38;
	v37 =	vsel vm9, $0x23B, v37;
	[tilespmem:$0x1FC20] =	vst v0;
	v0 =	vsel vm2, $0x3B4, v1  }
0xed: {  	v41 =	vsel vm6, $0xB0, v45;
	v1 =	vsel vm4, $0x2AB, v16;
	v0 =	vsel vm1, $0x439, v0  }
0xee: {  	v40 =	vsel vm7, $0x134, v40;
	v1 =	vsel vm3, $0x330, v1;
	v0 =	vsel vm0, $0x4BE, v0  }
0xef: {  	v2 =	vsel vm4, $0x2AC, v17;
	v1 =	vsel vm2, $0x3B5, v1;
	v0 =	vsel vm5, $0x543, v0  }
0xf0: {  	v2 =	vsel vm3, $0x331, v2;
	v1 =	vsel vm1, $0x43A, v1;
	v0 =	vsel vm12, $0x5C8, v0  }
0xf1: {  	v46 =	vld [tilespmem:$0x1F720];
	v2 =	vsel vm2, $0x3B6, v2;
	v1 =	vsel vm0, $0x4BF, v1;
	v0 =	vsel vm13, $0x64D, v0  }
0xf2: {  	v2 =	vsel vm1, $0x43B, v2;
	v1 =	vsel vm5, $0x544, v1;
	v0 =	vsel vm14, $0x682, v0  }
0xf3: {  	v2 =	vsel vm0, $0x4C0, v2;
	v1 =	vsel vm12, $0x5C9, v1;
	v0 =	vsel vm15, $0x707, v0  }
0xf4: {  	v47 =	vld [tilespmem:$0x1F730];
	v39 =	vsel vm8, $0x1B8, v39;
	v2 =	vsel vm5, $0x545, v2;
	[tilespmem:$0x1FC30] =	vst v0;
	v0 =	vsel vm13, $0x64E, v1  }
0xf5: {  	v38 =	vsel vm9, $0x23C, v38;
	v1 =	vsel vm12, $0x5CA, v2;
	v0 =	vsel vm14, $0x683, v0  }
0xf6: {  	v42 =	vsel vm6, $0xB1, v46;
	v1 =	vsel vm13, $0x64F, v1;
	v0 =	vsel vm15, $0x708, v0  }
0xf7: {  	v41 =	vsel vm7, $0x135, v41;
	v2 =	vsel vm4, $0x2AD, v18;
	[tilespmem:$0x1FC40] =	vst v0;
	v0 =	vsel vm14, $0x684, v1  }
0xf8: {  	v40 =	vsel vm8, $0x1B9, v40;
	v1 =	vsel vm3, $0x332, v2;
	v0 =	vsel vm15, $0x709, v0  }
0xf9: {  	v39 =	vsel vm9, $0x23D, v39;
	v43 =	vsel vm6, $0xB2, v47;
	[tilespmem:$0x1FC50] =	vst v0;
	v0 =	vsel vm2, $0x3B7, v1  }
0xfa: {  	v42 =	vsel vm7, $0x136, v42;
	v1 =	vsel vm4, $0x2AE, v19;
	v0 =	vsel vm1, $0x43C, v0  }
0xfb: {  	v41 =	vsel vm8, $0x1BA, v41;
	v1 =	vsel vm3, $0x333, v1;
	v0 =	vsel vm0, $0x4C1, v0  }
0xfc: {  	v2 =	vsel vm4, $0x2AF, v20;
	v1 =	vsel vm2, $0x3B8, v1;
	v0 =	vsel vm5, $0x546, v0  }
0xfd: {  	v48 =	vld [tilespmem:$0x1F740];
	v2 =	vsel vm3, $0x334, v2;
	v1 =	vsel vm1, $0x43D, v1;
	v0 =	vsel vm12, $0x5CB, v0  }
0xfe: {  	v2 =	vsel vm2, $0x3B9, v2;
	v1 =	vsel vm0, $0x4C2, v1;
	v0 =	vsel vm13, $0x600, v0  }
0xff: {  	v2 =	vsel vm1, $0x43E, v2;
	v1 =	vsel vm5, $0x547, v1;
	v0 =	vsel vm14, $0x685, v0  }
0x100: {  	v2 =	vsel vm0, $0x4C3, v2;
	v1 =	vsel vm12, $0x5CC, v1;
	v0 =	vsel vm15, $0x70A, v0  }
0x101: {  	v49 =	vld [tilespmem:$0x1F750];
	v40 =	vsel vm9, $0x23E, v40;
	v2 =	vsel vm5, $0x548, v2;
	[tilespmem:$0x1FC60] =	vst v0;
	v0 =	vsel vm13, $0x601, v1  }
0x102: {  	v44 =	vsel vm6, $0xB3, v48;
	v1 =	vsel vm12, $0x5CD, v2;
	v0 =	vsel vm14, $0x686, v0  }
0x103: {  	v43 =	vsel vm7, $0x137, v43;
	v1 =	vsel vm13, $0x602, v1;
	v0 =	vsel vm15, $0x70B, v0  }
0x104: {  	v42 =	vsel vm8, $0x1BB, v42;
	v2 =	vsel vm4, $0x2B0, v21;
	[tilespmem:$0x1FC70] =	vst v0;
	v0 =	vsel vm14, $0x687, v1  }
0x105: {  	v41 =	vsel vm9, $0x23F, v41;
	v1 =	vsel vm3, $0x335, v2;
	v0 =	vsel vm15, $0x70C, v0  }
0x106: {  	v45 =	vsel vm6, $0xB4, v49;
	v44 =	vsel vm7, $0x138, v44;
	[tilespmem:$0x1FC80] =	vst v0;
	v0 =	vsel vm2, $0x3BA, v1  }
0x107: {  	v43 =	vsel vm8, $0x1BC, v43;
	v1 =	vsel vm4, $0x2B1, v22;
	v0 =	vsel vm1, $0x43F, v0  }
0x108: {  	v42 =	vsel vm9, $0x240, v42;
	v1 =	vsel vm3, $0x336, v1;
	v0 =	vsel vm0, $0x4C4, v0  }
0x109: {  	v50 =	vld [tilespmem:$0x1F760];
	v2 =	vsel vm4, $0x2B2, v23;
	v1 =	vsel vm2, $0x3BB, v1;
	v0 =	vsel vm5, $0x549, v0  }
0x10a: {  	v2 =	vsel vm3, $0x337, v2;
	v1 =	vsel vm1, $0x440, v1;
	v0 =	vsel vm12, $0x5CE, v0  }
0x10b: {  	v2 =	vsel vm2, $0x3BC, v2;
	v1 =	vsel vm0, $0x4C5, v1;
	v0 =	vsel vm13, $0x603, v0  }
0x10c: {  	v2 =	vsel vm1, $0x441, v2;
	v1 =	vsel vm5, $0x54A, v1;
	v0 =	vsel vm14, $0x688, v0  }
0x10d: {  	v51 =	vld [tilespmem:$0x1F770];
	v2 =	vsel vm0, $0x4C6, v2;
	v1 =	vsel vm12, $0x5CF, v1;
	v0 =	vsel vm15, $0x70D, v0  }
0x10e: {  	v46 =	vsel vm6, $0xB5, v50;
	v2 =	vsel vm5, $0x54B, v2;
	[tilespmem:$0x1FC90] =	vst v0;
	v0 =	vsel vm13, $0x604, v1  }
0x10f: {  	v45 =	vsel vm7, $0x139, v45;
	v1 =	vsel vm12, $0x580, v2;
	v0 =	vsel vm14, $0x689, v0  }
0x110: {  	v52 =	vld [tilespmem:$0x1F780];
	v44 =	vsel vm8, $0x1BD, v44;
	v1 =	vsel vm13, $0x605, v1;
	v0 =	vsel vm15, $0x70E, v0  }
0x111: {  	v43 =	vsel vm9, $0x241, v43;
	v2 =	vsel vm4, $0x2B3, v24;
	[tilespmem:$0x1FCA0] =	vst v0;
	v0 =	vsel vm14, $0x68A, v1  }
0x112: {  	v47 =	vsel vm6, $0xB6, v51;
	v1 =	vsel vm3, $0x338, v2;
	v0 =	vsel vm15, $0x70F, v0  }
0x113: {  	v46 =	vsel vm7, $0x13A, v46;
	v45 =	vsel vm8, $0x1BE, v45;
	[tilespmem:$0x1FCB0] =	vst v0;
	v0 =	vsel vm2, $0x3BD, v1  }
0x114: {  	v44 =	vsel vm9, $0x242, v44;
	v1 =	vsel vm4, $0x2B4, v25;
	v0 =	vsel vm1, $0x442, v0  }
0x115: {  	v48 =	vsel vm6, $0xB7, v52;
	v1 =	vsel vm3, $0x339, v1;
	v0 =	vsel vm0, $0x4C7, v0  }
0x116: {  	v2 =	vsel vm4, $0x2B5, v26;
	v1 =	vsel vm2, $0x3BE, v1;
	v0 =	vsel vm5, $0x54C, v0  }
0x117: {  	v2 =	vsel vm3, $0x33A, v2;
	v1 =	vsel vm1, $0x443, v1;
	v0 =	vsel vm12, $0x581, v0  }
0x118: {  	v2 =	vsel vm2, $0x3BF, v2;
	v1 =	vsel vm0, $0x4C8, v1;
	v0 =	vsel vm13, $0x606, v0  }
0x119: {  	v53 =	vld [tilespmem:$0x1F790];
	v2 =	vsel vm1, $0x444, v2;
	v1 =	vsel vm5, $0x54D, v1;
	v0 =	vsel vm14, $0x68B, v0  }
0x11a: {  	v2 =	vsel vm0, $0x4C9, v2;
	v1 =	vsel vm12, $0x582, v1;
	v0 =	vsel vm15, $0x710, v0  }
0x11b: {  	v47 =	vsel vm7, $0x13B, v47;
	v2 =	vsel vm5, $0x54E, v2;
	[tilespmem:$0x1FCC0] =	vst v0;
	v0 =	vsel vm13, $0x607, v1  }
0x11c: {  	v46 =	vsel vm8, $0x1BF, v46;
	v1 =	vsel vm12, $0x583, v2;
	v0 =	vsel vm14, $0x68C, v0  }
0x11d: {  	v45 =	vsel vm9, $0x243, v45;
	v1 =	vsel vm13, $0x608, v1;
	v0 =	vsel vm15, $0x711, v0  }
0x11e: {  	v49 =	vsel vm6, $0xB8, v53;
	v2 =	vsel vm4, $0x2B6, v27;
	[tilespmem:$0x1FCD0] =	vst v0;
	v0 =	vsel vm14, $0x68D, v1  }
0x11f: {  	v48 =	vsel vm7, $0x13C, v48;
	v1 =	vsel vm3, $0x33B, v2;
	v0 =	vsel vm15, $0x712, v0  }
0x120: {  	v47 =	vsel vm8, $0x1C0, v47;
	[tilespmem:$0x1FCE0] =	vst v0;
	v0 =	vsel vm2, $0x3C0, v1;
	v1 =	vsel vm4, $0x2B7, v28  }
0x121: {  	v46 =	vsel vm9, $0x244, v46;
	v0 =	vsel vm1, $0x445, v0;
	v1 =	vsel vm3, $0x33C, v1  }
0x122: {  	v2 =	vsel vm4, $0x2B8, v29;
	v0 =	vsel vm0, $0x4CA, v0;
	v1 =	vsel vm2, $0x3C1, v1  }
0x123: {  	v54 =	vld [tilespmem:$0x1F7A0];
	v2 =	vsel vm3, $0x33D, v2;
	v0 =	vsel vm5, $0x54F, v0;
	v1 =	vsel vm1, $0x446, v1  }
0x124: {  	v2 =	vsel vm2, $0x3C2, v2;
	v0 =	vsel vm12, $0x584, v0;
	v1 =	vsel vm0, $0x4CB, v1  }
0x125: {  	v2 =	vsel vm1, $0x447, v2;
	v0 =	vsel vm13, $0x609, v0;
	v1 =	vsel vm5, $0x500, v1  }
0x126: {  	v2 =	vsel vm0, $0x4CC, v2;
	v0 =	vsel vm14, $0x68E, v0;
	v1 =	vsel vm12, $0x585, v1  }
0x127: {  	v55 =	vld [tilespmem:$0x1F7B0];
	v2 =	vsel vm5, $0x501, v2;
	v14 =	vsel vm15, $0x713, v0;
	v0 =	vsel vm13, $0x60A, v1  }
0x128: {  	v50 =	vsel vm6, $0xB9, v54;
	v1 =	vsel vm12, $0x586, v2;
	v0 =	vsel vm14, $0x68F, v0  }
0x129: {  	v49 =	vsel vm7, $0x13D, v49;
	v1 =	vsel vm13, $0x60B, v1;
	v0 =	vsel vm15, $0x714, v0  }
0x12a: {  	v48 =	vsel vm8, $0x1C1, v48;
	v2 =	vsel vm4, $0x2B9, v30;
	[tilespmem:$0x1FCF0] =	vst v0;
	v0 =	vsel vm14, $0x690, v1  }
0x12b: {  	v47 =	vsel vm9, $0x245, v47;
	v1 =	vsel vm3, $0x33E, v2;
	v0 =	vsel vm15, $0x715, v0  }
0x12c: {  	v51 =	vsel vm6, $0xBA, v55;
	v50 =	vsel vm7, $0x13E, v50;
	[tilespmem:$0x1FD00] =	vst v0;
	v0 =	vsel vm2, $0x3C3, v1  }
0x12d: {  	v49 =	vsel vm8, $0x1C2, v49;
	v1 =	vsel vm4, $0x2BA, v31;
	v0 =	vsel vm1, $0x448, v0  }
0x12e: {  	v48 =	vsel vm9, $0x246, v48;
	v1 =	vsel vm3, $0x33F, v1;
	v0 =	vsel vm0, $0x4CD, v0  }
0x12f: {  	v56 =	vld [tilespmem:$0x1F7C0];
	v2 =	vsel vm4, $0x2BB, v32;
	v1 =	vsel vm2, $0x3C4, v1;
	v0 =	vsel vm5, $0x502, v0  }
0x130: {  	v2 =	vsel vm3, $0x340, v2;
	v1 =	vsel vm1, $0x449, v1;
	v0 =	vsel vm12, $0x587, v0  }
0x131: {  	v2 =	vsel vm2, $0x3C5, v2;
	v1 =	vsel vm0, $0x4CE, v1;
	v0 =	vsel vm13, $0x60C, v0  }
0x132: {  	v2 =	vsel vm1, $0x44A, v2;
	v1 =	vsel vm5, $0x503, v1;
	v0 =	vsel vm14, $0x691, v0  }
0x133: {  	v57 =	vld [tilespmem:$0x1F7D0];
	v2 =	vsel vm0, $0x4CF, v2;
	v1 =	vsel vm12, $0x588, v1;
	v0 =	vsel vm15, $0x716, v0  }
0x134: {  	v52 =	vsel vm6, $0xBB, v56;
	v2 =	vsel vm5, $0x504, v2;
	[tilespmem:$0x1FD10] =	vst v0;
	v0 =	vsel vm13, $0x60D, v1  }
0x135: {  	v51 =	vsel vm7, $0x13F, v51;
	v1 =	vsel vm12, $0x589, v2;
	v0 =	vsel vm14, $0x692, v0  }
0x136: {  	v58 =	vld [tilespmem:$0x1F7E0];
	v50 =	vsel vm8, $0x1C3, v50;
	v1 =	vsel vm13, $0x60E, v1;
	v0 =	vsel vm15, $0x717, v0  }
0x137: {  	v49 =	vsel vm9, $0x247, v49;
	v2 =	vsel vm4, $0x2BC, v33;
	[tilespmem:$0x1FD20] =	vst v0;
	v0 =	vsel vm14, $0x693, v1  }
0x138: {  	v53 =	vsel vm6, $0xBC, v57;
	v1 =	vsel vm3, $0x341, v2;
	v0 =	vsel vm15, $0x718, v0  }
0x139: {  	v52 =	vsel vm7, $0x140, v52;
	v51 =	vsel vm8, $0x1C4, v51;
	[tilespmem:$0x1FD30] =	vst v0;
	v0 =	vsel vm2, $0x3C6, v1  }
0x13a: {  	v50 =	vsel vm9, $0x248, v50;
	v1 =	vsel vm4, $0x2BD, v34;
	v0 =	vsel vm1, $0x44B, v0  }
0x13b: {  	v54 =	vsel vm6, $0xBD, v58;
	v1 =	vsel vm3, $0x342, v1;
	v0 =	vsel vm0, $0x480, v0  }
0x13c: {  	v2 =	vsel vm4, $0x2BE, v35;
	v1 =	vsel vm2, $0x3C7, v1;
	v0 =	vsel vm5, $0x505, v0  }
0x13d: {  	v2 =	vsel vm3, $0x343, v2;
	v1 =	vsel vm1, $0x44C, v1;
	v0 =	vsel vm12, $0x58A, v0  }
0x13e: {  	v2 =	vsel vm2, $0x3C8, v2;
	v1 =	vsel vm0, $0x481, v1;
	v0 =	vsel vm13, $0x60F, v0  }
0x13f: {  	v59 =	vld [tilespmem:$0x1F7F0];
	v2 =	vsel vm1, $0x44D, v2;
	v1 =	vsel vm5, $0x506, v1;
	v0 =	vsel vm14, $0x694, v0  }
0x140: {  	v63 =	vld [tilespmem:$0x1F830];
	v2 =	vsel vm0, $0x482, v2;
	v1 =	vsel vm12, $0x58B, v1;
	v0 =	vsel vm15, $0x719, v0  }
0x141: {  	v53 =	vsel vm7, $0x141, v53;
	v2 =	vsel vm5, $0x507, v2;
	[tilespmem:$0x1FD40] =	vst v0;
	v0 =	vsel vm13, $0x610, v1  }
0x142: {  	v52 =	vsel vm8, $0x1C5, v52;
	v1 =	vsel vm12, $0x58C, v2;
	v0 =	vsel vm14, $0x695, v0  }
0x143: {  	v60 =	vld [tilespmem:$0x1F800];
	v51 =	vsel vm9, $0x249, v51;
	v1 =	vsel vm13, $0x611, v1;
	v0 =	vsel vm15, $0x71A, v0  }
0x144: {  	v55 =	vsel vm6, $0xBE, v59;
	v2 =	vsel vm4, $0x2BF, v36;
	[tilespmem:$0x1FD50] =	vst v0;
	v0 =	vsel vm14, $0x696, v1  }
0x145: {  	v59 =	vsel vm6, $0xC2, v63;
	v1 =	vsel vm3, $0x344, v2;
	v0 =	vsel vm15, $0x71B, v0  }
0x146: {  	v54 =	vsel vm7, $0x142, v54;
	v53 =	vsel vm8, $0x1C6, v53;
	[tilespmem:$0x1FD60] =	vst v0;
	v0 =	vsel vm2, $0x3C9, v1  }
0x147: {  	v52 =	vsel vm9, $0x24A, v52;
	v1 =	vsel vm4, $0x2C0, v37;
	v0 =	vsel vm1, $0x44E, v0  }
0x148: {  	v56 =	vsel vm6, $0xBF, v60;
	v1 =	vsel vm3, $0x345, v1;
	v0 =	vsel vm0, $0x483, v0  }
0x149: {  	v2 =	vsel vm4, $0x2C1, v38;
	v1 =	vsel vm2, $0x3CA, v1;
	v0 =	vsel vm5, $0x508, v0  }
0x14a: {  	v2 =	vsel vm3, $0x346, v2;
	v1 =	vsel vm1, $0x44F, v1;
	v0 =	vsel vm12, $0x58D, v0  }
0x14b: {  	v2 =	vsel vm2, $0x3CB, v2;
	v1 =	vsel vm0, $0x484, v1;
	v0 =	vsel vm13, $0x612, v0  }
0x14c: {  	v2 =	vsel vm1, $0x400, v2;
	v1 =	vsel vm5, $0x509, v1;
	v0 =	vsel vm14, $0x697, v0  }
0x14d: {  	v63 =	vld [tilespmem:$0x1F870];
	v2 =	vsel vm0, $0x485, v2;
	v1 =	vsel vm12, $0x58E, v1;
	v0 =	vsel vm15, $0x71C, v0  }
0x14e: {  	v61 =	vld [tilespmem:$0x1F810];
	v55 =	vsel vm7, $0x143, v55;
	v2 =	vsel vm5, $0x50A, v2;
	[tilespmem:$0x1FD70] =	vst v0;
	v0 =	vsel vm13, $0x613, v1  }
0x14f: {  	v59 =	vsel vm7, $0x147, v59;
	v1 =	vsel vm12, $0x58F, v2;
	v0 =	vsel vm14, $0x698, v0  }
0x150: {  	v54 =	vsel vm8, $0x1C7, v54;
	v1 =	vsel vm13, $0x614, v1;
	v0 =	vsel vm15, $0x71D, v0  }
0x151: {  	v53 =	vsel vm9, $0x24B, v53;
	v2 =	vsel vm4, $0x2C2, v39;
	[tilespmem:$0x1FD80] =	vst v0;
	v0 =	vsel vm14, $0x699, v1  }
0x152: {  	v63 =	vsel vm6, $0xC6, v63;
	v1 =	vsel vm3, $0x347, v2;
	v0 =	vsel vm15, $0x71E, v0  }
0x153: {  	v57 =	vsel vm6, $0xC0, v61;
	v63 =	vsel vm7, $0x14B, v63;
	[tilespmem:$0x1FD90] =	vst v0;
	v0 =	vsel vm2, $0x3CC, v1  }
0x154: {  	v63 =	vsel vm8, $0x180, v63;
	v1 =	vsel vm4, $0x2C3, v40;
	v0 =	vsel vm1, $0x401, v0  }
0x155: {  	v63 =	vsel vm9, $0x205, v63;
	v1 =	vsel vm3, $0x348, v1;
	v0 =	vsel vm0, $0x486, v0  }
0x156: {  	v2 =	vsel vm4, $0x2C4, v41;
	v1 =	vsel vm2, $0x3CD, v1;
	v0 =	vsel vm5, $0x50B, v0  }
0x157: {  	[tilespmem:$0x1FE70] =	vst v63;
	v63 =	vld [tilespmem:$0x1FAC0];
	v2 =	vsel vm3, $0x349, v2;
	v1 =	vsel vm1, $0x402, v1;
	v0 =	vsel vm12, $0x590, v0  }
0x158: {  	v2 =	vsel vm2, $0x3CE, v2;
	v1 =	vsel vm0, $0x487, v1;
	v0 =	vsel vm13, $0x615, v0  }
0x159: {  	v2 =	vsel vm1, $0x403, v2;
	v1 =	vsel vm5, $0x50C, v1;
	v0 =	vsel vm14, $0x69A, v0  }
0x15a: {  	v2 =	vsel vm0, $0x488, v2;
	v1 =	vsel vm12, $0x591, v1;
	v0 =	vsel vm15, $0x71F, v0  }
0x15b: {  	v62 =	vld [tilespmem:$0x1F820];
	v56 =	vsel vm7, $0x144, v56;
	v2 =	vsel vm5, $0x50D, v2;
	[tilespmem:$0x1FDA0] =	vst v0;
	v0 =	vsel vm13, $0x616, v1  }
0x15c: {  	v63 =	vsel vm9, $0x206, v63;
	v1 =	vsel vm12, $0x592, v2;
	v0 =	vsel vm14, $0x69B, v0  }
0x15d: {  	v55 =	vsel vm8, $0x1C8, v55;
	[tilespmem:$0x1FE80] =	vst v63;
	v63 =	vld [tilespmem:$0x1FAD0];
	v1 =	vsel vm13, $0x617, v1;
	v0 =	vsel vm15, $0x720, v0  }
0x15e: {  	v59 =	vsel vm8, $0x1CC, v59;
	v2 =	vsel vm4, $0x2C5, v42;
	[tilespmem:$0x1FDB0] =	vst v0;
	v0 =	vsel vm14, $0x69C, v1  }
0x15f: {  	v54 =	vsel vm9, $0x24C, v54;
	v1 =	vsel vm3, $0x34A, v2;
	v0 =	vsel vm15, $0x721, v0  }
0x160: {  	v58 =	vsel vm6, $0xC1, v62;
	v57 =	vsel vm7, $0x145, v57;
	[tilespmem:$0x1FDC0] =	vst v0;
	v0 =	vsel vm2, $0x3CF, v1  }
0x161: {  	v56 =	vsel vm8, $0x1C9, v56;
	v1 =	vsel vm4, $0x2C6, v43;
	v0 =	vsel vm1, $0x404, v0  }
0x162: {  	v63 =	vsel vm9, $0x207, v63;
	v1 =	vsel vm3, $0x34B, v1;
	v0 =	vsel vm0, $0x489, v0  }
0x163: {  	v2 =	vsel vm4, $0x2C7, v44;
	v1 =	vsel vm2, $0x380, v1;
	v0 =	vsel vm5, $0x50E, v0  }
0x164: {  	[tilespmem:$0x1FE90] =	vst v63;
	v63 =	vld [tilespmem:$0x1FAE0];
	v2 =	vsel vm3, $0x34C, v2;
	v1 =	vsel vm1, $0x405, v1;
	v0 =	vsel vm12, $0x593, v0  }
0x165: {  	v2 =	vsel vm2, $0x381, v2;
	v1 =	vsel vm0, $0x48A, v1;
	v0 =	vsel vm13, $0x618, v0  }
0x166: {  	v2 =	vsel vm1, $0x406, v2;
	v1 =	vsel vm5, $0x50F, v1;
	v0 =	vsel vm14, $0x69D, v0  }
0x167: {  	v2 =	vsel vm0, $0x48B, v2;
	v1 =	vsel vm12, $0x594, v1;
	v0 =	vsel vm15, $0x722, v0  }
0x168: {  	v55 =	vsel vm9, $0x24D, v55;
	v2 =	vsel vm5, $0x510, v2;
	[tilespmem:$0x1FDD0] =	vst v0;
	v0 =	vsel vm13, $0x619, v1  }
0x169: {  	v63 =	vsel vm9, $0x208, v63;
	v1 =	vsel vm12, $0x595, v2;
	v0 =	vsel vm14, $0x69E, v0  }
0x16a: {  	v59 =	vsel vm9, $0x201, v59;
	[tilespmem:$0x1FEA0] =	vst v63;
	v63 =	vld [tilespmem:$0x1FAF0];
	v1 =	vsel vm13, $0x61A, v1;
	v0 =	vsel vm15, $0x723, v0  }
0x16b: {  	v58 =	vsel vm7, $0x146, v58;
	v2 =	vsel vm4, $0x2C8, v45;
	[tilespmem:$0x1FDE0] =	vst v0;
	v0 =	vsel vm14, $0x69F, v1  }
0x16c: {  	v57 =	vsel vm8, $0x1CA, v57;
	v1 =	vsel vm3, $0x34D, v2;
	v0 =	vsel vm15, $0x724, v0  }
0x16d: {  	v56 =	vsel vm9, $0x24E, v56;
	v58 =	vsel vm8, $0x1CB, v58;
	[tilespmem:$0x1FDF0] =	vst v0;
	v0 =	vsel vm2, $0x382, v1  }
0x16e: {  	v57 =	vsel vm9, $0x24F, v57;
	v1 =	vsel vm4, $0x2C9, v46;
	v0 =	vsel vm1, $0x407, v0  }
0x16f: {  	v63 =	vsel vm9, $0x209, v63;
	v1 =	vsel vm3, $0x34E, v1;
	v0 =	vsel vm0, $0x48C, v0  }
0x170: {  	v60 =	vld [tilespmem:$0x1F840];
	v2 =	vsel vm4, $0x2CA, v47;
	v1 =	vsel vm2, $0x383, v1;
	v0 =	vsel vm5, $0x511, v0  }
0x171: {  	[tilespmem:$0x1FEC0] =	vst v63;
	v63 =	vld [tilespmem:$0x1FB00];
	v2 =	vsel vm3, $0x34F, v2;
	v1 =	vsel vm1, $0x408, v1;
	v0 =	vsel vm12, $0x596, v0  }
0x172: {  	v2 =	vsel vm2, $0x384, v2;
	v1 =	vsel vm0, $0x48D, v1;
	v0 =	vsel vm13, $0x61B, v0  }
0x173: {  	v61 =	vld [tilespmem:$0x1F850];
	v2 =	vsel vm1, $0x409, v2;
	v1 =	vsel vm5, $0x512, v1;
	v0 =	vsel vm14, $0x6A0, v0  }
0x174: {  	v2 =	vsel vm0, $0x48E, v2;
	v1 =	vsel vm12, $0x597, v1;
	v0 =	vsel vm15, $0x725, v0  }
0x175: {  	v62 =	vld [tilespmem:$0x1F860];
	v60 =	vsel vm6, $0xC3, v60;
	v2 =	vsel vm5, $0x513, v2;
	[tilespmem:$0x1FE00] =	vst v0;
	v0 =	vsel vm13, $0x61C, v1  }
0x176: {  	v63 =	vsel vm9, $0x20A, v63;
	v1 =	vsel vm12, $0x598, v2;
	v0 =	vsel vm14, $0x6A1, v0  }
0x177: {  	v58 =	vsel vm9, $0x200, v58;
	[tilespmem:$0x1FED0] =	vst v63;
	v63 =	vld [tilespmem:$0x1FB10];
	v1 =	vsel vm13, $0x61D, v1;
	v0 =	vsel vm15, $0x726, v0  }
0x178: {  	v61 =	vsel vm6, $0xC4, v61;
	v2 =	vsel vm4, $0x2CB, v48;
	[tilespmem:$0x1FE10] =	vst v0;
	v0 =	vsel vm14, $0x6A2, v1  }
0x179: {  	v60 =	vsel vm7, $0x148, v60;
	v1 =	vsel vm3, $0x300, v2;
	v0 =	vsel vm15, $0x727, v0  }
0x17a: {  	v62 =	vsel vm6, $0xC5, v62;
	v61 =	vsel vm7, $0x149, v61;
	[tilespmem:$0x1FE20] =	vst v0;
	v0 =	vsel vm2, $0x385, v1  }
0x17b: {  	v60 =	vsel vm8, $0x1CD, v60;
	v1 =	vsel vm4, $0x2CC, v49;
	v0 =	vsel vm1, $0x40A, v0  }
0x17c: {  	v63 =	vsel vm9, $0x20B, v63;
	v1 =	vsel vm3, $0x301, v1;
	v0 =	vsel vm0, $0x48F, v0  }
0x17d: {  	[tilespmem:$0x1FEF0] =	vst v63;
	v63 =	vld [tilespmem:$0x1FB20];
	v2 =	vsel vm4, $0x2CD, v50;
	v1 =	vsel vm2, $0x386, v1;
	v0 =	vsel vm5, $0x514, v0  }
0x17e: {  	v2 =	vsel vm3, $0x302, v2;
	v1 =	vsel vm1, $0x40B, v1;
	v0 =	vsel vm12, $0x599, v0  }
0x17f: {  	v2 =	vsel vm2, $0x387, v2;
	v1 =	vsel vm0, $0x490, v1;
	v0 =	vsel vm13, $0x61E, v0  }
0x180: {  	v2 =	vsel vm1, $0x40C, v2;
	v1 =	vsel vm5, $0x515, v1;
	v0 =	vsel vm14, $0x6A3, v0  }
0x181: {  	v2 =	vsel vm0, $0x491, v2;
	v1 =	vsel vm12, $0x59A, v1;
	v0 =	vsel vm15, $0x728, v0  }
0x182: {  	v63 =	vsel vm9, $0x20C, v63;
	v2 =	vsel vm5, $0x516, v2;
	[tilespmem:$0x1FE30] =	vst v0;
	v0 =	vsel vm13, $0x61F, v1  }
0x183: {  	v62 =	vsel vm7, $0x14A, v62;
	[tilespmem:$0x1FF00] =	vst v63;
	v63 =	vld [tilespmem:$0x1FB30];
	v1 =	vsel vm12, $0x59B, v2;
	v0 =	vsel vm14, $0x6A4, v0  }
0x184: {  	v61 =	vsel vm8, $0x1CE, v61;
	v1 =	vsel vm13, $0x620, v1;
	v0 =	vsel vm15, $0x729, v0  }
0x185: {  	v60 =	vsel vm9, $0x202, v60;
	v2 =	vsel vm4, $0x2CE, v51;
	[tilespmem:$0x1FE40] =	vst v0;
	v0 =	vsel vm14, $0x6A5, v1  }
0x186: {  	v62 =	vsel vm8, $0x1CF, v62;
	v1 =	vsel vm3, $0x303, v2;
	v0 =	vsel vm15, $0x72A, v0  }
0x187: {  	v61 =	vsel vm9, $0x203, v61;
	v62 =	vsel vm9, $0x204, v62;
	[tilespmem:$0x1FE50] =	vst v0;
	v0 =	vsel vm2, $0x388, v1  }
0x188: {  	v63 =	vsel vm9, $0x20D, v63;
	v1 =	vsel vm4, $0x2CF, v52;
	v0 =	vsel vm1, $0x40D, v0  }
0x189: {  	v2 =	vsel vm4, $0x280, v53;
	v1 =	vsel vm3, $0x304, v1;
	v0 =	vsel vm0, $0x492, v0  }
0x18a: {  	[tilespmem:$0x1FF10] =	vst v63;
	v63 =	vld [tilespmem:$0x1FB40];
	v2 =	vsel vm3, $0x305, v2;
	v1 =	vsel vm2, $0x389, v1;
	v0 =	vsel vm5, $0x517, v0  }
0x18b: {  	v2 =	vsel vm2, $0x38A, v2;
	v1 =	vsel vm1, $0x40E, v1;
	v0 =	vsel vm12, $0x59C, v0  }
0x18c: {  	v2 =	vsel vm1, $0x40F, v2;
	v1 =	vsel vm0, $0x493, v1;
	v0 =	vsel vm13, $0x621, v0  }
0x18d: {  	v2 =	vsel vm0, $0x494, v2;
	v1 =	vsel vm5, $0x518, v1;
	v0 =	vsel vm14, $0x6A6, v0  }
0x18e: {  	v2 =	vsel vm5, $0x519, v2;
	v1 =	vsel vm12, $0x59D, v1;
	v0 =	vsel vm15, $0x72B, v0  }
0x18f: {  	v63 =	vsel vm9, $0x20E, v63;
	[tilespmem:$0x1FE60] =	vst v0;
	v0 =	vsel vm13, $0x622, v1;
	v1 =	vsel vm12, $0x59E, v2  }
0x190: {  	v2 =	vsel vm4, $0x281, v54;
	v0 =	vsel vm14, $0x6A7, v0;
	v1 =	vsel vm13, $0x623, v1  }
0x191: {  	v15 =	vsel vm15, $0x72C, v0;
	v0 =	vsel vm14, $0x6A8, v1;
	v1 =	vsel vm3, $0x306, v2  }
0x192: {  	v16 =	vsel vm15, $0x72D, v0;
	v0 =	vsel vm2, $0x38B, v1;
	v1 =	vsel vm4, $0x282, v55  }
0x193: {  	v2 =	vsel vm4, $0x283, v56;
	v0 =	vsel vm1, $0x410, v0;
	v1 =	vsel vm3, $0x307, v1  }
0x194: {  	v2 =	vsel vm3, $0x308, v2;
	v0 =	vsel vm0, $0x495, v0;
	v1 =	vsel vm2, $0x38C, v1  }
0x195: {  	v2 =	vsel vm2, $0x38D, v2;
	v0 =	vsel vm5, $0x51A, v0;
	v1 =	vsel vm1, $0x411, v1  }
0x196: {  	v2 =	vsel vm1, $0x412, v2;
	v0 =	vsel vm12, $0x59F, v0;
	v1 =	vsel vm0, $0x496, v1  }
0x197: {  	v2 =	vsel vm0, $0x497, v2;
	v0 =	vsel vm13, $0x624, v0;
	v1 =	vsel vm5, $0x51B, v1  }
0x198: {  	v2 =	vsel vm5, $0x51C, v2;
	v0 =	vsel vm14, $0x6A9, v0;
	v1 =	vsel vm12, $0x5A0, v1  }
0x199: {  	v17 =	vsel vm15, $0x72E, v0;
	v0 =	vsel vm13, $0x625, v1;
	v1 =	vsel vm12, $0x5A1, v2  }
0x19a: {  	v2 =	vsel vm4, $0x284, v57;
	v0 =	vsel vm14, $0x6AA, v0;
	v1 =	vsel vm13, $0x626, v1  }
0x19b: {  	v55 =	vsel vm15, $0x72F, v0;
	v0 =	vsel vm14, $0x6AB, v1;
	v1 =	vsel vm3, $0x309, v2  }
0x19c: {  	v56 =	vsel vm15, $0x730, v0;
	v0 =	vsel vm2, $0x38E, v1;
	v1 =	vsel vm4, $0x285, v58  }
0x19d: {  	v2 =	vsel vm4, $0x286, v59;
	v0 =	vsel vm1, $0x413, v0;
	v1 =	vsel vm3, $0x30A, v1  }
0x19e: {  	v2 =	vsel vm3, $0x30B, v2;
	v0 =	vsel vm0, $0x498, v0;
	v1 =	vsel vm2, $0x38F, v1  }
0x19f: {  	v2 =	vsel vm2, $0x390, v2;
	v0 =	vsel vm5, $0x51D, v0;
	v1 =	vsel vm1, $0x414, v1  }
0x1a0: {  	v2 =	vsel vm1, $0x415, v2;
	v0 =	vsel vm12, $0x5A2, v0;
	v1 =	vsel vm0, $0x499, v1  }
0x1a1: {  	v2 =	vsel vm0, $0x49A, v2;
	v0 =	vsel vm13, $0x627, v0;
	v1 =	vsel vm5, $0x51E, v1  }
0x1a2: {  	v2 =	vsel vm5, $0x51F, v2;
	v0 =	vsel vm14, $0x6AC, v0;
	v1 =	vsel vm12, $0x5A3, v1  }
0x1a3: {  	v57 =	vsel vm15, $0x731, v0;
	v0 =	vsel vm13, $0x628, v1;
	v1 =	vsel vm12, $0x5A4, v2  }
0x1a4: {  	v2 =	vsel vm4, $0x287, v60;
	v0 =	vsel vm14, $0x6AD, v0;
	v1 =	vsel vm13, $0x629, v1  }
0x1a5: {  	v58 =	vsel vm15, $0x732, v0;
	v0 =	vsel vm14, $0x6AE, v1;
	v1 =	vsel vm3, $0x30C, v2  }
0x1a6: {  	v59 =	vsel vm15, $0x733, v0;
	v0 =	vsel vm2, $0x391, v1;
	v1 =	vsel vm4, $0x288, v61  }
0x1a7: {  	v2 =	vsel vm4, $0x289, v62;
	v0 =	vsel vm1, $0x416, v0;
	v1 =	vsel vm3, $0x30D, v1  }
0x1a8: {  	v2 =	vsel vm3, $0x30E, v2;
	v0 =	vsel vm0, $0x49B, v0;
	v1 =	vsel vm2, $0x392, v1  }
0x1a9: {  	v2 =	vsel vm2, $0x393, v2;
	v0 =	vsel vm5, $0x520, v0;
	v1 =	vsel vm1, $0x417, v1  }
0x1aa: {  	v2 =	vsel vm1, $0x418, v2;
	v0 =	vsel vm12, $0x5A5, v0;
	v1 =	vsel vm0, $0x49C, v1  }
0x1ab: {  	v2 =	vsel vm0, $0x49D, v2;
	v0 =	vsel vm13, $0x62A, v0;
	v1 =	vsel vm5, $0x521, v1  }
0x1ac: {  	[tilespmem:$0x1FF20] =	vst v63;
	v63 =	vld [tilespmem:$0x1FB50];
	v2 =	vsel vm5, $0x522, v2;
	v0 =	vsel vm14, $0x6AF, v0;
	v1 =	vsel vm12, $0x5A6, v1  }
0x1ad: {  	v60 =	vsel vm15, $0x734, v0;
	v0 =	vsel vm13, $0x62B, v1;
	v1 =	vsel vm12, $0x5A7, v2;
	v2 =	vld [tilespmem:$0x1FE70];
	_ =	sdelay $0x3  }
0x1ae: {  	v63 =	vsel vm9, $0x20F, v63  }
0x1af: {  	v0 =	vsel vm14, $0x6B0, v0;
	v1 =	vsel vm13, $0x62C, v1;
	v2 =	vsel vm4, $0x28A, v2  }
0x1b0: {  	[tilespmem:$0x1FF30] =	vst v63;
	v63 =	vld [tilespmem:$0x1FB60];
	v61 =	vsel vm15, $0x735, v0;
	v0 =	vsel vm14, $0x6B1, v1;
	v1 =	vsel vm3, $0x30F, v2  }
0x1b1: {  	v62 =	vsel vm15, $0x736, v0;
	v0 =	vsel vm2, $0x394, v1;
	v1 =	vld [tilespmem:$0x1FE80]  }
0x1b2: {  	v2 =	vld [tilespmem:$0x1FE90]  }
0x1b3: {  	v3 =	vsel vm6, $0x82, v3  }
0x1b4: {  	v3 =	vsel vm7, $0x107, v3  }
0x1b5: {  	v3 =	vsel vm8, $0x18C, v3  }
0x1b6: {  	v3 =	vsel vm9, $0x211, v3;
	v63 =	vsel vm9, $0x210, v63;
	v1 =	vsel vm4, $0x28B, v1  }
0x1b7: {  	v0 =	vsel vm1, $0x419, v0;
	v2 =	vsel vm4, $0x28C, v2;
	v1 =	vsel vm3, $0x310, v1  }
0x1b8: {  	v0 =	vsel vm0, $0x49E, v0;
	v2 =	vsel vm3, $0x311, v2;
	v1 =	vsel vm2, $0x395, v1  }
0x1b9: {  	v0 =	vsel vm5, $0x523, v0;
	v2 =	vsel vm2, $0x396, v2;
	v1 =	vsel vm1, $0x41A, v1  }
0x1ba: {  	v0 =	vsel vm12, $0x5A8, v0;
	v2 =	vsel vm1, $0x41B, v2;
	v1 =	vsel vm0, $0x49F, v1  }
0x1bb: {  	v0 =	vsel vm13, $0x62D, v0;
	v2 =	vsel vm0, $0x4A0, v2;
	v1 =	vsel vm5, $0x524, v1  }
0x1bc: {  	v0 =	vsel vm14, $0x6B2, v0;
	v2 =	vsel vm5, $0x525, v2;
	v1 =	vsel vm12, $0x5A9, v1  }
0x1bd: {  	[tilespmem:$0x1FF40] =	vst v63;
	v63 =	vsel vm15, $0x737, v0;
	v0 =	vsel vm13, $0x62E, v1;
	v1 =	vsel vm12, $0x5AA, v2;
	v2 =	vld [tilespmem:$0x1FEA0]  }
0x1be: {  	[tilespmem:$0x1FF50] =	vst v3;
	v6 =	vld [tilespmem:$0x1FF30]  }
0x1bf: {  	v8 =	vld [tilespmem:$0x1FF50]  }
0x1c0: {  	v4 =	vsel vm6, $0x83, v4;
	v7 =	vld [tilespmem:$0x1FF40]  }
0x1c1: {  	v4 =	vsel vm7, $0x108, v4;
	v0 =	vsel vm14, $0x6B3, v0;
	v1 =	vsel vm13, $0x62F, v1  }
0x1c2: {  	v54 =	vsel vm15, $0x738, v0;
	v0 =	vsel vm14, $0x6B4, v1;
	v2 =	vsel vm4, $0x28D, v2  }
0x1c3: {  	v4 =	vsel vm8, $0x18D, v4;
	v0 =	vsel vm15, $0x739, v0;
	v1 =	vsel vm3, $0x312, v2  }
0x1c4: {  	v3 =	vsel vm9, $0x212, v4;
	v6 =	vsel vm4, $0x294, v6;
	[tilespmem:$0x1FEB0] =	vst v0;
	v0 =	vsel vm2, $0x397, v1;
	v1 =	vld [tilespmem:$0x1FEC0]  }
0x1c5: {  	v6 =	vsel vm3, $0x319, v6;
	v8 =	vsel vm4, $0x296, v8;
	v7 =	vsel vm4, $0x295, v7;
	v2 =	vld [tilespmem:$0x1FED0]  }
0x1c6: {  	v6 =	vsel vm2, $0x39E, v6;
	v8 =	vsel vm3, $0x31B, v8;
	v7 =	vsel vm3, $0x31A, v7  }
0x1c7: {  	v6 =	vsel vm1, $0x423, v6;
	v8 =	vsel vm2, $0x3A0, v8;
	v7 =	vsel vm2, $0x39F, v7  }
0x1c8: {  	v6 =	vsel vm0, $0x4A8, v6;
	v8 =	vsel vm1, $0x425, v8;
	v7 =	vsel vm1, $0x424, v7  }
0x1c9: {  	v6 =	vsel vm5, $0x52D, v6;
	v0 =	vsel vm1, $0x41C, v0;
	v1 =	vsel vm4, $0x28E, v1  }
0x1ca: {  	v0 =	vsel vm0, $0x4A1, v0;
	v2 =	vsel vm4, $0x28F, v2;
	v1 =	vsel vm3, $0x313, v1  }
0x1cb: {  	v0 =	vsel vm5, $0x526, v0;
	v2 =	vsel vm3, $0x314, v2;
	v1 =	vsel vm2, $0x398, v1  }
0x1cc: {  	v0 =	vsel vm12, $0x5AB, v0;
	v2 =	vsel vm2, $0x399, v2;
	v1 =	vsel vm1, $0x41D, v1  }
0x1cd: {  	[tilespmem:$0x1FF60] =	vst v3;
	v0 =	vsel vm13, $0x630, v0;
	v2 =	vsel vm1, $0x41E, v2;
	v1 =	vsel vm0, $0x4A2, v1  }
0x1ce: {  	v9 =	vld [tilespmem:$0x1FF60];
	v0 =	vsel vm14, $0x6B5, v0;
	v2 =	vsel vm0, $0x4A3, v2;
	v1 =	vsel vm5, $0x527, v1  }
0x1cf: {  	v0 =	vsel vm15, $0x73A, v0;
	v2 =	vsel vm5, $0x528, v2;
	v1 =	vsel vm12, $0x5AC, v1  }
0x1d0: {  	v8 =	vsel vm0, $0x4AA, v8;
	[tilespmem:$0x1FEE0] =	vst v0;
	v0 =	vsel vm13, $0x631, v1;
	v1 =	vsel vm12, $0x5AD, v2;
	v2 =	vld [tilespmem:$0x1FEF0]  }
0x1d1: {  	v7 =	vsel vm0, $0x4A9, v7;
	v6 =	vsel vm12, $0x5B2, v6;
	v8 =	vsel vm5, $0x52F, v8  }
0x1d2: {  	v7 =	vsel vm5, $0x52E, v7;
	v6 =	vsel vm13, $0x637, v6;
	v8 =	vsel vm12, $0x5B4, v8;
	v10 =	vld [tilespmem:$0x1FF70]  }
0x1d3: {  	v7 =	vsel vm12, $0x5B3, v7;
	v6 =	vsel vm14, $0x6BC, v6;
	v9 =	vsel vm4, $0x297, v9  }
0x1d4: {  	v9 =	vsel vm3, $0x31C, v9;
	v0 =	vsel vm14, $0x6B6, v0;
	v3 =	vsel vm13, $0x632, v1  }
0x1d5: {  	v1 =	vsel vm15, $0x73B, v0;
	v0 =	vsel vm14, $0x6B7, v3;
	v2 =	vsel vm4, $0x290, v2  }
0x1d6: {  	v9 =	vsel vm2, $0x3A1, v9;
	v3 =	vsel vm3, $0x315, v2;
	v2 =	vsel vm15, $0x73C, v0;
	v0 =	vld [tilespmem:$0x1FF00]  }
0x1d7: {  	v8 =	vsel vm13, $0x639, v8;
	v9 =	vsel vm1, $0x426, v9;
	v10 =	vsel vm4, $0x298, v10  }
0x1d8: {  	v7 =	vsel vm13, $0x638, v7;
	v9 =	vsel vm0, $0x4AB, v9;
	v10 =	vsel vm3, $0x31D, v10  }
0x1d9: {  	v6 =	vsel vm15, $0x741, v6;
	v9 =	vsel vm5, $0x530, v9;
	v10 =	vsel vm2, $0x3A2, v10  }
0x1da: {  	v8 =	vsel vm14, $0x6BE, v8;
	v9 =	vsel vm12, $0x5B5, v9;
	v10 =	vsel vm1, $0x427, v10  }
0x1db: {  	v10 =	vsel vm0, $0x4AC, v10;
	v4 =	vsel vm2, $0x39A, v3;
	v3 =	vsel vm4, $0x291, v0;
	v0 =	vld [tilespmem:$0x1FF10]  }
0x1dc: {  	v7 =	vsel vm14, $0x6BD, v7;
	v9 =	vsel vm13, $0x63A, v9;
	v10 =	vsel vm5, $0x531, v10  }
0x1dd: {  	v7 =	vsel vm15, $0x742, v7;
	v11 =	vsel vm14, $0x6BF, v9;
	v10 =	vsel vm12, $0x5B6, v10  }
0x1de: {  	v9 =	vlaneseq.u32;
	v12 =	vsel vm13, $0x63B, v10;
	v10 =	vsel vm15, $0x744, v11  }
0x1df: {  	v11 =	vmul.u32 $0x85, v9;
	v5 =	vsel vm1, $0x41F, v4;
	v3 =	vsel vm3, $0x316, v3  }
0x1e0: {  	v3 =	vsel vm2, $0x39B, v3;
	v4 =	vsel vm4, $0x292, v0;
	v0 =	vsel vm0, $0x4A4, v5;
	v5 =	vld [tilespmem:$0x1FF20]  }
0x1e1: {  	s0 =	rddreg [dreg:$0x0];
	v12 =	vsel vm14, $0x6C0, v12;
	v13 =	vadd.s32 $0x2, v11;
	v3 =	vsel vm1, $0x420, v3  }
0x1e2: {  	s1 =	rddreg [dreg:$0x1];
	s3 =	simm.s32 $0x0;
	v24 =	vimm.f32 $0.0e+00;
	v26 =	vimm.s32 $0x0;
	v3 =	vsel vm0, $0x4A5, v3  }
0x1e3: {  	s2 =	srdreg.scid;
	s16 =	simm.s32 $0xE000;
	[smem:$0x7FF] =	sst s3;
	v25 =	vimm.f32 $1.000000000e+00;
	v29 =	vsel vm15, $0x743, v8;
	v3 =	vsel vm5, $0x52A, v3  }
0x1e4: {  	s4 =	stileid.u32;
	s17 =	simm.s32 $0x1C200;
	_ =	strace $0x80000047;
	[tilespmem:$0x1FF80] =	vst v10;
	v10 =	vsel vm15, $0x745, v12;
	v12 =	vadd.s32 $0x1, v11;
	v4 =	vsel vm3, $0x317, v4  }
0x1e5: {  	s18 =	simm.s32 $0x1C600;
	s19 =	simm.s32 $0x1;
	s20 =	simm.s32 $0x1C800;
	v0 =	vsel vm5, $0x529, v0;
	v3 =	vsel vm12, $0x5AF, v3;
	v5 =	vsel vm4, $0x293, v5  }
0x1e6: {  	s21 =	simm.s32 $0x1C900;
	s22 =	simm.s32 $0x1CA00;
	s23 =	simm.s32 $0x2;
	[tilespmem:$0x1FF90] =	vst v10;
	v10 =	vmul.u32 $0x80, v9;
	v4 =	vsel vm2, $0x39C, v4;
	v5 =	vsel vm3, $0x318, v5  }
0x1e7: {  	s24 =	simm.s32 $0x1CB00;
	s2 =	sand.u32 $0x1, s2;
	s4 =	sshll.u32 s4, $0x1;
	v0 =	vsel vm12, $0x5AE, v0;
	v3 =	vsel vm13, $0x634, v3;
	v5 =	vsel vm2, $0x39D, v5  }
0x1e8: {  	s25 =	simm.s32 $0x3;
	s26 =	simm.s32 $0x0;
	s7 =	sor.u32 s2, s4;
	v4 =	vsel vm1, $0x421, v4;
	v0 =	vsel vm13, $0x633, v0;
	v5 =	vsel vm1, $0x422, v5  }
0x1e9: {  	s5 =	sadd.s32 $0xFC00, s0;
	s2 =	ssub.s32 $0x2, s2;
	s4 =	smul.u32 $0x3F00, s7;
	[tilespmem:$0x1FFD0] =	vst v11;
	v3 =	vsel vm14, $0x6B9, v3;
	v4 =	vsel vm0, $0x4A6, v4;
	v5 =	vsel vm0, $0x4A7, v5  }
0x1ea: {  	s6 =	sadd.s32 $0x600, s0;
	s7 =	sshll.u32 s7, $0x4;
	s8 =	sshrl.u32 s2, $0x1;
	[tilespmem:$0x1FFA0] =	vst v10;
	v10 =	vadd.s32 $0x3, v11;
	v4 =	vsel vm5, $0x52B, v4;
	v5 =	vsel vm5, $0x52C, v5  }
0x1eb: {  	s0 =	sadd.s32 s7, s0;
	s31 =	smin.u32 s4, $0x79F60;
	s11 =	sadd.s32 $0x380, s4;
	[tilespmem:$0x1FFF0] =	vst v13;
	v0 =	vsel vm14, $0x6B8, v0;
	v4 =	vsel vm12, $0x5B0, v4;
	v5 =	vsel vm12, $0x5B1, v5  }
0x1ec: {  	s2 =	ssub.s32 s2, s8;
	s12 =	sadd.s32 $0x7B0E00, s0;
	s9 =	sshll.u32 s31, $0x4;
	[tilespmem:$0x1FFE0] =	vst v12;
	v3 =	vsel vm15, $0x73E, v3;
	v4 =	vsel vm13, $0x635, v4;
	v5 =	vsel vm13, $0x636, v5  }
0x1ed: {  	s13 =	smax.u32 s2, $0x1;
	s10 =	sshrl.u32 s31, $0x3;
	s7 =	sadd.s32 s5, s9;
	[tilespmem:$0x1FFB0] =	vst v10;
	v10 =	vadd.s32 $0x4, v11;
	v4 =	vsel vm14, $0x6BA, v4;
	v5 =	vsel vm14, $0x6BB, v5  }
0x1ee: {  	s8 =	sadd.s32 s1, s10;
	s9 =	sadd.s32 s6, s10;
	s10 =	sadd.s32 $0x1C0, s4;
	v0 =	vsel vm15, $0x73D, v0;
	[tilespmem:$0x1FFC0] =	vst v10;
	v4 =	vsel vm15, $0x73F, v4;
	v5 =	vsel vm15, $0x740, v5  }
.LBB2_1:
0x1ef: {  	[tilespmem:$0x1C800] =	vst v24  }
0x1f0: {  	[tilespmem:$0x1C900] =	vst v24  }
0x1f1: {  	[tilespmem:$0x1CA00] =	vst v24  }
0x1f2: {  	[tilespmem:$0x1C810] =	vst v24  }
0x1f3: {  	[tilespmem:$0x1C910] =	vst v24  }
0x1f4: {  	[tilespmem:$0x1CA10] =	vst v24  }
0x1f5: {  	[tilespmem:$0x1C820] =	vst v24  }
0x1f6: {  	[tilespmem:$0x1C920] =	vst v24  }
0x1f7: {  	[tilespmem:$0x1CA20] =	vst v24  }
0x1f8: {  	[tilespmem:$0x1C830] =	vst v24  }
0x1f9: {  	[tilespmem:$0x1C930] =	vst v24  }
0x1fa: {  	[tilespmem:$0x1CA30] =	vst v24  }
0x1fb: {  	[tilespmem:$0x1C840] =	vst v24  }
0x1fc: {  	[tilespmem:$0x1C940] =	vst v24  }
0x1fd: {  	[tilespmem:$0x1CA40] =	vst v24  }
0x1fe: {  	[tilespmem:$0x1C850] =	vst v24  }
0x1ff: {  	[tilespmem:$0x1C950] =	vst v24  }
0x200: {  	[tilespmem:$0x1CA50] =	vst v24  }
0x201: {  	[tilespmem:$0x1C860] =	vst v24  }
0x202: {  	[tilespmem:$0x1C960] =	vst v24  }
0x203: {  	[tilespmem:$0x1CA60] =	vst v24  }
0x204: {  	[tilespmem:$0x1C870] =	vst v24  }
0x205: {  	[tilespmem:$0x1C970] =	vst v24  }
0x206: {  	[tilespmem:$0x1CA70] =	vst v24  }
0x207: {  	[tilespmem:$0x1C880] =	vst v24  }
0x208: {  	[tilespmem:$0x1C980] =	vst v24  }
0x209: {  	[tilespmem:$0x1CA80] =	vst v24  }
0x20a: {  	[tilespmem:$0x1C890] =	vst v24  }
0x20b: {  	[tilespmem:$0x1C990] =	vst v24;
	v30 =	vld [tilespmem:$0x1FB70]  }
0x20c: {  	[tilespmem:$0x1CA90] =	vst v24;
	v31 =	vld [tilespmem:$0x1FB80]  }
0x20d: {  	[tilespmem:$0x1C8A0] =	vst v24;
	v32 =	vld [tilespmem:$0x1FB90]  }
0x20e: {  	[tilespmem:$0x1C9A0] =	vst v24;
	v8 =	vld [tilespmem:$0x1FBA0]  }
0x20f: {  	[tilespmem:$0x1CAA0] =	vst v24;
	v34 =	vld [tilespmem:$0x1FBB0]  }
0x210: {  	[tilespmem:$0x1C8B0] =	vst v24;
	v35 =	vld [tilespmem:$0x1FBC0]  }
0x211: {  	[tilespmem:$0x1C9B0] =	vst v24;
	v36 =	vld [tilespmem:$0x1FBD0]  }
0x212: {  	[tilespmem:$0x1CAB0] =	vst v24;
	v37 =	vld [tilespmem:$0x1FBE0]  }
0x213: {  	[tilespmem:$0x1C8C0] =	vst v24;
	v38 =	vld [tilespmem:$0x1FBF0]  }
0x214: {  	[tilespmem:$0x1C9C0] =	vst v24;
	v39 =	vld [tilespmem:$0x1FC00]  }
0x215: {  	[tilespmem:$0x1CAC0] =	vst v24;
	v40 =	vld [tilespmem:$0x1FC10]  }
0x216: {  	[tilespmem:$0x1C8D0] =	vst v24;
	v41 =	vld [tilespmem:$0x1FC20]  }
0x217: {  	[tilespmem:$0x1C9D0] =	vst v24;
	v42 =	vld [tilespmem:$0x1FC30]  }
0x218: {  	[tilespmem:$0x1CAD0] =	vst v24;
	v43 =	vld [tilespmem:$0x1FC40]  }
0x219: {  	[tilespmem:$0x1C8E0] =	vst v24;
	v44 =	vld [tilespmem:$0x1FC50]  }
0x21a: {  	[tilespmem:$0x1C9E0] =	vst v24;
	v45 =	vld [tilespmem:$0x1FC60]  }
0x21b: {  	[tilespmem:$0x1CAE0] =	vst v24;
	v46 =	vld [tilespmem:$0x1FC70]  }
0x21c: {  	[tilespmem:$0x1C8F0] =	vst v24;
	v47 =	vld [tilespmem:$0x1FC80]  }
0x21d: {  	[tilespmem:$0x1C9F0] =	vst v24;
	v48 =	vld [tilespmem:$0x1FC90]  }
0x21e: {  	[tilespmem:$0x1CAF0] =	vst v24;
	v49 =	vld [tilespmem:$0x1FCA0]  }
0x21f: {  	v50 =	vld [tilespmem:$0x1FCB0];
	[tilespmem:s3], [sflag:$0x1] =	stream.linear.gather [hbm4b:s7+s3], $0xE000, $0x38  }
0x220: {  	s0 =	simm.s32 $0x1C000;
	v51 =	vld [tilespmem:$0x1FCC0]  }
0x221: {  	v52 =	vld [tilespmem:$0x1FCD0];
	[tilespmem:s0], [sflag:$0x1] =	stream.linear.gather [hbm4b:s8+s3], $0x1C0, $0x38  }
0x222: {  	s31 =	simm.s32 $0x1C400;
	s28 =	simm.s32 $0x0;
	v53 =	vld [tilespmem:$0x1FCE0]  }
0x223: {  	v33 =	vld [tilespmem:$0x1FFC0];
	[tilespmem:s31], [sflag:$0x1] =	stream.linear.gather [hbm4b:s9+s3], $0x1C0, $0x38  }
.LBB2_2:
0x224: {  	s31 =	smul.u32 $0x380, s28;
	_ =	sdelay $0x1  }
0x225: {  	s29 =	sadd.s32 s31, s10  }
0x226: {  	p0 =	slt.s32 s29, $0x79F60;
	s30 =	smov.u32 s29  }
0x227: {  	s30 =	simm.s32 @!p0 $0x79F60  }
0x228: {  	s0 =	sshll.u32 s30, $0x4  }
0x229: {  	s15 =	sshrl.u32 s30, $0x3;
	s2 =	sadd.s32 s5, s0;
	s0 =	simm.s32 $0x0  }
0x22a: {  	[tilespmem:s16], [sflag:$0x2] =	stream.linear.gather [hbm4b:s2+s0], $0xE000, $0x38;
	[tilespmem:$0x1CB80] =	vst v63  }
0x22b: {  	s14 =	sadd.s32 s1, s15  }
0x22c: {  	[tilespmem:s17], [sflag:$0x2] =	stream.linear.gather [hbm4b:s14+s0], $0x1C0, $0x38;
	[tilespmem:$0x1CB80] =	vst v63  }
0x22d: {  	s2 =	sadd.s32 s6, s15  }
0x22e: {  	[tilespmem:s18], [sflag:$0x2] =	stream.linear.gather [hbm4b:s2+s0], $0x1C0, $0x38;
	[tilespmem:$0x1CB80] =	vst v63  }
0x22f: {  	_ =	swait.ge [sflag:s19], $0xE000  }
0x230: {  	s15 =	sadd.s32 s4, s31;
	[sflag:s19] =	ssyncset.done $0x0  }
0x231: {  	p0 =	slt.s32 s15, $0x79F60;
	s14 =	smov.u32 s15;
	[sflag:s19] =	ssyncadd.s32 $0xFFFF2000  }
0x232: {  	s14 =	simm.s32 @!p0 $0x79F60;
	_ =	swait.ge [sflag:s19], $0x1C0  }
0x233: {  	s2 =	ssub.s32 s15, s14;
	[sflag:s19] =	ssyncset.done $0x0  }
0x234: {  	v19 =	vor.u32 s0, v9;
	v18 =	vmov s2;
	[sflag:s19] =	ssyncadd.s32 $0xFFFFFE40  }
0x235: {  	vm0 =	vge.u32 v19, v18;
	_ =	swait.ge [sflag:s19], $0x1C0  }
0x236: {  	v20 =	vor.u32 s0, v12;
	v28 =	vld [tilespmem:$0x1FFB0]  }
0x237: {  	v19 =	vor.u32 s0, v11;
	_ =	sdelay $0x1  }
0x238: {  	[sflag:s19] =	ssyncset.done $0x0  }
0x239: {  	[sflag:s19] =	ssyncadd.s32 $0xFFFFFE40  }
0x23a: {  	v10 =	vmov v12;
	v12 =	vld.idx.msk [tilespmem:v20+s3+$0x0], vm0;
	v22 =	vor.u32 s0, v28  }
0x23b: {  	v9 =	vld.idx.msk [tilespmem:v19+s3+$0x0], vm0;
	v19 =	vor.u32 s0, v30;
	_ =	sdelay $0x1  }
0x23c: {  	v21 =	vor.u32 s0, v13;
	_ =	sdelay $0x1  }
0x23d: {  	[tilespmem:$0x1F120] =	vst v12;
	v12 =	vld.idx.msk [tilespmem:v22+s3+$0x0], vm0  }
0x23e: {  	v22 =	vor.u32 s0, v8;
	v8 =	vld.idx.msk [tilespmem:v19+s3+$0x0], vm0  }
0x23f: {  	v19 =	vld [tilespmem:$0x1F120]  }
0x240: {  	v27 =	vmov v11;
	v11 =	vmov v14;
	v14 =	vmov v13;
	v13 =	vld.idx.msk [tilespmem:v21+s3+$0x0], vm0;
	_ =	sdelay $0x1  }
0x241: {  	v23 =	vor.u32 s0, v33;
	_ =	sdelay $0x1  }
0x242: {  	v19 =	vmax.f32 v9, v19  }
0x243: {  	[tilespmem:$0x1F130] =	vst v12;
	v19 =	vmax.f32 v19, v13;
	v13 =	vld.idx.msk [tilespmem:v22+s3+$0x0], vm0  }
0x244: {  	v22 =	vld [tilespmem:$0x1F130]  }
0x245: {  	v12 =	vld.idx.msk [tilespmem:v23+s3+$0x0], vm0;
	_ =	sdelay $0x2  }
0x246: {  	[tilespmem:$0x1F150] =	vst v8;
	v8 =	vor.u32 s0, v35  }
0x247: {  	[tilespmem:$0x1F140] =	vst v8;
	v19 =	vmax.f32 v19, v22  }
0x248: {  	v19 =	vmax.f32 v19, v12;
	v12 =	vld [tilespmem:$0x1F140];
	_ =	sdelay $0x6  }
0x249: {  	v21 =	vor.u32 s0, v32  }
0x24a: {  	v12 =	vld.idx.msk [tilespmem:v12+s3+$0x0], vm0  }
0x24b: {  	v20 =	vor.u32 s0, v31;
	_ =	sdelay $0x2  }
0x24c: {  	v9 =	vld.idx.msk [tilespmem:v21+s3+$0x0], vm0  }
0x24d: {  	v23 =	vor.u32 s0, v34;
	[tilespmem:$0x1F180] =	vst v12;
	v12 =	vld [tilespmem:$0x1F150]  }
0x24e: {  	v21 =	vor.u32 s0, v37;
	v8 =	vld.idx.msk [tilespmem:v20+s3+$0x0], vm0;
	_ =	sdelay $0x3  }
0x24f: {  	v23 =	vld.idx.msk [tilespmem:v23+s3+$0x0], vm0;
	v19 =	vmax.f32 v19, v12  }
0x250: {  	v19 =	vmax.f32 v19, v8;
	v8 =	vld.idx.msk [tilespmem:v21+s3+$0x0], vm0;
	_ =	sdelay $0x3  }
0x251: {  	[tilespmem:$0x1F160] =	vst v23  }
0x252: {  	[tilespmem:$0x1F190] =	vst v8;
	v8 =	vld [tilespmem:$0x1F160];
	_ =	sdelay $0x2  }
0x253: {  	v12 =	vor.u32 s0, v40;
	v19 =	vmax.f32 v19, v9  }
0x254: {  	[tilespmem:$0x1F170] =	vst v12;
	v19 =	vmax.f32 v19, v13  }
0x255: {  	v19 =	vmax.f32 v19, v8;
	v8 =	vld [tilespmem:$0x1F170];
	_ =	sdelay $0x7  }
0x256: {  	v8 =	vld.idx.msk [tilespmem:v8+s3+$0x0], vm0  }
0x257: {  	v20 =	vor.u32 s0, v36;
	_ =	sdelay $0x3  }
0x258: {  	[tilespmem:$0x1F1B0] =	vst v8;
	v8 =	vld [tilespmem:$0x1F180]  }
0x259: {  	v12 =	vld.idx.msk [tilespmem:v20+s3+$0x0], vm0;
	v20 =	vor.u32 s0, v41;
	_ =	sdelay $0x3  }
0x25a: {  	v22 =	vor.u32 s0, v38;
	v19 =	vmax.f32 v19, v8;
	v8 =	vor.u32 s0, v45  }
0x25b: {  	[tilespmem:$0x1F1A0] =	vst v8;
	v8 =	vld.idx.msk [tilespmem:v20+s3+$0x0], vm0;
	_ =	sdelay $0x3  }
0x25c: {  	v9 =	vld.idx.msk [tilespmem:v22+s3+$0x0], vm0  }
0x25d: {  	v22 =	vor.u32 s0, v43;
	[tilespmem:$0x1F1C0] =	vst v8;
	v8 =	vld [tilespmem:$0x1F190];
	_ =	sdelay $0x3  }
0x25e: {  	v19 =	vmax.f32 v19, v12  }
0x25f: {  	v19 =	vmax.f32 v19, v8;
	v8 =	vld.idx.msk [tilespmem:v22+s3+$0x0], vm0;
	_ =	sdelay $0x2  }
0x260: {  	v23 =	vor.u32 s0, v39;
	_ =	sdelay $0x1  }
0x261: {  	[tilespmem:$0x1F1D0] =	vst v8;
	v8 =	vld [tilespmem:$0x1F1A0];
	_ =	sdelay $0x2  }
0x262: {  	v13 =	vld.idx.msk [tilespmem:v23+s3+$0x0], vm0;
	_ =	sdelay $0x3  }
0x263: {  	v19 =	vmax.f32 v19, v9  }
0x264: {  	v19 =	vmax.f32 v19, v13;
	v13 =	vld.idx.msk [tilespmem:v8+s3+$0x0], vm0  }
0x265: {  	v8 =	vld [tilespmem:$0x1F1B0]  }
0x266: {  	v20 =	vor.u32 s0, v46;
	_ =	sdelay $0x3  }
0x267: {  	v21 =	vor.u32 s0, v42;
	v19 =	vmax.f32 v19, v8;
	v8 =	vor.u32 s0, v50  }
0x268: {  	[tilespmem:$0x1F1E0] =	vst v8;
	v8 =	vld.idx.msk [tilespmem:v20+s3+$0x0], vm0;
	_ =	sdelay $0x3  }
0x269: {  	v12 =	vld.idx.msk [tilespmem:v21+s3+$0x0], vm0  }
0x26a: {  	v21 =	vor.u32 s0, v47;
	[tilespmem:$0x1F1F0] =	vst v8;
	v8 =	vld [tilespmem:$0x1F1C0];
	_ =	sdelay $0x3  }
0x26b: {  	v23 =	vor.u32 s0, v44  }
0x26c: {  	v19 =	vmax.f32 v19, v8;
	v8 =	vld.idx.msk [tilespmem:v21+s3+$0x0], vm0;
	_ =	sdelay $0x3  }
0x26d: {  	v9 =	vld.idx.msk [tilespmem:v23+s3+$0x0], vm0  }
0x26e: {  	v23 =	vor.u32 s0, v49;
	[tilespmem:$0x1F200] =	vst v8;
	v8 =	vld [tilespmem:$0x1F1D0];
	_ =	sdelay $0x3  }
0x26f: {  	v19 =	vmax.f32 v19, v12  }
0x270: {  	v19 =	vmax.f32 v19, v8;
	v8 =	vld.idx.msk [tilespmem:v23+s3+$0x0], vm0;
	_ =	sdelay $0x4  }
0x271: {  	[tilespmem:$0x1F210] =	vst v8;
	v8 =	vld [tilespmem:$0x1F1E0];
	_ =	sdelay $0x6  }
0x272: {  	v19 =	vmax.f32 v19, v9;
	v9 =	vld [tilespmem:$0x1FCF0]  }
0x273: {  	v8 =	vld.idx.msk [tilespmem:v8+s3+$0x0], vm0;
	_ =	sdelay $0x4  }
0x274: {  	[tilespmem:$0x1F230] =	vst v8;
	v8 =	vor.u32 s0, v9  }
0x275: {  	v21 =	vor.u32 s0, v52;
	[tilespmem:$0x1F220] =	vst v8;
	v8 =	vld [tilespmem:$0x1F1F0];
	_ =	sdelay $0x3  }
0x276: {  	v22 =	vor.u32 s0, v48;
	v19 =	vmax.f32 v19, v13  }
0x277: {  	v19 =	vmax.f32 v19, v8;
	v8 =	vld.idx.msk [tilespmem:v21+s3+$0x0], vm0;
	_ =	sdelay $0x3  }
0x278: {  	v12 =	vld.idx.msk [tilespmem:v22+s3+$0x0], vm0  }
0x279: {  	v22 =	vor.u32 s0, v53;
	[tilespmem:$0x1F240] =	vst v8;
	v8 =	vld [tilespmem:$0x1F200];
	_ =	sdelay $0x4  }
0x27a: {  	v19 =	vmax.f32 v19, v8;
	v8 =	vld.idx.msk [tilespmem:v22+s3+$0x0], vm0  }
0x27b: {  	v20 =	vor.u32 s0, v51  }
0x27c: {  	v9 =	vld [tilespmem:$0x1FD00];
	_ =	sdelay $0x2  }
0x27d: {  	[tilespmem:$0x1F250] =	vst v8;
	v8 =	vld [tilespmem:$0x1F210]  }
0x27e: {  	v13 =	vld.idx.msk [tilespmem:v20+s3+$0x0], vm0  }
0x27f: {  	v20 =	vor.u32 s0, v9;
	v9 =	vld [tilespmem:$0x1FD10];
	_ =	sdelay $0x1  }
0x280: {  	v19 =	vmax.f32 v19, v12  }
0x281: {  	v19 =	vmax.f32 v19, v8;
	v8 =	vld [tilespmem:$0x1F220];
	_ =	sdelay $0x1  }
0x282: {  	v21 =	vor.u32 s0, v9;
	v9 =	vld [tilespmem:$0x1FD20];
	_ =	sdelay $0x3  }
0x283: {  	v23 =	vor.u32 s0, v11  }
0x284: {  	v22 =	vor.u32 s0, v9;
	v9 =	vld [tilespmem:$0x1FD30]  }
0x285: {  	v8 =	vld.idx.msk [tilespmem:v8+s3+$0x0], vm0;
	_ =	sdelay $0x2  }
0x286: {  	v12 =	vld.idx.msk [tilespmem:v23+s3+$0x0], vm0  }
0x287: {  	v23 =	vor.u32 s0, v9;
	v9 =	vld [tilespmem:$0x1FD40]  }
0x288: {  	[tilespmem:$0x1F270] =	vst v8;
	v8 =	vld [tilespmem:$0x1F230];
	_ =	sdelay $0x4  }
0x289: {  	v19 =	vmax.f32 v19, v8;
	v8 =	vor.u32 s0, v9  }
0x28a: {  	[tilespmem:$0x1F260] =	vst v8;
	v8 =	vld.idx.msk [tilespmem:v20+s3+$0x0], vm0;
	_ =	sdelay $0x4  }
0x28b: {  	[tilespmem:$0x1F280] =	vst v8;
	v8 =	vld [tilespmem:$0x1F240];
	_ =	sdelay $0x3  }
0x28c: {  	v19 =	vmax.f32 v19, v13  }
0x28d: {  	v19 =	vmax.f32 v19, v8;
	v8 =	vld.idx.msk [tilespmem:v22+s3+$0x0], vm0;
	_ =	sdelay $0x1  }
0x28e: {  	v9 =	vld [tilespmem:$0x1FD50];
	_ =	sdelay $0x2  }
0x28f: {  	[tilespmem:$0x1F290] =	vst v8;
	v8 =	vld [tilespmem:$0x1F250];
	_ =	sdelay $0x1  }
0x290: {  	v20 =	vor.u32 s0, v9;
	v9 =	vld [tilespmem:$0x1FD60];
	_ =	sdelay $0x2  }
0x291: {  	v19 =	vmax.f32 v19, v8;
	v8 =	vld.idx.msk [tilespmem:v23+s3+$0x0], vm0  }
0x292: {  	v13 =	vld.idx.msk [tilespmem:v21+s3+$0x0], vm0  }
0x293: {  	v21 =	vor.u32 s0, v9;
	v9 =	vld [tilespmem:$0x1FD70];
	_ =	sdelay $0x2  }
0x294: {  	[tilespmem:$0x1F2A0] =	vst v8;
	v8 =	vld [tilespmem:$0x1F260];
	_ =	sdelay $0x1  }
0x295: {  	v22 =	vor.u32 s0, v9;
	v9 =	vld [tilespmem:$0x1FD80];
	_ =	sdelay $0x4  }
0x296: {  	v23 =	vor.u32 s0, v9;
	v9 =	vld [tilespmem:$0x1FD90]  }
0x297: {  	v19 =	vmax.f32 v19, v12;
	v12 =	vld.idx.msk [tilespmem:v8+s3+$0x0], vm0  }
0x298: {  	v8 =	vld [tilespmem:$0x1F270];
	_ =	sdelay $0x4  }
0x299: {  	v19 =	vmax.f32 v19, v8;
	v8 =	vor.u32 s0, v9  }
0x29a: {  	[tilespmem:$0x1F2B0] =	vst v8;
	v8 =	vld.idx.msk [tilespmem:v20+s3+$0x0], vm0;
	_ =	sdelay $0x4  }
0x29b: {  	[tilespmem:$0x1F2C0] =	vst v8;
	v8 =	vld [tilespmem:$0x1F280];
	_ =	sdelay $0x4  }
0x29c: {  	v19 =	vmax.f32 v19, v8;
	v8 =	vld.idx.msk [tilespmem:v21+s3+$0x0], vm0;
	_ =	sdelay $0x4  }
0x29d: {  	[tilespmem:$0x1F2D0] =	vst v8;
	v8 =	vld [tilespmem:$0x1F290];
	_ =	sdelay $0x1  }
0x29e: {  	v9 =	vld [tilespmem:$0x1FDA0];
	_ =	sdelay $0x1  }
0x29f: {  	v19 =	vmax.f32 v19, v13  }
0x2a0: {  	v19 =	vmax.f32 v19, v8;
	v8 =	vld.idx.msk [tilespmem:v23+s3+$0x0], vm0;
	_ =	sdelay $0x1  }
0x2a1: {  	v20 =	vor.u32 s0, v9;
	v9 =	vld [tilespmem:$0x1FDB0];
	_ =	sdelay $0x2  }
0x2a2: {  	[tilespmem:$0x1F2E0] =	vst v8;
	v8 =	vld [tilespmem:$0x1F2A0];
	_ =	sdelay $0x1  }
0x2a3: {  	v21 =	vor.u32 s0, v9;
	v9 =	vld [tilespmem:$0x1FDC0];
	_ =	sdelay $0x2  }
0x2a4: {  	v19 =	vmax.f32 v19, v8;
	v8 =	vld [tilespmem:$0x1F2B0]  }
0x2a5: {  	v13 =	vld.idx.msk [tilespmem:v22+s3+$0x0], vm0  }
0x2a6: {  	v22 =	vor.u32 s0, v9;
	v9 =	vld [tilespmem:$0x1FDD0];
	_ =	sdelay $0x4  }
0x2a7: {  	v23 =	vor.u32 s0, v9;
	v9 =	vld [tilespmem:$0x1FDE0]  }
0x2a8: {  	v8 =	vld.idx.msk [tilespmem:v8+s3+$0x0], vm0;
	_ =	sdelay $0x4  }
0x2a9: {  	[tilespmem:$0x1F300] =	vst v8;
	v8 =	vor.u32 s0, v9  }
0x2aa: {  	[tilespmem:$0x1F2F0] =	vst v8;
	v8 =	vld [tilespmem:$0x1F2C0];
	_ =	sdelay $0x3  }
0x2ab: {  	v19 =	vmax.f32 v19, v12  }
0x2ac: {  	v19 =	vmax.f32 v19, v8;
	v8 =	vld.idx.msk [tilespmem:v21+s3+$0x0], vm0;
	_ =	sdelay $0x4  }
0x2ad: {  	[tilespmem:$0x1F310] =	vst v8;
	v8 =	vld [tilespmem:$0x1F2D0];
	_ =	sdelay $0x4  }
0x2ae: {  	v19 =	vmax.f32 v19, v8;
	v8 =	vld.idx.msk [tilespmem:v22+s3+$0x0], vm0;
	_ =	sdelay $0x1  }
0x2af: {  	v9 =	vld [tilespmem:$0x1FDF0];
	_ =	sdelay $0x2  }
0x2b0: {  	[tilespmem:$0x1F320] =	vst v8;
	v8 =	vld [tilespmem:$0x1F2E0]  }
0x2b1: {  	v12 =	vld.idx.msk [tilespmem:v20+s3+$0x0], vm0  }
0x2b2: {  	v20 =	vor.u32 s0, v9;
	v9 =	vld [tilespmem:$0x1FE00];
	_ =	sdelay $0x1  }
0x2b3: {  	v19 =	vmax.f32 v19, v13  }
0x2b4: {  	v19 =	vmax.f32 v19, v8;
	v8 =	vld [tilespmem:$0x1F2F0];
	_ =	sdelay $0x1  }
0x2b5: {  	v21 =	vor.u32 s0, v9;
	v9 =	vld [tilespmem:$0x1FE10];
	_ =	sdelay $0x4  }
0x2b6: {  	v22 =	vor.u32 s0, v9;
	v9 =	vld [tilespmem:$0x1FE20]  }
0x2b7: {  	v8 =	vld.idx.msk [tilespmem:v8+s3+$0x0], vm0;
	_ =	sdelay $0x2  }
0x2b8: {  	v13 =	vld.idx.msk [tilespmem:v23+s3+$0x0], vm0  }
0x2b9: {  	v23 =	vor.u32 s0, v9;
	v9 =	vld [tilespmem:$0x1FE30]  }
0x2ba: {  	[tilespmem:$0x1F340] =	vst v8;
	v8 =	vld [tilespmem:$0x1F300];
	_ =	sdelay $0x4  }
0x2bb: {  	v19 =	vmax.f32 v19, v8;
	v8 =	vor.u32 s0, v9  }
0x2bc: {  	[tilespmem:$0x1F330] =	vst v8;
	v8 =	vld.idx.msk [tilespmem:v20+s3+$0x0], vm0;
	_ =	sdelay $0x4  }
0x2bd: {  	[tilespmem:$0x1F350] =	vst v8;
	v8 =	vld [tilespmem:$0x1F310];
	_ =	sdelay $0x3  }
0x2be: {  	v19 =	vmax.f32 v19, v12  }
0x2bf: {  	v19 =	vmax.f32 v19, v8;
	v8 =	vld.idx.msk [tilespmem:v22+s3+$0x0], vm0;
	_ =	sdelay $0x4  }
0x2c0: {  	[tilespmem:$0x1F360] =	vst v8;
	v8 =	vld [tilespmem:$0x1F320];
	_ =	sdelay $0x4  }
0x2c1: {  	v19 =	vmax.f32 v19, v8;
	v8 =	vld [tilespmem:$0x1F330];
	_ =	sdelay $0x4  }
0x2c2: {  	v9 =	vld [tilespmem:$0x1FE40];
	_ =	sdelay $0x2  }
0x2c3: {  	v19 =	vmax.f32 v19, v13;
	v13 =	vld.idx.msk [tilespmem:v8+s3+$0x0], vm0  }
0x2c4: {  	v8 =	vld [tilespmem:$0x1F340]  }
0x2c5: {  	v20 =	vor.u32 s0, v9;
	_ =	sdelay $0x3  }
0x2c6: {  	v9 =	vld [tilespmem:$0x1FE50];
	v19 =	vmax.f32 v19, v8;
	v8 =	vor.u32 s0, v16  }
0x2c7: {  	[tilespmem:$0x1F370] =	vst v8;
	v8 =	vld.idx.msk [tilespmem:v20+s3+$0x0], vm0;
	_ =	sdelay $0x3  }
0x2c8: {  	v12 =	vld.idx.msk [tilespmem:v21+s3+$0x0], vm0  }
0x2c9: {  	v21 =	vor.u32 s0, v9;
	[tilespmem:$0x1F380] =	vst v8;
	v8 =	vld [tilespmem:$0x1F350];
	_ =	sdelay $0x3  }
0x2ca: {  	v9 =	vld [tilespmem:$0x1FE60]  }
0x2cb: {  	v19 =	vmax.f32 v19, v8;
	v8 =	vld.idx.msk [tilespmem:v21+s3+$0x0], vm0;
	_ =	sdelay $0x3  }
0x2cc: {  	v22 =	vor.u32 s0, v9;
	v9 =	vld.idx.msk [tilespmem:v23+s3+$0x0], vm0  }
0x2cd: {  	v23 =	vor.u32 s0, v15;
	[tilespmem:$0x1F390] =	vst v8;
	v8 =	vld [tilespmem:$0x1F360];
	_ =	sdelay $0x3  }
0x2ce: {  	v19 =	vmax.f32 v19, v12  }
0x2cf: {  	v19 =	vmax.f32 v19, v8;
	v8 =	vld.idx.msk [tilespmem:v23+s3+$0x0], vm0;
	_ =	sdelay $0x4  }
0x2d0: {  	[tilespmem:$0x1F3A0] =	vst v8;
	v8 =	vld [tilespmem:$0x1F370];
	_ =	sdelay $0x7  }
0x2d1: {  	v19 =	vmax.f32 v19, v9;
	v9 =	vld.idx.msk [tilespmem:v8+s3+$0x0], vm0;
	v8 =	vor.u32 s0, v58  }
0x2d2: {  	v21 =	vor.u32 s0, v55;
	[tilespmem:$0x1F3B0] =	vst v8;
	v8 =	vld [tilespmem:$0x1F380];
	_ =	sdelay $0x3  }
0x2d3: {  	v19 =	vmax.f32 v19, v13  }
0x2d4: {  	v19 =	vmax.f32 v19, v8;
	v8 =	vld.idx.msk [tilespmem:v21+s3+$0x0], vm0;
	_ =	sdelay $0x3  }
0x2d5: {  	v12 =	vld.idx.msk [tilespmem:v22+s3+$0x0], vm0  }
0x2d6: {  	v22 =	vor.u32 s0, v56;
	[tilespmem:$0x1F3C0] =	vst v8;
	v8 =	vld [tilespmem:$0x1F390];
	_ =	sdelay $0x4  }
0x2d7: {  	v19 =	vmax.f32 v19, v8;
	v8 =	vld.idx.msk [tilespmem:v22+s3+$0x0], vm0;
	_ =	sdelay $0x4  }
0x2d8: {  	[tilespmem:$0x1F3D0] =	vst v8;
	v8 =	vld [tilespmem:$0x1F3A0];
	_ =	sdelay $0x3  }
0x2d9: {  	v19 =	vmax.f32 v19, v12  }
0x2da: {  	v19 =	vmax.f32 v19, v8;
	v8 =	vld [tilespmem:$0x1F3B0];
	_ =	sdelay $0x3  }
0x2db: {  	v20 =	vor.u32 s0, v17;
	_ =	sdelay $0x3  }
0x2dc: {  	v8 =	vld.idx.msk [tilespmem:v8+s3+$0x0], vm0  }
0x2dd: {  	v13 =	vld.idx.msk [tilespmem:v20+s3+$0x0], vm0;
	v20 =	vor.u32 s0, v59;
	_ =	sdelay $0x3  }
0x2de: {  	[tilespmem:$0x1F3F0] =	vst v8;
	v8 =	vor.u32 s0, v63  }
0x2df: {  	[tilespmem:$0x1F3E0] =	vst v8;
	v8 =	vld.idx.msk [tilespmem:v20+s3+$0x0], vm0;
	_ =	sdelay $0x4  }
0x2e0: {  	v22 =	vor.u32 s0, v61;
	[tilespmem:$0x1F400] =	vst v8;
	v8 =	vld [tilespmem:$0x1F3C0];
	_ =	sdelay $0x2  }
0x2e1: {  	v19 =	vmax.f32 v19, v9  }
0x2e2: {  	v19 =	vmax.f32 v19, v13  }
0x2e3: {  	v19 =	vmax.f32 v19, v8;
	v8 =	vld.idx.msk [tilespmem:v22+s3+$0x0], vm0;
	_ =	sdelay $0x4  }
0x2e4: {  	[tilespmem:$0x1F410] =	vst v8;
	v8 =	vld [tilespmem:$0x1F3D0];
	_ =	sdelay $0x2  }
0x2e5: {  	v23 =	vor.u32 s0, v57;
	_ =	sdelay $0x1  }
0x2e6: {  	v19 =	vmax.f32 v19, v8;
	v8 =	vld [tilespmem:$0x1F3E0];
	_ =	sdelay $0x2  }
0x2e7: {  	v12 =	vld.idx.msk [tilespmem:v23+s3+$0x0], vm0;
	_ =	sdelay $0x4  }
0x2e8: {  	v19 =	vmax.f32 v19, v12;
	v12 =	vld.idx.msk [tilespmem:v8+s3+$0x0], vm0  }
0x2e9: {  	v8 =	vld [tilespmem:$0x1F3F0]  }
0x2ea: {  	v20 =	vor.u32 s0, v54;
	_ =	sdelay $0x3  }
0x2eb: {  	v21 =	vor.u32 s0, v60;
	v9 =	vld [tilespmem:$0x1FEB0];
	v19 =	vmax.f32 v19, v8;
	v8 =	vor.u32 s0, v2  }
0x2ec: {  	[tilespmem:$0x1F420] =	vst v8;
	v8 =	vld.idx.msk [tilespmem:v20+s3+$0x0], vm0;
	_ =	sdelay $0x3  }
0x2ed: {  	v13 =	vld.idx.msk [tilespmem:v21+s3+$0x0], vm0  }
0x2ee: {  	v21 =	vor.u32 s0, v9;
	[tilespmem:$0x1F430] =	vst v8;
	v8 =	vld [tilespmem:$0x1F400];
	_ =	sdelay $0x3  }
0x2ef: {  	v23 =	vor.u32 s0, v62;
	v9 =	vld [tilespmem:$0x1FEE0]  }
0x2f0: {  	v19 =	vmax.f32 v19, v8;
	v8 =	vld.idx.msk [tilespmem:v21+s3+$0x0], vm0;
	_ =	sdelay $0x3  }
0x2f1: {  	v22 =	vor.u32 s0, v9;
	v9 =	vld.idx.msk [tilespmem:v23+s3+$0x0], vm0  }
0x2f2: {  	v23 =	vor.u32 s0, v1;
	[tilespmem:$0x1F440] =	vst v8;
	v8 =	vld [tilespmem:$0x1F410];
	_ =	sdelay $0x3  }
0x2f3: {  	v19 =	vmax.f32 v19, v13  }
0x2f4: {  	v19 =	vmax.f32 v19, v8;
	v8 =	vld.idx.msk [tilespmem:v23+s3+$0x0], vm0;
	_ =	sdelay $0x4  }
0x2f5: {  	[tilespmem:$0x1F450] =	vst v8;
	v8 =	vld [tilespmem:$0x1F420];
	_ =	sdelay $0x7  }
0x2f6: {  	v8 =	vld.idx.msk [tilespmem:v8+s3+$0x0], vm0;
	_ =	sdelay $0x4  }
0x2f7: {  	[tilespmem:$0x1F460] =	vst v8;
	v8 =	vld [tilespmem:$0x1F430];
	_ =	sdelay $0x2  }
0x2f8: {  	v19 =	vmax.f32 v19, v9  }
0x2f9: {  	v19 =	vmax.f32 v19, v12  }
0x2fa: {  	v19 =	vmax.f32 v19, v8;
	v8 =	vor.u32 s0, v7  }
0x2fb: {  	[tilespmem:$0x1F470] =	vst v8;
	v8 =	vld [tilespmem:$0x1F440]  }
0x2fc: {  	v23 =	vor.u32 s0, v5;
	_ =	sdelay $0x3  }
0x2fd: {  	v19 =	vmax.f32 v19, v8;
	v8 =	vor.u32 s0, v29  }
0x2fe: {  	[tilespmem:$0x1F480] =	vst v8;
	v8 =	vld.idx.msk [tilespmem:v23+s3+$0x0], vm0;
	_ =	sdelay $0x3  }
0x2ff: {  	v13 =	vld.idx.msk [tilespmem:v22+s3+$0x0], vm0  }
0x300: {  	[tilespmem:$0x1F490] =	vst v8;
	v8 =	vld [tilespmem:$0x1F450];
	_ =	sdelay $0x3  }
0x301: {  	v19 =	vmax.f32 v19, v13  }
0x302: {  	v19 =	vmax.f32 v19, v8;
	v8 =	vld [tilespmem:$0x1F460];
	_ =	sdelay $0x4  }
0x303: {  	v19 =	vmax.f32 v19, v8;
	v8 =	vld [tilespmem:$0x1F470];
	_ =	sdelay $0x7  }
0x304: {  	v8 =	vld.idx.msk [tilespmem:v8+s3+$0x0], vm0;
	_ =	sdelay $0x3  }
0x305: {  	v20 =	vor.u32 s0, v0  }
0x306: {  	v21 =	vor.u32 s0, v3;
	[tilespmem:$0x1F4A0] =	vst v8;
	v8 =	vld [tilespmem:$0x1F480]  }
0x307: {  	v22 =	vor.u32 s0, v4  }
0x308: {  	v9 =	vld [tilespmem:$0x1FF80];
	_ =	sdelay $0x1  }
0x309: {  	v20 =	vld.idx.msk [tilespmem:v20+s3+$0x0], vm0  }
0x30a: {  	v21 =	vld.idx.msk [tilespmem:v21+s3+$0x0], vm0  }
0x30b: {  	v22 =	vld.idx.msk [tilespmem:v22+s3+$0x0], vm0  }
0x30c: {  	v13 =	vor.u32 s0, v9;
	v9 =	vld [tilespmem:$0x1FF90]  }
0x30d: {  	v12 =	vor.u32 s0, v6;
	v23 =	vld.idx.msk [tilespmem:v8+s3+$0x0], vm0  }
0x30e: {  	v8 =	vld [tilespmem:$0x1F490];
	_ =	sdelay $0x1  }
0x30f: {  	v19 =	vmax.f32 v19, v20  }
0x310: {  	v19 =	vmax.f32 v19, v21  }
0x311: {  	v12 =	vld.idx.msk [tilespmem:v12+s3+$0x0], vm0;
	v9 =	vor.u32 s0, v9;
	v19 =	vmax.f32 v19, v22  }
0x312: {  	v19 =	vmax.f32 v19, v8;
	v8 =	vld [tilespmem:$0x1F4A0]  }
0x313: {  	s2 =	simm.s32 $0x1C000  }
0x314: {  	v20 =	vld [tilespmem:s2+$0x0]  }
0x315: {  	v22 =	vld.idx.msk [tilespmem:v13+s3+$0x0], vm0  }
0x316: {  	v21 =	vld.idx.msk [tilespmem:v9+s3+$0x0], vm0;
	v19 =	vmax.f32 v19, v12  }
0x317: {  	v19 =	vmax.f32 v19, v8;
	v8 =	vld [tilespmem:$0x1FFA0];
	_ =	sdelay $0x1  }
0x318: {  	v19 =	vmax.f32 v19, v23  }
0x319: {  	v19 =	vmax.f32 v19, v22  }
0x31a: {  	v21 =	vmax.f32 v19, v21;
	v19 =	vadd.s32 s0, v20  }
0x31b: {  	v20 =	vmul.f32 $1.000000000e+01, v21;
	v19 =	vadd.s32 v8, v19;
	_ =	sdelay $0x1  }
0x31c: {  	v22 =	vtrunc.f32 v20  }
0x31d: {  	s0 =	simm.s32 $0x1C400;
	v23 =	vcvt.f32.s32 v22;
	vm1 =	veq.f32 v20, v22  }
0x31e: {  	v22 =	vld [tilespmem:s0+$0x0];
	v20 =	vsel vm1, $0xFFFFFFFF, v26  }
0x31f: {  	v20 =	vadd.s32 v23, v20;
	v19 =	vld.idx.msk [tilespmem:v19+s3+$0x0], vm0  }
0x320: {  	vm1 =	vgt.s32 v20, $0xFFFFFFFF  }
0x321: {  	v8 =	vlaneseq.u32;
	v20 =	vshll.u32 v20, $0x4;
	vm1 =	vmand vm0, vm1  }
0x322: {  	v20 =	vor.u32 v8, v20  }
0x323: {  	s15 =	simm.s32 $0x10  }
0x324: {  	vm2 =	vne.s32 v22, $0x0;
	vm0 =	veq.f32 v19, v21;
	v19 =	vor.u32 s15, v8  }
0x325: {  	s14 =	simm.s32 $0x800;
	v9 =	vimm.s32 $0x0;
	v13 =	vmovc v7;
	v7 =	vmovc v6;
	vm2 =	vmand vm2, vm0;
	vm0 =	vge.u32 v19, v18  }
0x326: {  	v6 =	vmovc v5;
	v5 =	vmovc v4;
	v4 =	vmov v3;
	v3 =	vmov v0;
	v19 =	vor.u32 s14, v10  }
0x327: {  	v0 =	vmovc v54;
	v54 =	vmovc v11;
	v12 =	vmov v29;
	v22 =	vor.u32 s14, v27;
	v23 =	vsel vm2, $0x3F800000, v24;
	[tilespmem:v20+s20+$0x0] =	vst.idx.add.f32.msk vm1, v25  }
0x328: {  	v26 =	vmovc v33;
	s15 =	simm.s32 $0x20;
	v10 =	vimm.f32 $0.0e+00;
	v25 =	vmovc v28;
	[tilespmem:v20+s21+$0x0] =	vst.idx.add.f32.msk vm1, v23;
	v23 =	vor.u32 s14, v14;
	v14 =	vimm.f32 $1.000000000e+00  }
.LBB2_3:
0x329: {  	_ = 	snop  }
0x32a: {  	[tilespmem:v20+s22+$0x0] =	vst.idx.add.f32.msk vm1, v21  }
0x32b: {  	v24 =	vor.u32 s14, v25;
	v25 =	vld.idx.msk [tilespmem:v19+s3+$0x0], vm0  }
0x32c: {  	v19 =	vld [tilespmem:$0x1FBA0]  }
0x32d: {  	v21 =	vld.idx.msk [tilespmem:v22+s3+$0x0], vm0;
	v22 =	vor.u32 s14, v26  }
0x32e: {  	v26 =	vor.u32 s14, v30  }
0x32f: {  	v27 =	vor.u32 s14, v31  }
0x330: {  	v23 =	vld.idx.msk [tilespmem:v23+s3+$0x0], vm0;
	v28 =	vor.u32 s14, v32  }
0x331: {  	v24 =	vld.idx.msk [tilespmem:v24+s3+$0x0], vm0;
	v29 =	vor.u32 s14, v19  }
0x332: {  	v30 =	vor.u32 s14, v34;
	v22 =	vld.idx.msk [tilespmem:v22+s3+$0x0], vm0  }
0x333: {  	v31 =	vor.u32 s14, v35;
	v26 =	vld.idx.msk [tilespmem:v26+s3+$0x0], vm0  }
0x334: {  	v32 =	vor.u32 s14, v36;
	v27 =	vld.idx.msk [tilespmem:v27+s3+$0x0], vm0  }
0x335: {  	v21 =	vmax.f32 v21, v25;
	v25 =	vld.idx.msk [tilespmem:v28+s3+$0x0], vm0;
	v28 =	vor.u32 s14, v37  }
0x336: {  	v21 =	vmax.f32 v21, v23;
	v23 =	vld.idx.msk [tilespmem:v29+s3+$0x0], vm0;
	v29 =	vor.u32 s14, v38  }
0x337: {  	v21 =	vmax.f32 v21, v24;
	v24 =	vld.idx.msk [tilespmem:v30+s3+$0x0], vm0;
	v30 =	vor.u32 s14, v39  }
0x338: {  	v21 =	vmax.f32 v21, v22;
	v22 =	vld.idx.msk [tilespmem:v31+s3+$0x0], vm0;
	v31 =	vor.u32 s14, v40  }
0x339: {  	v21 =	vmax.f32 v21, v26;
	v26 =	vld.idx.msk [tilespmem:v32+s3+$0x0], vm0;
	v32 =	vor.u32 s14, v41  }
0x33a: {  	v21 =	vmax.f32 v21, v27;
	v27 =	vld.idx.msk [tilespmem:v28+s3+$0x0], vm0;
	v28 =	vor.u32 s14, v42  }
0x33b: {  	v21 =	vmax.f32 v21, v25;
	v25 =	vld.idx.msk [tilespmem:v29+s3+$0x0], vm0;
	v29 =	vor.u32 s14, v43  }
0x33c: {  	v21 =	vmax.f32 v21, v23;
	v23 =	vld.idx.msk [tilespmem:v30+s3+$0x0], vm0;
	v30 =	vor.u32 s14, v44  }
0x33d: {  	v21 =	vmax.f32 v21, v24;
	v24 =	vld.idx.msk [tilespmem:v31+s3+$0x0], vm0;
	v31 =	vor.u32 s14, v45  }
0x33e: {  	v21 =	vmax.f32 v21, v22;
	v22 =	vld.idx.msk [tilespmem:v32+s3+$0x0], vm0;
	v32 =	vor.u32 s14, v46  }
0x33f: {  	v21 =	vmax.f32 v21, v26;
	v26 =	vld.idx.msk [tilespmem:v28+s3+$0x0], vm0;
	v28 =	vor.u32 s14, v47  }
0x340: {  	v21 =	vmax.f32 v21, v27;
	v27 =	vld.idx.msk [tilespmem:v29+s3+$0x0], vm0;
	v29 =	vor.u32 s14, v48  }
0x341: {  	v21 =	vmax.f32 v21, v25;
	v25 =	vld.idx.msk [tilespmem:v30+s3+$0x0], vm0;
	v30 =	vor.u32 s14, v49  }
0x342: {  	v21 =	vmax.f32 v21, v23;
	v23 =	vld.idx.msk [tilespmem:v31+s3+$0x0], vm0;
	v31 =	vor.u32 s14, v50  }
0x343: {  	v21 =	vmax.f32 v21, v24;
	v24 =	vld.idx.msk [tilespmem:v32+s3+$0x0], vm0  }
0x344: {  	v32 =	vor.u32 s14, v51;
	v21 =	vmax.f32 v21, v22;
	v22 =	vld.idx.msk [tilespmem:v28+s3+$0x0], vm0  }
0x345: {  	v21 =	vmax.f32 v21, v26;
	v26 =	vld.idx.msk [tilespmem:v29+s3+$0x0], vm0  }
0x346: {  	v28 =	vor.u32 s14, v52;
	v21 =	vmax.f32 v21, v27;
	v27 =	vld.idx.msk [tilespmem:v30+s3+$0x0], vm0  }
0x347: {  	v21 =	vmax.f32 v21, v25;
	v25 =	vld.idx.msk [tilespmem:v31+s3+$0x0], vm0  }
0x348: {  	v29 =	vor.u32 s14, v53;
	v31 =	vld [tilespmem:$0x1FCF0]  }
0x349: {  	v21 =	vmax.f32 v21, v23;
	v23 =	vld.idx.msk [tilespmem:v32+s3+$0x0], vm0  }
0x34a: {  	v32 =	vld [tilespmem:$0x1FD00]  }
0x34b: {  	v30 =	vor.u32 s14, v54;
	v21 =	vmax.f32 v21, v24;
	v24 =	vld.idx.msk [tilespmem:v28+s3+$0x0], vm0  }
0x34c: {  	v28 =	vld [tilespmem:$0x1FD10]  }
0x34d: {  	v21 =	vmax.f32 v21, v22;
	v22 =	vld.idx.msk [tilespmem:v29+s3+$0x0], vm0;
	v31 =	vor.u32 s14, v31  }
0x34e: {  	v29 =	vld [tilespmem:$0x1FD20]  }
0x34f: {  	v32 =	vor.u32 s14, v32  }
0x350: {  	v21 =	vmax.f32 v21, v26;
	v26 =	vld.idx.msk [tilespmem:v30+s3+$0x0], vm0  }
0x351: {  	v30 =	vld [tilespmem:$0x1FD30];
	v28 =	vor.u32 s14, v28  }
0x352: {  	v21 =	vmax.f32 v21, v27;
	v27 =	vld.idx.msk [tilespmem:v31+s3+$0x0], vm0  }
0x353: {  	v29 =	vor.u32 s14, v29;
	v31 =	vld [tilespmem:$0x1FD40]  }
0x354: {  	v21 =	vmax.f32 v21, v25;
	v25 =	vld.idx.msk [tilespmem:v32+s3+$0x0], vm0  }
0x355: {  	v32 =	vld [tilespmem:$0x1FD50]  }
0x356: {  	v21 =	vmax.f32 v21, v23;
	v30 =	vor.u32 s14, v30;
	v23 =	vld.idx.msk [tilespmem:v28+s3+$0x0], vm0  }
0x357: {  	v28 =	vld [tilespmem:$0x1FD60]  }
0x358: {  	v21 =	vmax.f32 v21, v24;
	v24 =	vld.idx.msk [tilespmem:v29+s3+$0x0], vm0;
	v31 =	vor.u32 s14, v31  }
0x359: {  	v29 =	vld [tilespmem:$0x1FD70]  }
0x35a: {  	v32 =	vor.u32 s14, v32  }
0x35b: {  	v21 =	vmax.f32 v21, v22;
	v22 =	vld.idx.msk [tilespmem:v30+s3+$0x0], vm0  }
0x35c: {  	v30 =	vld [tilespmem:$0x1FD80];
	v28 =	vor.u32 s14, v28  }
0x35d: {  	v21 =	vmax.f32 v21, v26;
	v26 =	vld.idx.msk [tilespmem:v31+s3+$0x0], vm0  }
0x35e: {  	v29 =	vor.u32 s14, v29;
	v31 =	vld [tilespmem:$0x1FD90]  }
0x35f: {  	v21 =	vmax.f32 v21, v27;
	v27 =	vld.idx.msk [tilespmem:v32+s3+$0x0], vm0  }
0x360: {  	v32 =	vld [tilespmem:$0x1FDA0]  }
0x361: {  	v21 =	vmax.f32 v21, v25;
	v30 =	vor.u32 s14, v30;
	v25 =	vld.idx.msk [tilespmem:v28+s3+$0x0], vm0  }
0x362: {  	v28 =	vld [tilespmem:$0x1FDB0]  }
0x363: {  	v21 =	vmax.f32 v21, v23;
	v23 =	vld.idx.msk [tilespmem:v29+s3+$0x0], vm0;
	v31 =	vor.u32 s14, v31  }
0x364: {  	v29 =	vld [tilespmem:$0x1FDC0]  }
0x365: {  	v32 =	vor.u32 s14, v32  }
0x366: {  	v21 =	vmax.f32 v21, v24;
	v24 =	vld.idx.msk [tilespmem:v30+s3+$0x0], vm0  }
0x367: {  	v30 =	vld [tilespmem:$0x1FDD0];
	v28 =	vor.u32 s14, v28  }
0x368: {  	v21 =	vmax.f32 v21, v22;
	v22 =	vld.idx.msk [tilespmem:v31+s3+$0x0], vm0  }
0x369: {  	v29 =	vor.u32 s14, v29;
	v31 =	vld [tilespmem:$0x1FDE0]  }
0x36a: {  	v21 =	vmax.f32 v21, v26;
	v26 =	vld.idx.msk [tilespmem:v32+s3+$0x0], vm0  }
0x36b: {  	v32 =	vld [tilespmem:$0x1FDF0]  }
0x36c: {  	v21 =	vmax.f32 v21, v27;
	v30 =	vor.u32 s14, v30;
	v27 =	vld.idx.msk [tilespmem:v28+s3+$0x0], vm0  }
0x36d: {  	v28 =	vld [tilespmem:$0x1FE00]  }
0x36e: {  	v21 =	vmax.f32 v21, v25;
	v25 =	vld.idx.msk [tilespmem:v29+s3+$0x0], vm0;
	v31 =	vor.u32 s14, v31  }
0x36f: {  	v29 =	vld [tilespmem:$0x1FE10]  }
0x370: {  	v32 =	vor.u32 s14, v32  }
0x371: {  	v21 =	vmax.f32 v21, v23;
	v23 =	vld.idx.msk [tilespmem:v30+s3+$0x0], vm0  }
0x372: {  	v30 =	vld [tilespmem:$0x1FE20];
	v28 =	vor.u32 s14, v28  }
0x373: {  	v21 =	vmax.f32 v21, v24;
	v24 =	vld.idx.msk [tilespmem:v31+s3+$0x0], vm0  }
0x374: {  	v29 =	vor.u32 s14, v29;
	v31 =	vld [tilespmem:$0x1FE30]  }
0x375: {  	v21 =	vmax.f32 v21, v22;
	v22 =	vld.idx.msk [tilespmem:v32+s3+$0x0], vm0  }
0x376: {  	v32 =	vld [tilespmem:$0x1FE40]  }
0x377: {  	v21 =	vmax.f32 v21, v26;
	v26 =	vld.idx.msk [tilespmem:v28+s3+$0x0], vm0  }
0x378: {  	v28 =	vld [tilespmem:$0x1FE50]  }
0x379: {  	v21 =	vmax.f32 v21, v27;
	v30 =	vor.u32 s14, v30;
	v27 =	vld.idx.msk [tilespmem:v29+s3+$0x0], vm0  }
0x37a: {  	v29 =	vld [tilespmem:$0x1FE60]  }
0x37b: {  	v31 =	vor.u32 s14, v31  }
0x37c: {  	v32 =	vor.u32 s14, v32  }
0x37d: {  	v28 =	vor.u32 s14, v28  }
0x37e: {  	v21 =	vmax.f32 v21, v25;
	v25 =	vld.idx.msk [tilespmem:v30+s3+$0x0], vm0;
	v30 =	vor.u32 s14, v15  }
0x37f: {  	v21 =	vmax.f32 v21, v23;
	v29 =	vor.u32 s14, v29  }
0x380: {  	v21 =	vmax.f32 v21, v24;
	v23 =	vld.idx.msk [tilespmem:v31+s3+$0x0], vm0;
	v31 =	vor.u32 s14, v16  }
0x381: {  	v21 =	vmax.f32 v21, v22;
	v24 =	vld.idx.msk [tilespmem:v32+s3+$0x0], vm0;
	v32 =	vor.u32 s14, v17  }
0x382: {  	v21 =	vmax.f32 v21, v26;
	v22 =	vld.idx.msk [tilespmem:v28+s3+$0x0], vm0;
	v28 =	vor.u32 s14, v55  }
0x383: {  	v21 =	vmax.f32 v21, v27;
	v27 =	vld.idx.msk [tilespmem:v30+s3+$0x0], vm0  }
0x384: {  	v26 =	vld.idx.msk [tilespmem:v29+s3+$0x0], vm0;
	v29 =	vor.u32 s14, v56  }
0x385: {  	v21 =	vmax.f32 v21, v25;
	v25 =	vld.idx.msk [tilespmem:v31+s3+$0x0], vm0  }
0x386: {  	v21 =	vmax.f32 v21, v23;
	v23 =	vld.idx.msk [tilespmem:v32+s3+$0x0], vm0  }
0x387: {  	v21 =	vmax.f32 v21, v24;
	v24 =	vld.idx.msk [tilespmem:v28+s3+$0x0], vm0;
	v28 =	vor.u32 s14, v60  }
0x388: {  	v21 =	vmax.f32 v21, v22  }
0x389: {  	v22 =	vld.idx.msk [tilespmem:v29+s3+$0x0], vm0;
	v29 =	vor.u32 s14, v61;
	v21 =	vmax.f32 v21, v26  }
0x38a: {  	v21 =	vmax.f32 v21, v27  }
0x38b: {  	v30 =	vor.u32 s14, v57;
	v21 =	vmax.f32 v21, v25  }
0x38c: {  	v31 =	vor.u32 s14, v58;
	v21 =	vmax.f32 v21, v23;
	v23 =	vld.idx.msk [tilespmem:v28+s3+$0x0], vm0  }
0x38d: {  	v32 =	vor.u32 s14, v59;
	v28 =	vld [tilespmem:$0x1FEB0]  }
0x38e: {  	v21 =	vmax.f32 v21, v24;
	v24 =	vld.idx.msk [tilespmem:v29+s3+$0x0], vm0  }
0x38f: {  	v29 =	vld [tilespmem:$0x1FEE0]  }
0x390: {  	v26 =	vld.idx.msk [tilespmem:v30+s3+$0x0], vm0;
	v30 =	vor.u32 s14, v62  }
0x391: {  	v27 =	vld.idx.msk [tilespmem:v31+s3+$0x0], vm0;
	v31 =	vor.u32 s14, v63  }
0x392: {  	v25 =	vld.idx.msk [tilespmem:v32+s3+$0x0], vm0;
	v32 =	vor.u32 s14, v0  }
0x393: {  	v28 =	vor.u32 s14, v28  }
0x394: {  	v29 =	vor.u32 s14, v29  }
0x395: {  	v21 =	vmax.f32 v21, v22;
	v22 =	vld.idx.msk [tilespmem:v30+s3+$0x0], vm0  }
0x396: {  	v30 =	vor.u32 s14, v1;
	v21 =	vmax.f32 v21, v26;
	v26 =	vld.idx.msk [tilespmem:v31+s3+$0x0], vm0  }
0x397: {  	v21 =	vmax.f32 v21, v27;
	v27 =	vld.idx.msk [tilespmem:v32+s3+$0x0], vm0  }
0x398: {  	v21 =	vmax.f32 v21, v25;
	v25 =	vld.idx.msk [tilespmem:v28+s3+$0x0], vm0  }
0x399: {  	v21 =	vmax.f32 v21, v23;
	v23 =	vld.idx.msk [tilespmem:v29+s3+$0x0], vm0;
	v29 =	vor.u32 s14, v5  }
0x39a: {  	v21 =	vmax.f32 v21, v24  }
0x39b: {  	v24 =	vld.idx.msk [tilespmem:v30+s3+$0x0], vm0;
	v30 =	vor.u32 s14, v6;
	v21 =	vmax.f32 v21, v22  }
0x39c: {  	v21 =	vmax.f32 v21, v26  }
0x39d: {  	v31 =	vor.u32 s14, v2;
	v21 =	vmax.f32 v21, v27  }
0x39e: {  	v32 =	vor.u32 s14, v3;
	v21 =	vmax.f32 v21, v25;
	v25 =	vld.idx.msk [tilespmem:v29+s3+$0x0], vm0  }
0x39f: {  	v28 =	vor.u32 s14, v4;
	v29 =	vld [tilespmem:$0x1FF80]  }
0x3a0: {  	v21 =	vmax.f32 v21, v23;
	v23 =	vld.idx.msk [tilespmem:v30+s3+$0x0], vm0  }
0x3a1: {  	v30 =	vld [tilespmem:$0x1FF90]  }
0x3a2: {  	v22 =	vld.idx.msk [tilespmem:v31+s3+$0x0], vm0;
	v31 =	vor.u32 s14, v7  }
0x3a3: {  	v26 =	vld.idx.msk [tilespmem:v32+s3+$0x0], vm0;
	v32 =	vor.u32 s14, v13  }
0x3a4: {  	v27 =	vld.idx.msk [tilespmem:v28+s3+$0x0], vm0;
	v28 =	vor.u32 s14, v12  }
0x3a5: {  	s2 =	sadd.s32 $0x10, s2;
	v29 =	vor.u32 s14, v29  }
0x3a6: {  	v20 =	vld [tilespmem:s2+$0x0];
	v21 =	vmax.f32 v21, v24;
	v30 =	vor.u32 s14, v30  }
0x3a7: {  	v24 =	vld.idx.msk [tilespmem:v31+s3+$0x0], vm0;
	v21 =	vmax.f32 v21, v22  }
0x3a8: {  	v22 =	vld.idx.msk [tilespmem:v32+s3+$0x0], vm0;
	v21 =	vmax.f32 v21, v26  }
0x3a9: {  	v26 =	vld.idx.msk [tilespmem:v28+s3+$0x0], vm0;
	v21 =	vmax.f32 v21, v27  }
0x3aa: {  	v21 =	vmax.f32 v21, v25;
	v27 =	vld.idx.msk [tilespmem:v29+s3+$0x0], vm0  }
0x3ab: {  	v21 =	vmax.f32 v21, v23;
	v25 =	vld.idx.msk [tilespmem:v30+s3+$0x0], vm0  }
0x3ac: {  	v8 =	vld [tilespmem:$0x1FFA0];
	v21 =	vmax.f32 v21, v24  }
0x3ad: {  	v21 =	vmax.f32 v21, v22  }
0x3ae: {  	v21 =	vmax.f32 v21, v26  }
0x3af: {  	v21 =	vmax.f32 v21, v27  }
0x3b0: {  	v20 =	vadd.s32 s14, v20;
	v21 =	vmax.f32 v21, v25  }
0x3b1: {  	v20 =	vadd.s32 v8, v20;
	v22 =	vmul.f32 $1.000000000e+01, v21;
	_ =	sdelay $0x1  }
0x3b2: {  	v23 =	vtrunc.f32 v22  }
0x3b3: {  	v24 =	vcvt.f32.s32 v23;
	vm1 =	veq.f32 v22, v23  }
0x3b4: {  	v22 =	vsel vm1, $0xFFFFFFFF, v9  }
0x3b5: {  	v23 =	vld.idx.msk [tilespmem:v20+s3+$0x0], vm0;
	v20 =	vadd.s32 v24, v22  }
0x3b6: {  	v8 =	vlaneseq.u32;
	vm1 =	vgt.s32 v20, $0xFFFFFFFF;
	v20 =	vshll.u32 v20, $0x4  }
0x3b7: {  	v22 =	vor.u32 s15, v8;
	v20 =	vor.u32 v8, v20;
	v8 =	vld [tilespmem:$0x1FFD0];
	_ =	sdelay $0x2  }
0x3b8: {  	s0 =	sadd.s32 $0x10, s0  }
0x3b9: {  	v19 =	vld [tilespmem:s0+$0x0];
	s14 =	sadd.s32 $0x800, s14  }
0x3ba: {  	vm1 =	vmand vm0, vm1;
	vm0 =	vge.u32 v22, v18;
	v22 =	vor.u32 s14, v8;
	v8 =	vld [tilespmem:$0x1FFE0];
	_ =	sdelay $0x1  }
0x3bb: {  	v33 =	vld [tilespmem:$0x1FBA0]  }
0x3bc: {  	v31 =	vld [tilespmem:$0x1FB80]  }
0x3bd: {  	v32 =	vld [tilespmem:$0x1FB90]  }
0x3be: {  	p0 =	sne.s32 s15, $0x1B0;
	vm3 =	vne.s32 v19, $0x0;
	v19 =	vor.u32 s14, v8;
	v8 =	vld [tilespmem:$0x1FFF0]  }
.Ltmp0:
0x3bf: {  	v26 =	vld [tilespmem:$0x1FFC0];
	(pc) =	sbr.rel @p0 .LBB2_3-.Ltmp0, $4  }
0x3c0: {  	v30 =	vld [tilespmem:$0x1FB70];
	vm2 =	veq.f32 v23, v21  }
0x3c1: {  	v25 =	vld [tilespmem:$0x1FFB0];
	vm2 =	vmand vm3, vm2  }
0x3c2: {  	v24 =	vsel vm2, $0x3F800000, v10;
	[tilespmem:v20+s20+$0x0] =	vst.idx.add.f32.msk vm1, v14  }
0x3c3: {  	s15 =	sadd.s32 $0x10, s15;
	[tilespmem:v20+s21+$0x0] =	vst.idx.add.f32.msk vm1, v24;
	v23 =	vor.u32 s14, v8  }
0x3c4: {  	_ =	sdelay $0x4  }
0x3c5: {  	[tilespmem:v20+s22+$0x0] =	vst.idx.add.f32.msk vm1, v21;
	v20 =	vor.u32 s14, v26  }
0x3c6: {  	v18 =	vor.u32 s14, v25  }
0x3c7: {  	v24 =	vor.u32 s14, v31;
	v21 =	vld.idx.msk [tilespmem:v22+s3+$0x0], vm0  }
0x3c8: {  	v22 =	vor.u32 s14, v30;
	v19 =	vld.idx.msk [tilespmem:v19+s3+$0x0], vm0  }
0x3c9: {  	v23 =	vld.idx.msk [tilespmem:v23+s3+$0x0], vm0;
	v9 =	vmov v25;
	v25 =	vor.u32 s14, v32  }
0x3ca: {  	v33 =	vor.u32 s14, v33;
	v20 =	vld.idx.msk [tilespmem:v20+s3+$0x0], vm0  }
0x3cb: {  	v27 =	vor.u32 s14, v34;
	v18 =	vld.idx.msk [tilespmem:v18+s3+$0x0], vm0  }
0x3cc: {  	v28 =	vor.u32 s14, v35;
	v24 =	vld.idx.msk [tilespmem:v24+s3+$0x0], vm0  }
0x3cd: {  	v29 =	vor.u32 s14, v36;
	v22 =	vld.idx.msk [tilespmem:v22+s3+$0x0], vm0  }
0x3ce: {  	v19 =	vmax.f32 v21, v19;
	v21 =	vld.idx.msk [tilespmem:v25+s3+$0x0], vm0;
	v25 =	vor.u32 s14, v37  }
0x3cf: {  	v19 =	vmax.f32 v19, v23;
	v23 =	vld.idx.msk [tilespmem:v33+s3+$0x0], vm0;
	v33 =	vor.u32 s14, v38  }
0x3d0: {  	v18 =	vmax.f32 v19, v18;
	v19 =	vld.idx.msk [tilespmem:v27+s3+$0x0], vm0;
	v27 =	vor.u32 s14, v39  }
0x3d1: {  	v18 =	vmax.f32 v18, v20;
	v20 =	vld.idx.msk [tilespmem:v28+s3+$0x0], vm0;
	v28 =	vor.u32 s14, v40  }
0x3d2: {  	v18 =	vmax.f32 v18, v22;
	v22 =	vld.idx.msk [tilespmem:v29+s3+$0x0], vm0;
	v29 =	vor.u32 s14, v41  }
0x3d3: {  	v18 =	vmax.f32 v18, v24;
	v24 =	vld.idx.msk [tilespmem:v25+s3+$0x0], vm0;
	v25 =	vor.u32 s14, v42  }
0x3d4: {  	v18 =	vmax.f32 v18, v21;
	v21 =	vld.idx.msk [tilespmem:v33+s3+$0x0], vm0;
	v33 =	vor.u32 s14, v43  }
0x3d5: {  	v18 =	vmax.f32 v18, v23;
	v23 =	vld.idx.msk [tilespmem:v27+s3+$0x0], vm0;
	v27 =	vor.u32 s14, v44  }
0x3d6: {  	v18 =	vmax.f32 v18, v19;
	v19 =	vld.idx.msk [tilespmem:v28+s3+$0x0], vm0;
	v28 =	vor.u32 s14, v45  }
0x3d7: {  	v18 =	vmax.f32 v18, v20;
	v20 =	vld.idx.msk [tilespmem:v29+s3+$0x0], vm0  }
0x3d8: {  	v18 =	vmax.f32 v18, v22;
	v22 =	vld.idx.msk [tilespmem:v25+s3+$0x0], vm0  }
0x3d9: {  	v18 =	vmax.f32 v18, v24;
	v24 =	vld.idx.msk [tilespmem:v33+s3+$0x0], vm0  }
0x3da: {  	v29 =	vor.u32 s14, v46;
	v18 =	vmax.f32 v18, v21;
	v21 =	vld.idx.msk [tilespmem:v27+s3+$0x0], vm0  }
0x3db: {  	v18 =	vmax.f32 v18, v23;
	v23 =	vld.idx.msk [tilespmem:v28+s3+$0x0], vm0;
	v28 =	vor.u32 s14, v50  }
0x3dc: {  	v10 =	vld [tilespmem:$0x1FCF0];
	v18 =	vmax.f32 v18, v19  }
0x3dd: {  	v18 =	vmax.f32 v18, v20  }
0x3de: {  	v18 =	vmax.f32 v18, v22  }
0x3df: {  	v25 =	vor.u32 s14, v47;
	v19 =	vld.idx.msk [tilespmem:v29+s3+$0x0], vm0;
	v18 =	vmax.f32 v18, v24  }
0x3e0: {  	v29 =	vor.u32 s14, v51;
	v18 =	vmax.f32 v18, v21;
	v21 =	vld.idx.msk [tilespmem:v28+s3+$0x0], vm0  }
0x3e1: {  	v28 =	vor.u32 s14, v10;
	v10 =	vld [tilespmem:$0x1FD00];
	_ =	sdelay $0x2  }
0x3e2: {  	v33 =	vor.u32 s14, v48;
	v20 =	vld.idx.msk [tilespmem:v25+s3+$0x0], vm0  }
0x3e3: {  	v25 =	vor.u32 s14, v52;
	v18 =	vmax.f32 v18, v23;
	v23 =	vld.idx.msk [tilespmem:v29+s3+$0x0], vm0  }
0x3e4: {  	v29 =	vor.u32 s14, v10;
	v10 =	vld [tilespmem:$0x1FD10];
	_ =	sdelay $0x2  }
0x3e5: {  	v27 =	vor.u32 s14, v49;
	v22 =	vld.idx.msk [tilespmem:v33+s3+$0x0], vm0  }
0x3e6: {  	v33 =	vor.u32 s14, v53;
	v18 =	vmax.f32 v18, v19;
	v19 =	vld.idx.msk [tilespmem:v25+s3+$0x0], vm0  }
0x3e7: {  	v25 =	vor.u32 s14, v10;
	v10 =	vld [tilespmem:$0x1FD20];
	_ =	sdelay $0x2  }
0x3e8: {  	v24 =	vld.idx.msk [tilespmem:v27+s3+$0x0], vm0  }
0x3e9: {  	v27 =	vor.u32 s14, v54;
	v18 =	vmax.f32 v18, v20;
	v20 =	vld.idx.msk [tilespmem:v33+s3+$0x0], vm0  }
0x3ea: {  	v33 =	vor.u32 s14, v10;
	v10 =	vld [tilespmem:$0x1FD30];
	_ =	sdelay $0x3  }
0x3eb: {  	v18 =	vmax.f32 v18, v22;
	v22 =	vld.idx.msk [tilespmem:v27+s3+$0x0], vm0  }
0x3ec: {  	v27 =	vor.u32 s14, v10;
	v10 =	vld [tilespmem:$0x1FD40];
	_ =	sdelay $0x3  }
0x3ed: {  	v18 =	vmax.f32 v18, v24;
	v24 =	vld.idx.msk [tilespmem:v28+s3+$0x0], vm0  }
0x3ee: {  	v28 =	vor.u32 s14, v10;
	v10 =	vld [tilespmem:$0x1FD50];
	_ =	sdelay $0x3  }
0x3ef: {  	v18 =	vmax.f32 v18, v21;
	v21 =	vld.idx.msk [tilespmem:v29+s3+$0x0], vm0  }
0x3f0: {  	v29 =	vor.u32 s14, v10;
	v10 =	vld [tilespmem:$0x1FD60];
	_ =	sdelay $0x3  }
0x3f1: {  	v18 =	vmax.f32 v18, v23;
	v23 =	vld.idx.msk [tilespmem:v25+s3+$0x0], vm0  }
0x3f2: {  	v25 =	vor.u32 s14, v10;
	v10 =	vld [tilespmem:$0x1FD70];
	_ =	sdelay $0x3  }
0x3f3: {  	v18 =	vmax.f32 v18, v19;
	v19 =	vld.idx.msk [tilespmem:v33+s3+$0x0], vm0  }
0x3f4: {  	v33 =	vor.u32 s14, v10;
	v10 =	vld [tilespmem:$0x1FD80];
	_ =	sdelay $0x3  }
0x3f5: {  	v18 =	vmax.f32 v18, v20;
	v20 =	vld.idx.msk [tilespmem:v27+s3+$0x0], vm0  }
0x3f6: {  	v27 =	vor.u32 s14, v10;
	v10 =	vld [tilespmem:$0x1FD90];
	_ =	sdelay $0x3  }
0x3f7: {  	v18 =	vmax.f32 v18, v22;
	v22 =	vld.idx.msk [tilespmem:v28+s3+$0x0], vm0  }
0x3f8: {  	v28 =	vor.u32 s14, v10;
	v10 =	vld [tilespmem:$0x1FDA0];
	_ =	sdelay $0x3  }
0x3f9: {  	v18 =	vmax.f32 v18, v24;
	v24 =	vld.idx.msk [tilespmem:v29+s3+$0x0], vm0  }
0x3fa: {  	v29 =	vor.u32 s14, v10;
	v10 =	vld [tilespmem:$0x1FDB0];
	_ =	sdelay $0x3  }
0x3fb: {  	v18 =	vmax.f32 v18, v21;
	v21 =	vld.idx.msk [tilespmem:v25+s3+$0x0], vm0  }
0x3fc: {  	v25 =	vor.u32 s14, v10;
	v10 =	vld [tilespmem:$0x1FDC0];
	_ =	sdelay $0x3  }
0x3fd: {  	v18 =	vmax.f32 v18, v23;
	v23 =	vld.idx.msk [tilespmem:v33+s3+$0x0], vm0  }
0x3fe: {  	v33 =	vor.u32 s14, v10;
	v10 =	vld [tilespmem:$0x1FDD0];
	_ =	sdelay $0x3  }
0x3ff: {  	v18 =	vmax.f32 v18, v19;
	v19 =	vld.idx.msk [tilespmem:v27+s3+$0x0], vm0  }
0x400: {  	v27 =	vor.u32 s14, v10;
	v10 =	vld [tilespmem:$0x1FDE0];
	_ =	sdelay $0x3  }
0x401: {  	v18 =	vmax.f32 v18, v20;
	v20 =	vld.idx.msk [tilespmem:v28+s3+$0x0], vm0  }
0x402: {  	v28 =	vor.u32 s14, v10;
	v10 =	vld [tilespmem:$0x1FDF0];
	_ =	sdelay $0x3  }
0x403: {  	v18 =	vmax.f32 v18, v22;
	v22 =	vld.idx.msk [tilespmem:v29+s3+$0x0], vm0  }
0x404: {  	v29 =	vor.u32 s14, v10;
	v10 =	vld [tilespmem:$0x1FE00];
	_ =	sdelay $0x3  }
0x405: {  	v18 =	vmax.f32 v18, v24;
	v24 =	vld.idx.msk [tilespmem:v25+s3+$0x0], vm0  }
0x406: {  	v25 =	vor.u32 s14, v10;
	v10 =	vld [tilespmem:$0x1FE10];
	_ =	sdelay $0x3  }
0x407: {  	v18 =	vmax.f32 v18, v21;
	v21 =	vld.idx.msk [tilespmem:v33+s3+$0x0], vm0  }
0x408: {  	v33 =	vor.u32 s14, v10;
	v10 =	vld [tilespmem:$0x1FE20];
	_ =	sdelay $0x3  }
0x409: {  	v18 =	vmax.f32 v18, v23;
	v23 =	vld.idx.msk [tilespmem:v27+s3+$0x0], vm0  }
0x40a: {  	v27 =	vor.u32 s14, v10;
	v10 =	vld [tilespmem:$0x1FE30];
	_ =	sdelay $0x3  }
0x40b: {  	v18 =	vmax.f32 v18, v19;
	v19 =	vld.idx.msk [tilespmem:v28+s3+$0x0], vm0  }
0x40c: {  	v28 =	vor.u32 s14, v10;
	v10 =	vld [tilespmem:$0x1FE40];
	_ =	sdelay $0x3  }
0x40d: {  	v18 =	vmax.f32 v18, v20;
	v20 =	vld.idx.msk [tilespmem:v29+s3+$0x0], vm0  }
0x40e: {  	v29 =	vor.u32 s14, v10;
	v10 =	vld [tilespmem:$0x1FE50];
	_ =	sdelay $0x3  }
0x40f: {  	v18 =	vmax.f32 v18, v22;
	v22 =	vld.idx.msk [tilespmem:v25+s3+$0x0], vm0  }
0x410: {  	v25 =	vor.u32 s14, v10;
	v10 =	vld [tilespmem:$0x1FE60];
	_ =	sdelay $0x2  }
0x411: {  	v18 =	vmax.f32 v18, v24;
	v24 =	vld.idx.msk [tilespmem:v33+s3+$0x0], vm0  }
0x412: {  	v18 =	vmax.f32 v18, v21;
	v21 =	vld.idx.msk [tilespmem:v27+s3+$0x0], vm0;
	v27 =	vor.u32 s14, v15  }
0x413: {  	v18 =	vmax.f32 v18, v23;
	v33 =	vor.u32 s14, v10  }
0x414: {  	v18 =	vmax.f32 v18, v19;
	v23 =	vld.idx.msk [tilespmem:v28+s3+$0x0], vm0;
	v28 =	vor.u32 s14, v16  }
0x415: {  	v18 =	vmax.f32 v18, v20;
	v19 =	vld.idx.msk [tilespmem:v29+s3+$0x0], vm0;
	v29 =	vor.u32 s14, v17  }
0x416: {  	v18 =	vmax.f32 v18, v22;
	v20 =	vld.idx.msk [tilespmem:v25+s3+$0x0], vm0;
	v25 =	vor.u32 s14, v55  }
0x417: {  	v18 =	vmax.f32 v18, v24;
	v24 =	vld.idx.msk [tilespmem:v27+s3+$0x0], vm0  }
0x418: {  	v22 =	vld.idx.msk [tilespmem:v33+s3+$0x0], vm0  }
0x419: {  	v18 =	vmax.f32 v18, v21;
	v21 =	vld.idx.msk [tilespmem:v28+s3+$0x0], vm0  }
0x41a: {  	v18 =	vmax.f32 v18, v23;
	v23 =	vld.idx.msk [tilespmem:v29+s3+$0x0], vm0;
	v33 =	vor.u32 s14, v56  }
0x41b: {  	v18 =	vmax.f32 v18, v19;
	v19 =	vld.idx.msk [tilespmem:v25+s3+$0x0], vm0;
	v25 =	vor.u32 s14, v60  }
0x41c: {  	v10 =	vld [tilespmem:$0x1FEB0];
	v18 =	vmax.f32 v18, v20  }
0x41d: {  	v27 =	vor.u32 s14, v57;
	v18 =	vmax.f32 v18, v22  }
0x41e: {  	v28 =	vor.u32 s14, v58;
	v18 =	vmax.f32 v18, v24  }
0x41f: {  	v29 =	vor.u32 s14, v59;
	v20 =	vld.idx.msk [tilespmem:v33+s3+$0x0], vm0;
	v18 =	vmax.f32 v18, v21  }
0x420: {  	v18 =	vmax.f32 v18, v23;
	v23 =	vld.idx.msk [tilespmem:v25+s3+$0x0], vm0  }
0x421: {  	v33 =	vor.u32 s14, v61;
	v25 =	vor.u32 s14, v10;
	v10 =	vld [tilespmem:$0x1FEE0]  }
0x422: {  	v22 =	vld.idx.msk [tilespmem:v27+s3+$0x0], vm0;
	v27 =	vor.u32 s14, v62  }
0x423: {  	v24 =	vld.idx.msk [tilespmem:v28+s3+$0x0], vm0;
	v28 =	vor.u32 s14, v63  }
0x424: {  	v21 =	vld.idx.msk [tilespmem:v29+s3+$0x0], vm0;
	v29 =	vor.u32 s14, v0;
	_ =	sdelay $0x1  }
0x425: {  	v18 =	vmax.f32 v18, v19;
	v19 =	vld.idx.msk [tilespmem:v33+s3+$0x0], vm0;
	v33 =	vor.u32 s14, v10  }
0x426: {  	v18 =	vmax.f32 v18, v20;
	v20 =	vld.idx.msk [tilespmem:v27+s3+$0x0], vm0  }
0x427: {  	v27 =	vor.u32 s14, v1;
	v18 =	vmax.f32 v18, v22;
	v22 =	vld.idx.msk [tilespmem:v28+s3+$0x0], vm0  }
0x428: {  	v28 =	vor.u32 s14, v2;
	v18 =	vmax.f32 v18, v24;
	v24 =	vld.idx.msk [tilespmem:v29+s3+$0x0], vm0  }
0x429: {  	v29 =	vor.u32 s14, v3;
	v18 =	vmax.f32 v18, v21;
	v21 =	vld.idx.msk [tilespmem:v25+s3+$0x0], vm0  }
0x42a: {  	v18 =	vmax.f32 v18, v23;
	v23 =	vld.idx.msk [tilespmem:v33+s3+$0x0], vm0;
	v33 =	vor.u32 s14, v5  }
0x42b: {  	v10 =	vld [tilespmem:$0x1FF80];
	v18 =	vmax.f32 v18, v19  }
0x42c: {  	v25 =	vor.u32 s14, v4;
	v19 =	vld.idx.msk [tilespmem:v27+s3+$0x0], vm0;
	v18 =	vmax.f32 v18, v20  }
0x42d: {  	v20 =	vld.idx.msk [tilespmem:v28+s3+$0x0], vm0;
	v18 =	vmax.f32 v18, v22  }
0x42e: {  	v27 =	vor.u32 s14, v6;
	v22 =	vld.idx.msk [tilespmem:v29+s3+$0x0], vm0;
	v18 =	vmax.f32 v18, v24  }
0x42f: {  	v28 =	vor.u32 s14, v7;
	v18 =	vmax.f32 v18, v21;
	v21 =	vld.idx.msk [tilespmem:v33+s3+$0x0], vm0  }
0x430: {  	v29 =	vor.u32 s14, v13;
	v33 =	vor.u32 s14, v10;
	v10 =	vld [tilespmem:$0x1FF90]  }
0x431: {  	v24 =	vld.idx.msk [tilespmem:v25+s3+$0x0], vm0;
	v25 =	vor.u32 s14, v12;
	_ =	sdelay $0x1  }
0x432: {  	v18 =	vmax.f32 v18, v23;
	v23 =	vld.idx.msk [tilespmem:v27+s3+$0x0], vm0  }
0x433: {  	v18 =	vmax.f32 v18, v19;
	v19 =	vld.idx.msk [tilespmem:v28+s3+$0x0], vm0  }
0x434: {  	v18 =	vmax.f32 v18, v20;
	v20 =	vld.idx.msk [tilespmem:v29+s3+$0x0], vm0;
	v27 =	vor.u32 s14, v10  }
0x435: {  	v18 =	vmax.f32 v18, v22;
	v22 =	vld.idx.msk [tilespmem:v25+s3+$0x0], vm0  }
0x436: {  	v18 =	vmax.f32 v18, v24;
	v33 =	vld.idx.msk [tilespmem:v33+s3+$0x0], vm0  }
0x437: {  	s2 =	sadd.s32 $0x10, s2;
	v18 =	vmax.f32 v18, v21;
	v10 =	vld [tilespmem:$0x1FFA0]  }
0x438: {  	v18 =	vmax.f32 v18, v23;
	v23 =	vld [tilespmem:s2+$0x0]  }
0x439: {  	v21 =	vld.idx.msk [tilespmem:v27+s3+$0x0], vm0  }
0x43a: {  	v18 =	vmax.f32 v18, v19  }
0x43b: {  	v18 =	vmax.f32 v18, v20  }
0x43c: {  	v18 =	vmax.f32 v18, v22  }
0x43d: {  	v18 =	vmax.f32 v18, v33;
	v19 =	vadd.s32 s14, v23  }
0x43e: {  	v19 =	vadd.s32 v10, v19;
	v18 =	vmax.f32 v18, v21  }
0x43f: {  	v20 =	vmul.f32 $1.000000000e+01, v18;
	_ =	sdelay $0x1  }
0x440: {  	v21 =	vtrunc.f32 v20  }
0x441: {  	v10 =	vimm.s32 $0x0;
	v22 =	vcvt.f32.s32 v21;
	vm1 =	veq.f32 v20, v21  }
0x442: {  	s0 =	sadd.s32 $0x10, s0;
	v19 =	vld.idx.msk [tilespmem:v19+s3+$0x0], vm0;
	v20 =	vsel vm1, $0xFFFFFFFF, v10  }
0x443: {  	v21 =	vld [tilespmem:s0+$0x0];
	v20 =	vadd.s32 v22, v20  }
0x444: {  	vm1 =	vgt.s32 v20, $0xFFFFFFFF  }
0x445: {  	v10 =	vlaneseq.u32;
	v20 =	vshll.u32 v20, $0x4;
	vm0 =	vmand vm0, vm1  }
0x446: {  	v20 =	vor.u32 v10, v20  }
0x447: {  	p0 =	seq.s32 s28, $0x11  }
0x448: {  	s0 =	sadd.s32 @!p0 s31, s11;
	vm1 =	veq.f32 v19, v18;
	vm2 =	vne.s32 v21, $0x0  }
0x449: {  	v11 =	vimm.f32 $0.0e+00;
	p1 =	slt.s32 @!p0 s0, $0x79F60;
	vm1 =	vmand vm2, vm1  }
0x44a: {  	p1 =	por !p1, p0;
	v19 =	vsel vm1, $0x3F800000, v11;
	v11 =	vimm.f32 $1.000000000e+00  }
0x44b: {  	s0 =	simm.s32 @p1 $0x79F60;
	[tilespmem:v20+s20+$0x0] =	vst.idx.add.f32.msk vm0, v11  }
0x44c: {  	s2 =	sshll.u32 @!p0 s0, $0x4;
	[tilespmem:v20+s21+$0x0] =	vst.idx.add.f32.msk vm0, v19  }
0x44d: {  	s14 =	simm.s32 @!p0 $0x0;
	s0 =	sshrl.u32 @!p0 s0, $0x3;
	s2 =	sadd.s32 @!p0 s5, s2;
	[tilespmem:v20+s22+$0x0] =	vst.idx.add.f32.msk vm0, v18  }
0x44e: {  	[tilespmem:s14], [sflag:$0x1] =	stream.linear.gather @!p0 [hbm4b:s2+s14], $0xE000, $0x38;
	[tilespmem:$0x1CB80] =	vst v63  }
0x44f: {  	s15 =	simm.s32 @!p0 $0x1C000;
	s2 =	sadd.s32 @!p0 s1, s0  }
0x450: {  	[tilespmem:s15], [sflag:$0x1] =	stream.linear.gather @!p0 [hbm4b:s2+s14], $0x1C0, $0x38;
	[tilespmem:$0x1CB80] =	vst v63  }
0x451: {  	s0 =	sadd.s32 @!p0 s6, s0;
	s2 =	simm.s32 @!p0 $0x1C400  }
0x452: {  	[tilespmem:s2], [sflag:$0x1] =	stream.linear.gather @!p0 [hbm4b:s0+s14], $0x1C0, $0x38;
	[tilespmem:$0x1CB80] =	vst v63  }
0x453: {  	_ =	swait.ge [sflag:s23], $0xE000  }
0x454: {  	[sflag:s23] =	ssyncset.done $0x0  }
0x455: {  	[sflag:s23] =	ssyncadd.s32 $0xFFFF2000  }
0x456: {  	v10 =	vlaneseq.u32;
	s15 =	ssub.s32 s29, s30;
	s30 =	simm.s32 $0x0;
	_ =	swait.ge [sflag:s23], $0x1C0  }
0x457: {  	v19 =	vor.u32 s30, v10;
	v10 =	vld [tilespmem:$0x1FFD0];
	_ =	sdelay $0x2  }
0x458: {  	[sflag:s23] =	ssyncset.done $0x0  }
0x459: {  	v18 =	vmov s15;
	[sflag:s23] =	ssyncadd.s32 $0xFFFFFE40  }
0x45a: {  	vm0 =	vge.u32 v19, v18;
	v19 =	vor.u32 s30, v10;
	v10 =	vld [tilespmem:$0x1FFE0];
	_ =	swait.ge [sflag:s23], $0x1C0  }
0x45b: {  	v14 =	vld [tilespmem:$0x1FFF0];
	_ =	sdelay $0x1  }
0x45c: {  	v22 =	vor.u32 s30, v9;
	_ =	sdelay $0x1  }
0x45d: {  	v20 =	vor.u32 s30, v10  }
0x45e: {  	v8 =	vmov v26;
	[sflag:s23] =	ssyncset.done $0x0;
	v21 =	vor.u32 s30, v14  }
0x45f: {  	v33 =	vmov v8;
	v23 =	vor.u32 s30, v8;
	v8 =	vld [tilespmem:$0x1FBA0];
	[sflag:s23] =	ssyncadd.s32 $0xFFFFFE40  }
0x460: {  	v24 =	vor.u32 s30, v30;
	v22 =	vld.idx.msk [tilespmem:v22+s16+$0x0], vm0  }
0x461: {  	v25 =	vor.u32 s30, v31;
	v19 =	vld.idx.msk [tilespmem:v19+s16+$0x0], vm0  }
0x462: {  	v26 =	vor.u32 s30, v32;
	v20 =	vld.idx.msk [tilespmem:v20+s16+$0x0], vm0  }
0x463: {  	v28 =	vor.u32 s30, v34;
	v21 =	vld.idx.msk [tilespmem:v21+s16+$0x0], vm0  }
0x464: {  	v23 =	vld.idx.msk [tilespmem:v23+s16+$0x0], vm0;
	v27 =	vor.u32 s30, v8  }
0x465: {  	v29 =	vor.u32 s30, v35;
	v24 =	vld.idx.msk [tilespmem:v24+s16+$0x0], vm0  }
0x466: {  	v25 =	vld.idx.msk [tilespmem:v25+s16+$0x0], vm0  }
0x467: {  	v26 =	vld.idx.msk [tilespmem:v26+s16+$0x0], vm0;
	v19 =	vmax.f32 v19, v20;
	v20 =	vor.u32 s30, v36  }
0x468: {  	v28 =	vld.idx.msk [tilespmem:v28+s16+$0x0], vm0;
	v19 =	vmax.f32 v19, v21;
	v21 =	vor.u32 s30, v37  }
0x469: {  	v27 =	vld.idx.msk [tilespmem:v27+s16+$0x0], vm0;
	v19 =	vmax.f32 v19, v22;
	v22 =	vor.u32 s30, v38  }
0x46a: {  	v29 =	vld.idx.msk [tilespmem:v29+s16+$0x0], vm0;
	v19 =	vmax.f32 v19, v23;
	v23 =	vor.u32 s30, v39  }
0x46b: {  	v11 =	vmov v8;
	v8 =	vld [tilespmem:$0x1FCF0];
	v19 =	vmax.f32 v19, v24;
	v24 =	vor.u32 s30, v40  }
0x46c: {  	v20 =	vld.idx.msk [tilespmem:v20+s16+$0x0], vm0;
	v19 =	vmax.f32 v19, v25;
	v25 =	vor.u32 s30, v41  }
0x46d: {  	v21 =	vld.idx.msk [tilespmem:v21+s16+$0x0], vm0;
	v19 =	vmax.f32 v19, v26;
	v26 =	vor.u32 s30, v42  }
0x46e: {  	v22 =	vld.idx.msk [tilespmem:v22+s16+$0x0], vm0;
	v19 =	vmax.f32 v19, v27;
	v27 =	vor.u32 s30, v43  }
0x46f: {  	v23 =	vld.idx.msk [tilespmem:v23+s16+$0x0], vm0;
	v19 =	vmax.f32 v19, v28;
	v28 =	vor.u32 s30, v44  }
0x470: {  	v24 =	vld.idx.msk [tilespmem:v24+s16+$0x0], vm0;
	v19 =	vmax.f32 v19, v29;
	v29 =	vor.u32 s30, v45  }
0x471: {  	v25 =	vld.idx.msk [tilespmem:v25+s16+$0x0], vm0;
	v19 =	vmax.f32 v19, v20  }
0x472: {  	v26 =	vld.idx.msk [tilespmem:v26+s16+$0x0], vm0;
	v19 =	vmax.f32 v19, v21  }
0x473: {  	v27 =	vld.idx.msk [tilespmem:v27+s16+$0x0], vm0;
	v19 =	vmax.f32 v19, v22  }
0x474: {  	v20 =	vor.u32 s30, v46;
	v28 =	vld.idx.msk [tilespmem:v28+s16+$0x0], vm0;
	v19 =	vmax.f32 v19, v23  }
0x475: {  	v29 =	vld.idx.msk [tilespmem:v29+s16+$0x0], vm0;
	v19 =	vmax.f32 v19, v24  }
0x476: {  	v19 =	vmax.f32 v19, v25  }
0x477: {  	v19 =	vmax.f32 v19, v26  }
0x478: {  	v19 =	vmax.f32 v19, v27  }
0x479: {  	v21 =	vor.u32 s30, v47;
	v20 =	vld.idx.msk [tilespmem:v20+s16+$0x0], vm0;
	v19 =	vmax.f32 v19, v28  }
0x47a: {  	v19 =	vmax.f32 v19, v29;
	v29 =	vor.u32 s30, v8;
	v8 =	vld [tilespmem:$0x1FD00];
	_ =	sdelay $0x3  }
0x47b: {  	v22 =	vor.u32 s30, v48;
	v21 =	vld.idx.msk [tilespmem:v21+s16+$0x0], vm0  }
0x47c: {  	v19 =	vmax.f32 v19, v20;
	v20 =	vor.u32 s30, v8;
	v8 =	vld [tilespmem:$0x1FD10];
	_ =	sdelay $0x3  }
0x47d: {  	v23 =	vor.u32 s30, v49;
	v22 =	vld.idx.msk [tilespmem:v22+s16+$0x0], vm0  }
0x47e: {  	v19 =	vmax.f32 v19, v21;
	v21 =	vor.u32 s30, v8;
	v8 =	vld [tilespmem:$0x1FD20];
	_ =	sdelay $0x3  }
0x47f: {  	v24 =	vor.u32 s30, v50;
	v23 =	vld.idx.msk [tilespmem:v23+s16+$0x0], vm0  }
0x480: {  	v19 =	vmax.f32 v19, v22;
	v22 =	vor.u32 s30, v8;
	v8 =	vld [tilespmem:$0x1FD30];
	_ =	sdelay $0x3  }
0x481: {  	v25 =	vor.u32 s30, v51;
	v24 =	vld.idx.msk [tilespmem:v24+s16+$0x0], vm0  }
0x482: {  	v19 =	vmax.f32 v19, v23;
	v23 =	vor.u32 s30, v8;
	v8 =	vld [tilespmem:$0x1FD40];
	_ =	sdelay $0x3  }
0x483: {  	v26 =	vor.u32 s30, v52;
	v25 =	vld.idx.msk [tilespmem:v25+s16+$0x0], vm0  }
0x484: {  	v19 =	vmax.f32 v19, v24;
	v24 =	vor.u32 s30, v8;
	v8 =	vld [tilespmem:$0x1FD50];
	_ =	sdelay $0x3  }
0x485: {  	v27 =	vor.u32 s30, v53;
	v26 =	vld.idx.msk [tilespmem:v26+s16+$0x0], vm0  }
0x486: {  	v19 =	vmax.f32 v19, v25;
	v25 =	vor.u32 s30, v8;
	v8 =	vld [tilespmem:$0x1FD60];
	_ =	sdelay $0x3  }
0x487: {  	v28 =	vor.u32 s30, v54;
	v27 =	vld.idx.msk [tilespmem:v27+s16+$0x0], vm0  }
0x488: {  	v19 =	vmax.f32 v19, v26;
	v26 =	vor.u32 s30, v8;
	v8 =	vld [tilespmem:$0x1FD70];
	_ =	sdelay $0x3  }
0x489: {  	v28 =	vld.idx.msk [tilespmem:v28+s16+$0x0], vm0  }
0x48a: {  	v19 =	vmax.f32 v19, v27;
	v27 =	vor.u32 s30, v8;
	v8 =	vld [tilespmem:$0x1FD80];
	_ =	sdelay $0x3  }
0x48b: {  	v29 =	vld.idx.msk [tilespmem:v29+s16+$0x0], vm0  }
0x48c: {  	v19 =	vmax.f32 v19, v28;
	v28 =	vor.u32 s30, v8;
	v8 =	vld [tilespmem:$0x1FD90];
	_ =	sdelay $0x3  }
0x48d: {  	v20 =	vld.idx.msk [tilespmem:v20+s16+$0x0], vm0  }
0x48e: {  	v19 =	vmax.f32 v19, v29;
	v29 =	vor.u32 s30, v8;
	v8 =	vld [tilespmem:$0x1FDA0];
	_ =	sdelay $0x3  }
0x48f: {  	v21 =	vld.idx.msk [tilespmem:v21+s16+$0x0], vm0  }
0x490: {  	v19 =	vmax.f32 v19, v20;
	v20 =	vor.u32 s30, v8;
	v8 =	vld [tilespmem:$0x1FDB0];
	_ =	sdelay $0x3  }
0x491: {  	v22 =	vld.idx.msk [tilespmem:v22+s16+$0x0], vm0  }
0x492: {  	v19 =	vmax.f32 v19, v21;
	v21 =	vor.u32 s30, v8;
	v8 =	vld [tilespmem:$0x1FDC0];
	_ =	sdelay $0x3  }
0x493: {  	v23 =	vld.idx.msk [tilespmem:v23+s16+$0x0], vm0  }
0x494: {  	v19 =	vmax.f32 v19, v22;
	v22 =	vor.u32 s30, v8;
	v8 =	vld [tilespmem:$0x1FDD0];
	_ =	sdelay $0x3  }
0x495: {  	v24 =	vld.idx.msk [tilespmem:v24+s16+$0x0], vm0  }
0x496: {  	v19 =	vmax.f32 v19, v23;
	v23 =	vor.u32 s30, v8;
	v8 =	vld [tilespmem:$0x1FDE0];
	_ =	sdelay $0x3  }
0x497: {  	v25 =	vld.idx.msk [tilespmem:v25+s16+$0x0], vm0  }
0x498: {  	v19 =	vmax.f32 v19, v24;
	v24 =	vor.u32 s30, v8;
	v8 =	vld [tilespmem:$0x1FDF0];
	_ =	sdelay $0x3  }
0x499: {  	v26 =	vld.idx.msk [tilespmem:v26+s16+$0x0], vm0  }
0x49a: {  	v19 =	vmax.f32 v19, v25;
	v25 =	vor.u32 s30, v8;
	v8 =	vld [tilespmem:$0x1FE00];
	_ =	sdelay $0x3  }
0x49b: {  	v27 =	vld.idx.msk [tilespmem:v27+s16+$0x0], vm0  }
0x49c: {  	v19 =	vmax.f32 v19, v26;
	v26 =	vor.u32 s30, v8;
	v8 =	vld [tilespmem:$0x1FE10];
	_ =	sdelay $0x3  }
0x49d: {  	v28 =	vld.idx.msk [tilespmem:v28+s16+$0x0], vm0  }
0x49e: {  	v19 =	vmax.f32 v19, v27;
	v27 =	vor.u32 s30, v8;
	v8 =	vld [tilespmem:$0x1FE20];
	_ =	sdelay $0x3  }
0x49f: {  	v29 =	vld.idx.msk [tilespmem:v29+s16+$0x0], vm0  }
0x4a0: {  	v19 =	vmax.f32 v19, v28;
	v28 =	vor.u32 s30, v8;
	v8 =	vld [tilespmem:$0x1FE30];
	_ =	sdelay $0x3  }
0x4a1: {  	v20 =	vld.idx.msk [tilespmem:v20+s16+$0x0], vm0  }
0x4a2: {  	v19 =	vmax.f32 v19, v29;
	v29 =	vor.u32 s30, v8;
	v8 =	vld [tilespmem:$0x1FE40];
	_ =	sdelay $0x1  }
0x4a3: {  	v21 =	vld.idx.msk [tilespmem:v21+s16+$0x0], vm0  }
0x4a4: {  	v22 =	vld.idx.msk [tilespmem:v22+s16+$0x0], vm0  }
0x4a5: {  	v23 =	vld.idx.msk [tilespmem:v23+s16+$0x0], vm0  }
0x4a6: {  	v19 =	vmax.f32 v19, v20;
	v20 =	vor.u32 s30, v8;
	v8 =	vld [tilespmem:$0x1FE50];
	_ =	sdelay $0x1  }
0x4a7: {  	v19 =	vmax.f32 v19, v21  }
0x4a8: {  	v19 =	vmax.f32 v19, v22  }
0x4a9: {  	v19 =	vmax.f32 v19, v23;
	v23 =	vor.u32 s30, v15  }
0x4aa: {  	v21 =	vor.u32 s30, v8;
	v8 =	vld [tilespmem:$0x1FE60]  }
0x4ab: {  	v24 =	vld.idx.msk [tilespmem:v24+s16+$0x0], vm0  }
0x4ac: {  	v25 =	vld.idx.msk [tilespmem:v25+s16+$0x0], vm0  }
0x4ad: {  	v26 =	vld.idx.msk [tilespmem:v26+s16+$0x0], vm0  }
0x4ae: {  	v23 =	vld.idx.msk [tilespmem:v23+s16+$0x0], vm0  }
0x4af: {  	v27 =	vld.idx.msk [tilespmem:v27+s16+$0x0], vm0;
	v22 =	vor.u32 s30, v8  }
0x4b0: {  	v19 =	vmax.f32 v19, v24;
	v24 =	vor.u32 s30, v16;
	v28 =	vld.idx.msk [tilespmem:v28+s16+$0x0], vm0  }
0x4b1: {  	v19 =	vmax.f32 v19, v25;
	v25 =	vor.u32 s30, v17;
	v29 =	vld.idx.msk [tilespmem:v29+s16+$0x0], vm0  }
0x4b2: {  	v19 =	vmax.f32 v19, v26;
	v26 =	vor.u32 s30, v55;
	v20 =	vld.idx.msk [tilespmem:v20+s16+$0x0], vm0  }
0x4b3: {  	v21 =	vld.idx.msk [tilespmem:v21+s16+$0x0], vm0  }
0x4b4: {  	v19 =	vmax.f32 v19, v27;
	v22 =	vld.idx.msk [tilespmem:v22+s16+$0x0], vm0  }
0x4b5: {  	v24 =	vld.idx.msk [tilespmem:v24+s16+$0x0], vm0;
	v19 =	vmax.f32 v19, v28  }
0x4b6: {  	v25 =	vld.idx.msk [tilespmem:v25+s16+$0x0], vm0;
	v27 =	vor.u32 s30, v56;
	v19 =	vmax.f32 v19, v29  }
0x4b7: {  	v26 =	vld.idx.msk [tilespmem:v26+s16+$0x0], vm0;
	v28 =	vor.u32 s30, v57;
	v19 =	vmax.f32 v19, v20  }
0x4b8: {  	v8 =	vld [tilespmem:$0x1FEB0];
	v19 =	vmax.f32 v19, v21  }
0x4b9: {  	v29 =	vor.u32 s30, v58;
	v19 =	vmax.f32 v19, v22  }
0x4ba: {  	v20 =	vor.u32 s30, v59;
	v19 =	vmax.f32 v19, v23  }
0x4bb: {  	v27 =	vld.idx.msk [tilespmem:v27+s16+$0x0], vm0;
	v21 =	vor.u32 s30, v60;
	v19 =	vmax.f32 v19, v24  }
0x4bc: {  	v28 =	vld.idx.msk [tilespmem:v28+s16+$0x0], vm0;
	v22 =	vor.u32 s30, v61;
	v19 =	vmax.f32 v19, v25  }
0x4bd: {  	v23 =	vor.u32 s30, v62;
	v19 =	vmax.f32 v19, v26;
	v26 =	vor.u32 s30, v8;
	v8 =	vld [tilespmem:$0x1FEE0]  }
0x4be: {  	v29 =	vld.idx.msk [tilespmem:v29+s16+$0x0], vm0;
	v24 =	vor.u32 s30, v63  }
0x4bf: {  	v20 =	vld.idx.msk [tilespmem:v20+s16+$0x0], vm0;
	v25 =	vor.u32 s30, v0  }
0x4c0: {  	v21 =	vld.idx.msk [tilespmem:v21+s16+$0x0], vm0  }
0x4c1: {  	v22 =	vld.idx.msk [tilespmem:v22+s16+$0x0], vm0  }
0x4c2: {  	v19 =	vmax.f32 v19, v27;
	v23 =	vld.idx.msk [tilespmem:v23+s16+$0x0], vm0;
	v27 =	vor.u32 s30, v8  }
0x4c3: {  	v19 =	vmax.f32 v19, v28;
	v24 =	vld.idx.msk [tilespmem:v24+s16+$0x0], vm0  }
0x4c4: {  	v28 =	vor.u32 s30, v1;
	v19 =	vmax.f32 v19, v29;
	v25 =	vld.idx.msk [tilespmem:v25+s16+$0x0], vm0  }
0x4c5: {  	v29 =	vor.u32 s30, v2;
	v19 =	vmax.f32 v19, v20;
	v26 =	vld.idx.msk [tilespmem:v26+s16+$0x0], vm0  }
0x4c6: {  	v20 =	vor.u32 s30, v3;
	v19 =	vmax.f32 v19, v21;
	v8 =	vld [tilespmem:$0x1FF80]  }
0x4c7: {  	v19 =	vmax.f32 v19, v22;
	v27 =	vld.idx.msk [tilespmem:v27+s16+$0x0], vm0  }
0x4c8: {  	v21 =	vor.u32 s30, v4;
	v19 =	vmax.f32 v19, v23  }
0x4c9: {  	v22 =	vor.u32 s30, v5;
	v28 =	vld.idx.msk [tilespmem:v28+s16+$0x0], vm0;
	v19 =	vmax.f32 v19, v24  }
0x4ca: {  	v23 =	vor.u32 s30, v6;
	v29 =	vld.idx.msk [tilespmem:v29+s16+$0x0], vm0;
	v19 =	vmax.f32 v19, v25  }
0x4cb: {  	v24 =	vor.u32 s30, v7;
	v20 =	vld.idx.msk [tilespmem:v20+s16+$0x0], vm0;
	v19 =	vmax.f32 v19, v26  }
0x4cc: {  	v19 =	vmax.f32 v19, v27;
	v27 =	vor.u32 s30, v8;
	v8 =	vld [tilespmem:$0x1FF90]  }
0x4cd: {  	v25 =	vor.u32 s30, v13;
	v21 =	vld.idx.msk [tilespmem:v21+s16+$0x0], vm0  }
0x4ce: {  	v26 =	vor.u32 s30, v12;
	v22 =	vld.idx.msk [tilespmem:v22+s16+$0x0], vm0  }
0x4cf: {  	v23 =	vld.idx.msk [tilespmem:v23+s16+$0x0], vm0;
	v19 =	vmax.f32 v19, v28  }
0x4d0: {  	v24 =	vld.idx.msk [tilespmem:v24+s16+$0x0], vm0;
	v19 =	vmax.f32 v19, v29  }
0x4d1: {  	v19 =	vmax.f32 v19, v20;
	v28 =	vor.u32 s30, v8  }
0x4d2: {  	v20 =	vld.idx.msk [tilespmem:v25+s16+$0x0], vm0;
	v19 =	vmax.f32 v19, v21  }
0x4d3: {  	v21 =	vld.idx.msk [tilespmem:v26+s16+$0x0], vm0;
	v19 =	vmax.f32 v19, v22  }
0x4d4: {  	s0 =	simm.s32 $0x1C200;
	v22 =	vld.idx.msk [tilespmem:v27+s16+$0x0], vm0;
	v19 =	vmax.f32 v19, v23  }
0x4d5: {  	v19 =	vmax.f32 v19, v24;
	v24 =	vld [tilespmem:s0+$0x0]  }
0x4d6: {  	v23 =	vld.idx.msk [tilespmem:v28+s16+$0x0], vm0  }
0x4d7: {  	v8 =	vld [tilespmem:$0x1FFA0]  }
0x4d8: {  	v19 =	vmax.f32 v19, v20  }
0x4d9: {  	v19 =	vmax.f32 v19, v21  }
0x4da: {  	v19 =	vmax.f32 v19, v22  }
0x4db: {  	v21 =	vmax.f32 v19, v23;
	v19 =	vadd.s32 s30, v24  }
0x4dc: {  	v20 =	vmul.f32 $1.000000000e+01, v21;
	v19 =	vadd.s32 v8, v19;
	_ =	sdelay $0x1  }
0x4dd: {  	v22 =	vtrunc.f32 v20  }
0x4de: {  	s29 =	simm.s32 $0x1C600;
	v8 =	vimm.s32 $0x0;
	v23 =	vcvt.f32.s32 v22;
	vm1 =	veq.f32 v20, v22  }
0x4df: {  	v22 =	vld [tilespmem:s29+$0x0];
	v20 =	vsel vm1, $0xFFFFFFFF, v8  }
0x4e0: {  	v20 =	vadd.s32 v23, v20;
	v19 =	vld.idx.msk [tilespmem:v19+s16+$0x0], vm0  }
0x4e1: {  	vm1 =	vgt.s32 v20, $0xFFFFFFFF  }
0x4e2: {  	v8 =	vlaneseq.u32;
	v20 =	vshll.u32 v20, $0x4;
	vm1 =	vmand vm0, vm1  }
0x4e3: {  	v20 =	vor.u32 v8, v20;
	_ =	sdelay $0x1  }
0x4e4: {  	s31 =	simm.s32 $0x10;
	vm2 =	vne.s32 v22, $0x0;
	vm0 =	veq.f32 v19, v21  }
0x4e5: {  	v19 =	vor.u32 s31, v8;
	v8 =	vimm.f32 $0.0e+00;
	vm2 =	vmand vm2, vm0  }
0x4e6: {  	v23 =	vsel vm2, $0x3F800000, v8;
	v8 =	vimm.f32 $1.000000000e+00  }
0x4e7: {  	[tilespmem:v20+s20+$0x0] =	vst.idx.add.f32.msk vm1, v8  }
0x4e8: {  	v8 =	vld [tilespmem:$0x1FFD0];
	_ =	sdelay $0x3  }
0x4e9: {  	s2 =	simm.s32 $0x800;
	vm0 =	vge.u32 v19, v18  }
0x4ea: {  	s14 =	simm.s32 $0x20;
	v19 =	vor.u32 s2, v10;
	[tilespmem:v20+s21+$0x0] =	vst.idx.add.f32.msk vm1, v23;
	v23 =	vor.u32 s2, v14;
	v22 =	vor.u32 s2, v8  }
.LBB2_5:
0x4eb: {  	v8 =	vld [tilespmem:$0x1FFB0];
	_ =	sdelay $0x2  }
0x4ec: {  	[tilespmem:v20+s22+$0x0] =	vst.idx.add.f32.msk vm1, v21  }
0x4ed: {  	v21 =	vld.idx.msk [tilespmem:v22+s16+$0x0], vm0;
	v22 =	vor.u32 s2, v33  }
0x4ee: {  	v24 =	vor.u32 s2, v8  }
0x4ef: {  	v26 =	vor.u32 s2, v30  }
0x4f0: {  	v25 =	vld.idx.msk [tilespmem:v19+s16+$0x0], vm0;
	v27 =	vor.u32 s2, v31  }
0x4f1: {  	v23 =	vld.idx.msk [tilespmem:v23+s16+$0x0], vm0;
	v28 =	vor.u32 s2, v32  }
0x4f2: {  	v29 =	vor.u32 s2, v11;
	v22 =	vld.idx.msk [tilespmem:v22+s16+$0x0], vm0  }
0x4f3: {  	v30 =	vor.u32 s2, v34;
	v24 =	vld.idx.msk [tilespmem:v24+s16+$0x0], vm0  }
0x4f4: {  	v31 =	vor.u32 s2, v35;
	v26 =	vld.idx.msk [tilespmem:v26+s16+$0x0], vm0  }
0x4f5: {  	v32 =	vor.u32 s2, v36;
	v27 =	vld.idx.msk [tilespmem:v27+s16+$0x0], vm0  }
0x4f6: {  	v21 =	vmax.f32 v21, v25;
	v25 =	vld.idx.msk [tilespmem:v28+s16+$0x0], vm0;
	v28 =	vor.u32 s2, v37  }
0x4f7: {  	v21 =	vmax.f32 v21, v23;
	v23 =	vld.idx.msk [tilespmem:v29+s16+$0x0], vm0;
	v29 =	vor.u32 s2, v38  }
0x4f8: {  	v21 =	vmax.f32 v21, v24;
	v24 =	vld.idx.msk [tilespmem:v30+s16+$0x0], vm0;
	v30 =	vor.u32 s2, v39  }
0x4f9: {  	v21 =	vmax.f32 v21, v22;
	v22 =	vld.idx.msk [tilespmem:v31+s16+$0x0], vm0;
	v31 =	vor.u32 s2, v40  }
0x4fa: {  	v21 =	vmax.f32 v21, v26;
	v26 =	vld.idx.msk [tilespmem:v32+s16+$0x0], vm0;
	v32 =	vor.u32 s2, v41  }
0x4fb: {  	v21 =	vmax.f32 v21, v27;
	v27 =	vld.idx.msk [tilespmem:v28+s16+$0x0], vm0;
	v28 =	vor.u32 s2, v42  }
0x4fc: {  	v21 =	vmax.f32 v21, v25;
	v25 =	vld.idx.msk [tilespmem:v29+s16+$0x0], vm0;
	v29 =	vor.u32 s2, v43  }
0x4fd: {  	v21 =	vmax.f32 v21, v23;
	v23 =	vld.idx.msk [tilespmem:v30+s16+$0x0], vm0;
	v30 =	vor.u32 s2, v44  }
0x4fe: {  	v21 =	vmax.f32 v21, v24;
	v24 =	vld.idx.msk [tilespmem:v31+s16+$0x0], vm0;
	v31 =	vor.u32 s2, v45  }
0x4ff: {  	v21 =	vmax.f32 v21, v22;
	v22 =	vld.idx.msk [tilespmem:v32+s16+$0x0], vm0;
	v32 =	vor.u32 s2, v46  }
0x500: {  	v21 =	vmax.f32 v21, v26;
	v26 =	vld.idx.msk [tilespmem:v28+s16+$0x0], vm0;
	v28 =	vor.u32 s2, v47  }
0x501: {  	v21 =	vmax.f32 v21, v27;
	v27 =	vld.idx.msk [tilespmem:v29+s16+$0x0], vm0;
	v29 =	vor.u32 s2, v48  }
0x502: {  	v21 =	vmax.f32 v21, v25;
	v25 =	vld.idx.msk [tilespmem:v30+s16+$0x0], vm0;
	v30 =	vor.u32 s2, v49  }
0x503: {  	v21 =	vmax.f32 v21, v23;
	v23 =	vld.idx.msk [tilespmem:v31+s16+$0x0], vm0;
	v31 =	vor.u32 s2, v50  }
0x504: {  	v21 =	vmax.f32 v21, v24;
	v24 =	vld.idx.msk [tilespmem:v32+s16+$0x0], vm0  }
0x505: {  	v32 =	vor.u32 s2, v51;
	v21 =	vmax.f32 v21, v22;
	v22 =	vld.idx.msk [tilespmem:v28+s16+$0x0], vm0  }
0x506: {  	v21 =	vmax.f32 v21, v26;
	v26 =	vld.idx.msk [tilespmem:v29+s16+$0x0], vm0  }
0x507: {  	v28 =	vor.u32 s2, v52;
	v21 =	vmax.f32 v21, v27;
	v27 =	vld.idx.msk [tilespmem:v30+s16+$0x0], vm0  }
0x508: {  	v21 =	vmax.f32 v21, v25;
	v25 =	vld.idx.msk [tilespmem:v31+s16+$0x0], vm0  }
0x509: {  	v31 =	vld [tilespmem:$0x1FCF0]  }
0x50a: {  	v29 =	vor.u32 s2, v53;
	v21 =	vmax.f32 v21, v23;
	v23 =	vld.idx.msk [tilespmem:v32+s16+$0x0], vm0  }
0x50b: {  	v32 =	vld [tilespmem:$0x1FD00]  }
0x50c: {  	v30 =	vor.u32 s2, v54;
	v21 =	vmax.f32 v21, v24;
	v24 =	vld.idx.msk [tilespmem:v28+s16+$0x0], vm0  }
0x50d: {  	v28 =	vld [tilespmem:$0x1FD10]  }
0x50e: {  	v31 =	vor.u32 s2, v31  }
0x50f: {  	v21 =	vmax.f32 v21, v22;
	v22 =	vld.idx.msk [tilespmem:v29+s16+$0x0], vm0  }
0x510: {  	v29 =	vld [tilespmem:$0x1FD20];
	v32 =	vor.u32 s2, v32  }
0x511: {  	v21 =	vmax.f32 v21, v26;
	v26 =	vld.idx.msk [tilespmem:v30+s16+$0x0], vm0  }
0x512: {  	v30 =	vld [tilespmem:$0x1FD30];
	v28 =	vor.u32 s2, v28  }
0x513: {  	v21 =	vmax.f32 v21, v27;
	v27 =	vld.idx.msk [tilespmem:v31+s16+$0x0], vm0  }
0x514: {  	v31 =	vld [tilespmem:$0x1FD40]  }
0x515: {  	v21 =	vmax.f32 v21, v25;
	v29 =	vor.u32 s2, v29;
	v25 =	vld.idx.msk [tilespmem:v32+s16+$0x0], vm0  }
0x516: {  	v32 =	vld [tilespmem:$0x1FD50]  }
0x517: {  	v21 =	vmax.f32 v21, v23;
	v30 =	vor.u32 s2, v30;
	v23 =	vld.idx.msk [tilespmem:v28+s16+$0x0], vm0  }
0x518: {  	v28 =	vld [tilespmem:$0x1FD60]  }
0x519: {  	v31 =	vor.u32 s2, v31  }
0x51a: {  	v21 =	vmax.f32 v21, v24;
	v24 =	vld.idx.msk [tilespmem:v29+s16+$0x0], vm0  }
0x51b: {  	v29 =	vld [tilespmem:$0x1FD70];
	v32 =	vor.u32 s2, v32  }
0x51c: {  	v21 =	vmax.f32 v21, v22;
	v22 =	vld.idx.msk [tilespmem:v30+s16+$0x0], vm0  }
0x51d: {  	v30 =	vld [tilespmem:$0x1FD80];
	v28 =	vor.u32 s2, v28  }
0x51e: {  	v21 =	vmax.f32 v21, v26;
	v26 =	vld.idx.msk [tilespmem:v31+s16+$0x0], vm0  }
0x51f: {  	v31 =	vld [tilespmem:$0x1FD90]  }
0x520: {  	v21 =	vmax.f32 v21, v27;
	v29 =	vor.u32 s2, v29;
	v27 =	vld.idx.msk [tilespmem:v32+s16+$0x0], vm0  }
0x521: {  	v32 =	vld [tilespmem:$0x1FDA0]  }
0x522: {  	v21 =	vmax.f32 v21, v25;
	v30 =	vor.u32 s2, v30;
	v25 =	vld.idx.msk [tilespmem:v28+s16+$0x0], vm0  }
0x523: {  	v28 =	vld [tilespmem:$0x1FDB0]  }
0x524: {  	v31 =	vor.u32 s2, v31  }
0x525: {  	v21 =	vmax.f32 v21, v23;
	v23 =	vld.idx.msk [tilespmem:v29+s16+$0x0], vm0  }
0x526: {  	v29 =	vld [tilespmem:$0x1FDC0];
	v32 =	vor.u32 s2, v32  }
0x527: {  	v21 =	vmax.f32 v21, v24;
	v24 =	vld.idx.msk [tilespmem:v30+s16+$0x0], vm0  }
0x528: {  	v30 =	vld [tilespmem:$0x1FDD0];
	v28 =	vor.u32 s2, v28  }
0x529: {  	v21 =	vmax.f32 v21, v22;
	v22 =	vld.idx.msk [tilespmem:v31+s16+$0x0], vm0  }
0x52a: {  	v31 =	vld [tilespmem:$0x1FDE0]  }
0x52b: {  	v21 =	vmax.f32 v21, v26;
	v29 =	vor.u32 s2, v29;
	v26 =	vld.idx.msk [tilespmem:v32+s16+$0x0], vm0  }
0x52c: {  	v32 =	vld [tilespmem:$0x1FDF0]  }
0x52d: {  	v21 =	vmax.f32 v21, v27;
	v30 =	vor.u32 s2, v30;
	v27 =	vld.idx.msk [tilespmem:v28+s16+$0x0], vm0  }
0x52e: {  	v28 =	vld [tilespmem:$0x1FE00]  }
0x52f: {  	v31 =	vor.u32 s2, v31  }
0x530: {  	v21 =	vmax.f32 v21, v25;
	v25 =	vld.idx.msk [tilespmem:v29+s16+$0x0], vm0  }
0x531: {  	v29 =	vld [tilespmem:$0x1FE10];
	v32 =	vor.u32 s2, v32  }
0x532: {  	v21 =	vmax.f32 v21, v23;
	v23 =	vld.idx.msk [tilespmem:v30+s16+$0x0], vm0  }
0x533: {  	v30 =	vld [tilespmem:$0x1FE20];
	v28 =	vor.u32 s2, v28  }
0x534: {  	v21 =	vmax.f32 v21, v24;
	v24 =	vld.idx.msk [tilespmem:v31+s16+$0x0], vm0  }
0x535: {  	v31 =	vld [tilespmem:$0x1FE30]  }
0x536: {  	v21 =	vmax.f32 v21, v22;
	v22 =	vld.idx.msk [tilespmem:v32+s16+$0x0], vm0  }
0x537: {  	v32 =	vld [tilespmem:$0x1FE40]  }
0x538: {  	v21 =	vmax.f32 v21, v26;
	v26 =	vld.idx.msk [tilespmem:v28+s16+$0x0], vm0  }
0x539: {  	v28 =	vld [tilespmem:$0x1FE50]  }
0x53a: {  	v14 =	vld [tilespmem:$0x1FE60];
	v29 =	vor.u32 s2, v29  }
0x53b: {  	v30 =	vor.u32 s2, v30  }
0x53c: {  	v31 =	vor.u32 s2, v31  }
0x53d: {  	v32 =	vor.u32 s2, v32  }
0x53e: {  	v28 =	vor.u32 s2, v28  }
0x53f: {  	v21 =	vmax.f32 v21, v27;
	v27 =	vld.idx.msk [tilespmem:v29+s16+$0x0], vm0;
	v29 =	vor.u32 s2, v14  }
0x540: {  	v21 =	vmax.f32 v21, v25;
	v25 =	vld.idx.msk [tilespmem:v30+s16+$0x0], vm0;
	v30 =	vor.u32 s2, v15  }
0x541: {  	v21 =	vmax.f32 v21, v23;
	v23 =	vld.idx.msk [tilespmem:v31+s16+$0x0], vm0;
	v31 =	vor.u32 s2, v16  }
0x542: {  	v21 =	vmax.f32 v21, v24;
	v24 =	vld.idx.msk [tilespmem:v32+s16+$0x0], vm0;
	v32 =	vor.u32 s2, v17  }
0x543: {  	v21 =	vmax.f32 v21, v22;
	v22 =	vld.idx.msk [tilespmem:v28+s16+$0x0], vm0;
	v28 =	vor.u32 s2, v55  }
0x544: {  	v21 =	vmax.f32 v21, v26;
	v26 =	vld.idx.msk [tilespmem:v29+s16+$0x0], vm0  }
0x545: {  	v29 =	vor.u32 s2, v56;
	v21 =	vmax.f32 v21, v27;
	v27 =	vld.idx.msk [tilespmem:v30+s16+$0x0], vm0  }
0x546: {  	v21 =	vmax.f32 v21, v25;
	v25 =	vld.idx.msk [tilespmem:v31+s16+$0x0], vm0  }
0x547: {  	v21 =	vmax.f32 v21, v23;
	v23 =	vld.idx.msk [tilespmem:v32+s16+$0x0], vm0  }
0x548: {  	v21 =	vmax.f32 v21, v24;
	v24 =	vld.idx.msk [tilespmem:v28+s16+$0x0], vm0;
	v28 =	vor.u32 s2, v60  }
0x549: {  	v21 =	vmax.f32 v21, v22  }
0x54a: {  	v22 =	vld.idx.msk [tilespmem:v29+s16+$0x0], vm0;
	v29 =	vor.u32 s2, v61;
	v21 =	vmax.f32 v21, v26  }
0x54b: {  	v21 =	vmax.f32 v21, v27  }
0x54c: {  	v30 =	vor.u32 s2, v57;
	v21 =	vmax.f32 v21, v25  }
0x54d: {  	v31 =	vor.u32 s2, v58;
	v21 =	vmax.f32 v21, v23;
	v23 =	vld.idx.msk [tilespmem:v28+s16+$0x0], vm0  }
0x54e: {  	v32 =	vor.u32 s2, v59;
	v28 =	vld [tilespmem:$0x1FEB0]  }
0x54f: {  	v21 =	vmax.f32 v21, v24;
	v24 =	vld.idx.msk [tilespmem:v29+s16+$0x0], vm0  }
0x550: {  	v29 =	vld [tilespmem:$0x1FEE0]  }
0x551: {  	v26 =	vld.idx.msk [tilespmem:v30+s16+$0x0], vm0;
	v30 =	vor.u32 s2, v62  }
0x552: {  	v27 =	vld.idx.msk [tilespmem:v31+s16+$0x0], vm0;
	v31 =	vor.u32 s2, v63  }
0x553: {  	v25 =	vld.idx.msk [tilespmem:v32+s16+$0x0], vm0;
	v32 =	vor.u32 s2, v0  }
0x554: {  	v28 =	vor.u32 s2, v28  }
0x555: {  	v29 =	vor.u32 s2, v29  }
0x556: {  	v21 =	vmax.f32 v21, v22;
	v22 =	vld.idx.msk [tilespmem:v30+s16+$0x0], vm0  }
0x557: {  	v30 =	vor.u32 s2, v1;
	v21 =	vmax.f32 v21, v26;
	v26 =	vld.idx.msk [tilespmem:v31+s16+$0x0], vm0  }
0x558: {  	v21 =	vmax.f32 v21, v27;
	v27 =	vld.idx.msk [tilespmem:v32+s16+$0x0], vm0  }
0x559: {  	v21 =	vmax.f32 v21, v25;
	v25 =	vld.idx.msk [tilespmem:v28+s16+$0x0], vm0  }
0x55a: {  	v21 =	vmax.f32 v21, v23;
	v23 =	vld.idx.msk [tilespmem:v29+s16+$0x0], vm0;
	v29 =	vor.u32 s2, v5  }
0x55b: {  	v21 =	vmax.f32 v21, v24  }
0x55c: {  	v24 =	vld.idx.msk [tilespmem:v30+s16+$0x0], vm0;
	v30 =	vor.u32 s2, v6;
	v21 =	vmax.f32 v21, v22  }
0x55d: {  	v21 =	vmax.f32 v21, v26  }
0x55e: {  	v31 =	vor.u32 s2, v2;
	v21 =	vmax.f32 v21, v27  }
0x55f: {  	v32 =	vor.u32 s2, v3;
	v21 =	vmax.f32 v21, v25;
	v25 =	vld.idx.msk [tilespmem:v29+s16+$0x0], vm0  }
0x560: {  	v28 =	vor.u32 s2, v4;
	v29 =	vld [tilespmem:$0x1FF80]  }
0x561: {  	v21 =	vmax.f32 v21, v23;
	v23 =	vld.idx.msk [tilespmem:v30+s16+$0x0], vm0  }
0x562: {  	v30 =	vld [tilespmem:$0x1FF90]  }
0x563: {  	v22 =	vld.idx.msk [tilespmem:v31+s16+$0x0], vm0;
	v31 =	vor.u32 s2, v7  }
0x564: {  	v26 =	vld.idx.msk [tilespmem:v32+s16+$0x0], vm0;
	v32 =	vor.u32 s2, v13  }
0x565: {  	v27 =	vld.idx.msk [tilespmem:v28+s16+$0x0], vm0;
	v28 =	vor.u32 s2, v12  }
0x566: {  	s0 =	sadd.s32 $0x10, s0;
	v29 =	vor.u32 s2, v29  }
0x567: {  	v20 =	vld [tilespmem:s0+$0x0];
	v21 =	vmax.f32 v21, v24;
	v30 =	vor.u32 s2, v30  }
0x568: {  	v24 =	vld.idx.msk [tilespmem:v31+s16+$0x0], vm0;
	v21 =	vmax.f32 v21, v22  }
0x569: {  	v22 =	vld.idx.msk [tilespmem:v32+s16+$0x0], vm0;
	v21 =	vmax.f32 v21, v26  }
0x56a: {  	v26 =	vld.idx.msk [tilespmem:v28+s16+$0x0], vm0;
	v21 =	vmax.f32 v21, v27  }
0x56b: {  	v21 =	vmax.f32 v21, v25;
	v27 =	vld.idx.msk [tilespmem:v29+s16+$0x0], vm0  }
0x56c: {  	v21 =	vmax.f32 v21, v23;
	v25 =	vld.idx.msk [tilespmem:v30+s16+$0x0], vm0  }
0x56d: {  	v21 =	vmax.f32 v21, v24;
	v29 =	vld [tilespmem:$0x1FFA0]  }
0x56e: {  	v21 =	vmax.f32 v21, v22  }
0x56f: {  	v21 =	vmax.f32 v21, v26  }
0x570: {  	v21 =	vmax.f32 v21, v27  }
0x571: {  	v20 =	vadd.s32 s2, v20;
	v21 =	vmax.f32 v21, v25  }
0x572: {  	v20 =	vadd.s32 v29, v20;
	v22 =	vmul.f32 $1.000000000e+01, v21;
	_ =	sdelay $0x1  }
0x573: {  	v23 =	vtrunc.f32 v22  }
0x574: {  	s29 =	sadd.s32 $0x10, s29;
	v9 =	vld [tilespmem:$0x1FFE0];
	v8 =	vimm.s32 $0x0;
	v24 =	vcvt.f32.s32 v23;
	vm1 =	veq.f32 v22, v23  }
0x575: {  	v19 =	vld [tilespmem:s29+$0x0];
	v22 =	vsel vm1, $0xFFFFFFFF, v8  }
0x576: {  	v23 =	vld.idx.msk [tilespmem:v20+s16+$0x0], vm0;
	v20 =	vadd.s32 v24, v22  }
0x577: {  	v10 =	vlaneseq.u32;
	vm1 =	vgt.s32 v20, $0xFFFFFFFF;
	v20 =	vshll.u32 v20, $0x4  }
0x578: {  	v22 =	vor.u32 s14, v10;
	vm1 =	vmand vm0, vm1;
	v20 =	vor.u32 v10, v20;
	v10 =	vld [tilespmem:$0x1FFD0]  }
0x579: {  	s2 =	sadd.s32 $0x800, s2  }
0x57a: {  	p0 =	sne.s32 s14, $0x1B0;
	vm3 =	vne.s32 v19, $0x0;
	v19 =	vor.u32 s2, v9;
	v9 =	vld [tilespmem:$0x1FFF0]  }
.Ltmp1:
0x57b: {  	v31 =	vld [tilespmem:$0x1FB80];
	(pc) =	sbr.rel @p0 .LBB2_5-.Ltmp1, $4  }
0x57c: {  	v14 =	vimm.f32 $1.000000000e+00;
	v32 =	vld [tilespmem:$0x1FB90];
	vm0 =	vge.u32 v22, v18;
	vm2 =	veq.f32 v23, v21  }
0x57d: {  	v30 =	vld [tilespmem:$0x1FB70];
	vm2 =	vmand vm3, vm2;
	v22 =	vor.u32 s2, v10;
	v10 =	vimm.f32 $0.0e+00  }
0x57e: {  	v24 =	vsel vm2, $0x3F800000, v10;
	[tilespmem:v20+s20+$0x0] =	vst.idx.add.f32.msk vm1, v14  }
0x57f: {  	v8 =	vlaneseq.u32;
	s14 =	sadd.s32 $0x10, s14;
	v23 =	vor.u32 s2, v9;
	[tilespmem:v20+s21+$0x0] =	vst.idx.add.f32.msk vm1, v24  }
0x580: {  	v9 =	vld [tilespmem:$0x1FFB0];
	_ =	sdelay $0x4  }
0x581: {  	[tilespmem:v20+s22+$0x0] =	vst.idx.add.f32.msk vm1, v21;
	v18 =	vor.u32 s2, v9  }
0x582: {  	v20 =	vor.u32 s2, v33;
	v14 =	vld [tilespmem:$0x1FE60]  }
0x583: {  	v21 =	vld.idx.msk [tilespmem:v22+s16+$0x0], vm0;
	v22 =	vor.u32 s2, v30  }
0x584: {  	v24 =	vor.u32 s2, v31;
	v19 =	vld.idx.msk [tilespmem:v19+s16+$0x0], vm0  }
0x585: {  	v23 =	vld.idx.msk [tilespmem:v23+s16+$0x0], vm0;
	v25 =	vor.u32 s2, v32  }
0x586: {  	v26 =	vor.u32 s2, v11;
	v18 =	vld.idx.msk [tilespmem:v18+s16+$0x0], vm0  }
0x587: {  	v27 =	vor.u32 s2, v34;
	v20 =	vld.idx.msk [tilespmem:v20+s16+$0x0], vm0  }
0x588: {  	v28 =	vor.u32 s2, v35;
	v22 =	vld.idx.msk [tilespmem:v22+s16+$0x0], vm0  }
0x589: {  	v24 =	vld.idx.msk [tilespmem:v24+s16+$0x0], vm0;
	v19 =	vmax.f32 v21, v19;
	v21 =	vor.u32 s2, v36  }
0x58a: {  	v25 =	vld.idx.msk [tilespmem:v25+s16+$0x0], vm0;
	v19 =	vmax.f32 v19, v23;
	v23 =	vor.u32 s2, v37  }
0x58b: {  	v26 =	vld.idx.msk [tilespmem:v26+s16+$0x0], vm0;
	v18 =	vmax.f32 v19, v18;
	v19 =	vor.u32 s2, v38  }
0x58c: {  	v27 =	vld.idx.msk [tilespmem:v27+s16+$0x0], vm0;
	v18 =	vmax.f32 v18, v20;
	v20 =	vor.u32 s2, v39  }
0x58d: {  	v28 =	vld.idx.msk [tilespmem:v28+s16+$0x0], vm0;
	v18 =	vmax.f32 v18, v22;
	v22 =	vor.u32 s2, v40  }
0x58e: {  	v21 =	vld.idx.msk [tilespmem:v21+s16+$0x0], vm0;
	v18 =	vmax.f32 v18, v24;
	v24 =	vor.u32 s2, v41  }
0x58f: {  	v23 =	vld.idx.msk [tilespmem:v23+s16+$0x0], vm0;
	v18 =	vmax.f32 v18, v25;
	v25 =	vor.u32 s2, v42  }
0x590: {  	v19 =	vld.idx.msk [tilespmem:v19+s16+$0x0], vm0;
	v18 =	vmax.f32 v18, v26;
	v26 =	vor.u32 s2, v43  }
0x591: {  	v20 =	vld.idx.msk [tilespmem:v20+s16+$0x0], vm0;
	v18 =	vmax.f32 v18, v27;
	v27 =	vor.u32 s2, v44  }
0x592: {  	v22 =	vld.idx.msk [tilespmem:v22+s16+$0x0], vm0;
	v18 =	vmax.f32 v18, v28;
	v28 =	vor.u32 s2, v45  }
0x593: {  	v24 =	vld.idx.msk [tilespmem:v24+s16+$0x0], vm0;
	v18 =	vmax.f32 v18, v21;
	v21 =	vor.u32 s2, v46  }
0x594: {  	v25 =	vld.idx.msk [tilespmem:v25+s16+$0x0], vm0;
	v18 =	vmax.f32 v18, v23;
	v23 =	vor.u32 s2, v47  }
0x595: {  	v26 =	vld.idx.msk [tilespmem:v26+s16+$0x0], vm0;
	v18 =	vmax.f32 v18, v19;
	v19 =	vor.u32 s2, v48  }
0x596: {  	v27 =	vld.idx.msk [tilespmem:v27+s16+$0x0], vm0;
	v18 =	vmax.f32 v18, v20;
	v20 =	vor.u32 s2, v49  }
0x597: {  	v28 =	vld.idx.msk [tilespmem:v28+s16+$0x0], vm0;
	v18 =	vmax.f32 v18, v22;
	v22 =	vor.u32 s2, v50  }
0x598: {  	v21 =	vld.idx.msk [tilespmem:v21+s16+$0x0], vm0  }
0x599: {  	v18 =	vmax.f32 v18, v24;
	v24 =	vor.u32 s2, v51;
	v23 =	vld.idx.msk [tilespmem:v23+s16+$0x0], vm0  }
0x59a: {  	v18 =	vmax.f32 v18, v25;
	v19 =	vld.idx.msk [tilespmem:v19+s16+$0x0], vm0  }
0x59b: {  	v25 =	vor.u32 s2, v52;
	v18 =	vmax.f32 v18, v26;
	v20 =	vld.idx.msk [tilespmem:v20+s16+$0x0], vm0  }
0x59c: {  	v18 =	vmax.f32 v18, v27;
	v22 =	vld.idx.msk [tilespmem:v22+s16+$0x0], vm0  }
0x59d: {  	v26 =	vor.u32 s2, v53;
	v18 =	vmax.f32 v18, v28;
	v28 =	vld [tilespmem:$0x1FCF0]  }
0x59e: {  	v24 =	vld.idx.msk [tilespmem:v24+s16+$0x0], vm0  }
0x59f: {  	v27 =	vor.u32 s2, v54;
	v18 =	vmax.f32 v18, v21;
	v21 =	vld [tilespmem:$0x1FD00]  }
0x5a0: {  	v25 =	vld.idx.msk [tilespmem:v25+s16+$0x0], vm0  }
0x5a1: {  	v18 =	vmax.f32 v18, v23;
	v23 =	vld [tilespmem:$0x1FD10]  }
0x5a2: {  	v26 =	vld.idx.msk [tilespmem:v26+s16+$0x0], vm0  }
0x5a3: {  	v18 =	vmax.f32 v18, v19;
	v19 =	vld [tilespmem:$0x1FD20]  }
0x5a4: {  	v27 =	vld.idx.msk [tilespmem:v27+s16+$0x0], vm0  }
0x5a5: {  	v18 =	vmax.f32 v18, v20;
	v20 =	vld [tilespmem:$0x1FD30]  }
0x5a6: {  	v28 =	vor.u32 s2, v28;
	v18 =	vmax.f32 v18, v22;
	v22 =	vld [tilespmem:$0x1FD40]  }
0x5a7: {  	v21 =	vor.u32 s2, v21;
	v18 =	vmax.f32 v18, v24;
	v24 =	vld [tilespmem:$0x1FD50]  }
0x5a8: {  	v23 =	vor.u32 s2, v23;
	v18 =	vmax.f32 v18, v25;
	v25 =	vld [tilespmem:$0x1FD60]  }
0x5a9: {  	v19 =	vor.u32 s2, v19;
	v18 =	vmax.f32 v18, v26;
	v26 =	vld [tilespmem:$0x1FD70]  }
0x5aa: {  	v20 =	vor.u32 s2, v20;
	v18 =	vmax.f32 v18, v27;
	v27 =	vld [tilespmem:$0x1FD80]  }
0x5ab: {  	v28 =	vld.idx.msk [tilespmem:v28+s16+$0x0], vm0;
	v22 =	vor.u32 s2, v22  }
0x5ac: {  	v21 =	vld.idx.msk [tilespmem:v21+s16+$0x0], vm0  }
0x5ad: {  	v24 =	vor.u32 s2, v24;
	v23 =	vld.idx.msk [tilespmem:v23+s16+$0x0], vm0  }
0x5ae: {  	v19 =	vld.idx.msk [tilespmem:v19+s16+$0x0], vm0  }
0x5af: {  	v25 =	vor.u32 s2, v25;
	v20 =	vld.idx.msk [tilespmem:v20+s16+$0x0], vm0  }
0x5b0: {  	v22 =	vld.idx.msk [tilespmem:v22+s16+$0x0], vm0  }
0x5b1: {  	v26 =	vor.u32 s2, v26;
	v18 =	vmax.f32 v18, v28;
	v28 =	vld [tilespmem:$0x1FD90]  }
0x5b2: {  	v24 =	vld.idx.msk [tilespmem:v24+s16+$0x0], vm0  }
0x5b3: {  	v27 =	vor.u32 s2, v27;
	v18 =	vmax.f32 v18, v21;
	v21 =	vld [tilespmem:$0x1FDA0]  }
0x5b4: {  	v25 =	vld.idx.msk [tilespmem:v25+s16+$0x0], vm0  }
0x5b5: {  	v18 =	vmax.f32 v18, v23;
	v23 =	vld [tilespmem:$0x1FDB0]  }
0x5b6: {  	v26 =	vld.idx.msk [tilespmem:v26+s16+$0x0], vm0  }
0x5b7: {  	v18 =	vmax.f32 v18, v19;
	v19 =	vld [tilespmem:$0x1FDC0]  }
0x5b8: {  	v27 =	vld.idx.msk [tilespmem:v27+s16+$0x0], vm0;
	v28 =	vor.u32 s2, v28  }
0x5b9: {  	v18 =	vmax.f32 v18, v20;
	v20 =	vld [tilespmem:$0x1FDD0];
	v21 =	vor.u32 s2, v21  }
0x5ba: {  	v18 =	vmax.f32 v18, v22;
	v22 =	vld [tilespmem:$0x1FDE0];
	v23 =	vor.u32 s2, v23  }
0x5bb: {  	v18 =	vmax.f32 v18, v24;
	v24 =	vld [tilespmem:$0x1FDF0]  }
0x5bc: {  	v18 =	vmax.f32 v18, v25;
	v25 =	vld [tilespmem:$0x1FE00]  }
0x5bd: {  	v28 =	vld.idx.msk [tilespmem:v28+s16+$0x0], vm0  }
0x5be: {  	v21 =	vld.idx.msk [tilespmem:v21+s16+$0x0], vm0  }
0x5bf: {  	v23 =	vld.idx.msk [tilespmem:v23+s16+$0x0], vm0  }
0x5c0: {  	v19 =	vor.u32 s2, v19;
	v18 =	vmax.f32 v18, v26;
	v26 =	vld [tilespmem:$0x1FE10]  }
0x5c1: {  	v20 =	vor.u32 s2, v20;
	v18 =	vmax.f32 v18, v27;
	v27 =	vld [tilespmem:$0x1FE20]  }
0x5c2: {  	v22 =	vor.u32 s2, v22;
	v18 =	vmax.f32 v18, v28;
	v28 =	vld [tilespmem:$0x1FE30]  }
0x5c3: {  	v24 =	vor.u32 s2, v24;
	v18 =	vmax.f32 v18, v21;
	v21 =	vld [tilespmem:$0x1FE40]  }
0x5c4: {  	v25 =	vor.u32 s2, v25;
	v18 =	vmax.f32 v18, v23;
	v23 =	vld [tilespmem:$0x1FE50]  }
0x5c5: {  	v19 =	vld.idx.msk [tilespmem:v19+s16+$0x0], vm0;
	v26 =	vor.u32 s2, v26  }
0x5c6: {  	v20 =	vld.idx.msk [tilespmem:v20+s16+$0x0], vm0;
	v27 =	vor.u32 s2, v27  }
0x5c7: {  	v22 =	vld.idx.msk [tilespmem:v22+s16+$0x0], vm0;
	v28 =	vor.u32 s2, v28  }
0x5c8: {  	v24 =	vld.idx.msk [tilespmem:v24+s16+$0x0], vm0;
	v21 =	vor.u32 s2, v21  }
0x5c9: {  	v25 =	vld.idx.msk [tilespmem:v25+s16+$0x0], vm0;
	v23 =	vor.u32 s2, v23  }
0x5ca: {  	v26 =	vld.idx.msk [tilespmem:v26+s16+$0x0], vm0;
	v18 =	vmax.f32 v18, v19;
	v19 =	vor.u32 s2, v14  }
0x5cb: {  	v27 =	vld.idx.msk [tilespmem:v27+s16+$0x0], vm0;
	v18 =	vmax.f32 v18, v20;
	v20 =	vor.u32 s2, v15  }
0x5cc: {  	v18 =	vmax.f32 v18, v22;
	v22 =	vor.u32 s2, v16;
	v28 =	vld.idx.msk [tilespmem:v28+s16+$0x0], vm0  }
0x5cd: {  	v18 =	vmax.f32 v18, v24;
	v24 =	vor.u32 s2, v17;
	v21 =	vld.idx.msk [tilespmem:v21+s16+$0x0], vm0  }
0x5ce: {  	v18 =	vmax.f32 v18, v25;
	v25 =	vor.u32 s2, v55;
	v23 =	vld.idx.msk [tilespmem:v23+s16+$0x0], vm0  }
0x5cf: {  	v19 =	vld.idx.msk [tilespmem:v19+s16+$0x0], vm0;
	v18 =	vmax.f32 v18, v26;
	v26 =	vor.u32 s2, v56  }
0x5d0: {  	v20 =	vld.idx.msk [tilespmem:v20+s16+$0x0], vm0;
	v18 =	vmax.f32 v18, v27  }
0x5d1: {  	v22 =	vld.idx.msk [tilespmem:v22+s16+$0x0], vm0;
	v18 =	vmax.f32 v18, v28  }
0x5d2: {  	v24 =	vld.idx.msk [tilespmem:v24+s16+$0x0], vm0;
	v18 =	vmax.f32 v18, v21  }
0x5d3: {  	v25 =	vld.idx.msk [tilespmem:v25+s16+$0x0], vm0;
	v18 =	vmax.f32 v18, v23  }
0x5d4: {  	v26 =	vld.idx.msk [tilespmem:v26+s16+$0x0], vm0;
	v18 =	vmax.f32 v18, v19  }
0x5d5: {  	v27 =	vor.u32 s2, v57;
	v18 =	vmax.f32 v18, v20  }
0x5d6: {  	v28 =	vor.u32 s2, v58;
	v18 =	vmax.f32 v18, v22  }
0x5d7: {  	v21 =	vor.u32 s2, v59;
	v18 =	vmax.f32 v18, v24  }
0x5d8: {  	v23 =	vor.u32 s2, v60;
	v18 =	vmax.f32 v18, v25;
	v25 =	vld [tilespmem:$0x1FEB0]  }
0x5d9: {  	v19 =	vor.u32 s2, v61;
	v18 =	vmax.f32 v18, v26;
	v26 =	vld [tilespmem:$0x1FEE0]  }
0x5da: {  	v27 =	vld.idx.msk [tilespmem:v27+s16+$0x0], vm0;
	v20 =	vor.u32 s2, v62  }
0x5db: {  	v28 =	vld.idx.msk [tilespmem:v28+s16+$0x0], vm0;
	v22 =	vor.u32 s2, v63  }
0x5dc: {  	v21 =	vld.idx.msk [tilespmem:v21+s16+$0x0], vm0;
	v24 =	vor.u32 s2, v0  }
0x5dd: {  	v23 =	vld.idx.msk [tilespmem:v23+s16+$0x0], vm0;
	v25 =	vor.u32 s2, v25  }
0x5de: {  	v19 =	vld.idx.msk [tilespmem:v19+s16+$0x0], vm0;
	v26 =	vor.u32 s2, v26  }
0x5df: {  	v20 =	vld.idx.msk [tilespmem:v20+s16+$0x0], vm0;
	v18 =	vmax.f32 v18, v27;
	v27 =	vor.u32 s2, v1  }
0x5e0: {  	v22 =	vld.idx.msk [tilespmem:v22+s16+$0x0], vm0;
	v18 =	vmax.f32 v18, v28;
	v28 =	vor.u32 s2, v2  }
0x5e1: {  	v24 =	vld.idx.msk [tilespmem:v24+s16+$0x0], vm0;
	v18 =	vmax.f32 v18, v21;
	v21 =	vor.u32 s2, v3  }
0x5e2: {  	v18 =	vmax.f32 v18, v23;
	v23 =	vor.u32 s2, v4;
	v25 =	vld.idx.msk [tilespmem:v25+s16+$0x0], vm0  }
0x5e3: {  	v18 =	vmax.f32 v18, v19;
	v26 =	vld.idx.msk [tilespmem:v26+s16+$0x0], vm0  }
0x5e4: {  	v27 =	vld.idx.msk [tilespmem:v27+s16+$0x0], vm0;
	v18 =	vmax.f32 v18, v20  }
0x5e5: {  	v19 =	vor.u32 s2, v5;
	v28 =	vld.idx.msk [tilespmem:v28+s16+$0x0], vm0;
	v18 =	vmax.f32 v18, v22  }
0x5e6: {  	v20 =	vor.u32 s2, v6;
	v21 =	vld.idx.msk [tilespmem:v21+s16+$0x0], vm0;
	v18 =	vmax.f32 v18, v24  }
0x5e7: {  	v22 =	vor.u32 s2, v7;
	v23 =	vld.idx.msk [tilespmem:v23+s16+$0x0], vm0;
	v18 =	vmax.f32 v18, v25  }
0x5e8: {  	v18 =	vmax.f32 v18, v26;
	v26 =	vld [tilespmem:$0x1FF80]  }
0x5e9: {  	v18 =	vmax.f32 v18, v27;
	v27 =	vld [tilespmem:$0x1FF90]  }
0x5ea: {  	v24 =	vor.u32 s2, v13;
	v19 =	vld.idx.msk [tilespmem:v19+s16+$0x0], vm0  }
0x5eb: {  	v20 =	vld.idx.msk [tilespmem:v20+s16+$0x0], vm0;
	v25 =	vor.u32 s2, v12  }
0x5ec: {  	v22 =	vld.idx.msk [tilespmem:v22+s16+$0x0], vm0;
	v18 =	vmax.f32 v18, v28  }
0x5ed: {  	v18 =	vmax.f32 v18, v21;
	v26 =	vor.u32 s2, v26  }
0x5ee: {  	v18 =	vmax.f32 v18, v23;
	v27 =	vor.u32 s2, v27  }
0x5ef: {  	v21 =	vld.idx.msk [tilespmem:v24+s16+$0x0], vm0;
	v18 =	vmax.f32 v18, v19  }
0x5f0: {  	s0 =	sadd.s32 $0x10, s0;
	v23 =	vld.idx.msk [tilespmem:v25+s16+$0x0], vm0;
	v18 =	vmax.f32 v18, v20  }
0x5f1: {  	v18 =	vmax.f32 v18, v22;
	v22 =	vld [tilespmem:s0+$0x0]  }
0x5f2: {  	v19 =	vld.idx.msk [tilespmem:v26+s16+$0x0], vm0  }
0x5f3: {  	v20 =	vld.idx.msk [tilespmem:v27+s16+$0x0], vm0;
	_ =	sdelay $0x1  }
0x5f4: {  	v18 =	vmax.f32 v18, v21  }
0x5f5: {  	v18 =	vmax.f32 v18, v23  }
0x5f6: {  	v18 =	vmax.f32 v18, v19;
	v19 =	vadd.s32 s2, v22  }
0x5f7: {  	v18 =	vmax.f32 v18, v20;
	v19 =	vadd.s32 v29, v19  }
0x5f8: {  	v20 =	vmul.f32 $1.000000000e+01, v18;
	_ =	sdelay $0x1  }
0x5f9: {  	v21 =	vtrunc.f32 v20  }
0x5fa: {  	v9 =	vimm.s32 $0x0;
	vm12 =	veq.f32 v20, v21;
	v20 =	vcvt.f32.s32 v21  }
0x5fb: {  	s31 =	sadd.s32 $0x10, s29;
	v21 =	vsel vm12, $0xFFFFFFFF, v9;
	v19 =	vld.idx.msk [tilespmem:v19+s16+$0x0], vm0  }
0x5fc: {  	v20 =	vadd.s32 v20, v21;
	v21 =	vld [tilespmem:s31+$0x0]  }
0x5fd: {  	vm13 =	vgt.s32 v20, $0xFFFFFFFF  }
0x5fe: {  	v20 =	vshll.u32 v20, $0x4;
	vm14 =	vmand vm0, vm13  }
0x5ff: {  	v20 =	vor.u32 v8, v20  }
0x600: {  	s28 =	sadd.s32 $0x1, s28;
	v14 =	vmovc v54;
	v54 =	vmovc v0;
	v0 =	vmov v3;
	v3 =	vmov v4;
	v4 =	vmov v5  }
0x601: {  	p0 =	sne.s32 s28, $0x12;
	v5 =	vmovc v6;
	v6 =	vmovc v7;
	v7 =	vmov v13;
	v13 =	vld [tilespmem:$0x1FFF0];
	vm15 =	veq.f32 v19, v18;
	vm2 =	vne.s32 v21, $0x0  }
.Ltmp2:
0x602: {  	v10 =	vimm.f32 $0.0e+00;
	v29 =	vmov v12;
	v12 =	vld [tilespmem:$0x1FFE0];
	vm1 =	vmand vm2, vm15;
	(pc) =	sbr.rel @p0 .LBB2_2-.Ltmp2, $4  }
0x603: {  	v8 =	vmov v11;
	v11 =	vld [tilespmem:$0x1FFD0];
	v19 =	vsel vm1, $0x3F800000, v10;
	v10 =	vimm.f32 $1.000000000e+00  }
0x604: {  	[tilespmem:v20+s20+$0x0] =	vst.idx.add.f32.msk vm14, v10  }
0x605: {  	v24 =	vimm.f32 $0.0e+00;
	[tilespmem:v20+s21+$0x0] =	vst.idx.add.f32.msk vm14, v19  }
0x606: {  	v25 =	vimm.f32 $1.000000000e+00;
	v26 =	vimm.s32 $0x0;
	v9 =	vlaneseq.u32;
	[tilespmem:v20+s22+$0x0] =	vst.idx.add.f32.msk vm14, v18  }
0x607: {  	v18 =	vmul.u32 $0x10, v9;
	_ =	sdelay $0x3  }
0x608: {  	v19 =	vor.u32 $0x1, v18;
	_ =	sdelay $0x1  }
0x609: {  	v23 =	vld.idx.msk [tilespmem:v18+s20+$0x0], $0xffff  }
0x60a: {  	v22 =	vor.u32 $0x2, v18;
	v25 =	vld.idx.msk [tilespmem:v18+s21+$0x0], $0xffff  }
0x60b: {  	v27 =	vld.idx.msk [tilespmem:v18+s22+$0x0], $0xffff  }
0x60c: {  	v24 =	vld.idx.msk [tilespmem:v19+s20+$0x0], $0xffff  }
0x60d: {  	v26 =	vor.u32 $0x3, v18;
	v30 =	vld.idx.msk [tilespmem:v19+s21+$0x0], $0xffff  }
0x60e: {  	v28 =	vld.idx.msk [tilespmem:v19+s22+$0x0], $0xffff  }
0x60f: {  	v31 =	vld.idx.msk [tilespmem:v22+s20+$0x0], $0xffff  }
0x610: {  	v8 =	vor.u32 $0x4, v18;
	v43 =	vld.idx.msk [tilespmem:v22+s21+$0x0], $0xffff  }
0x611: {  	v22 =	vld.idx.msk [tilespmem:v22+s22+$0x0], $0xffff  }
0x612: {  	v44 =	vld.idx.msk [tilespmem:v26+s20+$0x0], $0xffff  }
0x613: {  	v32 =	vor.u32 $0x5, v18;
	v40 =	vld.idx.msk [tilespmem:v26+s21+$0x0], $0xffff  }
0x614: {  	v26 =	vld.idx.msk [tilespmem:v26+s22+$0x0], $0xffff  }
0x615: {  	v41 =	vld.idx.msk [tilespmem:v8+s20+$0x0], $0xffff  }
0x616: {  	v20 =	vor.u32 $0x7, v18;
	v37 =	vld.idx.msk [tilespmem:v8+s21+$0x0], $0xffff  }
0x617: {  	v8 =	vld.idx.msk [tilespmem:v8+s22+$0x0], $0xffff  }
0x618: {  	v21 =	vor.u32 $0x8, v18;
	v38 =	vld.idx.msk [tilespmem:v32+s20+$0x0], $0xffff  }
0x619: {  	v35 =	vld.idx.msk [tilespmem:v32+s21+$0x0], $0xffff  }
0x61a: {  	v10 =	vld.idx.msk [tilespmem:v32+s22+$0x0], $0xffff  }
0x61b: {  	v19 =	vor.u32 $0x6, v18;
	v36 =	vld.idx.msk [tilespmem:v20+s20+$0x0], $0xffff  }
0x61c: {  	v39 =	vld.idx.msk [tilespmem:v20+s22+$0x0], $0xffff  }
0x61d: {  	v42 =	vld.idx.msk [tilespmem:v21+s20+$0x0], $0xffff;
	v23 =	vadd.f32 $0.0e+00, v23  }
0x61e: {  	v48 =	vld.idx.msk [tilespmem:v21+s21+$0x0], $0xffff;
	v25 =	vadd.f32 $0.0e+00, v25  }
0x61f: {  	v52 =	vor.u32 $0xB, v18;
	v49 =	vld.idx.msk [tilespmem:v21+s22+$0x0], $0xffff;
	v27 =	vadd.f32 $0.0e+00, v27;
	v23 =	vadd.f32 v24, v23  }
0x620: {  	v33 =	vmov v14;
	v14 =	vld.idx.msk [tilespmem:v19+s20+$0x0], $0xffff;
	v25 =	vadd.f32 v30, v25  }
0x621: {  	v47 =	vor.u32 $0xE, v18;
	v9 =	vld.idx.msk [tilespmem:v19+s21+$0x0], $0xffff;
	v27 =	vadd.f32 v28, v27;
	v23 =	vadd.f32 v31, v23  }
0x622: {  	v46 =	vor.u32 $0xC, v18;
	v34 =	vld.idx.msk [tilespmem:v19+s22+$0x0], $0xffff;
	v25 =	vadd.f32 v43, v25  }
0x623: {  	v19 =	vor.u32 $0x9, v18;
	v24 =	vld.idx.msk [tilespmem:v20+s21+$0x0], $0xffff;
	v22 =	vadd.f32 v22, v27;
	v23 =	vadd.f32 v44, v23  }
0x624: {  	v30 =	vld.idx.msk [tilespmem:v52+s20+$0x0], $0xffff;
	v25 =	vadd.f32 v40, v25  }
0x625: {  	v28 =	vld.idx.msk [tilespmem:v52+s22+$0x0], $0xffff;
	v22 =	vadd.f32 v26, v22;
	v23 =	vadd.f32 v41, v23  }
0x626: {  	v20 =	vld.idx.msk [tilespmem:v47+s22+$0x0], $0xffff;
	v25 =	vadd.f32 v37, v25  }
0x627: {  	v31 =	vor.u32 $0xA, v18;
	v27 =	vld.idx.msk [tilespmem:v46+s21+$0x0], $0xffff;
	v22 =	vadd.f32 v8, v22;
	v23 =	vadd.f32 v38, v23  }
0x628: {  	v50 =	vld.idx.msk [tilespmem:v19+s20+$0x0], $0xffff;
	v25 =	vadd.f32 v35, v25  }
0x629: {  	v51 =	vld.idx.msk [tilespmem:v19+s21+$0x0], $0xffff;
	v22 =	vadd.f32 v10, v22;
	v23 =	vadd.f32 v14, v23  }
0x62a: {  	v53 =	vld.idx.msk [tilespmem:v19+s22+$0x0], $0xffff;
	v25 =	vadd.f32 v9, v25  }
0x62b: {  	v26 =	vld.idx.msk [tilespmem:v46+s20+$0x0], $0xffff;
	v22 =	vadd.f32 v34, v22;
	v23 =	vadd.f32 v36, v23  }
0x62c: {  	v19 =	vor.u32 $0xD, v18;
	v38 =	vld.idx.msk [tilespmem:v31+s20+$0x0], $0xffff;
	v25 =	vadd.f32 v24, v25  }
0x62d: {  	v45 =	vld.idx.msk [tilespmem:v31+s21+$0x0], $0xffff;
	v22 =	vadd.f32 v39, v22;
	v23 =	vadd.f32 v42, v23  }
0x62e: {  	v31 =	vld.idx.msk [tilespmem:v31+s22+$0x0], $0xffff;
	v25 =	vadd.f32 v48, v25  }
0x62f: {  	v8 =	vld.idx.msk [tilespmem:v52+s21+$0x0], $0xffff;
	v22 =	vadd.f32 v49, v22;
	v23 =	vadd.f32 v50, v23  }
0x630: {  	v24 =	vld.idx.msk [tilespmem:v46+s22+$0x0], $0xffff;
	v25 =	vadd.f32 v51, v25  }
0x631: {  	v18 =	vor.u32 $0xF, v18;
	v48 =	vld.idx.msk [tilespmem:v19+s20+$0x0], $0xffff;
	v22 =	vadd.f32 v53, v22;
	v23 =	vadd.f32 v38, v23  }
0x632: {  	v49 =	vld.idx.msk [tilespmem:v19+s21+$0x0], $0xffff;
	v25 =	vadd.f32 v45, v25  }
0x633: {  	v19 =	vld.idx.msk [tilespmem:v19+s22+$0x0], $0xffff;
	v22 =	vadd.f32 v31, v22;
	v23 =	vadd.f32 v30, v23  }
0x634: {  	v30 =	vld.idx.msk [tilespmem:v47+s20+$0x0], $0xffff;
	v25 =	vadd.f32 v8, v25  }
0x635: {  	v8 =	vld.idx.msk [tilespmem:v47+s21+$0x0], $0xffff;
	v22 =	vadd.f32 v28, v22;
	v23 =	vadd.f32 v26, v23  }
0x636: {  	v25 =	vadd.f32 v27, v25;
	v26 =	vld.idx.msk [tilespmem:v18+s20+$0x0], $0xffff  }
0x637: {  	v50 =	vld.idx.msk [tilespmem:v18+s21+$0x0], $0xffff;
	v22 =	vadd.f32 v24, v22;
	v21 =	vadd.f32 v48, v23  }
0x638: {  	v18 =	vld.idx.msk [tilespmem:v18+s22+$0x0], $0xffff;
	v24 =	vadd.f32 v49, v25  }
0x639: {  	v19 =	vadd.f32 v19, v22;
	v21 =	vadd.f32 v30, v21  }
0x63a: {  	v51 =	vadd.f32 v8, v24  }
0x63b: {  	v19 =	vadd.f32 v20, v19;
	v52 =	vadd.f32 v26, v21  }
0x63c: {  	v53 =	vadd.f32 v50, v51  }
0x63d: {  	s26 =	sadd.s32 $0x1, s26;
	v18 =	vadd.f32 v18, v19;
	[tilespmem:$0x1CB00] =	vst v52  }
0x63e: {  	p0 =	sne.s32 s26, s13;
	[tilespmem:$0x1CB10] =	vst v53  }
.Ltmp3:
0x63f: {  	[tilespmem:$0x1CB20] =	vst v18;
	(pc) =	sbr.rel @p0 .LBB2_1-.Ltmp3, $4  }
0x640: {  	[hbm4b:s12+s3] =	stream.linear.scatter [tilespmem:s24], [sflag:$0x3], $0x80, $0x38;
	[tilespmem:$0x1CB80] =	vst v63  }
0x641: {  	_ =	swait.ge [sflag:s25], $0x80  }
0x642: {  	v9 =	vlaneseq.u32;
	[sflag:s25] =	ssyncset.done $0x0  }
0x643: {  	v14 =	vmovc v33;
	v25 =	vimm.f32 $1.000000000e+00;
	v24 =	vimm.f32 $0.0e+00;
	v26 =	vimm.s32 $0x0;
	[sflag:s25] =	ssyncadd.s32 $0xFFFFFF80  }
0x644: {  	_ =	sfence.sel $0x180000  }
0x645: {  	[bflag:$0x0] =	sbarrier.arrive $0xFFFF  }
0x646: {  	_ =	strace $0x90000047  }
0x647: {  	s0 =	stileid.u32;
	[bflag:$0x2] =	sbarrier.arrive $0xFFFF  }
0x648: {  	p0 =	sne.s32 s0, $0x0;
	s0 =	rddreg [dreg:$0x2]  }
0x649: {  	s0 =	sadd.s32 @!p0 $0x100000, s0  }
0x64a: {  	[sflag:s0] =	ssyncadd.tile.s32 @!p0 $0x1;
	_ =	shalt  }
.Lfunc_end2:
_tile_overlayer_lowered:
.L_overlay_start_2:
0x64b: {  	(tag) =	ssettag $0x2  }
0x64c: {  	s0 =	rddreg [dreg:$0x0];
	s2 =	stileid.u32  }
0x64d: {  	s1 =	rddreg [dreg:$0x1];
	p0 =	sne.s32 s2, $0x0  }
0x64e: {  	s3 =	rddreg [dreg:$0x2];
	[bflag:$0x3] =	sbarrier.arrive $0xFFFF;
	s2 =	simm.s32 @!p0 $0x1C03  }
0x64f: {  	[timem:s3], [sflag:s2] =	dma.local @!p0 [hbm:s0], s1  }
0x650: {  	s0 =	simm.s32 @!p0 $0x3  }
0x651: {  	_ =	swait.ge @!p0 [sflag:s0], s1  }
0x652: {  	s1 =	ssub.s32 @!p0 $0x0, s1;
	[sflag:s0] =	ssyncset.done @!p0 $0x0  }
0x653: {  	[sflag:s0] =	ssyncadd.s32 @!p0 s1  }
0x654: {  	[bflag:$0x3] =	sbarrier.arrive $0xFFFF  }
0x655: {  	_ =	shalt  }

</sc_bundles>
